<compile_context>
chip_gen: v7x
topology: tpu7x:2x2x1
jax: 0.10.2.dev20260603
libtpu: 0.0.44.dev20260713+nightly
codegen_flags: <defaults>
</compile_context>

<pallas_src>
import functools

import jax
import jax.numpy as jnp
from jax import lax
from jax.experimental import pallas as pl
from jax.experimental.pallas import tpu as pltpu
from jax.experimental.pallas import tpu_sc as plsc

N = 100000
DX = 256
DY = 256
S = 64

NC = 2
NS = 16
NW = NC * NS
ROWS_W = 3128
ROWS_LAST = N - (NW - 1) * ROWS_W
CHUNK = 112
NBUF = 2
NCHUNK = -(-(-(-ROWS_W // CHUNK)) // NBUF) * NBUF

KV = 8
GW = 16 * KV
NG = DX // GW

BPAD = 16


def _sc_body(x_hbm, b_hbm, out_hbm, cnt_hbm, xbufs, bbuf, acc, cntv, sems):
  wid = lax.axis_index("s") * NC + lax.axis_index("c")
  lo = wid * ROWS_W
  hi = jnp.minimum(lo + ROWS_W, N)

  @pl.when(wid < NW - 1)
  def _():
    pltpu.sync_copy(b_hbm.at[pl.ds(lo, ROWS_W)], bbuf.at[pl.ds(0, ROWS_W)])

  @pl.when(wid == NW - 1)
  def _():
    pltpu.sync_copy(b_hbm.at[pl.ds(lo, ROWS_LAST)],
                    bbuf.at[pl.ds(0, ROWS_LAST)])

  def chunk_base(c):
    nominal = lo + c * CHUNK
    base = jnp.minimum(nominal, hi - CHUNK)
    return base, nominal - base

  zeros = jnp.zeros((16,), jnp.float32)
  ninf = jnp.full((16,), -jnp.inf, jnp.float32)
  pinf = jnp.full((16,), jnp.inf, jnp.float32)
  izeros = jnp.zeros((16,), jnp.int32)

  def init_body(r, _):
    for k in range(DX // 16):
      acc[0, r, pl.ds(16 * k, 16)] = zeros
      acc[1, r, pl.ds(16 * k, 16)] = zeros
      acc[2, r, pl.ds(16 * k, 16)] = ninf
      acc[3, r, pl.ds(16 * k, 16)] = pinf
    return 0
  lax.fori_loop(0, S, init_body, 0)
  for k in range((S + BPAD) // 16):
    cntv[0, pl.ds(16 * k, 16)] = izeros

  lane0 = jnp.arange(16, dtype=jnp.int32) == 0

  def start_copy(c, buf, sem):
    base, _ = chunk_base(c)
    return pltpu.async_copy(x_hbm.at[pl.ds(base, CHUNK)], buf, sem)

  def wait_copy(buf, sem):
    pltpu.make_async_copy(x_hbm.at[pl.ds(0, CHUNK)], buf, sem).wait()

  def process_chunk(c, buf):
    base, row0 = chunk_base(c)
    boff = base - lo

    def run_cond(row):
      return row < CHUNK

    def run_body(row):
      ids = bbuf[pl.ds(boff + row, 16)]
      s = ids[0]

      def scan_cond(carry):
        j, f = carry
        return (f >= 16) & (j < CHUNK)

      def scan_body(carry):
        j, _ = carry
        blk = bbuf[pl.ds(boff + j, 16)]
        f2 = plsc.all_reduce_ffs(blk != s)[0]
        return j + 16, f2

      j_end, f = lax.while_loop(scan_cond, scan_body, (row, jnp.int32(16)))
      e = jnp.minimum(jnp.where(f < 16, j_end - 16 + f, j_end),
                      jnp.int32(CHUNK))

      for g in range(NG):
        col0 = g * GW
        a_sum = tuple(acc[0, s, pl.ds(col0 + 16 * k, 16)] for k in range(KV))
        a_sq = tuple(acc[1, s, pl.ds(col0 + 16 * k, 16)] for k in range(KV))
        a_mx = tuple(acc[2, s, pl.ds(col0 + 16 * k, 16)] for k in range(KV))
        a_mn = tuple(acc[3, s, pl.ds(col0 + 16 * k, 16)] for k in range(KV))

        def upd(carry_, r):
          sm, sq, mx, mn = carry_
          sm, sq, mx, mn = list(sm), list(sq), list(mx), list(mn)
          for k in range(KV):
            v = buf[r, pl.ds(col0 + 16 * k, 16)]
            sm[k] = sm[k] + v
            sq[k] = sq[k] + v * v
            mx[k] = jnp.maximum(mx[k], v)
            mn[k] = jnp.minimum(mn[k], v)
          return tuple(sm), tuple(sq), tuple(mx), tuple(mn)

        def pair_body(i, carry_):
          r = row + 2 * i
          return upd(upd(carry_, r), r + 1)

        carry = lax.fori_loop(0, (e - row) // 2, pair_body,
                              (a_sum, a_sq, a_mx, a_mn))
        carry = lax.cond((e - row) % 2 == 1,
                         lambda c: upd(c, e - 1), lambda c: c, carry)
        a_sum, a_sq, a_mx, a_mn = carry
        for k in range(KV):
          acc[0, s, pl.ds(col0 + 16 * k, 16)] = a_sum[k]
          acc[1, s, pl.ds(col0 + 16 * k, 16)] = a_sq[k]
          acc[2, s, pl.ds(col0 + 16 * k, 16)] = a_mx[k]
          acc[3, s, pl.ds(col0 + 16 * k, 16)] = a_mn[k]

      cv = cntv[0, pl.ds(s, 16)]
      cntv[0, pl.ds(s, 16)] = cv + jnp.where(lane0, e - row, jnp.int32(0))
      return e

    lax.while_loop(run_cond, run_body, row0)

  for b in range(NBUF):
    start_copy(b, xbufs[b], sems[b])

  def chunk_group(i, carry):
    c_base = NBUF * i
    for b in range(NBUF):
      c = c_base + b
      wait_copy(xbufs[b], sems[b])
      process_chunk(c, xbufs[b])

      @pl.when(c + NBUF < NCHUNK)
      def _():
        start_copy(c + NBUF, xbufs[b], sems[b])
    return carry

  lax.fori_loop(0, NCHUNK // NBUF, chunk_group, 0)

  pltpu.sync_copy(acc, out_hbm.at[wid])
  pltpu.sync_copy(cntv, cnt_hbm.at[wid])


_sc_partials = functools.partial(
    pl.kernel,
    out_type=(
        jax.ShapeDtypeStruct((NW, 4, S, DX), jnp.float32),
        jax.ShapeDtypeStruct((NW, 8, S + BPAD), jnp.int32),
    ),
    mesh=plsc.VectorSubcoreMesh(
        core_axis_name="c", subcore_axis_name="s", num_cores=NC,
        num_subcores=NS),
    scratch_types=[
        [pltpu.VMEM((CHUNK, DX), jnp.float32) for _ in range(NBUF)],
        pltpu.VMEM((ROWS_W + BPAD,), jnp.int32),
        pltpu.VMEM((4, S, DX), jnp.float32),
        pltpu.VMEM((8, S + BPAD), jnp.int32),
        [pltpu.SemaphoreType.DMA for _ in range(NBUF)],
    ],
    compiler_params=pltpu.CompilerParams(needs_layout_passes=False),
)(_sc_body)


def _tc_body(p_ref, cnt_ref, w_ref, b_ref, out_ref):
  p = p_ref[...]
  sums = jnp.sum(p[:, 0], axis=0)
  sqs = jnp.sum(p[:, 1], axis=0)
  maxs = jnp.max(p[:, 2], axis=0)
  mins = jnp.min(p[:, 3], axis=0)

  counts = jnp.sum(cnt_ref[...][:, 0, :S], axis=0).astype(jnp.float32)
  denom = jnp.maximum(counts, 1.0)[:, None]
  m = sums / denom
  var = sqs / denom - m * m
  z = jnp.concatenate([m, mins, maxs, var], axis=1)
  out = lax.dot_general(z, w_ref[...], (((1,), (1,)), ((), ())),
                        preferred_element_type=jnp.float32)
  out_ref[...] = out + b_ref[...]


def kernel(X, batch, W, b):
  seg = batch.astype(jnp.int32)
  partials, cnts = _sc_partials(X, seg)

  out = pl.pallas_call(
      _tc_body,
      out_shape=jax.ShapeDtypeStruct((S, DY), jnp.float32),
  )(partials, cnts, W, b[None, :])
  return out

# --- scband reference (transcript-rebuilt; emitter-appended) ---
"""Pipeline reference for scband-sparse-xtoy-51814485459489 (READ-ONLY COPY).

The authoritative reference and input builder live on the scoring server;
editing this copy changes nothing except your own understanding.
"""

import jax, jax.numpy as jnp
import numpy as np

N = 100000
DX = 256
DY = 256
S = 64  # number of graphs (segments)


def setup_inputs(seed: int = 0) -> dict:
    key = jax.random.key(seed)
    k1, k2, k3, k4 = jax.random.split(key, 4)
    X = jax.random.normal(k1, (N, DX), dtype=jnp.float32)
    batch = jnp.sort(jax.random.randint(k2, (N,), 0, S)).astype(jnp.int64)
    # nn.Linear(4*dx, dy) parameters
    bound = 1.0 / np.sqrt(4 * DX)
    W = jax.random.uniform(k3, (DY, 4 * DX), minval=-bound, maxval=bound, dtype=jnp.float32)
    b = jax.random.uniform(k4, (DY,), minval=-bound, maxval=bound, dtype=jnp.float32)
    return {"X": X, "batch": batch, "W": W, "b": b}


def reference(X, batch, W, b):
    seg = batch.astype(jnp.int32)
    ones = jnp.ones((X.shape[0],), dtype=X.dtype)
    counts = jax.ops.segment_sum(ones, seg, num_segments=S)
    denom = jnp.clip(counts, 1.0, None)[:, None]
    # global_mean_pool
    m = jax.ops.segment_sum(X, seg, num_segments=S) / denom
    # global_max_pool and min via -max(-X)
    ma = jax.ops.segment_max(X, seg, num_segments=S)
    mi = -jax.ops.segment_max(-X, seg, num_segments=S)
    # variance: mean of squared deviation
    diff = X - m[seg]
    std = jax.ops.segment_sum(diff * diff, seg, num_segments=S) / denom
    z = jnp.concatenate([m, mi, ma, std], axis=1)
    out = z @ W.T + b
    return out

if __name__ == "__main__":
    import jax
    _d = setup_inputs()
    print(jax.jit(kernel)(*tuple(_d.values())))

</pallas_src>

<mosaic_0001>
#map = affine_map<(d0, d1) -> (0, 0)>
#map1 = affine_map<(d0, d1) -> (0)>
#map2 = affine_map<(d0, d1) -> (0, 0, 0, 0)>
#map3 = affine_map<(d0, d1) -> (0, 0, 0)>
module attributes {stable_mosaic.version = 14 : i64} {
  func.func @_sc_body(%arg0: i32, %arg1: i32, %arg2: memref<100000x256xf32, #tpu.memory_space<hbm>>, %arg3: memref<100000xi32, #tpu.memory_space<hbm>>, %arg4: memref<32x4x64x256xf32, #tpu.memory_space<hbm>>, %arg5: memref<32x8x80xi32, #tpu.memory_space<hbm>>, %arg6: memref<112x256xf32, #tpu.memory_space<vmem>>, %arg7: memref<112x256xf32, #tpu.memory_space<vmem>>, %arg8: memref<3144xi32, #tpu.memory_space<vmem>>, %arg9: memref<4x64x256xf32, #tpu.memory_space<vmem>>, %arg10: memref<8x80xi32, #tpu.memory_space<vmem>>, %arg11: memref<!tpu.dma_semaphore, #tpu.memory_space<semaphore_mem>>, %arg12: memref<!tpu.dma_semaphore, #tpu.memory_space<semaphore_mem>>) attributes {dimension_semantics = [#tpu.dimension_semantics<core_parallel>, #tpu.dimension_semantics<subcore_parallel>], iteration_bounds = array<i64: 2, 16>, scalar_prefetch = 0 : i64, scratch_operands = 7 : i64, tpu.core_type = #tpu.core_type<sc_vector_subcore>, window_params = [{transform_indices = #map}, {transform_indices = #map1}, {transform_indices = #map2}, {transform_indices = #map3}]} {
    %mul3A = arith.constant 2 : i32
    %mul3A_0 = arith.muli %arg1, %mul3A : i32
    %add3A = arith.addi %mul3A_0, %arg0 : i32
    %mul3A_1 = arith.constant 3128 : i32
    %mul3A_2 = arith.muli %add3A, %mul3A_1 : i32
    %add3A_3 = arith.constant 3128 : i32
    %add3A_4 = arith.addi %mul3A_2, %add3A_3 : i32
    %min3A = arith.constant 100000 : i32
    %min3A_5 = arith.minsi %add3A_4, %min3A : i32
    %lt3A = arith.constant 31 : i32
    %lt3A_6 = arith.cmpi slt, %add3A, %lt3A : i32
    %convert_element_type3A = arith.extui %lt3A_6 : i1 to i32
    %cond3A = arith.constant 0 : i32
    %cond3A_7 = arith.cmpi ne, %convert_element_type3A, %cond3A : i32
    scf.if %cond3A_7 {
      "tpu.region"() ({
        %run_scoped3A = tpu.sem_alloc : memref<!tpu.dma_semaphore, #tpu.memory_space<semaphore_mem>>
        %dma_start3A_71 = arith.constant 0 : i32
        %dma_start3A_72 = tpu.memref_slice %arg8[%dma_start3A_71] : memref<3144xi32, #tpu.memory_space<vmem>> -> memref<3128xi32, #tpu.memory_space<vmem>>
        %dma_start3A_73 = tpu.memref_slice %arg3[%mul3A_2] : memref<100000xi32, #tpu.memory_space<hbm>> -> memref<3128xi32, #tpu.memory_space<hbm>>
        %dma_start3A_74 = arith.constant 0 : i32
        %dma_start3A_75 = tpu.memref_slice %arg8[%dma_start3A_74] : memref<3144xi32, #tpu.memory_space<vmem>> -> memref<3128xi32, #tpu.memory_space<vmem>>
        %dma_start3A_76 = tpu.memref_slice %arg3[%mul3A_2] : memref<100000xi32, #tpu.memory_space<hbm>> -> memref<3128xi32, #tpu.memory_space<hbm>>
        tpu.enqueue_dma source(%dma_start3A_76 : memref<3128xi32, #tpu.memory_space<hbm>>) target(%dma_start3A_75 : memref<3128xi32, #tpu.memory_space<vmem>>) target_semaphore(%run_scoped3A : memref<!tpu.dma_semaphore, #tpu.memory_space<semaphore_mem>>)
        %dma_wait3A = arith.constant 0 : i32
        %dma_wait3A_77 = tpu.memref_slice %arg8[%dma_wait3A] : memref<3144xi32, #tpu.memory_space<vmem>> -> memref<3128xi32, #tpu.memory_space<vmem>>
        %dma_wait3A_78 = tpu.memref_slice %arg3[%mul3A_2] : memref<100000xi32, #tpu.memory_space<hbm>> -> memref<3128xi32, #tpu.memory_space<hbm>>
        %dma_wait3A_79 = arith.constant 0 : i32
        %dma_wait3A_80 = tpu.memref_slice %arg8[%dma_wait3A_79] : memref<3144xi32, #tpu.memory_space<vmem>> -> memref<3128xi32, #tpu.memory_space<vmem>>
        %dma_wait3A_81 = tpu.memref_slice %arg3[%mul3A_2] : memref<100000xi32, #tpu.memory_space<hbm>> -> memref<3128xi32, #tpu.memory_space<hbm>>
        tpu.wait_dma2 semaphore(%run_scoped3A : memref<!tpu.dma_semaphore, #tpu.memory_space<semaphore_mem>>) src(%dma_wait3A_81 : memref<3128xi32, #tpu.memory_space<hbm>>) dst(%dma_wait3A_80 : memref<3128xi32, #tpu.memory_space<vmem>>)
        tpu.yield
      }) : () -> ()
    } else {
    }
    %eq3A = arith.constant 31 : i32
    %eq3A_8 = arith.cmpi eq, %add3A, %eq3A : i32
    %convert_element_type3A_9 = arith.extui %eq3A_8 : i1 to i32
    %cond3A_10 = arith.constant 0 : i32
    %cond3A_11 = arith.cmpi ne, %convert_element_type3A_9, %cond3A_10 : i32
    scf.if %cond3A_11 {
      "tpu.region"() ({
        %run_scoped3A = tpu.sem_alloc : memref<!tpu.dma_semaphore, #tpu.memory_space<semaphore_mem>>
        %dma_start3A_71 = arith.constant 0 : i32
        %dma_start3A_72 = tpu.memref_slice %arg8[%dma_start3A_71] : memref<3144xi32, #tpu.memory_space<vmem>> -> memref<3032xi32, #tpu.memory_space<vmem>>
        %dma_start3A_73 = tpu.memref_slice %arg3[%mul3A_2] : memref<100000xi32, #tpu.memory_space<hbm>> -> memref<3032xi32, #tpu.memory_space<hbm>>
        %dma_start3A_74 = arith.constant 0 : i32
        %dma_start3A_75 = tpu.memref_slice %arg8[%dma_start3A_74] : memref<3144xi32, #tpu.memory_space<vmem>> -> memref<3032xi32, #tpu.memory_space<vmem>>
        %dma_start3A_76 = tpu.memref_slice %arg3[%mul3A_2] : memref<100000xi32, #tpu.memory_space<hbm>> -> memref<3032xi32, #tpu.memory_space<hbm>>
        tpu.enqueue_dma source(%dma_start3A_76 : memref<3032xi32, #tpu.memory_space<hbm>>) target(%dma_start3A_75 : memref<3032xi32, #tpu.memory_space<vmem>>) target_semaphore(%run_scoped3A : memref<!tpu.dma_semaphore, #tpu.memory_space<semaphore_mem>>)
        %dma_wait3A = arith.constant 0 : i32
        %dma_wait3A_77 = tpu.memref_slice %arg8[%dma_wait3A] : memref<3144xi32, #tpu.memory_space<vmem>> -> memref<3032xi32, #tpu.memory_space<vmem>>
        %dma_wait3A_78 = tpu.memref_slice %arg3[%mul3A_2] : memref<100000xi32, #tpu.memory_space<hbm>> -> memref<3032xi32, #tpu.memory_space<hbm>>
        %dma_wait3A_79 = arith.constant 0 : i32
        %dma_wait3A_80 = tpu.memref_slice %arg8[%dma_wait3A_79] : memref<3144xi32, #tpu.memory_space<vmem>> -> memref<3032xi32, #tpu.memory_space<vmem>>
        %dma_wait3A_81 = tpu.memref_slice %arg3[%mul3A_2] : memref<100000xi32, #tpu.memory_space<hbm>> -> memref<3032xi32, #tpu.memory_space<hbm>>
        tpu.wait_dma2 semaphore(%run_scoped3A : memref<!tpu.dma_semaphore, #tpu.memory_space<semaphore_mem>>) src(%dma_wait3A_81 : memref<3032xi32, #tpu.memory_space<hbm>>) dst(%dma_wait3A_80 : memref<3032xi32, #tpu.memory_space<vmem>>)
        tpu.yield
      }) : () -> ()
    } else {
    }
    %broadcast_in_dim3A = arith.constant 0.000000e+00 : f32
    %broadcast_in_dim3A_12 = vector.broadcast %broadcast_in_dim3A : f32 to vector<16xf32>
    %broadcast_in_dim3A_13 = arith.constant 0xFF800000 : f32
    %broadcast_in_dim3A_14 = vector.broadcast %broadcast_in_dim3A_13 : f32 to vector<16xf32>
    %broadcast_in_dim3A_15 = arith.constant 0x7F800000 : f32
    %broadcast_in_dim3A_16 = vector.broadcast %broadcast_in_dim3A_15 : f32 to vector<16xf32>
    %broadcast_in_dim3A_17 = arith.constant 0 : i32
    %broadcast_in_dim3A_18 = vector.broadcast %broadcast_in_dim3A_17 : i32 to vector<16xi32>
    %scan3A = arith.constant 0 : i32
    %scan3A_19 = arith.constant 0 : i32
    %scan3A_20 = arith.constant 64 : i32
    %scan3A_21 = arith.addi %scan3A_19, %scan3A_20 : i32
    %scan3A_22 = arith.constant 1 : i32
    %scan3A_23 = scf.for %scan3A_71 = %scan3A_19 to %scan3A_21 step %scan3A_22 iter_args(%scan3A_72 = %scan3A) -> (i32)  : i32 {
      %swap3A_73 = arith.constant 0 : i32
      %swap3A_74 = arith.index_cast %swap3A_73 : i32 to index
      %swap3A_75 = arith.index_cast %scan3A_71 : i32 to index
      %swap3A_76 = arith.constant 0 : index
      %swap3A_77 = tpu.vector_load %arg9[%swap3A_74, %swap3A_75, %swap3A_76] {strides = array<i32>} : memref<4x64x256xf32, #tpu.memory_space<vmem>>, vector<16xf32>,
      tpu.vector_store %arg9[%swap3A_74, %swap3A_75, %swap3A_76], %broadcast_in_dim3A_12 {strides = array<i32>} : memref<4x64x256xf32, #tpu.memory_space<vmem>>, vector<16xf32>,
      %swap3A_78 = arith.constant 1 : i32
      %swap3A_79 = arith.index_cast %swap3A_78 : i32 to index
      %swap3A_80 = arith.index_cast %scan3A_71 : i32 to index
      %swap3A_81 = arith.constant 0 : index
      %swap3A_82 = tpu.vector_load %arg9[%swap3A_79, %swap3A_80, %swap3A_81] {strides = array<i32>} : memref<4x64x256xf32, #tpu.memory_space<vmem>>, vector<16xf32>,
      tpu.vector_store %arg9[%swap3A_79, %swap3A_80, %swap3A_81], %broadcast_in_dim3A_12 {strides = array<i32>} : memref<4x64x256xf32, #tpu.memory_space<vmem>>, vector<16xf32>,
      %swap3A_83 = arith.constant 2 : i32
      %swap3A_84 = arith.index_cast %swap3A_83 : i32 to index
      %swap3A_85 = arith.index_cast %scan3A_71 : i32 to index
      %swap3A_86 = arith.constant 0 : index
      %swap3A_87 = tpu.vector_load %arg9[%swap3A_84, %swap3A_85, %swap3A_86] {strides = array<i32>} : memref<4x64x256xf32, #tpu.memory_space<vmem>>, vector<16xf32>,
      tpu.vector_store %arg9[%swap3A_84, %swap3A_85, %swap3A_86], %broadcast_in_dim3A_14 {strides = array<i32>} : memref<4x64x256xf32, #tpu.memory_space<vmem>>, vector<16xf32>,
      %swap3A_88 = arith.constant 3 : i32
      %swap3A_89 = arith.index_cast %swap3A_88 : i32 to index
      %swap3A_90 = arith.index_cast %scan3A_71 : i32 to index
      %swap3A_91 = arith.constant 0 : index
      %swap3A_92 = tpu.vector_load %arg9[%swap3A_89, %swap3A_90, %swap3A_91] {strides = array<i32>} : memref<4x64x256xf32, #tpu.memory_space<vmem>>, vector<16xf32>,
      tpu.vector_store %arg9[%swap3A_89, %swap3A_90, %swap3A_91], %broadcast_in_dim3A_16 {strides = array<i32>} : memref<4x64x256xf32, #tpu.memory_space<vmem>>, vector<16xf32>,
      %swap3A_93 = arith.constant 0 : i32
      %swap3A_94 = arith.index_cast %swap3A_93 : i32 to index
      %swap3A_95 = arith.index_cast %scan3A_71 : i32 to index
      %swap3A_96 = arith.constant 16 : index
      %swap3A_97 = tpu.vector_load %arg9[%swap3A_94, %swap3A_95, %swap3A_96] {strides = array<i32>} : memref<4x64x256xf32, #tpu.memory_space<vmem>>, vector<16xf32>,
      tpu.vector_store %arg9[%swap3A_94, %swap3A_95, %swap3A_96], %broadcast_in_dim3A_12 {strides = array<i32>} : memref<4x64x256xf32, #tpu.memory_space<vmem>>, vector<16xf32>,
      %swap3A_98 = arith.constant 1 : i32
      %swap3A_99 = arith.index_cast %swap3A_98 : i32 to index
      %swap3A_100 = arith.index_cast %scan3A_71 : i32 to index
      %swap3A_101 = arith.constant 16 : index
      %swap3A_102 = tpu.vector_load %arg9[%swap3A_99, %swap3A_100, %swap3A_101] {strides = array<i32>} : memref<4x64x256xf32, #tpu.memory_space<vmem>>, vector<16xf32>,
      tpu.vector_store %arg9[%swap3A_99, %swap3A_100, %swap3A_101], %broadcast_in_dim3A_12 {strides = array<i32>} : memref<4x64x256xf32, #tpu.memory_space<vmem>>, vector<16xf32>,
      %swap3A_103 = arith.constant 2 : i32
      %swap3A_104 = arith.index_cast %swap3A_103 : i32 to index
      %swap3A_105 = arith.index_cast %scan3A_71 : i32 to index
      %swap3A_106 = arith.constant 16 : index
      %swap3A_107 = tpu.vector_load %arg9[%swap3A_104, %swap3A_105, %swap3A_106] {strides = array<i32>} : memref<4x64x256xf32, #tpu.memory_space<vmem>>, vector<16xf32>,
      tpu.vector_store %arg9[%swap3A_104, %swap3A_105, %swap3A_106], %broadcast_in_dim3A_14 {strides = array<i32>} : memref<4x64x256xf32, #tpu.memory_space<vmem>>, vector<16xf32>,
      %swap3A_108 = arith.constant 3 : i32
      %swap3A_109 = arith.index_cast %swap3A_108 : i32 to index
      %swap3A_110 = arith.index_cast %scan3A_71 : i32 to index
      %swap3A_111 = arith.constant 16 : index
      %swap3A_112 = tpu.vector_load %arg9[%swap3A_109, %swap3A_110, %swap3A_111] {strides = array<i32>} : memref<4x64x256xf32, #tpu.memory_space<vmem>>, vector<16xf32>,
      tpu.vector_store %arg9[%swap3A_109, %swap3A_110, %swap3A_111], %broadcast_in_dim3A_16 {strides = array<i32>} : memref<4x64x256xf32, #tpu.memory_space<vmem>>, vector<16xf32>,
      %swap3A_113 = arith.constant 0 : i32
      %swap3A_114 = arith.index_cast %swap3A_113 : i32 to index
      %swap3A_115 = arith.index_cast %scan3A_71 : i32 to index
      %swap3A_116 = arith.constant 32 : index
      %swap3A_117 = tpu.vector_load %arg9[%swap3A_114, %swap3A_115, %swap3A_116] {strides = array<i32>} : memref<4x64x256xf32, #tpu.memory_space<vmem>>, vector<16xf32>,
      tpu.vector_store %arg9[%swap3A_114, %swap3A_115, %swap3A_116], %broadcast_in_dim3A_12 {strides = array<i32>} : memref<4x64x256xf32, #tpu.memory_space<vmem>>, vector<16xf32>,
      %swap3A_118 = arith.constant 1 : i32
      %swap3A_119 = arith.index_cast %swap3A_118 : i32 to index
      %swap3A_120 = arith.index_cast %scan3A_71 : i32 to index
      %swap3A_121 = arith.constant 32 : index
      %swap3A_122 = tpu.vector_load %arg9[%swap3A_119, %swap3A_120, %swap3A_121] {strides = array<i32>} : memref<4x64x256xf32, #tpu.memory_space<vmem>>, vector<16xf32>,
      tpu.vector_store %arg9[%swap3A_119, %swap3A_120, %swap3A_121], %broadcast_in_dim3A_12 {strides = array<i32>} : memref<4x64x256xf32, #tpu.memory_space<vmem>>, vector<16xf32>,
      %swap3A_123 = arith.constant 2 : i32
      %swap3A_124 = arith.index_cast %swap3A_123 : i32 to index
      %swap3A_125 = arith.index_cast %scan3A_71 : i32 to index
      %swap3A_126 = arith.constant 32 : index
      %swap3A_127 = tpu.vector_load %arg9[%swap3A_124, %swap3A_125, %swap3A_126] {strides = array<i32>} : memref<4x64x256xf32, #tpu.memory_space<vmem>>, vector<16xf32>,
      tpu.vector_store %arg9[%swap3A_124, %swap3A_125, %swap3A_126], %broadcast_in_dim3A_14 {strides = array<i32>} : memref<4x64x256xf32, #tpu.memory_space<vmem>>, vector<16xf32>,
      %swap3A_128 = arith.constant 3 : i32
      %swap3A_129 = arith.index_cast %swap3A_128 : i32 to index
      %swap3A_130 = arith.index_cast %scan3A_71 : i32 to index
      %swap3A_131 = arith.constant 32 : index
      %swap3A_132 = tpu.vector_load %arg9[%swap3A_129, %swap3A_130, %swap3A_131] {strides = array<i32>} : memref<4x64x256xf32, #tpu.memory_space<vmem>>, vector<16xf32>,
      tpu.vector_store %arg9[%swap3A_129, %swap3A_130, %swap3A_131], %broadcast_in_dim3A_16 {strides = array<i32>} : memref<4x64x256xf32, #tpu.memory_space<vmem>>, vector<16xf32>,
      %swap3A_133 = arith.constant 0 : i32
      %swap3A_134 = arith.index_cast %swap3A_133 : i32 to index
      %swap3A_135 = arith.index_cast %scan3A_71 : i32 to index
      %swap3A_136 = arith.constant 48 : index
      %swap3A_137 = tpu.vector_load %arg9[%swap3A_134, %swap3A_135, %swap3A_136] {strides = array<i32>} : memref<4x64x256xf32, #tpu.memory_space<vmem>>, vector<16xf32>,
      tpu.vector_store %arg9[%swap3A_134, %swap3A_135, %swap3A_136], %broadcast_in_dim3A_12 {strides = array<i32>} : memref<4x64x256xf32, #tpu.memory_space<vmem>>, vector<16xf32>,
      %swap3A_138 = arith.constant 1 : i32
      %swap3A_139 = arith.index_cast %swap3A_138 : i32 to index
      %swap3A_140 = arith.index_cast %scan3A_71 : i32 to index
      %swap3A_141 = arith.constant 48 : index
      %swap3A_142 = tpu.vector_load %arg9[%swap3A_139, %swap3A_140, %swap3A_141] {strides = array<i32>} : memref<4x64x256xf32, #tpu.memory_space<vmem>>, vector<16xf32>,
      tpu.vector_store %arg9[%swap3A_139, %swap3A_140, %swap3A_141], %broadcast_in_dim3A_12 {strides = array<i32>} : memref<4x64x256xf32, #tpu.memory_space<vmem>>, vector<16xf32>,
      %swap3A_143 = arith.constant 2 : i32
      %swap3A_144 = arith.index_cast %swap3A_143 : i32 to index
      %swap3A_145 = arith.index_cast %scan3A_71 : i32 to index
      %swap3A_146 = arith.constant 48 : index
      %swap3A_147 = tpu.vector_load %arg9[%swap3A_144, %swap3A_145, %swap3A_146] {strides = array<i32>} : memref<4x64x256xf32, #tpu.memory_space<vmem>>, vector<16xf32>,
      tpu.vector_store %arg9[%swap3A_144, %swap3A_145, %swap3A_146], %broadcast_in_dim3A_14 {strides = array<i32>} : memref<4x64x256xf32, #tpu.memory_space<vmem>>, vector<16xf32>,
      %swap3A_148 = arith.constant 3 : i32
      %swap3A_149 = arith.index_cast %swap3A_148 : i32 to index
      %swap3A_150 = arith.index_cast %scan3A_71 : i32 to index
      %swap3A_151 = arith.constant 48 : index
      %swap3A_152 = tpu.vector_load %arg9[%swap3A_149, %swap3A_150, %swap3A_151] {strides = array<i32>} : memref<4x64x256xf32, #tpu.memory_space<vmem>>, vector<16xf32>,
      tpu.vector_store %arg9[%swap3A_149, %swap3A_150, %swap3A_151], %broadcast_in_dim3A_16 {strides = array<i32>} : memref<4x64x256xf32, #tpu.memory_space<vmem>>, vector<16xf32>,
      %swap3A_153 = arith.constant 0 : i32
      %swap3A_154 = arith.index_cast %swap3A_153 : i32 to index
      %swap3A_155 = arith.index_cast %scan3A_71 : i32 to index
      %swap3A_156 = arith.constant 64 : index
      %swap3A_157 = tpu.vector_load %arg9[%swap3A_154, %swap3A_155, %swap3A_156] {strides = array<i32>} : memref<4x64x256xf32, #tpu.memory_space<vmem>>, vector<16xf32>,
      tpu.vector_store %arg9[%swap3A_154, %swap3A_155, %swap3A_156], %broadcast_in_dim3A_12 {strides = array<i32>} : memref<4x64x256xf32, #tpu.memory_space<vmem>>, vector<16xf32>,
      %swap3A_158 = arith.constant 1 : i32
      %swap3A_159 = arith.index_cast %swap3A_158 : i32 to index
      %swap3A_160 = arith.index_cast %scan3A_71 : i32 to index
      %swap3A_161 = arith.constant 64 : index
      %swap3A_162 = tpu.vector_load %arg9[%swap3A_159, %swap3A_160, %swap3A_161] {strides = array<i32>} : memref<4x64x256xf32, #tpu.memory_space<vmem>>, vector<16xf32>,
      tpu.vector_store %arg9[%swap3A_159, %swap3A_160, %swap3A_161], %broadcast_in_dim3A_12 {strides = array<i32>} : memref<4x64x256xf32, #tpu.memory_space<vmem>>, vector<16xf32>,
      %swap3A_163 = arith.constant 2 : i32
      %swap3A_164 = arith.index_cast %swap3A_163 : i32 to index
      %swap3A_165 = arith.index_cast %scan3A_71 : i32 to index
      %swap3A_166 = arith.constant 64 : index
      %swap3A_167 = tpu.vector_load %arg9[%swap3A_164, %swap3A_165, %swap3A_166] {strides = array<i32>} : memref<4x64x256xf32, #tpu.memory_space<vmem>>, vector<16xf32>,
      tpu.vector_store %arg9[%swap3A_164, %swap3A_165, %swap3A_166], %broadcast_in_dim3A_14 {strides = array<i32>} : memref<4x64x256xf32, #tpu.memory_space<vmem>>, vector<16xf32>,
      %swap3A_168 = arith.constant 3 : i32
      %swap3A_169 = arith.index_cast %swap3A_168 : i32 to index
      %swap3A_170 = arith.index_cast %scan3A_71 : i32 to index
      %swap3A_171 = arith.constant 64 : index
      %swap3A_172 = tpu.vector_load %arg9[%swap3A_169, %swap3A_170, %swap3A_171] {strides = array<i32>} : memref<4x64x256xf32, #tpu.memory_space<vmem>>, vector<16xf32>,
      tpu.vector_store %arg9[%swap3A_169, %swap3A_170, %swap3A_171], %broadcast_in_dim3A_16 {strides = array<i32>} : memref<4x64x256xf32, #tpu.memory_space<vmem>>, vector<16xf32>,
      %swap3A_173 = arith.constant 0 : i32
      %swap3A_174 = arith.index_cast %swap3A_173 : i32 to index
      %swap3A_175 = arith.index_cast %scan3A_71 : i32 to index
      %swap3A_176 = arith.constant 80 : index
      %swap3A_177 = tpu.vector_load %arg9[%swap3A_174, %swap3A_175, %swap3A_176] {strides = array<i32>} : memref<4x64x256xf32, #tpu.memory_space<vmem>>, vector<16xf32>,
      tpu.vector_store %arg9[%swap3A_174, %swap3A_175, %swap3A_176], %broadcast_in_dim3A_12 {strides = array<i32>} : memref<4x64x256xf32, #tpu.memory_space<vmem>>, vector<16xf32>,
      %swap3A_178 = arith.constant 1 : i32
      %swap3A_179 = arith.index_cast %swap3A_178 : i32 to index
      %swap3A_180 = arith.index_cast %scan3A_71 : i32 to index
      %swap3A_181 = arith.constant 80 : index
      %swap3A_182 = tpu.vector_load %arg9[%swap3A_179, %swap3A_180, %swap3A_181] {strides = array<i32>} : memref<4x64x256xf32, #tpu.memory_space<vmem>>, vector<16xf32>,
      tpu.vector_store %arg9[%swap3A_179, %swap3A_180, %swap3A_181], %broadcast_in_dim3A_12 {strides = array<i32>} : memref<4x64x256xf32, #tpu.memory_space<vmem>>, vector<16xf32>,
      %swap3A_183 = arith.constant 2 : i32
      %swap3A_184 = arith.index_cast %swap3A_183 : i32 to index
      %swap3A_185 = arith.index_cast %scan3A_71 : i32 to index
      %swap3A_186 = arith.constant 80 : index
      %swap3A_187 = tpu.vector_load %arg9[%swap3A_184, %swap3A_185, %swap3A_186] {strides = array<i32>} : memref<4x64x256xf32, #tpu.memory_space<vmem>>, vector<16xf32>,
      tpu.vector_store %arg9[%swap3A_184, %swap3A_185, %swap3A_186], %broadcast_in_dim3A_14 {strides = array<i32>} : memref<4x64x256xf32, #tpu.memory_space<vmem>>, vector<16xf32>,
      %swap3A_188 = arith.constant 3 : i32
      %swap3A_189 = arith.index_cast %swap3A_188 : i32 to index
      %swap3A_190 = arith.index_cast %scan3A_71 : i32 to index
      %swap3A_191 = arith.constant 80 : index
      %swap3A_192 = tpu.vector_load %arg9[%swap3A_189, %swap3A_190, %swap3A_191] {strides = array<i32>} : memref<4x64x256xf32, #tpu.memory_space<vmem>>, vector<16xf32>,
      tpu.vector_store %arg9[%swap3A_189, %swap3A_190, %swap3A_191], %broadcast_in_dim3A_16 {strides = array<i32>} : memref<4x64x256xf32, #tpu.memory_space<vmem>>, vector<16xf32>,
      %swap3A_193 = arith.constant 0 : i32
      %swap3A_194 = arith.index_cast %swap3A_193 : i32 to index
      %swap3A_195 = arith.index_cast %scan3A_71 : i32 to index
      %swap3A_196 = arith.constant 96 : index
      %swap3A_197 = tpu.vector_load %arg9[%swap3A_194, %swap3A_195, %swap3A_196] {strides = array<i32>} : memref<4x64x256xf32, #tpu.memory_space<vmem>>, vector<16xf32>,
      tpu.vector_store %arg9[%swap3A_194, %swap3A_195, %swap3A_196], %broadcast_in_dim3A_12 {strides = array<i32>} : memref<4x64x256xf32, #tpu.memory_space<vmem>>, vector<16xf32>,
      %swap3A_198 = arith.constant 1 : i32
      %swap3A_199 = arith.index_cast %swap3A_198 : i32 to index
      %swap3A_200 = arith.index_cast %scan3A_71 : i32 to index
      %swap3A_201 = arith.constant 96 : index
      %swap3A_202 = tpu.vector_load %arg9[%swap3A_199, %swap3A_200, %swap3A_201] {strides = array<i32>} : memref<4x64x256xf32, #tpu.memory_space<vmem>>, vector<16xf32>,
      tpu.vector_store %arg9[%swap3A_199, %swap3A_200, %swap3A_201], %broadcast_in_dim3A_12 {strides = array<i32>} : memref<4x64x256xf32, #tpu.memory_space<vmem>>, vector<16xf32>,
      %swap3A_203 = arith.constant 2 : i32
      %swap3A_204 = arith.index_cast %swap3A_203 : i32 to index
      %swap3A_205 = arith.index_cast %scan3A_71 : i32 to index
      %swap3A_206 = arith.constant 96 : index
      %swap3A_207 = tpu.vector_load %arg9[%swap3A_204, %swap3A_205, %swap3A_206] {strides = array<i32>} : memref<4x64x256xf32, #tpu.memory_space<vmem>>, vector<16xf32>,
      tpu.vector_store %arg9[%swap3A_204, %swap3A_205, %swap3A_206], %broadcast_in_dim3A_14 {strides = array<i32>} : memref<4x64x256xf32, #tpu.memory_space<vmem>>, vector<16xf32>,
      %swap3A_208 = arith.constant 3 : i32
      %swap3A_209 = arith.index_cast %swap3A_208 : i32 to index
      %swap3A_210 = arith.index_cast %scan3A_71 : i32 to index
      %swap3A_211 = arith.constant 96 : index
      %swap3A_212 = tpu.vector_load %arg9[%swap3A_209, %swap3A_210, %swap3A_211] {strides = array<i32>} : memref<4x64x256xf32, #tpu.memory_space<vmem>>, vector<16xf32>,
      tpu.vector_store %arg9[%swap3A_209, %swap3A_210, %swap3A_211], %broadcast_in_dim3A_16 {strides = array<i32>} : memref<4x64x256xf32, #tpu.memory_space<vmem>>, vector<16xf32>,
      %swap3A_213 = arith.constant 0 : i32
      %swap3A_214 = arith.index_cast %swap3A_213 : i32 to index
      %swap3A_215 = arith.index_cast %scan3A_71 : i32 to index
      %swap3A_216 = arith.constant 112 : index
      %swap3A_217 = tpu.vector_load %arg9[%swap3A_214, %swap3A_215, %swap3A_216] {strides = array<i32>} : memref<4x64x256xf32, #tpu.memory_space<vmem>>, vector<16xf32>,
      tpu.vector_store %arg9[%swap3A_214, %swap3A_215, %swap3A_216], %broadcast_in_dim3A_12 {strides = array<i32>} : memref<4x64x256xf32, #tpu.memory_space<vmem>>, vector<16xf32>,
      %swap3A_218 = arith.constant 1 : i32
      %swap3A_219 = arith.index_cast %swap3A_218 : i32 to index
      %swap3A_220 = arith.index_cast %scan3A_71 : i32 to index
      %swap3A_221 = arith.constant 112 : index
      %swap3A_222 = tpu.vector_load %arg9[%swap3A_219, %swap3A_220, %swap3A_221] {strides = array<i32>} : memref<4x64x256xf32, #tpu.memory_space<vmem>>, vector<16xf32>,
      tpu.vector_store %arg9[%swap3A_219, %swap3A_220, %swap3A_221], %broadcast_in_dim3A_12 {strides = array<i32>} : memref<4x64x256xf32, #tpu.memory_space<vmem>>, vector<16xf32>,
      %swap3A_223 = arith.constant 2 : i32
      %swap3A_224 = arith.index_cast %swap3A_223 : i32 to index
      %swap3A_225 = arith.index_cast %scan3A_71 : i32 to index
      %swap3A_226 = arith.constant 112 : index
      %swap3A_227 = tpu.vector_load %arg9[%swap3A_224, %swap3A_225, %swap3A_226] {strides = array<i32>} : memref<4x64x256xf32, #tpu.memory_space<vmem>>, vector<16xf32>,
      tpu.vector_store %arg9[%swap3A_224, %swap3A_225, %swap3A_226], %broadcast_in_dim3A_14 {strides = array<i32>} : memref<4x64x256xf32, #tpu.memory_space<vmem>>, vector<16xf32>,
      %swap3A_228 = arith.constant 3 : i32
      %swap3A_229 = arith.index_cast %swap3A_228 : i32 to index
      %swap3A_230 = arith.index_cast %scan3A_71 : i32 to index
      %swap3A_231 = arith.constant 112 : index
      %swap3A_232 = tpu.vector_load %arg9[%swap3A_229, %swap3A_230, %swap3A_231] {strides = array<i32>} : memref<4x64x256xf32, #tpu.memory_space<vmem>>, vector<16xf32>,
      tpu.vector_store %arg9[%swap3A_229, %swap3A_230, %swap3A_231], %broadcast_in_dim3A_16 {strides = array<i32>} : memref<4x64x256xf32, #tpu.memory_space<vmem>>, vector<16xf32>,
      %swap3A_233 = arith.constant 0 : i32
      %swap3A_234 = arith.index_cast %swap3A_233 : i32 to index
      %swap3A_235 = arith.index_cast %scan3A_71 : i32 to index
      %swap3A_236 = arith.constant 128 : index
      %swap3A_237 = tpu.vector_load %arg9[%swap3A_234, %swap3A_235, %swap3A_236] {strides = array<i32>} : memref<4x64x256xf32, #tpu.memory_space<vmem>>, vector<16xf32>,
      tpu.vector_store %arg9[%swap3A_234, %swap3A_235, %swap3A_236], %broadcast_in_dim3A_12 {strides = array<i32>} : memref<4x64x256xf32, #tpu.memory_space<vmem>>, vector<16xf32>,
      %swap3A_238 = arith.constant 1 : i32
      %swap3A_239 = arith.index_cast %swap3A_238 : i32 to index
      %swap3A_240 = arith.index_cast %scan3A_71 : i32 to index
      %swap3A_241 = arith.constant 128 : index
      %swap3A_242 = tpu.vector_load %arg9[%swap3A_239, %swap3A_240, %swap3A_241] {strides = array<i32>} : memref<4x64x256xf32, #tpu.memory_space<vmem>>, vector<16xf32>,
      tpu.vector_store %arg9[%swap3A_239, %swap3A_240, %swap3A_241], %broadcast_in_dim3A_12 {strides = array<i32>} : memref<4x64x256xf32, #tpu.memory_space<vmem>>, vector<16xf32>,
      %swap3A_243 = arith.constant 2 : i32
      %swap3A_244 = arith.index_cast %swap3A_243 : i32 to index
      %swap3A_245 = arith.index_cast %scan3A_71 : i32 to index
      %swap3A_246 = arith.constant 128 : index
      %swap3A_247 = tpu.vector_load %arg9[%swap3A_244, %swap3A_245, %swap3A_246] {strides = array<i32>} : memref<4x64x256xf32, #tpu.memory_space<vmem>>, vector<16xf32>,
      tpu.vector_store %arg9[%swap3A_244, %swap3A_245, %swap3A_246], %broadcast_in_dim3A_14 {strides = array<i32>} : memref<4x64x256xf32, #tpu.memory_space<vmem>>, vector<16xf32>,
      %swap3A_248 = arith.constant 3 : i32
      %swap3A_249 = arith.index_cast %swap3A_248 : i32 to index
      %swap3A_250 = arith.index_cast %scan3A_71 : i32 to index
      %swap3A_251 = arith.constant 128 : index
      %swap3A_252 = tpu.vector_load %arg9[%swap3A_249, %swap3A_250, %swap3A_251] {strides = array<i32>} : memref<4x64x256xf32, #tpu.memory_space<vmem>>, vector<16xf32>,
      tpu.vector_store %arg9[%swap3A_249, %swap3A_250, %swap3A_251], %broadcast_in_dim3A_16 {strides = array<i32>} : memref<4x64x256xf32, #tpu.memory_space<vmem>>, vector<16xf32>,
      %swap3A_253 = arith.constant 0 : i32
      %swap3A_254 = arith.index_cast %swap3A_253 : i32 to index
      %swap3A_255 = arith.index_cast %scan3A_71 : i32 to index
      %swap3A_256 = arith.constant 144 : index
      %swap3A_257 = tpu.vector_load %arg9[%swap3A_254, %swap3A_255, %swap3A_256] {strides = array<i32>} : memref<4x64x256xf32, #tpu.memory_space<vmem>>, vector<16xf32>,
      tpu.vector_store %arg9[%swap3A_254, %swap3A_255, %swap3A_256], %broadcast_in_dim3A_12 {strides = array<i32>} : memref<4x64x256xf32, #tpu.memory_space<vmem>>, vector<16xf32>,
      %swap3A_258 = arith.constant 1 : i32
      %swap3A_259 = arith.index_cast %swap3A_258 : i32 to index
      %swap3A_260 = arith.index_cast %scan3A_71 : i32 to index
      %swap3A_261 = arith.constant 144 : index
      %swap3A_262 = tpu.vector_load %arg9[%swap3A_259, %swap3A_260, %swap3A_261] {strides = array<i32>} : memref<4x64x256xf32, #tpu.memory_space<vmem>>, vector<16xf32>,
      tpu.vector_store %arg9[%swap3A_259, %swap3A_260, %swap3A_261], %broadcast_in_dim3A_12 {strides = array<i32>} : memref<4x64x256xf32, #tpu.memory_space<vmem>>, vector<16xf32>,
      %swap3A_263 = arith.constant 2 : i32
      %swap3A_264 = arith.index_cast %swap3A_263 : i32 to index
      %swap3A_265 = arith.index_cast %scan3A_71 : i32 to index
      %swap3A_266 = arith.constant 144 : index
      %swap3A_267 = tpu.vector_load %arg9[%swap3A_264, %swap3A_265, %swap3A_266] {strides = array<i32>} : memref<4x64x256xf32, #tpu.memory_space<vmem>>, vector<16xf32>,
      tpu.vector_store %arg9[%swap3A_264, %swap3A_265, %swap3A_266], %broadcast_in_dim3A_14 {strides = array<i32>} : memref<4x64x256xf32, #tpu.memory_space<vmem>>, vector<16xf32>,
      %swap3A_268 = arith.constant 3 : i32
      %swap3A_269 = arith.index_cast %swap3A_268 : i32 to index
      %swap3A_270 = arith.index_cast %scan3A_71 : i32 to index
      %swap3A_271 = arith.constant 144 : index
      %swap3A_272 = tpu.vector_load %arg9[%swap3A_269, %swap3A_270, %swap3A_271] {strides = array<i32>} : memref<4x64x256xf32, #tpu.memory_space<vmem>>, vector<16xf32>,
      tpu.vector_store %arg9[%swap3A_269, %swap3A_270, %swap3A_271], %broadcast_in_dim3A_16 {strides = array<i32>} : memref<4x64x256xf32, #tpu.memory_space<vmem>>, vector<16xf32>,
      %swap3A_273 = arith.constant 0 : i32
      %swap3A_274 = arith.index_cast %swap3A_273 : i32 to index
      %swap3A_275 = arith.index_cast %scan3A_71 : i32 to index
      %swap3A_276 = arith.constant 160 : index
      %swap3A_277 = tpu.vector_load %arg9[%swap3A_274, %swap3A_275, %swap3A_276] {strides = array<i32>} : memref<4x64x256xf32, #tpu.memory_space<vmem>>, vector<16xf32>,
      tpu.vector_store %arg9[%swap3A_274, %swap3A_275, %swap3A_276], %broadcast_in_dim3A_12 {strides = array<i32>} : memref<4x64x256xf32, #tpu.memory_space<vmem>>, vector<16xf32>,
      %swap3A_278 = arith.constant 1 : i32
      %swap3A_279 = arith.index_cast %swap3A_278 : i32 to index
      %swap3A_280 = arith.index_cast %scan3A_71 : i32 to index
      %swap3A_281 = arith.constant 160 : index
      %swap3A_282 = tpu.vector_load %arg9[%swap3A_279, %swap3A_280, %swap3A_281] {strides = array<i32>} : memref<4x64x256xf32, #tpu.memory_space<vmem>>, vector<16xf32>,
      tpu.vector_store %arg9[%swap3A_279, %swap3A_280, %swap3A_281], %broadcast_in_dim3A_12 {strides = array<i32>} : memref<4x64x256xf32, #tpu.memory_space<vmem>>, vector<16xf32>,
      %swap3A_283 = arith.constant 2 : i32
      %swap3A_284 = arith.index_cast %swap3A_283 : i32 to index
      %swap3A_285 = arith.index_cast %scan3A_71 : i32 to index
      %swap3A_286 = arith.constant 160 : index
      %swap3A_287 = tpu.vector_load %arg9[%swap3A_284, %swap3A_285, %swap3A_286] {strides = array<i32>} : memref<4x64x256xf32, #tpu.memory_space<vmem>>, vector<16xf32>,
      tpu.vector_store %arg9[%swap3A_284, %swap3A_285, %swap3A_286], %broadcast_in_dim3A_14 {strides = array<i32>} : memref<4x64x256xf32, #tpu.memory_space<vmem>>, vector<16xf32>,
      %swap3A_288 = arith.constant 3 : i32
      %swap3A_289 = arith.index_cast %swap3A_288 : i32 to index
      %swap3A_290 = arith.index_cast %scan3A_71 : i32 to index
      %swap3A_291 = arith.constant 160 : index
      %swap3A_292 = tpu.vector_load %arg9[%swap3A_289, %swap3A_290, %swap3A_291] {strides = array<i32>} : memref<4x64x256xf32, #tpu.memory_space<vmem>>, vector<16xf32>,
      tpu.vector_store %arg9[%swap3A_289, %swap3A_290, %swap3A_291], %broadcast_in_dim3A_16 {strides = array<i32>} : memref<4x64x256xf32, #tpu.memory_space<vmem>>, vector<16xf32>,
      %swap3A_293 = arith.constant 0 : i32
      %swap3A_294 = arith.index_cast %swap3A_293 : i32 to index
      %swap3A_295 = arith.index_cast %scan3A_71 : i32 to index
      %swap3A_296 = arith.constant 176 : index
      %swap3A_297 = tpu.vector_load %arg9[%swap3A_294, %swap3A_295, %swap3A_296] {strides = array<i32>} : memref<4x64x256xf32, #tpu.memory_space<vmem>>, vector<16xf32>,
      tpu.vector_store %arg9[%swap3A_294, %swap3A_295, %swap3A_296], %broadcast_in_dim3A_12 {strides = array<i32>} : memref<4x64x256xf32, #tpu.memory_space<vmem>>, vector<16xf32>,
      %swap3A_298 = arith.constant 1 : i32
      %swap3A_299 = arith.index_cast %swap3A_298 : i32 to index
      %swap3A_300 = arith.index_cast %scan3A_71 : i32 to index
      %swap3A_301 = arith.constant 176 : index
      %swap3A_302 = tpu.vector_load %arg9[%swap3A_299, %swap3A_300, %swap3A_301] {strides = array<i32>} : memref<4x64x256xf32, #tpu.memory_space<vmem>>, vector<16xf32>,
      tpu.vector_store %arg9[%swap3A_299, %swap3A_300, %swap3A_301], %broadcast_in_dim3A_12 {strides = array<i32>} : memref<4x64x256xf32, #tpu.memory_space<vmem>>, vector<16xf32>,
      %swap3A_303 = arith.constant 2 : i32
      %swap3A_304 = arith.index_cast %swap3A_303 : i32 to index
      %swap3A_305 = arith.index_cast %scan3A_71 : i32 to index
      %swap3A_306 = arith.constant 176 : index
      %swap3A_307 = tpu.vector_load %arg9[%swap3A_304, %swap3A_305, %swap3A_306] {strides = array<i32>} : memref<4x64x256xf32, #tpu.memory_space<vmem>>, vector<16xf32>,
      tpu.vector_store %arg9[%swap3A_304, %swap3A_305, %swap3A_306], %broadcast_in_dim3A_14 {strides = array<i32>} : memref<4x64x256xf32, #tpu.memory_space<vmem>>, vector<16xf32>,
      %swap3A_308 = arith.constant 3 : i32
      %swap3A_309 = arith.index_cast %swap3A_308 : i32 to index
      %swap3A_310 = arith.index_cast %scan3A_71 : i32 to index
      %swap3A_311 = arith.constant 176 : index
      %swap3A_312 = tpu.vector_load %arg9[%swap3A_309, %swap3A_310, %swap3A_311] {strides = array<i32>} : memref<4x64x256xf32, #tpu.memory_space<vmem>>, vector<16xf32>,
      tpu.vector_store %arg9[%swap3A_309, %swap3A_310, %swap3A_311], %broadcast_in_dim3A_16 {strides = array<i32>} : memref<4x64x256xf32, #tpu.memory_space<vmem>>, vector<16xf32>,
      %swap3A_313 = arith.constant 0 : i32
      %swap3A_314 = arith.index_cast %swap3A_313 : i32 to index
      %swap3A_315 = arith.index_cast %scan3A_71 : i32 to index
      %swap3A_316 = arith.constant 192 : index
      %swap3A_317 = tpu.vector_load %arg9[%swap3A_314, %swap3A_315, %swap3A_316] {strides = array<i32>} : memref<4x64x256xf32, #tpu.memory_space<vmem>>, vector<16xf32>,
      tpu.vector_store %arg9[%swap3A_314, %swap3A_315, %swap3A_316], %broadcast_in_dim3A_12 {strides = array<i32>} : memref<4x64x256xf32, #tpu.memory_space<vmem>>, vector<16xf32>,
      %swap3A_318 = arith.constant 1 : i32
      %swap3A_319 = arith.index_cast %swap3A_318 : i32 to index
      %swap3A_320 = arith.index_cast %scan3A_71 : i32 to index
      %swap3A_321 = arith.constant 192 : index
      %swap3A_322 = tpu.vector_load %arg9[%swap3A_319, %swap3A_320, %swap3A_321] {strides = array<i32>} : memref<4x64x256xf32, #tpu.memory_space<vmem>>, vector<16xf32>,
      tpu.vector_store %arg9[%swap3A_319, %swap3A_320, %swap3A_321], %broadcast_in_dim3A_12 {strides = array<i32>} : memref<4x64x256xf32, #tpu.memory_space<vmem>>, vector<16xf32>,
      %swap3A_323 = arith.constant 2 : i32
      %swap3A_324 = arith.index_cast %swap3A_323 : i32 to index
      %swap3A_325 = arith.index_cast %scan3A_71 : i32 to index
      %swap3A_326 = arith.constant 192 : index
      %swap3A_327 = tpu.vector_load %arg9[%swap3A_324, %swap3A_325, %swap3A_326] {strides = array<i32>} : memref<4x64x256xf32, #tpu.memory_space<vmem>>, vector<16xf32>,
      tpu.vector_store %arg9[%swap3A_324, %swap3A_325, %swap3A_326], %broadcast_in_dim3A_14 {strides = array<i32>} : memref<4x64x256xf32, #tpu.memory_space<vmem>>, vector<16xf32>,
      %swap3A_328 = arith.constant 3 : i32
      %swap3A_329 = arith.index_cast %swap3A_328 : i32 to index
      %swap3A_330 = arith.index_cast %scan3A_71 : i32 to index
      %swap3A_331 = arith.constant 192 : index
      %swap3A_332 = tpu.vector_load %arg9[%swap3A_329, %swap3A_330, %swap3A_331] {strides = array<i32>} : memref<4x64x256xf32, #tpu.memory_space<vmem>>, vector<16xf32>,
      tpu.vector_store %arg9[%swap3A_329, %swap3A_330, %swap3A_331], %broadcast_in_dim3A_16 {strides = array<i32>} : memref<4x64x256xf32, #tpu.memory_space<vmem>>, vector<16xf32>,
      %swap3A_333 = arith.constant 0 : i32
      %swap3A_334 = arith.index_cast %swap3A_333 : i32 to index
      %swap3A_335 = arith.index_cast %scan3A_71 : i32 to index
      %swap3A_336 = arith.constant 208 : index
      %swap3A_337 = tpu.vector_load %arg9[%swap3A_334, %swap3A_335, %swap3A_336] {strides = array<i32>} : memref<4x64x256xf32, #tpu.memory_space<vmem>>, vector<16xf32>,
      tpu.vector_store %arg9[%swap3A_334, %swap3A_335, %swap3A_336], %broadcast_in_dim3A_12 {strides = array<i32>} : memref<4x64x256xf32, #tpu.memory_space<vmem>>, vector<16xf32>,
      %swap3A_338 = arith.constant 1 : i32
      %swap3A_339 = arith.index_cast %swap3A_338 : i32 to index
      %swap3A_340 = arith.index_cast %scan3A_71 : i32 to index
      %swap3A_341 = arith.constant 208 : index
      %swap3A_342 = tpu.vector_load %arg9[%swap3A_339, %swap3A_340, %swap3A_341] {strides = array<i32>} : memref<4x64x256xf32, #tpu.memory_space<vmem>>, vector<16xf32>,
      tpu.vector_store %arg9[%swap3A_339, %swap3A_340, %swap3A_341], %broadcast_in_dim3A_12 {strides = array<i32>} : memref<4x64x256xf32, #tpu.memory_space<vmem>>, vector<16xf32>,
      %swap3A_343 = arith.constant 2 : i32
      %swap3A_344 = arith.index_cast %swap3A_343 : i32 to index
      %swap3A_345 = arith.index_cast %scan3A_71 : i32 to index
      %swap3A_346 = arith.constant 208 : index
      %swap3A_347 = tpu.vector_load %arg9[%swap3A_344, %swap3A_345, %swap3A_346] {strides = array<i32>} : memref<4x64x256xf32, #tpu.memory_space<vmem>>, vector<16xf32>,
      tpu.vector_store %arg9[%swap3A_344, %swap3A_345, %swap3A_346], %broadcast_in_dim3A_14 {strides = array<i32>} : memref<4x64x256xf32, #tpu.memory_space<vmem>>, vector<16xf32>,
      %swap3A_348 = arith.constant 3 : i32
      %swap3A_349 = arith.index_cast %swap3A_348 : i32 to index
      %swap3A_350 = arith.index_cast %scan3A_71 : i32 to index
      %swap3A_351 = arith.constant 208 : index
      %swap3A_352 = tpu.vector_load %arg9[%swap3A_349, %swap3A_350, %swap3A_351] {strides = array<i32>} : memref<4x64x256xf32, #tpu.memory_space<vmem>>, vector<16xf32>,
      tpu.vector_store %arg9[%swap3A_349, %swap3A_350, %swap3A_351], %broadcast_in_dim3A_16 {strides = array<i32>} : memref<4x64x256xf32, #tpu.memory_space<vmem>>, vector<16xf32>,
      %swap3A_353 = arith.constant 0 : i32
      %swap3A_354 = arith.index_cast %swap3A_353 : i32 to index
      %swap3A_355 = arith.index_cast %scan3A_71 : i32 to index
      %swap3A_356 = arith.constant 224 : index
      %swap3A_357 = tpu.vector_load %arg9[%swap3A_354, %swap3A_355, %swap3A_356] {strides = array<i32>} : memref<4x64x256xf32, #tpu.memory_space<vmem>>, vector<16xf32>,
      tpu.vector_store %arg9[%swap3A_354, %swap3A_355, %swap3A_356], %broadcast_in_dim3A_12 {strides = array<i32>} : memref<4x64x256xf32, #tpu.memory_space<vmem>>, vector<16xf32>,
      %swap3A_358 = arith.constant 1 : i32
      %swap3A_359 = arith.index_cast %swap3A_358 : i32 to index
      %swap3A_360 = arith.index_cast %scan3A_71 : i32 to index
      %swap3A_361 = arith.constant 224 : index
      %swap3A_362 = tpu.vector_load %arg9[%swap3A_359, %swap3A_360, %swap3A_361] {strides = array<i32>} : memref<4x64x256xf32, #tpu.memory_space<vmem>>, vector<16xf32>,
      tpu.vector_store %arg9[%swap3A_359, %swap3A_360, %swap3A_361], %broadcast_in_dim3A_12 {strides = array<i32>} : memref<4x64x256xf32, #tpu.memory_space<vmem>>, vector<16xf32>,
      %swap3A_363 = arith.constant 2 : i32
      %swap3A_364 = arith.index_cast %swap3A_363 : i32 to index
      %swap3A_365 = arith.index_cast %scan3A_71 : i32 to index
      %swap3A_366 = arith.constant 224 : index
      %swap3A_367 = tpu.vector_load %arg9[%swap3A_364, %swap3A_365, %swap3A_366] {strides = array<i32>} : memref<4x64x256xf32, #tpu.memory_space<vmem>>, vector<16xf32>,
      tpu.vector_store %arg9[%swap3A_364, %swap3A_365, %swap3A_366], %broadcast_in_dim3A_14 {strides = array<i32>} : memref<4x64x256xf32, #tpu.memory_space<vmem>>, vector<16xf32>,
      %swap3A_368 = arith.constant 3 : i32
      %swap3A_369 = arith.index_cast %swap3A_368 : i32 to index
      %swap3A_370 = arith.index_cast %scan3A_71 : i32 to index
      %swap3A_371 = arith.constant 224 : index
      %swap3A_372 = tpu.vector_load %arg9[%swap3A_369, %swap3A_370, %swap3A_371] {strides = array<i32>} : memref<4x64x256xf32, #tpu.memory_space<vmem>>, vector<16xf32>,
      tpu.vector_store %arg9[%swap3A_369, %swap3A_370, %swap3A_371], %broadcast_in_dim3A_16 {strides = array<i32>} : memref<4x64x256xf32, #tpu.memory_space<vmem>>, vector<16xf32>,
      %swap3A_373 = arith.constant 0 : i32
      %swap3A_374 = arith.index_cast %swap3A_373 : i32 to index
      %swap3A_375 = arith.index_cast %scan3A_71 : i32 to index
      %swap3A_376 = arith.constant 240 : index
      %swap3A_377 = tpu.vector_load %arg9[%swap3A_374, %swap3A_375, %swap3A_376] {strides = array<i32>} : memref<4x64x256xf32, #tpu.memory_space<vmem>>, vector<16xf32>,
      tpu.vector_store %arg9[%swap3A_374, %swap3A_375, %swap3A_376], %broadcast_in_dim3A_12 {strides = array<i32>} : memref<4x64x256xf32, #tpu.memory_space<vmem>>, vector<16xf32>,
      %swap3A_378 = arith.constant 1 : i32
      %swap3A_379 = arith.index_cast %swap3A_378 : i32 to index
      %swap3A_380 = arith.index_cast %scan3A_71 : i32 to index
      %swap3A_381 = arith.constant 240 : index
      %swap3A_382 = tpu.vector_load %arg9[%swap3A_379, %swap3A_380, %swap3A_381] {strides = array<i32>} : memref<4x64x256xf32, #tpu.memory_space<vmem>>, vector<16xf32>,
      tpu.vector_store %arg9[%swap3A_379, %swap3A_380, %swap3A_381], %broadcast_in_dim3A_12 {strides = array<i32>} : memref<4x64x256xf32, #tpu.memory_space<vmem>>, vector<16xf32>,
      %swap3A_383 = arith.constant 2 : i32
      %swap3A_384 = arith.index_cast %swap3A_383 : i32 to index
      %swap3A_385 = arith.index_cast %scan3A_71 : i32 to index
      %swap3A_386 = arith.constant 240 : index
      %swap3A_387 = tpu.vector_load %arg9[%swap3A_384, %swap3A_385, %swap3A_386] {strides = array<i32>} : memref<4x64x256xf32, #tpu.memory_space<vmem>>, vector<16xf32>,
      tpu.vector_store %arg9[%swap3A_384, %swap3A_385, %swap3A_386], %broadcast_in_dim3A_14 {strides = array<i32>} : memref<4x64x256xf32, #tpu.memory_space<vmem>>, vector<16xf32>,
      %swap3A_388 = arith.constant 3 : i32
      %swap3A_389 = arith.index_cast %swap3A_388 : i32 to index
      %swap3A_390 = arith.index_cast %scan3A_71 : i32 to index
      %swap3A_391 = arith.constant 240 : index
      %swap3A_392 = tpu.vector_load %arg9[%swap3A_389, %swap3A_390, %swap3A_391] {strides = array<i32>} : memref<4x64x256xf32, #tpu.memory_space<vmem>>, vector<16xf32>,
      tpu.vector_store %arg9[%swap3A_389, %swap3A_390, %swap3A_391], %broadcast_in_dim3A_16 {strides = array<i32>} : memref<4x64x256xf32, #tpu.memory_space<vmem>>, vector<16xf32>,
      %scan3A_393 = arith.constant 0 : i32
      scf.yield %scan3A_393 : i32
    }
    %scan3A_24 = arith.constant 64 : i32
    %swap3A = arith.constant 0 : i32
    %swap3A_25 = arith.index_cast %swap3A : i32 to index
    %swap3A_26 = arith.constant 0 : index
    %swap3A_27 = tpu.vector_load %arg10[%swap3A_25, %swap3A_26] {strides = array<i32>} : memref<8x80xi32, #tpu.memory_space<vmem>>, vector<16xi32>,
    tpu.vector_store %arg10[%swap3A_25, %swap3A_26], %broadcast_in_dim3A_18 {strides = array<i32>} : memref<8x80xi32, #tpu.memory_space<vmem>>, vector<16xi32>,
    %swap3A_28 = arith.constant 0 : i32
    %swap3A_29 = arith.index_cast %swap3A_28 : i32 to index
    %swap3A_30 = arith.constant 16 : index
    %swap3A_31 = tpu.vector_load %arg10[%swap3A_29, %swap3A_30] {strides = array<i32>} : memref<8x80xi32, #tpu.memory_space<vmem>>, vector<16xi32>,
    tpu.vector_store %arg10[%swap3A_29, %swap3A_30], %broadcast_in_dim3A_18 {strides = array<i32>} : memref<8x80xi32, #tpu.memory_space<vmem>>, vector<16xi32>,
    %swap3A_32 = arith.constant 0 : i32
    %swap3A_33 = arith.index_cast %swap3A_32 : i32 to index
    %swap3A_34 = arith.constant 32 : index
    %swap3A_35 = tpu.vector_load %arg10[%swap3A_33, %swap3A_34] {strides = array<i32>} : memref<8x80xi32, #tpu.memory_space<vmem>>, vector<16xi32>,
    tpu.vector_store %arg10[%swap3A_33, %swap3A_34], %broadcast_in_dim3A_18 {strides = array<i32>} : memref<8x80xi32, #tpu.memory_space<vmem>>, vector<16xi32>,
    %swap3A_36 = arith.constant 0 : i32
    %swap3A_37 = arith.index_cast %swap3A_36 : i32 to index
    %swap3A_38 = arith.constant 48 : index
    %swap3A_39 = tpu.vector_load %arg10[%swap3A_37, %swap3A_38] {strides = array<i32>} : memref<8x80xi32, #tpu.memory_space<vmem>>, vector<16xi32>,
    tpu.vector_store %arg10[%swap3A_37, %swap3A_38], %broadcast_in_dim3A_18 {strides = array<i32>} : memref<8x80xi32, #tpu.memory_space<vmem>>, vector<16xi32>,
    %swap3A_40 = arith.constant 0 : i32
    %swap3A_41 = arith.index_cast %swap3A_40 : i32 to index
    %swap3A_42 = arith.constant 64 : index
    %swap3A_43 = tpu.vector_load %arg10[%swap3A_41, %swap3A_42] {strides = array<i32>} : memref<8x80xi32, #tpu.memory_space<vmem>>, vector<16xi32>,
    tpu.vector_store %arg10[%swap3A_41, %swap3A_42], %broadcast_in_dim3A_18 {strides = array<i32>} : memref<8x80xi32, #tpu.memory_space<vmem>>, vector<16xi32>,
    %iota3A = tpu.iota {dimensions = array<i32: 0>} : vector<16xi32>
    %eq3A_44 = arith.constant 0 : i32
    %eq3A_45 = vector.broadcast %eq3A_44 : i32 to vector<16xi32>
    %eq3A_46 = arith.cmpi eq, %iota3A, %eq3A_45 : vector<16xi32>
    %add3A_47 = arith.constant 0 : i32
    %add3A_48 = arith.addi %mul3A_2, %add3A_47 : i32
    %sub3A = arith.constant 112 : i32
    %sub3A_49 = arith.subi %min3A_5, %sub3A : i32
    %min3A_50 = arith.minsi %add3A_48, %sub3A_49 : i32
    %sub3A_51 = arith.subi %add3A_48, %min3A_50 : i32
    %dma_start3A = arith.constant 0 : i32
    %dma_start3A_52 = tpu.memref_slice %arg2[%min3A_50, %dma_start3A] : memref<100000x256xf32, #tpu.memory_space<hbm>> -> memref<112x256xf32, #tpu.memory_space<hbm>>
    %dma_start3A_53 = arith.constant 0 : i32
    %dma_start3A_54 = tpu.memref_slice %arg2[%min3A_50, %dma_start3A_53] : memref<100000x256xf32, #tpu.memory_space<hbm>> -> memref<112x256xf32, #tpu.memory_space<hbm>>
    tpu.enqueue_dma source(%dma_start3A_54 : memref<112x256xf32, #tpu.memory_space<hbm>>) target(%arg6 : memref<112x256xf32, #tpu.memory_space<vmem>>) target_semaphore(%arg11 : memref<!tpu.dma_semaphore, #tpu.memory_space<semaphore_mem>>)
    %add3A_55 = arith.constant 112 : i32
    %add3A_56 = arith.addi %mul3A_2, %add3A_55 : i32
    %sub3A_57 = arith.constant 112 : i32
    %sub3A_58 = arith.subi %min3A_5, %sub3A_57 : i32
    %min3A_59 = arith.minsi %add3A_56, %sub3A_58 : i32
    %sub3A_60 = arith.subi %add3A_56, %min3A_59 : i32
    %dma_start3A_61 = arith.constant 0 : i32
    %dma_start3A_62 = tpu.memref_slice %arg2[%min3A_59, %dma_start3A_61] : memref<100000x256xf32, #tpu.memory_space<hbm>> -> memref<112x256xf32, #tpu.memory_space<hbm>>
    %dma_start3A_63 = arith.constant 0 : i32
    %dma_start3A_64 = tpu.memref_slice %arg2[%min3A_59, %dma_start3A_63] : memref<100000x256xf32, #tpu.memory_space<hbm>> -> memref<112x256xf32, #tpu.memory_space<hbm>>
    tpu.enqueue_dma source(%dma_start3A_64 : memref<112x256xf32, #tpu.memory_space<hbm>>) target(%arg7 : memref<112x256xf32, #tpu.memory_space<vmem>>) target_semaphore(%arg12 : memref<!tpu.dma_semaphore, #tpu.memory_space<semaphore_mem>>)
    %scan3A_65 = arith.constant 0 : i32
    %scan3A_66 = arith.constant 0 : i32
    %scan3A_67 = arith.constant 14 : i32
    %scan3A_68 = arith.addi %scan3A_66, %scan3A_67 : i32
    %scan3A_69 = arith.constant 1 : i32
    scf.for %scan3A_71 = %scan3A_66 to %scan3A_68 step %scan3A_69  : i32 {
      %mul3A_72 = arith.constant 2 : i32
      %mul3A_73 = arith.muli %mul3A_72, %scan3A_71 : i32
      %add3A_74 = arith.constant 0 : i32
      %add3A_75 = arith.addi %mul3A_73, %add3A_74 : i32
      %dma_wait3A = arith.constant 0 : i32
      %dma_wait3A_76 = arith.constant 0 : i32
      %dma_wait3A_77 = tpu.memref_slice %arg2[%dma_wait3A, %dma_wait3A_76] : memref<100000x256xf32, #tpu.memory_space<hbm>> -> memref<112x256xf32, #tpu.memory_space<hbm>>
      %dma_wait3A_78 = arith.constant 0 : i32
      %dma_wait3A_79 = arith.constant 0 : i32
      %dma_wait3A_80 = tpu.memref_slice %arg2[%dma_wait3A_78, %dma_wait3A_79] : memref<100000x256xf32, #tpu.memory_space<hbm>> -> memref<112x256xf32, #tpu.memory_space<hbm>>
      tpu.wait_dma2 semaphore(%arg11 : memref<!tpu.dma_semaphore, #tpu.memory_space<semaphore_mem>>) src(%dma_wait3A_80 : memref<112x256xf32, #tpu.memory_space<hbm>>) dst(%arg6 : memref<112x256xf32, #tpu.memory_space<vmem>>)
      %mul3A_81 = arith.constant 112 : i32
      %mul3A_82 = arith.muli %add3A_75, %mul3A_81 : i32
      %add3A_83 = arith.addi %mul3A_2, %mul3A_82 : i32
      %sub3A_84 = arith.constant 112 : i32
      %sub3A_85 = arith.subi %min3A_5, %sub3A_84 : i32
      %min3A_86 = arith.minsi %add3A_83, %sub3A_85 : i32
      %sub3A_87 = arith.subi %add3A_83, %min3A_86 : i32
      %sub3A_88 = arith.subi %min3A_86, %mul3A_2 : i32
      %while3A = scf.while (%while3A_120 = %sub3A_87) : (i32) -> i32 {
        %lt3A_121 = arith.constant 112 : i32
        %lt3A_122 = arith.cmpi slt, %while3A_120, %lt3A_121 : i32
        scf.condition(%lt3A_122) %while3A_120 : i32
      } do {
      ^bb0(%while3A_120: i32):
        %add3A_121 = arith.addi %sub3A_88, %while3A_120 : i32
        %get3A = arith.index_cast %add3A_121 : i32 to index
        %get3A_122 = tpu.vector_load %arg8[%get3A] {strides = array<i32>} : memref<3144xi32, #tpu.memory_space<vmem>>, vector<16xi32>,
        %slice3A = vector.extract_strided_slice %get3A_122 {offsets = [0], sizes = [1], strides = [1]} : vector<16xi32> to vector<1xi32>
        %squeeze3A = vector.extract %slice3A[0] : i32 from vector<1xi32>
        %while3A_123 = arith.constant 16 : i32
        %while3A_124:2 = scf.while (%while3A_898 = %while3A_120, %while3A_899 = %while3A_123) : (i32, i32) -> (i32, i32) {
          %ge3A = arith.constant 16 : i32
          %ge3A_900 = arith.cmpi sge, %while3A_899, %ge3A : i32
          %lt3A_901 = arith.constant 112 : i32
          %lt3A_902 = arith.cmpi slt, %while3A_898, %lt3A_901 : i32
          %and3A_903 = arith.andi %ge3A_900, %lt3A_902 : i1
          scf.condition(%and3A_903) %while3A_898, %while3A_899 : i32, i32
        } do {
        ^bb0(%while3A_898: i32, %while3A_899: i32):
          %add3A_900 = arith.addi %sub3A_88, %while3A_898 : i32
          %get3A_901 = arith.index_cast %add3A_900 : i32 to index
          %get3A_902 = tpu.vector_load %arg8[%get3A_901] {strides = array<i32>} : memref<3144xi32, #tpu.memory_space<vmem>>, vector<16xi32>,
          %ne3A_903 = vector.broadcast %squeeze3A : i32 to vector<16xi32>
          %ne3A_904 = arith.cmpi ne, %get3A_902, %ne3A_903 : vector<16xi32>
          %all_reduce_ffs3A = tpu.all_reduce %ne3A_904 {dim = 0 : i64, kind = #tpu.reduction_kind<find_first_set>} : vector<16xi1> -> vector<16xi32>
          %slice3A_905 = vector.extract_strided_slice %all_reduce_ffs3A {offsets = [0], sizes = [1], strides = [1]} : vector<16xi32> to vector<1xi32>
          %squeeze3A_906 = vector.extract %slice3A_905[0] : i32 from vector<1xi32>
          %add3A_907 = arith.constant 16 : i32
          %add3A_908 = arith.addi %while3A_898, %add3A_907 : i32
          scf.yield %add3A_908, %squeeze3A_906 : i32, i32
        }
        %lt3A_125 = arith.constant 16 : i32
        %lt3A_126 = arith.cmpi slt, %while3A_124#1, %lt3A_125 : i32
        %sub3A_127 = arith.constant 16 : i32
        %sub3A_128 = arith.subi %while3A_124#0, %sub3A_127 : i32
        %add3A_129 = arith.addi %sub3A_128, %while3A_124#1 : i32
        %select_n3A = arith.select %lt3A_126, %add3A_129, %while3A_124#0 : i32
        %min3A_130 = arith.constant 112 : i32
        %min3A_131 = arith.minsi %select_n3A, %min3A_130 : i32
        %get3A_132 = arith.constant 0 : i32
        %get3A_133 = arith.index_cast %get3A_132 : i32 to index
        %get3A_134 = arith.index_cast %squeeze3A : i32 to index
        %get3A_135 = arith.constant 0 : index
        %get3A_136 = tpu.vector_load %arg9[%get3A_133, %get3A_134, %get3A_135] {strides = array<i32>} : memref<4x64x256xf32, #tpu.memory_space<vmem>>, vector<16xf32>,
        %get3A_137 = arith.constant 0 : i32
        %get3A_138 = arith.index_cast %get3A_137 : i32 to index
        %get3A_139 = arith.index_cast %squeeze3A : i32 to index
        %get3A_140 = arith.constant 16 : index
        %get3A_141 = tpu.vector_load %arg9[%get3A_138, %get3A_139, %get3A_140] {strides = array<i32>} : memref<4x64x256xf32, #tpu.memory_space<vmem>>, vector<16xf32>,
        %get3A_142 = arith.constant 0 : i32
        %get3A_143 = arith.index_cast %get3A_142 : i32 to index
        %get3A_144 = arith.index_cast %squeeze3A : i32 to index
        %get3A_145 = arith.constant 32 : index
        %get3A_146 = tpu.vector_load %arg9[%get3A_143, %get3A_144, %get3A_145] {strides = array<i32>} : memref<4x64x256xf32, #tpu.memory_space<vmem>>, vector<16xf32>,
        %get3A_147 = arith.constant 0 : i32
        %get3A_148 = arith.index_cast %get3A_147 : i32 to index
        %get3A_149 = arith.index_cast %squeeze3A : i32 to index
        %get3A_150 = arith.constant 48 : index
        %get3A_151 = tpu.vector_load %arg9[%get3A_148, %get3A_149, %get3A_150] {strides = array<i32>} : memref<4x64x256xf32, #tpu.memory_space<vmem>>, vector<16xf32>,
        %get3A_152 = arith.constant 0 : i32
        %get3A_153 = arith.index_cast %get3A_152 : i32 to index
        %get3A_154 = arith.index_cast %squeeze3A : i32 to index
        %get3A_155 = arith.constant 64 : index
        %get3A_156 = tpu.vector_load %arg9[%get3A_153, %get3A_154, %get3A_155] {strides = array<i32>} : memref<4x64x256xf32, #tpu.memory_space<vmem>>, vector<16xf32>,
        %get3A_157 = arith.constant 0 : i32
        %get3A_158 = arith.index_cast %get3A_157 : i32 to index
        %get3A_159 = arith.index_cast %squeeze3A : i32 to index
        %get3A_160 = arith.constant 80 : index
        %get3A_161 = tpu.vector_load %arg9[%get3A_158, %get3A_159, %get3A_160] {strides = array<i32>} : memref<4x64x256xf32, #tpu.memory_space<vmem>>, vector<16xf32>,
        %get3A_162 = arith.constant 0 : i32
        %get3A_163 = arith.index_cast %get3A_162 : i32 to index
        %get3A_164 = arith.index_cast %squeeze3A : i32 to index
        %get3A_165 = arith.constant 96 : index
        %get3A_166 = tpu.vector_load %arg9[%get3A_163, %get3A_164, %get3A_165] {strides = array<i32>} : memref<4x64x256xf32, #tpu.memory_space<vmem>>, vector<16xf32>,
        %get3A_167 = arith.constant 0 : i32
        %get3A_168 = arith.index_cast %get3A_167 : i32 to index
        %get3A_169 = arith.index_cast %squeeze3A : i32 to index
        %get3A_170 = arith.constant 112 : index
        %get3A_171 = tpu.vector_load %arg9[%get3A_168, %get3A_169, %get3A_170] {strides = array<i32>} : memref<4x64x256xf32, #tpu.memory_space<vmem>>, vector<16xf32>,
        %get3A_172 = arith.constant 1 : i32
        %get3A_173 = arith.index_cast %get3A_172 : i32 to index
        %get3A_174 = arith.index_cast %squeeze3A : i32 to index
        %get3A_175 = arith.constant 0 : index
        %get3A_176 = tpu.vector_load %arg9[%get3A_173, %get3A_174, %get3A_175] {strides = array<i32>} : memref<4x64x256xf32, #tpu.memory_space<vmem>>, vector<16xf32>,
        %get3A_177 = arith.constant 1 : i32
        %get3A_178 = arith.index_cast %get3A_177 : i32 to index
        %get3A_179 = arith.index_cast %squeeze3A : i32 to index
        %get3A_180 = arith.constant 16 : index
        %get3A_181 = tpu.vector_load %arg9[%get3A_178, %get3A_179, %get3A_180] {strides = array<i32>} : memref<4x64x256xf32, #tpu.memory_space<vmem>>, vector<16xf32>,
        %get3A_182 = arith.constant 1 : i32
        %get3A_183 = arith.index_cast %get3A_182 : i32 to index
        %get3A_184 = arith.index_cast %squeeze3A : i32 to index
        %get3A_185 = arith.constant 32 : index
        %get3A_186 = tpu.vector_load %arg9[%get3A_183, %get3A_184, %get3A_185] {strides = array<i32>} : memref<4x64x256xf32, #tpu.memory_space<vmem>>, vector<16xf32>,
        %get3A_187 = arith.constant 1 : i32
        %get3A_188 = arith.index_cast %get3A_187 : i32 to index
        %get3A_189 = arith.index_cast %squeeze3A : i32 to index
        %get3A_190 = arith.constant 48 : index
        %get3A_191 = tpu.vector_load %arg9[%get3A_188, %get3A_189, %get3A_190] {strides = array<i32>} : memref<4x64x256xf32, #tpu.memory_space<vmem>>, vector<16xf32>,
        %get3A_192 = arith.constant 1 : i32
        %get3A_193 = arith.index_cast %get3A_192 : i32 to index
        %get3A_194 = arith.index_cast %squeeze3A : i32 to index
        %get3A_195 = arith.constant 64 : index
        %get3A_196 = tpu.vector_load %arg9[%get3A_193, %get3A_194, %get3A_195] {strides = array<i32>} : memref<4x64x256xf32, #tpu.memory_space<vmem>>, vector<16xf32>,
        %get3A_197 = arith.constant 1 : i32
        %get3A_198 = arith.index_cast %get3A_197 : i32 to index
        %get3A_199 = arith.index_cast %squeeze3A : i32 to index
        %get3A_200 = arith.constant 80 : index
        %get3A_201 = tpu.vector_load %arg9[%get3A_198, %get3A_199, %get3A_200] {strides = array<i32>} : memref<4x64x256xf32, #tpu.memory_space<vmem>>, vector<16xf32>,
        %get3A_202 = arith.constant 1 : i32
        %get3A_203 = arith.index_cast %get3A_202 : i32 to index
        %get3A_204 = arith.index_cast %squeeze3A : i32 to index
        %get3A_205 = arith.constant 96 : index
        %get3A_206 = tpu.vector_load %arg9[%get3A_203, %get3A_204, %get3A_205] {strides = array<i32>} : memref<4x64x256xf32, #tpu.memory_space<vmem>>, vector<16xf32>,
        %get3A_207 = arith.constant 1 : i32
        %get3A_208 = arith.index_cast %get3A_207 : i32 to index
        %get3A_209 = arith.index_cast %squeeze3A : i32 to index
        %get3A_210 = arith.constant 112 : index
        %get3A_211 = tpu.vector_load %arg9[%get3A_208, %get3A_209, %get3A_210] {strides = array<i32>} : memref<4x64x256xf32, #tpu.memory_space<vmem>>, vector<16xf32>,
        %get3A_212 = arith.constant 2 : i32
        %get3A_213 = arith.index_cast %get3A_212 : i32 to index
        %get3A_214 = arith.index_cast %squeeze3A : i32 to index
        %get3A_215 = arith.constant 0 : index
        %get3A_216 = tpu.vector_load %arg9[%get3A_213, %get3A_214, %get3A_215] {strides = array<i32>} : memref<4x64x256xf32, #tpu.memory_space<vmem>>, vector<16xf32>,
        %get3A_217 = arith.constant 2 : i32
        %get3A_218 = arith.index_cast %get3A_217 : i32 to index
        %get3A_219 = arith.index_cast %squeeze3A : i32 to index
        %get3A_220 = arith.constant 16 : index
        %get3A_221 = tpu.vector_load %arg9[%get3A_218, %get3A_219, %get3A_220] {strides = array<i32>} : memref<4x64x256xf32, #tpu.memory_space<vmem>>, vector<16xf32>,
        %get3A_222 = arith.constant 2 : i32
        %get3A_223 = arith.index_cast %get3A_222 : i32 to index
        %get3A_224 = arith.index_cast %squeeze3A : i32 to index
        %get3A_225 = arith.constant 32 : index
        %get3A_226 = tpu.vector_load %arg9[%get3A_223, %get3A_224, %get3A_225] {strides = array<i32>} : memref<4x64x256xf32, #tpu.memory_space<vmem>>, vector<16xf32>,
        %get3A_227 = arith.constant 2 : i32
        %get3A_228 = arith.index_cast %get3A_227 : i32 to index
        %get3A_229 = arith.index_cast %squeeze3A : i32 to index
        %get3A_230 = arith.constant 48 : index
        %get3A_231 = tpu.vector_load %arg9[%get3A_228, %get3A_229, %get3A_230] {strides = array<i32>} : memref<4x64x256xf32, #tpu.memory_space<vmem>>, vector<16xf32>,
        %get3A_232 = arith.constant 2 : i32
        %get3A_233 = arith.index_cast %get3A_232 : i32 to index
        %get3A_234 = arith.index_cast %squeeze3A : i32 to index
        %get3A_235 = arith.constant 64 : index
        %get3A_236 = tpu.vector_load %arg9[%get3A_233, %get3A_234, %get3A_235] {strides = array<i32>} : memref<4x64x256xf32, #tpu.memory_space<vmem>>, vector<16xf32>,
        %get3A_237 = arith.constant 2 : i32
        %get3A_238 = arith.index_cast %get3A_237 : i32 to index
        %get3A_239 = arith.index_cast %squeeze3A : i32 to index
        %get3A_240 = arith.constant 80 : index
        %get3A_241 = tpu.vector_load %arg9[%get3A_238, %get3A_239, %get3A_240] {strides = array<i32>} : memref<4x64x256xf32, #tpu.memory_space<vmem>>, vector<16xf32>,
        %get3A_242 = arith.constant 2 : i32
        %get3A_243 = arith.index_cast %get3A_242 : i32 to index
        %get3A_244 = arith.index_cast %squeeze3A : i32 to index
        %get3A_245 = arith.constant 96 : index
        %get3A_246 = tpu.vector_load %arg9[%get3A_243, %get3A_244, %get3A_245] {strides = array<i32>} : memref<4x64x256xf32, #tpu.memory_space<vmem>>, vector<16xf32>,
        %get3A_247 = arith.constant 2 : i32
        %get3A_248 = arith.index_cast %get3A_247 : i32 to index
        %get3A_249 = arith.index_cast %squeeze3A : i32 to index
        %get3A_250 = arith.constant 112 : index
        %get3A_251 = tpu.vector_load %arg9[%get3A_248, %get3A_249, %get3A_250] {strides = array<i32>} : memref<4x64x256xf32, #tpu.memory_space<vmem>>, vector<16xf32>,
        %get3A_252 = arith.constant 3 : i32
        %get3A_253 = arith.index_cast %get3A_252 : i32 to index
        %get3A_254 = arith.index_cast %squeeze3A : i32 to index
        %get3A_255 = arith.constant 0 : index
        %get3A_256 = tpu.vector_load %arg9[%get3A_253, %get3A_254, %get3A_255] {strides = array<i32>} : memref<4x64x256xf32, #tpu.memory_space<vmem>>, vector<16xf32>,
        %get3A_257 = arith.constant 3 : i32
        %get3A_258 = arith.index_cast %get3A_257 : i32 to index
        %get3A_259 = arith.index_cast %squeeze3A : i32 to index
        %get3A_260 = arith.constant 16 : index
        %get3A_261 = tpu.vector_load %arg9[%get3A_258, %get3A_259, %get3A_260] {strides = array<i32>} : memref<4x64x256xf32, #tpu.memory_space<vmem>>, vector<16xf32>,
        %get3A_262 = arith.constant 3 : i32
        %get3A_263 = arith.index_cast %get3A_262 : i32 to index
        %get3A_264 = arith.index_cast %squeeze3A : i32 to index
        %get3A_265 = arith.constant 32 : index
        %get3A_266 = tpu.vector_load %arg9[%get3A_263, %get3A_264, %get3A_265] {strides = array<i32>} : memref<4x64x256xf32, #tpu.memory_space<vmem>>, vector<16xf32>,
        %get3A_267 = arith.constant 3 : i32
        %get3A_268 = arith.index_cast %get3A_267 : i32 to index
        %get3A_269 = arith.index_cast %squeeze3A : i32 to index
        %get3A_270 = arith.constant 48 : index
        %get3A_271 = tpu.vector_load %arg9[%get3A_268, %get3A_269, %get3A_270] {strides = array<i32>} : memref<4x64x256xf32, #tpu.memory_space<vmem>>, vector<16xf32>,
        %get3A_272 = arith.constant 3 : i32
        %get3A_273 = arith.index_cast %get3A_272 : i32 to index
        %get3A_274 = arith.index_cast %squeeze3A : i32 to index
        %get3A_275 = arith.constant 64 : index
        %get3A_276 = tpu.vector_load %arg9[%get3A_273, %get3A_274, %get3A_275] {strides = array<i32>} : memref<4x64x256xf32, #tpu.memory_space<vmem>>, vector<16xf32>,
        %get3A_277 = arith.constant 3 : i32
        %get3A_278 = arith.index_cast %get3A_277 : i32 to index
        %get3A_279 = arith.index_cast %squeeze3A : i32 to index
        %get3A_280 = arith.constant 80 : index
        %get3A_281 = tpu.vector_load %arg9[%get3A_278, %get3A_279, %get3A_280] {strides = array<i32>} : memref<4x64x256xf32, #tpu.memory_space<vmem>>, vector<16xf32>,
        %get3A_282 = arith.constant 3 : i32
        %get3A_283 = arith.index_cast %get3A_282 : i32 to index
        %get3A_284 = arith.index_cast %squeeze3A : i32 to index
        %get3A_285 = arith.constant 96 : index
        %get3A_286 = tpu.vector_load %arg9[%get3A_283, %get3A_284, %get3A_285] {strides = array<i32>} : memref<4x64x256xf32, #tpu.memory_space<vmem>>, vector<16xf32>,
        %get3A_287 = arith.constant 3 : i32
        %get3A_288 = arith.index_cast %get3A_287 : i32 to index
        %get3A_289 = arith.index_cast %squeeze3A : i32 to index
        %get3A_290 = arith.constant 112 : index
        %get3A_291 = tpu.vector_load %arg9[%get3A_288, %get3A_289, %get3A_290] {strides = array<i32>} : memref<4x64x256xf32, #tpu.memory_space<vmem>>, vector<16xf32>,
        %sub3A_292 = arith.subi %min3A_131, %while3A_120 : i32
        %jit3A = arith.constant 2 : i32
        %div3A = arith.divsi %sub3A_292, %jit3A : i32
        %sign3A = arith.constant 0 : i32
        %sign3A_293 = arith.cmpi sgt, %sub3A_292, %sign3A : i32
        %sign3A_294 = arith.extui %sign3A_293 : i1 to i32
        %sign3A_295 = arith.constant 0 : i32
        %sign3A_296 = arith.cmpi slt, %sub3A_292, %sign3A_295 : i32
        %sign3A_297 = arith.extui %sign3A_296 : i1 to i32
        %sign3A_298 = arith.subi %sign3A_294, %sign3A_297 : i32
        %sign3A_299 = arith.constant 0 : i32
        %sign3A_300 = arith.cmpi sgt, %jit3A, %sign3A_299 : i32
        %sign3A_301 = arith.extui %sign3A_300 : i1 to i32
        %sign3A_302 = arith.constant 0 : i32
        %sign3A_303 = arith.cmpi slt, %jit3A, %sign3A_302 : i32
        %sign3A_304 = arith.extui %sign3A_303 : i1 to i32
        %sign3A_305 = arith.subi %sign3A_301, %sign3A_304 : i32
        %ne3A = arith.cmpi ne, %sign3A_298, %sign3A_305 : i32
        %rem3A = arith.remsi %sub3A_292, %jit3A : i32
        %ne3A_306 = arith.constant 0 : i32
        %ne3A_307 = arith.cmpi ne, %rem3A, %ne3A_306 : i32
        %and3A = arith.andi %ne3A, %ne3A_307 : i1
        %sub3A_308 = arith.constant 1 : i32
        %sub3A_309 = arith.subi %div3A, %sub3A_308 : i32
        %select_n3A_310 = arith.select %and3A, %sub3A_309, %div3A : i32
        %while3A_311 = arith.constant 0 : i32
        %while3A_312 = arith.subi %select_n3A_310, %while3A_311 : i32
        %while3A_313 = arith.addi %while3A_311, %while3A_312 : i32
        %while3A_314 = arith.constant 1 : i32
        %while3A_315 = arith.divsi %while3A_312, %while3A_314 : i32
        %while3A_316 = arith.muli %while3A_315, %while3A_314 : i32
        %while3A_317 = arith.addi %while3A_311, %while3A_316 : i32
        %while3A_318 = arith.constant 1 : i32
        %while3A_319:32 = scf.for %while3A_898 = %while3A_311 to %while3A_317 step %while3A_318 iter_args(%while3A_899 = %get3A_136, %while3A_900 = %get3A_141, %while3A_901 = %get3A_146, %while3A_902 = %get3A_151, %while3A_903 = %get3A_156, %while3A_904 = %get3A_161, %while3A_905 = %get3A_166, %while3A_906 = %get3A_171, %while3A_907 = %get3A_176, %while3A_908 = %get3A_181, %while3A_909 = %get3A_186, %while3A_910 = %get3A_191, %while3A_911 = %get3A_196, %while3A_912 = %get3A_201, %while3A_913 = %get3A_206, %while3A_914 = %get3A_211, %while3A_915 = %get3A_216, %while3A_916 = %get3A_221, %while3A_917 = %get3A_226, %while3A_918 = %get3A_231, %while3A_919 = %get3A_236, %while3A_920 = %get3A_241, %while3A_921 = %get3A_246, %while3A_922 = %get3A_251, %while3A_923 = %get3A_256, %while3A_924 = %get3A_261, %while3A_925 = %get3A_266, %while3A_926 = %get3A_271, %while3A_927 = %get3A_276, %while3A_928 = %get3A_281, %while3A_929 = %get3A_286, %while3A_930 = %get3A_291) -> (vector<16xf32>, vector<16xf32>, vector<16xf32>, vector<16xf32>, vector<16xf32>, vector<16xf32>, vector<16xf32>, vector<16xf32>, vector<16xf32>, vector<16xf32>, vector<16xf32>, vector<16xf32>, vector<16xf32>, vector<16xf32>, vector<16xf32>, vector<16xf32>, vector<16xf32>, vector<16xf32>, vector<16xf32>, vector<16xf32>, vector<16xf32>, vector<16xf32>, vector<16xf32>, vector<16xf32>, vector<16xf32>, vector<16xf32>, vector<16xf32>, vector<16xf32>, vector<16xf32>, vector<16xf32>, vector<16xf32>, vector<16xf32>)  : i32 {
          %mul3A_931 = arith.constant 2 : i32
          %mul3A_932 = arith.muli %mul3A_931, %while3A_898 : i32
          %add3A_933 = arith.addi %while3A_120, %mul3A_932 : i32
          %get3A_934 = arith.index_cast %add3A_933 : i32 to index
          %get3A_935 = arith.constant 0 : index
          %get3A_936 = tpu.vector_load %arg6[%get3A_934, %get3A_935] {strides = array<i32>} : memref<112x256xf32, #tpu.memory_space<vmem>>, vector<16xf32>,
          %add3A_937 = arith.addf %while3A_899, %get3A_936 : vector<16xf32>
          %mul3A_938 = arith.mulf %get3A_936, %get3A_936 : vector<16xf32>
          %add3A_939 = arith.addf %while3A_907, %mul3A_938 : vector<16xf32>
          %max3A = arith.maximumf %while3A_915, %get3A_936 : vector<16xf32>
          %min3A_940 = arith.minimumf %while3A_923, %get3A_936 : vector<16xf32>
          %get3A_941 = arith.index_cast %add3A_933 : i32 to index
          %get3A_942 = arith.constant 16 : index
          %get3A_943 = tpu.vector_load %arg6[%get3A_941, %get3A_942] {strides = array<i32>} : memref<112x256xf32, #tpu.memory_space<vmem>>, vector<16xf32>,
          %add3A_944 = arith.addf %while3A_900, %get3A_943 : vector<16xf32>
          %mul3A_945 = arith.mulf %get3A_943, %get3A_943 : vector<16xf32>
          %add3A_946 = arith.addf %while3A_908, %mul3A_945 : vector<16xf32>
          %max3A_947 = arith.maximumf %while3A_916, %get3A_943 : vector<16xf32>
          %min3A_948 = arith.minimumf %while3A_924, %get3A_943 : vector<16xf32>
          %get3A_949 = arith.index_cast %add3A_933 : i32 to index
          %get3A_950 = arith.constant 32 : index
          %get3A_951 = tpu.vector_load %arg6[%get3A_949, %get3A_950] {strides = array<i32>} : memref<112x256xf32, #tpu.memory_space<vmem>>, vector<16xf32>,
          %add3A_952 = arith.addf %while3A_901, %get3A_951 : vector<16xf32>
          %mul3A_953 = arith.mulf %get3A_951, %get3A_951 : vector<16xf32>
          %add3A_954 = arith.addf %while3A_909, %mul3A_953 : vector<16xf32>
          %max3A_955 = arith.maximumf %while3A_917, %get3A_951 : vector<16xf32>
          %min3A_956 = arith.minimumf %while3A_925, %get3A_951 : vector<16xf32>
          %get3A_957 = arith.index_cast %add3A_933 : i32 to index
          %get3A_958 = arith.constant 48 : index
          %get3A_959 = tpu.vector_load %arg6[%get3A_957, %get3A_958] {strides = array<i32>} : memref<112x256xf32, #tpu.memory_space<vmem>>, vector<16xf32>,
          %add3A_960 = arith.addf %while3A_902, %get3A_959 : vector<16xf32>
          %mul3A_961 = arith.mulf %get3A_959, %get3A_959 : vector<16xf32>
          %add3A_962 = arith.addf %while3A_910, %mul3A_961 : vector<16xf32>
          %max3A_963 = arith.maximumf %while3A_918, %get3A_959 : vector<16xf32>
          %min3A_964 = arith.minimumf %while3A_926, %get3A_959 : vector<16xf32>
          %get3A_965 = arith.index_cast %add3A_933 : i32 to index
          %get3A_966 = arith.constant 64 : index
          %get3A_967 = tpu.vector_load %arg6[%get3A_965, %get3A_966] {strides = array<i32>} : memref<112x256xf32, #tpu.memory_space<vmem>>, vector<16xf32>,
          %add3A_968 = arith.addf %while3A_903, %get3A_967 : vector<16xf32>
          %mul3A_969 = arith.mulf %get3A_967, %get3A_967 : vector<16xf32>
          %add3A_970 = arith.addf %while3A_911, %mul3A_969 : vector<16xf32>
          %max3A_971 = arith.maximumf %while3A_919, %get3A_967 : vector<16xf32>
          %min3A_972 = arith.minimumf %while3A_927, %get3A_967 : vector<16xf32>
          %get3A_973 = arith.index_cast %add3A_933 : i32 to index
          %get3A_974 = arith.constant 80 : index
          %get3A_975 = tpu.vector_load %arg6[%get3A_973, %get3A_974] {strides = array<i32>} : memref<112x256xf32, #tpu.memory_space<vmem>>, vector<16xf32>,
          %add3A_976 = arith.addf %while3A_904, %get3A_975 : vector<16xf32>
          %mul3A_977 = arith.mulf %get3A_975, %get3A_975 : vector<16xf32>
          %add3A_978 = arith.addf %while3A_912, %mul3A_977 : vector<16xf32>
          %max3A_979 = arith.maximumf %while3A_920, %get3A_975 : vector<16xf32>
          %min3A_980 = arith.minimumf %while3A_928, %get3A_975 : vector<16xf32>
          %get3A_981 = arith.index_cast %add3A_933 : i32 to index
          %get3A_982 = arith.constant 96 : index
          %get3A_983 = tpu.vector_load %arg6[%get3A_981, %get3A_982] {strides = array<i32>} : memref<112x256xf32, #tpu.memory_space<vmem>>, vector<16xf32>,
          %add3A_984 = arith.addf %while3A_905, %get3A_983 : vector<16xf32>
          %mul3A_985 = arith.mulf %get3A_983, %get3A_983 : vector<16xf32>
          %add3A_986 = arith.addf %while3A_913, %mul3A_985 : vector<16xf32>
          %max3A_987 = arith.maximumf %while3A_921, %get3A_983 : vector<16xf32>
          %min3A_988 = arith.minimumf %while3A_929, %get3A_983 : vector<16xf32>
          %get3A_989 = arith.index_cast %add3A_933 : i32 to index
          %get3A_990 = arith.constant 112 : index
          %get3A_991 = tpu.vector_load %arg6[%get3A_989, %get3A_990] {strides = array<i32>} : memref<112x256xf32, #tpu.memory_space<vmem>>, vector<16xf32>,
          %add3A_992 = arith.addf %while3A_906, %get3A_991 : vector<16xf32>
          %mul3A_993 = arith.mulf %get3A_991, %get3A_991 : vector<16xf32>
          %add3A_994 = arith.addf %while3A_914, %mul3A_993 : vector<16xf32>
          %max3A_995 = arith.maximumf %while3A_922, %get3A_991 : vector<16xf32>
          %min3A_996 = arith.minimumf %while3A_930, %get3A_991 : vector<16xf32>
          %add3A_997 = arith.constant 1 : i32
          %add3A_998 = arith.addi %add3A_933, %add3A_997 : i32
          %get3A_999 = arith.index_cast %add3A_998 : i32 to index
          %get3A_1000 = arith.constant 0 : index
          %get3A_1001 = tpu.vector_load %arg6[%get3A_999, %get3A_1000] {strides = array<i32>} : memref<112x256xf32, #tpu.memory_space<vmem>>, vector<16xf32>,
          %add3A_1002 = arith.addf %add3A_937, %get3A_1001 : vector<16xf32>
          %mul3A_1003 = arith.mulf %get3A_1001, %get3A_1001 : vector<16xf32>
          %add3A_1004 = arith.addf %add3A_939, %mul3A_1003 : vector<16xf32>
          %max3A_1005 = arith.maximumf %max3A, %get3A_1001 : vector<16xf32>
          %min3A_1006 = arith.minimumf %min3A_940, %get3A_1001 : vector<16xf32>
          %get3A_1007 = arith.index_cast %add3A_998 : i32 to index
          %get3A_1008 = arith.constant 16 : index
          %get3A_1009 = tpu.vector_load %arg6[%get3A_1007, %get3A_1008] {strides = array<i32>} : memref<112x256xf32, #tpu.memory_space<vmem>>, vector<16xf32>,
          %add3A_1010 = arith.addf %add3A_944, %get3A_1009 : vector<16xf32>
          %mul3A_1011 = arith.mulf %get3A_1009, %get3A_1009 : vector<16xf32>
          %add3A_1012 = arith.addf %add3A_946, %mul3A_1011 : vector<16xf32>
          %max3A_1013 = arith.maximumf %max3A_947, %get3A_1009 : vector<16xf32>
          %min3A_1014 = arith.minimumf %min3A_948, %get3A_1009 : vector<16xf32>
          %get3A_1015 = arith.index_cast %add3A_998 : i32 to index
          %get3A_1016 = arith.constant 32 : index
          %get3A_1017 = tpu.vector_load %arg6[%get3A_1015, %get3A_1016] {strides = array<i32>} : memref<112x256xf32, #tpu.memory_space<vmem>>, vector<16xf32>,
          %add3A_1018 = arith.addf %add3A_952, %get3A_1017 : vector<16xf32>
          %mul3A_1019 = arith.mulf %get3A_1017, %get3A_1017 : vector<16xf32>
          %add3A_1020 = arith.addf %add3A_954, %mul3A_1019 : vector<16xf32>
          %max3A_1021 = arith.maximumf %max3A_955, %get3A_1017 : vector<16xf32>
          %min3A_1022 = arith.minimumf %min3A_956, %get3A_1017 : vector<16xf32>
          %get3A_1023 = arith.index_cast %add3A_998 : i32 to index
          %get3A_1024 = arith.constant 48 : index
          %get3A_1025 = tpu.vector_load %arg6[%get3A_1023, %get3A_1024] {strides = array<i32>} : memref<112x256xf32, #tpu.memory_space<vmem>>, vector<16xf32>,
          %add3A_1026 = arith.addf %add3A_960, %get3A_1025 : vector<16xf32>
          %mul3A_1027 = arith.mulf %get3A_1025, %get3A_1025 : vector<16xf32>
          %add3A_1028 = arith.addf %add3A_962, %mul3A_1027 : vector<16xf32>
          %max3A_1029 = arith.maximumf %max3A_963, %get3A_1025 : vector<16xf32>
          %min3A_1030 = arith.minimumf %min3A_964, %get3A_1025 : vector<16xf32>
          %get3A_1031 = arith.index_cast %add3A_998 : i32 to index
          %get3A_1032 = arith.constant 64 : index
          %get3A_1033 = tpu.vector_load %arg6[%get3A_1031, %get3A_1032] {strides = array<i32>} : memref<112x256xf32, #tpu.memory_space<vmem>>, vector<16xf32>,
          %add3A_1034 = arith.addf %add3A_968, %get3A_1033 : vector<16xf32>
          %mul3A_1035 = arith.mulf %get3A_1033, %get3A_1033 : vector<16xf32>
          %add3A_1036 = arith.addf %add3A_970, %mul3A_1035 : vector<16xf32>
          %max3A_1037 = arith.maximumf %max3A_971, %get3A_1033 : vector<16xf32>
          %min3A_1038 = arith.minimumf %min3A_972, %get3A_1033 : vector<16xf32>
          %get3A_1039 = arith.index_cast %add3A_998 : i32 to index
          %get3A_1040 = arith.constant 80 : index
          %get3A_1041 = tpu.vector_load %arg6[%get3A_1039, %get3A_1040] {strides = array<i32>} : memref<112x256xf32, #tpu.memory_space<vmem>>, vector<16xf32>,
          %add3A_1042 = arith.addf %add3A_976, %get3A_1041 : vector<16xf32>
          %mul3A_1043 = arith.mulf %get3A_1041, %get3A_1041 : vector<16xf32>
          %add3A_1044 = arith.addf %add3A_978, %mul3A_1043 : vector<16xf32>
          %max3A_1045 = arith.maximumf %max3A_979, %get3A_1041 : vector<16xf32>
          %min3A_1046 = arith.minimumf %min3A_980, %get3A_1041 : vector<16xf32>
          %get3A_1047 = arith.index_cast %add3A_998 : i32 to index
          %get3A_1048 = arith.constant 96 : index
          %get3A_1049 = tpu.vector_load %arg6[%get3A_1047, %get3A_1048] {strides = array<i32>} : memref<112x256xf32, #tpu.memory_space<vmem>>, vector<16xf32>,
          %add3A_1050 = arith.addf %add3A_984, %get3A_1049 : vector<16xf32>
          %mul3A_1051 = arith.mulf %get3A_1049, %get3A_1049 : vector<16xf32>
          %add3A_1052 = arith.addf %add3A_986, %mul3A_1051 : vector<16xf32>
          %max3A_1053 = arith.maximumf %max3A_987, %get3A_1049 : vector<16xf32>
          %min3A_1054 = arith.minimumf %min3A_988, %get3A_1049 : vector<16xf32>
          %get3A_1055 = arith.index_cast %add3A_998 : i32 to index
          %get3A_1056 = arith.constant 112 : index
          %get3A_1057 = tpu.vector_load %arg6[%get3A_1055, %get3A_1056] {strides = array<i32>} : memref<112x256xf32, #tpu.memory_space<vmem>>, vector<16xf32>,
          %add3A_1058 = arith.addf %add3A_992, %get3A_1057 : vector<16xf32>
          %mul3A_1059 = arith.mulf %get3A_1057, %get3A_1057 : vector<16xf32>
          %add3A_1060 = arith.addf %add3A_994, %mul3A_1059 : vector<16xf32>
          %max3A_1061 = arith.maximumf %max3A_995, %get3A_1057 : vector<16xf32>
          %min3A_1062 = arith.minimumf %min3A_996, %get3A_1057 : vector<16xf32>
          scf.yield %add3A_1002, %add3A_1010, %add3A_1018, %add3A_1026, %add3A_1034, %add3A_1042, %add3A_1050, %add3A_1058, %add3A_1004, %add3A_1012, %add3A_1020, %add3A_1028, %add3A_1036, %add3A_1044, %add3A_1052, %add3A_1060, %max3A_1005, %max3A_1013, %max3A_1021, %max3A_1029, %max3A_1037, %max3A_1045, %max3A_1053, %max3A_1061, %min3A_1006, %min3A_1014, %min3A_1022, %min3A_1030, %min3A_1038, %min3A_1046, %min3A_1054, %min3A_1062 : vector<16xf32>, vector<16xf32>, vector<16xf32>, vector<16xf32>, vector<16xf32>, vector<16xf32>, vector<16xf32>, vector<16xf32>, vector<16xf32>, vector<16xf32>, vector<16xf32>, vector<16xf32>, vector<16xf32>, vector<16xf32>, vector<16xf32>, vector<16xf32>, vector<16xf32>, vector<16xf32>, vector<16xf32>, vector<16xf32>, vector<16xf32>, vector<16xf32>, vector<16xf32>, vector<16xf32>, vector<16xf32>, vector<16xf32>, vector<16xf32>, vector<16xf32>, vector<16xf32>, vector<16xf32>, vector<16xf32>, vector<16xf32>
        }
        %while3A_320 = arith.constant 1 : i32
        %while3A_321:32 = scf.for %while3A_898 = %while3A_317 to %while3A_313 step %while3A_320 iter_args(%while3A_899 = %while3A_319#0, %while3A_900 = %while3A_319#1, %while3A_901 = %while3A_319#2, %while3A_902 = %while3A_319#3, %while3A_903 = %while3A_319#4, %while3A_904 = %while3A_319#5, %while3A_905 = %while3A_319#6, %while3A_906 = %while3A_319#7, %while3A_907 = %while3A_319#8, %while3A_908 = %while3A_319#9, %while3A_909 = %while3A_319#10, %while3A_910 = %while3A_319#11, %while3A_911 = %while3A_319#12, %while3A_912 = %while3A_319#13, %while3A_913 = %while3A_319#14, %while3A_914 = %while3A_319#15, %while3A_915 = %while3A_319#16, %while3A_916 = %while3A_319#17, %while3A_917 = %while3A_319#18, %while3A_918 = %while3A_319#19, %while3A_919 = %while3A_319#20, %while3A_920 = %while3A_319#21, %while3A_921 = %while3A_319#22, %while3A_922 = %while3A_319#23, %while3A_923 = %while3A_319#24, %while3A_924 = %while3A_319#25, %while3A_925 = %while3A_319#26, %while3A_926 = %while3A_319#27, %while3A_927 = %while3A_319#28, %while3A_928 = %while3A_319#29, %while3A_929 = %while3A_319#30, %while3A_930 = %while3A_319#31) -> (vector<16xf32>, vector<16xf32>, vector<16xf32>, vector<16xf32>, vector<16xf32>, vector<16xf32>, vector<16xf32>, vector<16xf32>, vector<16xf32>, vector<16xf32>, vector<16xf32>, vector<16xf32>, vector<16xf32>, vector<16xf32>, vector<16xf32>, vector<16xf32>, vector<16xf32>, vector<16xf32>, vector<16xf32>, vector<16xf32>, vector<16xf32>, vector<16xf32>, vector<16xf32>, vector<16xf32>, vector<16xf32>, vector<16xf32>, vector<16xf32>, vector<16xf32>, vector<16xf32>, vector<16xf32>, vector<16xf32>, vector<16xf32>)  : i32 {
          %mul3A_931 = arith.constant 2 : i32
          %mul3A_932 = arith.muli %mul3A_931, %while3A_898 : i32
          %add3A_933 = arith.addi %while3A_120, %mul3A_932 : i32
          %get3A_934 = arith.index_cast %add3A_933 : i32 to index
          %get3A_935 = arith.constant 0 : index
          %get3A_936 = tpu.vector_load %arg6[%get3A_934, %get3A_935] {strides = array<i32>} : memref<112x256xf32, #tpu.memory_space<vmem>>, vector<16xf32>,
          %add3A_937 = arith.addf %while3A_899, %get3A_936 : vector<16xf32>
          %mul3A_938 = arith.mulf %get3A_936, %get3A_936 : vector<16xf32>
          %add3A_939 = arith.addf %while3A_907, %mul3A_938 : vector<16xf32>
          %max3A = arith.maximumf %while3A_915, %get3A_936 : vector<16xf32>
          %min3A_940 = arith.minimumf %while3A_923, %get3A_936 : vector<16xf32>
          %get3A_941 = arith.index_cast %add3A_933 : i32 to index
          %get3A_942 = arith.constant 16 : index
          %get3A_943 = tpu.vector_load %arg6[%get3A_941, %get3A_942] {strides = array<i32>} : memref<112x256xf32, #tpu.memory_space<vmem>>, vector<16xf32>,
          %add3A_944 = arith.addf %while3A_900, %get3A_943 : vector<16xf32>
          %mul3A_945 = arith.mulf %get3A_943, %get3A_943 : vector<16xf32>
          %add3A_946 = arith.addf %while3A_908, %mul3A_945 : vector<16xf32>
          %max3A_947 = arith.maximumf %while3A_916, %get3A_943 : vector<16xf32>
          %min3A_948 = arith.minimumf %while3A_924, %get3A_943 : vector<16xf32>
          %get3A_949 = arith.index_cast %add3A_933 : i32 to index
          %get3A_950 = arith.constant 32 : index
          %get3A_951 = tpu.vector_load %arg6[%get3A_949, %get3A_950] {strides = array<i32>} : memref<112x256xf32, #tpu.memory_space<vmem>>, vector<16xf32>,
          %add3A_952 = arith.addf %while3A_901, %get3A_951 : vector<16xf32>
          %mul3A_953 = arith.mulf %get3A_951, %get3A_951 : vector<16xf32>
          %add3A_954 = arith.addf %while3A_909, %mul3A_953 : vector<16xf32>
          %max3A_955 = arith.maximumf %while3A_917, %get3A_951 : vector<16xf32>
          %min3A_956 = arith.minimumf %while3A_925, %get3A_951 : vector<16xf32>
          %get3A_957 = arith.index_cast %add3A_933 : i32 to index
          %get3A_958 = arith.constant 48 : index
          %get3A_959 = tpu.vector_load %arg6[%get3A_957, %get3A_958] {strides = array<i32>} : memref<112x256xf32, #tpu.memory_space<vmem>>, vector<16xf32>,
          %add3A_960 = arith.addf %while3A_902, %get3A_959 : vector<16xf32>
          %mul3A_961 = arith.mulf %get3A_959, %get3A_959 : vector<16xf32>
          %add3A_962 = arith.addf %while3A_910, %mul3A_961 : vector<16xf32>
          %max3A_963 = arith.maximumf %while3A_918, %get3A_959 : vector<16xf32>
          %min3A_964 = arith.minimumf %while3A_926, %get3A_959 : vector<16xf32>
          %get3A_965 = arith.index_cast %add3A_933 : i32 to index
          %get3A_966 = arith.constant 64 : index
          %get3A_967 = tpu.vector_load %arg6[%get3A_965, %get3A_966] {strides = array<i32>} : memref<112x256xf32, #tpu.memory_space<vmem>>, vector<16xf32>,
          %add3A_968 = arith.addf %while3A_903, %get3A_967 : vector<16xf32>
          %mul3A_969 = arith.mulf %get3A_967, %get3A_967 : vector<16xf32>
          %add3A_970 = arith.addf %while3A_911, %mul3A_969 : vector<16xf32>
          %max3A_971 = arith.maximumf %while3A_919, %get3A_967 : vector<16xf32>
          %min3A_972 = arith.minimumf %while3A_927, %get3A_967 : vector<16xf32>
          %get3A_973 = arith.index_cast %add3A_933 : i32 to index
          %get3A_974 = arith.constant 80 : index
          %get3A_975 = tpu.vector_load %arg6[%get3A_973, %get3A_974] {strides = array<i32>} : memref<112x256xf32, #tpu.memory_space<vmem>>, vector<16xf32>,
          %add3A_976 = arith.addf %while3A_904, %get3A_975 : vector<16xf32>
          %mul3A_977 = arith.mulf %get3A_975, %get3A_975 : vector<16xf32>
          %add3A_978 = arith.addf %while3A_912, %mul3A_977 : vector<16xf32>
          %max3A_979 = arith.maximumf %while3A_920, %get3A_975 : vector<16xf32>
          %min3A_980 = arith.minimumf %while3A_928, %get3A_975 : vector<16xf32>
          %get3A_981 = arith.index_cast %add3A_933 : i32 to index
          %get3A_982 = arith.constant 96 : index
          %get3A_983 = tpu.vector_load %arg6[%get3A_981, %get3A_982] {strides = array<i32>} : memref<112x256xf32, #tpu.memory_space<vmem>>, vector<16xf32>,
          %add3A_984 = arith.addf %while3A_905, %get3A_983 : vector<16xf32>
          %mul3A_985 = arith.mulf %get3A_983, %get3A_983 : vector<16xf32>
          %add3A_986 = arith.addf %while3A_913, %mul3A_985 : vector<16xf32>
          %max3A_987 = arith.maximumf %while3A_921, %get3A_983 : vector<16xf32>
          %min3A_988 = arith.minimumf %while3A_929, %get3A_983 : vector<16xf32>
          %get3A_989 = arith.index_cast %add3A_933 : i32 to index
          %get3A_990 = arith.constant 112 : index
          %get3A_991 = tpu.vector_load %arg6[%get3A_989, %get3A_990] {strides = array<i32>} : memref<112x256xf32, #tpu.memory_space<vmem>>, vector<16xf32>,
          %add3A_992 = arith.addf %while3A_906, %get3A_991 : vector<16xf32>
          %mul3A_993 = arith.mulf %get3A_991, %get3A_991 : vector<16xf32>
          %add3A_994 = arith.addf %while3A_914, %mul3A_993 : vector<16xf32>
          %max3A_995 = arith.maximumf %while3A_922, %get3A_991 : vector<16xf32>
          %min3A_996 = arith.minimumf %while3A_930, %get3A_991 : vector<16xf32>
          %add3A_997 = arith.constant 1 : i32
          %add3A_998 = arith.addi %add3A_933, %add3A_997 : i32
          %get3A_999 = arith.index_cast %add3A_998 : i32 to index
          %get3A_1000 = arith.constant 0 : index
          %get3A_1001 = tpu.vector_load %arg6[%get3A_999, %get3A_1000] {strides = array<i32>} : memref<112x256xf32, #tpu.memory_space<vmem>>, vector<16xf32>,
          %add3A_1002 = arith.addf %add3A_937, %get3A_1001 : vector<16xf32>
          %mul3A_1003 = arith.mulf %get3A_1001, %get3A_1001 : vector<16xf32>
          %add3A_1004 = arith.addf %add3A_939, %mul3A_1003 : vector<16xf32>
          %max3A_1005 = arith.maximumf %max3A, %get3A_1001 : vector<16xf32>
          %min3A_1006 = arith.minimumf %min3A_940, %get3A_1001 : vector<16xf32>
          %get3A_1007 = arith.index_cast %add3A_998 : i32 to index
          %get3A_1008 = arith.constant 16 : index
          %get3A_1009 = tpu.vector_load %arg6[%get3A_1007, %get3A_1008] {strides = array<i32>} : memref<112x256xf32, #tpu.memory_space<vmem>>, vector<16xf32>,
          %add3A_1010 = arith.addf %add3A_944, %get3A_1009 : vector<16xf32>
          %mul3A_1011 = arith.mulf %get3A_1009, %get3A_1009 : vector<16xf32>
          %add3A_1012 = arith.addf %add3A_946, %mul3A_1011 : vector<16xf32>
          %max3A_1013 = arith.maximumf %max3A_947, %get3A_1009 : vector<16xf32>
          %min3A_1014 = arith.minimumf %min3A_948, %get3A_1009 : vector<16xf32>
          %get3A_1015 = arith.index_cast %add3A_998 : i32 to index
          %get3A_1016 = arith.constant 32 : index
          %get3A_1017 = tpu.vector_load %arg6[%get3A_1015, %get3A_1016] {strides = array<i32>} : memref<112x256xf32, #tpu.memory_space<vmem>>, vector<16xf32>,
          %add3A_1018 = arith.addf %add3A_952, %get3A_1017 : vector<16xf32>
          %mul3A_1019 = arith.mulf %get3A_1017, %get3A_1017 : vector<16xf32>
          %add3A_1020 = arith.addf %add3A_954, %mul3A_1019 : vector<16xf32>
          %max3A_1021 = arith.maximumf %max3A_955, %get3A_1017 : vector<16xf32>
          %min3A_1022 = arith.minimumf %min3A_956, %get3A_1017 : vector<16xf32>
          %get3A_1023 = arith.index_cast %add3A_998 : i32 to index
          %get3A_1024 = arith.constant 48 : index
          %get3A_1025 = tpu.vector_load %arg6[%get3A_1023, %get3A_1024] {strides = array<i32>} : memref<112x256xf32, #tpu.memory_space<vmem>>, vector<16xf32>,
          %add3A_1026 = arith.addf %add3A_960, %get3A_1025 : vector<16xf32>
          %mul3A_1027 = arith.mulf %get3A_1025, %get3A_1025 : vector<16xf32>
          %add3A_1028 = arith.addf %add3A_962, %mul3A_1027 : vector<16xf32>
          %max3A_1029 = arith.maximumf %max3A_963, %get3A_1025 : vector<16xf32>
          %min3A_1030 = arith.minimumf %min3A_964, %get3A_1025 : vector<16xf32>
          %get3A_1031 = arith.index_cast %add3A_998 : i32 to index
          %get3A_1032 = arith.constant 64 : index
          %get3A_1033 = tpu.vector_load %arg6[%get3A_1031, %get3A_1032] {strides = array<i32>} : memref<112x256xf32, #tpu.memory_space<vmem>>, vector<16xf32>,
          %add3A_1034 = arith.addf %add3A_968, %get3A_1033 : vector<16xf32>
          %mul3A_1035 = arith.mulf %get3A_1033, %get3A_1033 : vector<16xf32>
          %add3A_1036 = arith.addf %add3A_970, %mul3A_1035 : vector<16xf32>
          %max3A_1037 = arith.maximumf %max3A_971, %get3A_1033 : vector<16xf32>
          %min3A_1038 = arith.minimumf %min3A_972, %get3A_1033 : vector<16xf32>
          %get3A_1039 = arith.index_cast %add3A_998 : i32 to index
          %get3A_1040 = arith.constant 80 : index
          %get3A_1041 = tpu.vector_load %arg6[%get3A_1039, %get3A_1040] {strides = array<i32>} : memref<112x256xf32, #tpu.memory_space<vmem>>, vector<16xf32>,
          %add3A_1042 = arith.addf %add3A_976, %get3A_1041 : vector<16xf32>
          %mul3A_1043 = arith.mulf %get3A_1041, %get3A_1041 : vector<16xf32>
          %add3A_1044 = arith.addf %add3A_978, %mul3A_1043 : vector<16xf32>
          %max3A_1045 = arith.maximumf %max3A_979, %get3A_1041 : vector<16xf32>
          %min3A_1046 = arith.minimumf %min3A_980, %get3A_1041 : vector<16xf32>
          %get3A_1047 = arith.index_cast %add3A_998 : i32 to index
          %get3A_1048 = arith.constant 96 : index
          %get3A_1049 = tpu.vector_load %arg6[%get3A_1047, %get3A_1048] {strides = array<i32>} : memref<112x256xf32, #tpu.memory_space<vmem>>, vector<16xf32>,
          %add3A_1050 = arith.addf %add3A_984, %get3A_1049 : vector<16xf32>
          %mul3A_1051 = arith.mulf %get3A_1049, %get3A_1049 : vector<16xf32>
          %add3A_1052 = arith.addf %add3A_986, %mul3A_1051 : vector<16xf32>
          %max3A_1053 = arith.maximumf %max3A_987, %get3A_1049 : vector<16xf32>
          %min3A_1054 = arith.minimumf %min3A_988, %get3A_1049 : vector<16xf32>
          %get3A_1055 = arith.index_cast %add3A_998 : i32 to index
          %get3A_1056 = arith.constant 112 : index
          %get3A_1057 = tpu.vector_load %arg6[%get3A_1055, %get3A_1056] {strides = array<i32>} : memref<112x256xf32, #tpu.memory_space<vmem>>, vector<16xf32>,
          %add3A_1058 = arith.addf %add3A_992, %get3A_1057 : vector<16xf32>
          %mul3A_1059 = arith.mulf %get3A_1057, %get3A_1057 : vector<16xf32>
          %add3A_1060 = arith.addf %add3A_994, %mul3A_1059 : vector<16xf32>
          %max3A_1061 = arith.maximumf %max3A_995, %get3A_1057 : vector<16xf32>
          %min3A_1062 = arith.minimumf %min3A_996, %get3A_1057 : vector<16xf32>
          scf.yield %add3A_1002, %add3A_1010, %add3A_1018, %add3A_1026, %add3A_1034, %add3A_1042, %add3A_1050, %add3A_1058, %add3A_1004, %add3A_1012, %add3A_1020, %add3A_1028, %add3A_1036, %add3A_1044, %add3A_1052, %add3A_1060, %max3A_1005, %max3A_1013, %max3A_1021, %max3A_1029, %max3A_1037, %max3A_1045, %max3A_1053, %max3A_1061, %min3A_1006, %min3A_1014, %min3A_1022, %min3A_1030, %min3A_1038, %min3A_1046, %min3A_1054, %min3A_1062 : vector<16xf32>, vector<16xf32>, vector<16xf32>, vector<16xf32>, vector<16xf32>, vector<16xf32>, vector<16xf32>, vector<16xf32>, vector<16xf32>, vector<16xf32>, vector<16xf32>, vector<16xf32>, vector<16xf32>, vector<16xf32>, vector<16xf32>, vector<16xf32>, vector<16xf32>, vector<16xf32>, vector<16xf32>, vector<16xf32>, vector<16xf32>, vector<16xf32>, vector<16xf32>, vector<16xf32>, vector<16xf32>, vector<16xf32>, vector<16xf32>, vector<16xf32>, vector<16xf32>, vector<16xf32>, vector<16xf32>, vector<16xf32>
        }
        %sub3A_322 = arith.subi %min3A_131, %while3A_120 : i32
        %jit3A_323 = arith.constant 2 : i32
        %eq3A_324 = arith.constant 0 : i32
        %eq3A_325 = arith.cmpi eq, %jit3A_323, %eq3A_324 : i32
        %jit3A_326 = arith.constant 1 : i32
        %select_n3A_327 = arith.select %eq3A_325, %jit3A_326, %jit3A_323 : i32
        %rem3A_328 = arith.remsi %sub3A_322, %select_n3A_327 : i32
        %ne3A_329 = arith.constant 0 : i32
        %ne3A_330 = arith.cmpi ne, %rem3A_328, %ne3A_329 : i32
        %lt3A_331 = arith.constant 0 : i32
        %lt3A_332 = arith.cmpi slt, %rem3A_328, %lt3A_331 : i32
        %lt3A_333 = arith.constant 0 : i32
        %lt3A_334 = arith.cmpi slt, %select_n3A_327, %lt3A_333 : i32
        %ne3A_335 = arith.xori %lt3A_332, %lt3A_334 : i1
        %and3A_336 = arith.andi %ne3A_335, %ne3A_330 : i1
        %add3A_337 = arith.addi %rem3A_328, %select_n3A_327 : i32
        %select_n3A_338 = arith.select %and3A_336, %add3A_337, %rem3A_328 : i32
        %eq3A_339 = arith.constant 1 : i32
        %eq3A_340 = arith.cmpi eq, %select_n3A_338, %eq3A_339 : i32
        %convert_element_type3A_341 = arith.extui %eq3A_340 : i1 to i32
        %cond3A_342 = arith.constant 0 : i32
        %cond3A_343 = arith.cmpi ne, %convert_element_type3A_341, %cond3A_342 : i32
        %cond3A_344:32 = scf.if %cond3A_343 -> (vector<16xf32>, vector<16xf32>, vector<16xf32>, vector<16xf32>, vector<16xf32>, vector<16xf32>, vector<16xf32>, vector<16xf32>, vector<16xf32>, vector<16xf32>, vector<16xf32>, vector<16xf32>, vector<16xf32>, vector<16xf32>, vector<16xf32>, vector<16xf32>, vector<16xf32>, vector<16xf32>, vector<16xf32>, vector<16xf32>, vector<16xf32>, vector<16xf32>, vector<16xf32>, vector<16xf32>, vector<16xf32>, vector<16xf32>, vector<16xf32>, vector<16xf32>, vector<16xf32>, vector<16xf32>, vector<16xf32>, vector<16xf32>) {
          %sub3A_898 = arith.constant 1 : i32
          %sub3A_899 = arith.subi %min3A_131, %sub3A_898 : i32
          %get3A_900 = arith.index_cast %sub3A_899 : i32 to index
          %get3A_901 = arith.constant 0 : index
          %get3A_902 = tpu.vector_load %arg6[%get3A_900, %get3A_901] {strides = array<i32>} : memref<112x256xf32, #tpu.memory_space<vmem>>, vector<16xf32>,
          %add3A_903 = arith.addf %while3A_321#0, %get3A_902 : vector<16xf32>
          %mul3A_904 = arith.mulf %get3A_902, %get3A_902 : vector<16xf32>
          %add3A_905 = arith.addf %while3A_321#8, %mul3A_904 : vector<16xf32>
          %max3A = arith.maximumf %while3A_321#16, %get3A_902 : vector<16xf32>
          %min3A_906 = arith.minimumf %while3A_321#24, %get3A_902 : vector<16xf32>
          %get3A_907 = arith.index_cast %sub3A_899 : i32 to index
          %get3A_908 = arith.constant 16 : index
          %get3A_909 = tpu.vector_load %arg6[%get3A_907, %get3A_908] {strides = array<i32>} : memref<112x256xf32, #tpu.memory_space<vmem>>, vector<16xf32>,
          %add3A_910 = arith.addf %while3A_321#1, %get3A_909 : vector<16xf32>
          %mul3A_911 = arith.mulf %get3A_909, %get3A_909 : vector<16xf32>
          %add3A_912 = arith.addf %while3A_321#9, %mul3A_911 : vector<16xf32>
          %max3A_913 = arith.maximumf %while3A_321#17, %get3A_909 : vector<16xf32>
          %min3A_914 = arith.minimumf %while3A_321#25, %get3A_909 : vector<16xf32>
          %get3A_915 = arith.index_cast %sub3A_899 : i32 to index
          %get3A_916 = arith.constant 32 : index
          %get3A_917 = tpu.vector_load %arg6[%get3A_915, %get3A_916] {strides = array<i32>} : memref<112x256xf32, #tpu.memory_space<vmem>>, vector<16xf32>,
          %add3A_918 = arith.addf %while3A_321#2, %get3A_917 : vector<16xf32>
          %mul3A_919 = arith.mulf %get3A_917, %get3A_917 : vector<16xf32>
          %add3A_920 = arith.addf %while3A_321#10, %mul3A_919 : vector<16xf32>
          %max3A_921 = arith.maximumf %while3A_321#18, %get3A_917 : vector<16xf32>
          %min3A_922 = arith.minimumf %while3A_321#26, %get3A_917 : vector<16xf32>
          %get3A_923 = arith.index_cast %sub3A_899 : i32 to index
          %get3A_924 = arith.constant 48 : index
          %get3A_925 = tpu.vector_load %arg6[%get3A_923, %get3A_924] {strides = array<i32>} : memref<112x256xf32, #tpu.memory_space<vmem>>, vector<16xf32>,
          %add3A_926 = arith.addf %while3A_321#3, %get3A_925 : vector<16xf32>
          %mul3A_927 = arith.mulf %get3A_925, %get3A_925 : vector<16xf32>
          %add3A_928 = arith.addf %while3A_321#11, %mul3A_927 : vector<16xf32>
          %max3A_929 = arith.maximumf %while3A_321#19, %get3A_925 : vector<16xf32>
          %min3A_930 = arith.minimumf %while3A_321#27, %get3A_925 : vector<16xf32>
          %get3A_931 = arith.index_cast %sub3A_899 : i32 to index
          %get3A_932 = arith.constant 64 : index
          %get3A_933 = tpu.vector_load %arg6[%get3A_931, %get3A_932] {strides = array<i32>} : memref<112x256xf32, #tpu.memory_space<vmem>>, vector<16xf32>,
          %add3A_934 = arith.addf %while3A_321#4, %get3A_933 : vector<16xf32>
          %mul3A_935 = arith.mulf %get3A_933, %get3A_933 : vector<16xf32>
          %add3A_936 = arith.addf %while3A_321#12, %mul3A_935 : vector<16xf32>
          %max3A_937 = arith.maximumf %while3A_321#20, %get3A_933 : vector<16xf32>
          %min3A_938 = arith.minimumf %while3A_321#28, %get3A_933 : vector<16xf32>
          %get3A_939 = arith.index_cast %sub3A_899 : i32 to index
          %get3A_940 = arith.constant 80 : index
          %get3A_941 = tpu.vector_load %arg6[%get3A_939, %get3A_940] {strides = array<i32>} : memref<112x256xf32, #tpu.memory_space<vmem>>, vector<16xf32>,
          %add3A_942 = arith.addf %while3A_321#5, %get3A_941 : vector<16xf32>
          %mul3A_943 = arith.mulf %get3A_941, %get3A_941 : vector<16xf32>
          %add3A_944 = arith.addf %while3A_321#13, %mul3A_943 : vector<16xf32>
          %max3A_945 = arith.maximumf %while3A_321#21, %get3A_941 : vector<16xf32>
          %min3A_946 = arith.minimumf %while3A_321#29, %get3A_941 : vector<16xf32>
          %get3A_947 = arith.index_cast %sub3A_899 : i32 to index
          %get3A_948 = arith.constant 96 : index
          %get3A_949 = tpu.vector_load %arg6[%get3A_947, %get3A_948] {strides = array<i32>} : memref<112x256xf32, #tpu.memory_space<vmem>>, vector<16xf32>,
          %add3A_950 = arith.addf %while3A_321#6, %get3A_949 : vector<16xf32>
          %mul3A_951 = arith.mulf %get3A_949, %get3A_949 : vector<16xf32>
          %add3A_952 = arith.addf %while3A_321#14, %mul3A_951 : vector<16xf32>
          %max3A_953 = arith.maximumf %while3A_321#22, %get3A_949 : vector<16xf32>
          %min3A_954 = arith.minimumf %while3A_321#30, %get3A_949 : vector<16xf32>
          %get3A_955 = arith.index_cast %sub3A_899 : i32 to index
          %get3A_956 = arith.constant 112 : index
          %get3A_957 = tpu.vector_load %arg6[%get3A_955, %get3A_956] {strides = array<i32>} : memref<112x256xf32, #tpu.memory_space<vmem>>, vector<16xf32>,
          %add3A_958 = arith.addf %while3A_321#7, %get3A_957 : vector<16xf32>
          %mul3A_959 = arith.mulf %get3A_957, %get3A_957 : vector<16xf32>
          %add3A_960 = arith.addf %while3A_321#15, %mul3A_959 : vector<16xf32>
          %max3A_961 = arith.maximumf %while3A_321#23, %get3A_957 : vector<16xf32>
          %min3A_962 = arith.minimumf %while3A_321#31, %get3A_957 : vector<16xf32>
          scf.yield %add3A_903, %add3A_910, %add3A_918, %add3A_926, %add3A_934, %add3A_942, %add3A_950, %add3A_958, %add3A_905, %add3A_912, %add3A_920, %add3A_928, %add3A_936, %add3A_944, %add3A_952, %add3A_960, %max3A, %max3A_913, %max3A_921, %max3A_929, %max3A_937, %max3A_945, %max3A_953, %max3A_961, %min3A_906, %min3A_914, %min3A_922, %min3A_930, %min3A_938, %min3A_946, %min3A_954, %min3A_962 : vector<16xf32>, vector<16xf32>, vector<16xf32>, vector<16xf32>, vector<16xf32>, vector<16xf32>, vector<16xf32>, vector<16xf32>, vector<16xf32>, vector<16xf32>, vector<16xf32>, vector<16xf32>, vector<16xf32>, vector<16xf32>, vector<16xf32>, vector<16xf32>, vector<16xf32>, vector<16xf32>, vector<16xf32>, vector<16xf32>, vector<16xf32>, vector<16xf32>, vector<16xf32>, vector<16xf32>, vector<16xf32>, vector<16xf32>, vector<16xf32>, vector<16xf32>, vector<16xf32>, vector<16xf32>, vector<16xf32>, vector<16xf32>
        } else {
          scf.yield %while3A_321#0, %while3A_321#1, %while3A_321#2, %while3A_321#3, %while3A_321#4, %while3A_321#5, %while3A_321#6, %while3A_321#7, %while3A_321#8, %while3A_321#9, %while3A_321#10, %while3A_321#11, %while3A_321#12, %while3A_321#13, %while3A_321#14, %while3A_321#15, %while3A_321#16, %while3A_321#17, %while3A_321#18, %while3A_321#19, %while3A_321#20, %while3A_321#21, %while3A_321#22, %while3A_321#23, %while3A_321#24, %while3A_321#25, %while3A_321#26, %while3A_321#27, %while3A_321#28, %while3A_321#29, %while3A_321#30, %while3A_321#31 : vector<16xf32>, vector<16xf32>, vector<16xf32>, vector<16xf32>, vector<16xf32>, vector<16xf32>, vector<16xf32>, vector<16xf32>, vector<16xf32>, vector<16xf32>, vector<16xf32>, vector<16xf32>, vector<16xf32>, vector<16xf32>, vector<16xf32>, vector<16xf32>, vector<16xf32>, vector<16xf32>, vector<16xf32>, vector<16xf32>, vector<16xf32>, vector<16xf32>, vector<16xf32>, vector<16xf32>, vector<16xf32>, vector<16xf32>, vector<16xf32>, vector<16xf32>, vector<16xf32>, vector<16xf32>, vector<16xf32>, vector<16xf32>
        }
        %swap3A_345 = arith.constant 0 : i32
        %swap3A_346 = arith.index_cast %swap3A_345 : i32 to index
        %swap3A_347 = arith.index_cast %squeeze3A : i32 to index
        %swap3A_348 = arith.constant 0 : index
        %swap3A_349 = tpu.vector_load %arg9[%swap3A_346, %swap3A_347, %swap3A_348] {strides = array<i32>} : memref<4x64x256xf32, #tpu.memory_space<vmem>>, vector<16xf32>,
        tpu.vector_store %arg9[%swap3A_346, %swap3A_347, %swap3A_348], %cond3A_344#0 {strides = array<i32>} : memref<4x64x256xf32, #tpu.memory_space<vmem>>, vector<16xf32>,
        %swap3A_350 = arith.constant 1 : i32
        %swap3A_351 = arith.index_cast %swap3A_350 : i32 to index
        %swap3A_352 = arith.index_cast %squeeze3A : i32 to index
        %swap3A_353 = arith.constant 0 : index
        %swap3A_354 = tpu.vector_load %arg9[%swap3A_351, %swap3A_352, %swap3A_353] {strides = array<i32>} : memref<4x64x256xf32, #tpu.memory_space<vmem>>, vector<16xf32>,
        tpu.vector_store %arg9[%swap3A_351, %swap3A_352, %swap3A_353], %cond3A_344#8 {strides = array<i32>} : memref<4x64x256xf32, #tpu.memory_space<vmem>>, vector<16xf32>,
        %swap3A_355 = arith.constant 2 : i32
        %swap3A_356 = arith.index_cast %swap3A_355 : i32 to index
        %swap3A_357 = arith.index_cast %squeeze3A : i32 to index
        %swap3A_358 = arith.constant 0 : index
        %swap3A_359 = tpu.vector_load %arg9[%swap3A_356, %swap3A_357, %swap3A_358] {strides = array<i32>} : memref<4x64x256xf32, #tpu.memory_space<vmem>>, vector<16xf32>,
        tpu.vector_store %arg9[%swap3A_356, %swap3A_357, %swap3A_358], %cond3A_344#16 {strides = array<i32>} : memref<4x64x256xf32, #tpu.memory_space<vmem>>, vector<16xf32>,
        %swap3A_360 = arith.constant 3 : i32
        %swap3A_361 = arith.index_cast %swap3A_360 : i32 to index
        %swap3A_362 = arith.index_cast %squeeze3A : i32 to index
        %swap3A_363 = arith.constant 0 : index
        %swap3A_364 = tpu.vector_load %arg9[%swap3A_361, %swap3A_362, %swap3A_363] {strides = array<i32>} : memref<4x64x256xf32, #tpu.memory_space<vmem>>, vector<16xf32>,
        tpu.vector_store %arg9[%swap3A_361, %swap3A_362, %swap3A_363], %cond3A_344#24 {strides = array<i32>} : memref<4x64x256xf32, #tpu.memory_space<vmem>>, vector<16xf32>,
        %swap3A_365 = arith.constant 0 : i32
        %swap3A_366 = arith.index_cast %swap3A_365 : i32 to index
        %swap3A_367 = arith.index_cast %squeeze3A : i32 to index
        %swap3A_368 = arith.constant 16 : index
        %swap3A_369 = tpu.vector_load %arg9[%swap3A_366, %swap3A_367, %swap3A_368] {strides = array<i32>} : memref<4x64x256xf32, #tpu.memory_space<vmem>>, vector<16xf32>,
        tpu.vector_store %arg9[%swap3A_366, %swap3A_367, %swap3A_368], %cond3A_344#1 {strides = array<i32>} : memref<4x64x256xf32, #tpu.memory_space<vmem>>, vector<16xf32>,
        %swap3A_370 = arith.constant 1 : i32
        %swap3A_371 = arith.index_cast %swap3A_370 : i32 to index
        %swap3A_372 = arith.index_cast %squeeze3A : i32 to index
        %swap3A_373 = arith.constant 16 : index
        %swap3A_374 = tpu.vector_load %arg9[%swap3A_371, %swap3A_372, %swap3A_373] {strides = array<i32>} : memref<4x64x256xf32, #tpu.memory_space<vmem>>, vector<16xf32>,
        tpu.vector_store %arg9[%swap3A_371, %swap3A_372, %swap3A_373], %cond3A_344#9 {strides = array<i32>} : memref<4x64x256xf32, #tpu.memory_space<vmem>>, vector<16xf32>,
        %swap3A_375 = arith.constant 2 : i32
        %swap3A_376 = arith.index_cast %swap3A_375 : i32 to index
        %swap3A_377 = arith.index_cast %squeeze3A : i32 to index
        %swap3A_378 = arith.constant 16 : index
        %swap3A_379 = tpu.vector_load %arg9[%swap3A_376, %swap3A_377, %swap3A_378] {strides = array<i32>} : memref<4x64x256xf32, #tpu.memory_space<vmem>>, vector<16xf32>,
        tpu.vector_store %arg9[%swap3A_376, %swap3A_377, %swap3A_378], %cond3A_344#17 {strides = array<i32>} : memref<4x64x256xf32, #tpu.memory_space<vmem>>, vector<16xf32>,
        %swap3A_380 = arith.constant 3 : i32
        %swap3A_381 = arith.index_cast %swap3A_380 : i32 to index
        %swap3A_382 = arith.index_cast %squeeze3A : i32 to index
        %swap3A_383 = arith.constant 16 : index
        %swap3A_384 = tpu.vector_load %arg9[%swap3A_381, %swap3A_382, %swap3A_383] {strides = array<i32>} : memref<4x64x256xf32, #tpu.memory_space<vmem>>, vector<16xf32>,
        tpu.vector_store %arg9[%swap3A_381, %swap3A_382, %swap3A_383], %cond3A_344#25 {strides = array<i32>} : memref<4x64x256xf32, #tpu.memory_space<vmem>>, vector<16xf32>,
        %swap3A_385 = arith.constant 0 : i32
        %swap3A_386 = arith.index_cast %swap3A_385 : i32 to index
        %swap3A_387 = arith.index_cast %squeeze3A : i32 to index
        %swap3A_388 = arith.constant 32 : index
        %swap3A_389 = tpu.vector_load %arg9[%swap3A_386, %swap3A_387, %swap3A_388] {strides = array<i32>} : memref<4x64x256xf32, #tpu.memory_space<vmem>>, vector<16xf32>,
        tpu.vector_store %arg9[%swap3A_386, %swap3A_387, %swap3A_388], %cond3A_344#2 {strides = array<i32>} : memref<4x64x256xf32, #tpu.memory_space<vmem>>, vector<16xf32>,
        %swap3A_390 = arith.constant 1 : i32
        %swap3A_391 = arith.index_cast %swap3A_390 : i32 to index
        %swap3A_392 = arith.index_cast %squeeze3A : i32 to index
        %swap3A_393 = arith.constant 32 : index
        %swap3A_394 = tpu.vector_load %arg9[%swap3A_391, %swap3A_392, %swap3A_393] {strides = array<i32>} : memref<4x64x256xf32, #tpu.memory_space<vmem>>, vector<16xf32>,
        tpu.vector_store %arg9[%swap3A_391, %swap3A_392, %swap3A_393], %cond3A_344#10 {strides = array<i32>} : memref<4x64x256xf32, #tpu.memory_space<vmem>>, vector<16xf32>,
        %swap3A_395 = arith.constant 2 : i32
        %swap3A_396 = arith.index_cast %swap3A_395 : i32 to index
        %swap3A_397 = arith.index_cast %squeeze3A : i32 to index
        %swap3A_398 = arith.constant 32 : index
        %swap3A_399 = tpu.vector_load %arg9[%swap3A_396, %swap3A_397, %swap3A_398] {strides = array<i32>} : memref<4x64x256xf32, #tpu.memory_space<vmem>>, vector<16xf32>,
        tpu.vector_store %arg9[%swap3A_396, %swap3A_397, %swap3A_398], %cond3A_344#18 {strides = array<i32>} : memref<4x64x256xf32, #tpu.memory_space<vmem>>, vector<16xf32>,
        %swap3A_400 = arith.constant 3 : i32
        %swap3A_401 = arith.index_cast %swap3A_400 : i32 to index
        %swap3A_402 = arith.index_cast %squeeze3A : i32 to index
        %swap3A_403 = arith.constant 32 : index
        %swap3A_404 = tpu.vector_load %arg9[%swap3A_401, %swap3A_402, %swap3A_403] {strides = array<i32>} : memref<4x64x256xf32, #tpu.memory_space<vmem>>, vector<16xf32>,
        tpu.vector_store %arg9[%swap3A_401, %swap3A_402, %swap3A_403], %cond3A_344#26 {strides = array<i32>} : memref<4x64x256xf32, #tpu.memory_space<vmem>>, vector<16xf32>,
        %swap3A_405 = arith.constant 0 : i32
        %swap3A_406 = arith.index_cast %swap3A_405 : i32 to index
        %swap3A_407 = arith.index_cast %squeeze3A : i32 to index
        %swap3A_408 = arith.constant 48 : index
        %swap3A_409 = tpu.vector_load %arg9[%swap3A_406, %swap3A_407, %swap3A_408] {strides = array<i32>} : memref<4x64x256xf32, #tpu.memory_space<vmem>>, vector<16xf32>,
        tpu.vector_store %arg9[%swap3A_406, %swap3A_407, %swap3A_408], %cond3A_344#3 {strides = array<i32>} : memref<4x64x256xf32, #tpu.memory_space<vmem>>, vector<16xf32>,
        %swap3A_410 = arith.constant 1 : i32
        %swap3A_411 = arith.index_cast %swap3A_410 : i32 to index
        %swap3A_412 = arith.index_cast %squeeze3A : i32 to index
        %swap3A_413 = arith.constant 48 : index
        %swap3A_414 = tpu.vector_load %arg9[%swap3A_411, %swap3A_412, %swap3A_413] {strides = array<i32>} : memref<4x64x256xf32, #tpu.memory_space<vmem>>, vector<16xf32>,
        tpu.vector_store %arg9[%swap3A_411, %swap3A_412, %swap3A_413], %cond3A_344#11 {strides = array<i32>} : memref<4x64x256xf32, #tpu.memory_space<vmem>>, vector<16xf32>,
        %swap3A_415 = arith.constant 2 : i32
        %swap3A_416 = arith.index_cast %swap3A_415 : i32 to index
        %swap3A_417 = arith.index_cast %squeeze3A : i32 to index
        %swap3A_418 = arith.constant 48 : index
        %swap3A_419 = tpu.vector_load %arg9[%swap3A_416, %swap3A_417, %swap3A_418] {strides = array<i32>} : memref<4x64x256xf32, #tpu.memory_space<vmem>>, vector<16xf32>,
        tpu.vector_store %arg9[%swap3A_416, %swap3A_417, %swap3A_418], %cond3A_344#19 {strides = array<i32>} : memref<4x64x256xf32, #tpu.memory_space<vmem>>, vector<16xf32>,
        %swap3A_420 = arith.constant 3 : i32
        %swap3A_421 = arith.index_cast %swap3A_420 : i32 to index
        %swap3A_422 = arith.index_cast %squeeze3A : i32 to index
        %swap3A_423 = arith.constant 48 : index
        %swap3A_424 = tpu.vector_load %arg9[%swap3A_421, %swap3A_422, %swap3A_423] {strides = array<i32>} : memref<4x64x256xf32, #tpu.memory_space<vmem>>, vector<16xf32>,
        tpu.vector_store %arg9[%swap3A_421, %swap3A_422, %swap3A_423], %cond3A_344#27 {strides = array<i32>} : memref<4x64x256xf32, #tpu.memory_space<vmem>>, vector<16xf32>,
        %swap3A_425 = arith.constant 0 : i32
        %swap3A_426 = arith.index_cast %swap3A_425 : i32 to index
        %swap3A_427 = arith.index_cast %squeeze3A : i32 to index
        %swap3A_428 = arith.constant 64 : index
        %swap3A_429 = tpu.vector_load %arg9[%swap3A_426, %swap3A_427, %swap3A_428] {strides = array<i32>} : memref<4x64x256xf32, #tpu.memory_space<vmem>>, vector<16xf32>,
        tpu.vector_store %arg9[%swap3A_426, %swap3A_427, %swap3A_428], %cond3A_344#4 {strides = array<i32>} : memref<4x64x256xf32, #tpu.memory_space<vmem>>, vector<16xf32>,
        %swap3A_430 = arith.constant 1 : i32
        %swap3A_431 = arith.index_cast %swap3A_430 : i32 to index
        %swap3A_432 = arith.index_cast %squeeze3A : i32 to index
        %swap3A_433 = arith.constant 64 : index
        %swap3A_434 = tpu.vector_load %arg9[%swap3A_431, %swap3A_432, %swap3A_433] {strides = array<i32>} : memref<4x64x256xf32, #tpu.memory_space<vmem>>, vector<16xf32>,
        tpu.vector_store %arg9[%swap3A_431, %swap3A_432, %swap3A_433], %cond3A_344#12 {strides = array<i32>} : memref<4x64x256xf32, #tpu.memory_space<vmem>>, vector<16xf32>,
        %swap3A_435 = arith.constant 2 : i32
        %swap3A_436 = arith.index_cast %swap3A_435 : i32 to index
        %swap3A_437 = arith.index_cast %squeeze3A : i32 to index
        %swap3A_438 = arith.constant 64 : index
        %swap3A_439 = tpu.vector_load %arg9[%swap3A_436, %swap3A_437, %swap3A_438] {strides = array<i32>} : memref<4x64x256xf32, #tpu.memory_space<vmem>>, vector<16xf32>,
        tpu.vector_store %arg9[%swap3A_436, %swap3A_437, %swap3A_438], %cond3A_344#20 {strides = array<i32>} : memref<4x64x256xf32, #tpu.memory_space<vmem>>, vector<16xf32>,
        %swap3A_440 = arith.constant 3 : i32
        %swap3A_441 = arith.index_cast %swap3A_440 : i32 to index
        %swap3A_442 = arith.index_cast %squeeze3A : i32 to index
        %swap3A_443 = arith.constant 64 : index
        %swap3A_444 = tpu.vector_load %arg9[%swap3A_441, %swap3A_442, %swap3A_443] {strides = array<i32>} : memref<4x64x256xf32, #tpu.memory_space<vmem>>, vector<16xf32>,
        tpu.vector_store %arg9[%swap3A_441, %swap3A_442, %swap3A_443], %cond3A_344#28 {strides = array<i32>} : memref<4x64x256xf32, #tpu.memory_space<vmem>>, vector<16xf32>,
        %swap3A_445 = arith.constant 0 : i32
        %swap3A_446 = arith.index_cast %swap3A_445 : i32 to index
        %swap3A_447 = arith.index_cast %squeeze3A : i32 to index
        %swap3A_448 = arith.constant 80 : index
        %swap3A_449 = tpu.vector_load %arg9[%swap3A_446, %swap3A_447, %swap3A_448] {strides = array<i32>} : memref<4x64x256xf32, #tpu.memory_space<vmem>>, vector<16xf32>,
        tpu.vector_store %arg9[%swap3A_446, %swap3A_447, %swap3A_448], %cond3A_344#5 {strides = array<i32>} : memref<4x64x256xf32, #tpu.memory_space<vmem>>, vector<16xf32>,
        %swap3A_450 = arith.constant 1 : i32
        %swap3A_451 = arith.index_cast %swap3A_450 : i32 to index
        %swap3A_452 = arith.index_cast %squeeze3A : i32 to index
        %swap3A_453 = arith.constant 80 : index
        %swap3A_454 = tpu.vector_load %arg9[%swap3A_451, %swap3A_452, %swap3A_453] {strides = array<i32>} : memref<4x64x256xf32, #tpu.memory_space<vmem>>, vector<16xf32>,
        tpu.vector_store %arg9[%swap3A_451, %swap3A_452, %swap3A_453], %cond3A_344#13 {strides = array<i32>} : memref<4x64x256xf32, #tpu.memory_space<vmem>>, vector<16xf32>,
        %swap3A_455 = arith.constant 2 : i32
        %swap3A_456 = arith.index_cast %swap3A_455 : i32 to index
        %swap3A_457 = arith.index_cast %squeeze3A : i32 to index
        %swap3A_458 = arith.constant 80 : index
        %swap3A_459 = tpu.vector_load %arg9[%swap3A_456, %swap3A_457, %swap3A_458] {strides = array<i32>} : memref<4x64x256xf32, #tpu.memory_space<vmem>>, vector<16xf32>,
        tpu.vector_store %arg9[%swap3A_456, %swap3A_457, %swap3A_458], %cond3A_344#21 {strides = array<i32>} : memref<4x64x256xf32, #tpu.memory_space<vmem>>, vector<16xf32>,
        %swap3A_460 = arith.constant 3 : i32
        %swap3A_461 = arith.index_cast %swap3A_460 : i32 to index
        %swap3A_462 = arith.index_cast %squeeze3A : i32 to index
        %swap3A_463 = arith.constant 80 : index
        %swap3A_464 = tpu.vector_load %arg9[%swap3A_461, %swap3A_462, %swap3A_463] {strides = array<i32>} : memref<4x64x256xf32, #tpu.memory_space<vmem>>, vector<16xf32>,
        tpu.vector_store %arg9[%swap3A_461, %swap3A_462, %swap3A_463], %cond3A_344#29 {strides = array<i32>} : memref<4x64x256xf32, #tpu.memory_space<vmem>>, vector<16xf32>,
        %swap3A_465 = arith.constant 0 : i32
        %swap3A_466 = arith.index_cast %swap3A_465 : i32 to index
        %swap3A_467 = arith.index_cast %squeeze3A : i32 to index
        %swap3A_468 = arith.constant 96 : index
        %swap3A_469 = tpu.vector_load %arg9[%swap3A_466, %swap3A_467, %swap3A_468] {strides = array<i32>} : memref<4x64x256xf32, #tpu.memory_space<vmem>>, vector<16xf32>,
        tpu.vector_store %arg9[%swap3A_466, %swap3A_467, %swap3A_468], %cond3A_344#6 {strides = array<i32>} : memref<4x64x256xf32, #tpu.memory_space<vmem>>, vector<16xf32>,
        %swap3A_470 = arith.constant 1 : i32
        %swap3A_471 = arith.index_cast %swap3A_470 : i32 to index
        %swap3A_472 = arith.index_cast %squeeze3A : i32 to index
        %swap3A_473 = arith.constant 96 : index
        %swap3A_474 = tpu.vector_load %arg9[%swap3A_471, %swap3A_472, %swap3A_473] {strides = array<i32>} : memref<4x64x256xf32, #tpu.memory_space<vmem>>, vector<16xf32>,
        tpu.vector_store %arg9[%swap3A_471, %swap3A_472, %swap3A_473], %cond3A_344#14 {strides = array<i32>} : memref<4x64x256xf32, #tpu.memory_space<vmem>>, vector<16xf32>,
        %swap3A_475 = arith.constant 2 : i32
        %swap3A_476 = arith.index_cast %swap3A_475 : i32 to index
        %swap3A_477 = arith.index_cast %squeeze3A : i32 to index
        %swap3A_478 = arith.constant 96 : index
        %swap3A_479 = tpu.vector_load %arg9[%swap3A_476, %swap3A_477, %swap3A_478] {strides = array<i32>} : memref<4x64x256xf32, #tpu.memory_space<vmem>>, vector<16xf32>,
        tpu.vector_store %arg9[%swap3A_476, %swap3A_477, %swap3A_478], %cond3A_344#22 {strides = array<i32>} : memref<4x64x256xf32, #tpu.memory_space<vmem>>, vector<16xf32>,
        %swap3A_480 = arith.constant 3 : i32
        %swap3A_481 = arith.index_cast %swap3A_480 : i32 to index
        %swap3A_482 = arith.index_cast %squeeze3A : i32 to index
        %swap3A_483 = arith.constant 96 : index
        %swap3A_484 = tpu.vector_load %arg9[%swap3A_481, %swap3A_482, %swap3A_483] {strides = array<i32>} : memref<4x64x256xf32, #tpu.memory_space<vmem>>, vector<16xf32>,
        tpu.vector_store %arg9[%swap3A_481, %swap3A_482, %swap3A_483], %cond3A_344#30 {strides = array<i32>} : memref<4x64x256xf32, #tpu.memory_space<vmem>>, vector<16xf32>,
        %swap3A_485 = arith.constant 0 : i32
        %swap3A_486 = arith.index_cast %swap3A_485 : i32 to index
        %swap3A_487 = arith.index_cast %squeeze3A : i32 to index
        %swap3A_488 = arith.constant 112 : index
        %swap3A_489 = tpu.vector_load %arg9[%swap3A_486, %swap3A_487, %swap3A_488] {strides = array<i32>} : memref<4x64x256xf32, #tpu.memory_space<vmem>>, vector<16xf32>,
        tpu.vector_store %arg9[%swap3A_486, %swap3A_487, %swap3A_488], %cond3A_344#7 {strides = array<i32>} : memref<4x64x256xf32, #tpu.memory_space<vmem>>, vector<16xf32>,
        %swap3A_490 = arith.constant 1 : i32
        %swap3A_491 = arith.index_cast %swap3A_490 : i32 to index
        %swap3A_492 = arith.index_cast %squeeze3A : i32 to index
        %swap3A_493 = arith.constant 112 : index
        %swap3A_494 = tpu.vector_load %arg9[%swap3A_491, %swap3A_492, %swap3A_493] {strides = array<i32>} : memref<4x64x256xf32, #tpu.memory_space<vmem>>, vector<16xf32>,
        tpu.vector_store %arg9[%swap3A_491, %swap3A_492, %swap3A_493], %cond3A_344#15 {strides = array<i32>} : memref<4x64x256xf32, #tpu.memory_space<vmem>>, vector<16xf32>,
        %swap3A_495 = arith.constant 2 : i32
        %swap3A_496 = arith.index_cast %swap3A_495 : i32 to index
        %swap3A_497 = arith.index_cast %squeeze3A : i32 to index
        %swap3A_498 = arith.constant 112 : index
        %swap3A_499 = tpu.vector_load %arg9[%swap3A_496, %swap3A_497, %swap3A_498] {strides = array<i32>} : memref<4x64x256xf32, #tpu.memory_space<vmem>>, vector<16xf32>,
        tpu.vector_store %arg9[%swap3A_496, %swap3A_497, %swap3A_498], %cond3A_344#23 {strides = array<i32>} : memref<4x64x256xf32, #tpu.memory_space<vmem>>, vector<16xf32>,
        %swap3A_500 = arith.constant 3 : i32
        %swap3A_501 = arith.index_cast %swap3A_500 : i32 to index
        %swap3A_502 = arith.index_cast %squeeze3A : i32 to index
        %swap3A_503 = arith.constant 112 : index
        %swap3A_504 = tpu.vector_load %arg9[%swap3A_501, %swap3A_502, %swap3A_503] {strides = array<i32>} : memref<4x64x256xf32, #tpu.memory_space<vmem>>, vector<16xf32>,
        tpu.vector_store %arg9[%swap3A_501, %swap3A_502, %swap3A_503], %cond3A_344#31 {strides = array<i32>} : memref<4x64x256xf32, #tpu.memory_space<vmem>>, vector<16xf32>,
        %get3A_505 = arith.constant 0 : i32
        %get3A_506 = arith.index_cast %get3A_505 : i32 to index
        %get3A_507 = arith.index_cast %squeeze3A : i32 to index
        %get3A_508 = arith.constant 128 : index
        %get3A_509 = tpu.vector_load %arg9[%get3A_506, %get3A_507, %get3A_508] {strides = array<i32>} : memref<4x64x256xf32, #tpu.memory_space<vmem>>, vector<16xf32>,
        %get3A_510 = arith.constant 0 : i32
        %get3A_511 = arith.index_cast %get3A_510 : i32 to index
        %get3A_512 = arith.index_cast %squeeze3A : i32 to index
        %get3A_513 = arith.constant 144 : index
        %get3A_514 = tpu.vector_load %arg9[%get3A_511, %get3A_512, %get3A_513] {strides = array<i32>} : memref<4x64x256xf32, #tpu.memory_space<vmem>>, vector<16xf32>,
        %get3A_515 = arith.constant 0 : i32
        %get3A_516 = arith.index_cast %get3A_515 : i32 to index
        %get3A_517 = arith.index_cast %squeeze3A : i32 to index
        %get3A_518 = arith.constant 160 : index
        %get3A_519 = tpu.vector_load %arg9[%get3A_516, %get3A_517, %get3A_518] {strides = array<i32>} : memref<4x64x256xf32, #tpu.memory_space<vmem>>, vector<16xf32>,
        %get3A_520 = arith.constant 0 : i32
        %get3A_521 = arith.index_cast %get3A_520 : i32 to index
        %get3A_522 = arith.index_cast %squeeze3A : i32 to index
        %get3A_523 = arith.constant 176 : index
        %get3A_524 = tpu.vector_load %arg9[%get3A_521, %get3A_522, %get3A_523] {strides = array<i32>} : memref<4x64x256xf32, #tpu.memory_space<vmem>>, vector<16xf32>,
        %get3A_525 = arith.constant 0 : i32
        %get3A_526 = arith.index_cast %get3A_525 : i32 to index
        %get3A_527 = arith.index_cast %squeeze3A : i32 to index
        %get3A_528 = arith.constant 192 : index
        %get3A_529 = tpu.vector_load %arg9[%get3A_526, %get3A_527, %get3A_528] {strides = array<i32>} : memref<4x64x256xf32, #tpu.memory_space<vmem>>, vector<16xf32>,
        %get3A_530 = arith.constant 0 : i32
        %get3A_531 = arith.index_cast %get3A_530 : i32 to index
        %get3A_532 = arith.index_cast %squeeze3A : i32 to index
        %get3A_533 = arith.constant 208 : index
        %get3A_534 = tpu.vector_load %arg9[%get3A_531, %get3A_532, %get3A_533] {strides = array<i32>} : memref<4x64x256xf32, #tpu.memory_space<vmem>>, vector<16xf32>,
        %get3A_535 = arith.constant 0 : i32
        %get3A_536 = arith.index_cast %get3A_535 : i32 to index
        %get3A_537 = arith.index_cast %squeeze3A : i32 to index
        %get3A_538 = arith.constant 224 : index
        %get3A_539 = tpu.vector_load %arg9[%get3A_536, %get3A_537, %get3A_538] {strides = array<i32>} : memref<4x64x256xf32, #tpu.memory_space<vmem>>, vector<16xf32>,
        %get3A_540 = arith.constant 0 : i32
        %get3A_541 = arith.index_cast %get3A_540 : i32 to index
        %get3A_542 = arith.index_cast %squeeze3A : i32 to index
        %get3A_543 = arith.constant 240 : index
        %get3A_544 = tpu.vector_load %arg9[%get3A_541, %get3A_542, %get3A_543] {strides = array<i32>} : memref<4x64x256xf32, #tpu.memory_space<vmem>>, vector<16xf32>,
        %get3A_545 = arith.constant 1 : i32
        %get3A_546 = arith.index_cast %get3A_545 : i32 to index
        %get3A_547 = arith.index_cast %squeeze3A : i32 to index
        %get3A_548 = arith.constant 128 : index
        %get3A_549 = tpu.vector_load %arg9[%get3A_546, %get3A_547, %get3A_548] {strides = array<i32>} : memref<4x64x256xf32, #tpu.memory_space<vmem>>, vector<16xf32>,
        %get3A_550 = arith.constant 1 : i32
        %get3A_551 = arith.index_cast %get3A_550 : i32 to index
        %get3A_552 = arith.index_cast %squeeze3A : i32 to index
        %get3A_553 = arith.constant 144 : index
        %get3A_554 = tpu.vector_load %arg9[%get3A_551, %get3A_552, %get3A_553] {strides = array<i32>} : memref<4x64x256xf32, #tpu.memory_space<vmem>>, vector<16xf32>,
        %get3A_555 = arith.constant 1 : i32
        %get3A_556 = arith.index_cast %get3A_555 : i32 to index
        %get3A_557 = arith.index_cast %squeeze3A : i32 to index
        %get3A_558 = arith.constant 160 : index
        %get3A_559 = tpu.vector_load %arg9[%get3A_556, %get3A_557, %get3A_558] {strides = array<i32>} : memref<4x64x256xf32, #tpu.memory_space<vmem>>, vector<16xf32>,
        %get3A_560 = arith.constant 1 : i32
        %get3A_561 = arith.index_cast %get3A_560 : i32 to index
        %get3A_562 = arith.index_cast %squeeze3A : i32 to index
        %get3A_563 = arith.constant 176 : index
        %get3A_564 = tpu.vector_load %arg9[%get3A_561, %get3A_562, %get3A_563] {strides = array<i32>} : memref<4x64x256xf32, #tpu.memory_space<vmem>>, vector<16xf32>,
        %get3A_565 = arith.constant 1 : i32
        %get3A_566 = arith.index_cast %get3A_565 : i32 to index
        %get3A_567 = arith.index_cast %squeeze3A : i32 to index
        %get3A_568 = arith.constant 192 : index
        %get3A_569 = tpu.vector_load %arg9[%get3A_566, %get3A_567, %get3A_568] {strides = array<i32>} : memref<4x64x256xf32, #tpu.memory_space<vmem>>, vector<16xf32>,
        %get3A_570 = arith.constant 1 : i32
        %get3A_571 = arith.index_cast %get3A_570 : i32 to index
        %get3A_572 = arith.index_cast %squeeze3A : i32 to index
        %get3A_573 = arith.constant 208 : index
        %get3A_574 = tpu.vector_load %arg9[%get3A_571, %get3A_572, %get3A_573] {strides = array<i32>} : memref<4x64x256xf32, #tpu.memory_space<vmem>>, vector<16xf32>,
        %get3A_575 = arith.constant 1 : i32
        %get3A_576 = arith.index_cast %get3A_575 : i32 to index
        %get3A_577 = arith.index_cast %squeeze3A : i32 to index
        %get3A_578 = arith.constant 224 : index
        %get3A_579 = tpu.vector_load %arg9[%get3A_576, %get3A_577, %get3A_578] {strides = array<i32>} : memref<4x64x256xf32, #tpu.memory_space<vmem>>, vector<16xf32>,
        %get3A_580 = arith.constant 1 : i32
        %get3A_581 = arith.index_cast %get3A_580 : i32 to index
        %get3A_582 = arith.index_cast %squeeze3A : i32 to index
        %get3A_583 = arith.constant 240 : index
        %get3A_584 = tpu.vector_load %arg9[%get3A_581, %get3A_582, %get3A_583] {strides = array<i32>} : memref<4x64x256xf32, #tpu.memory_space<vmem>>, vector<16xf32>,
        %get3A_585 = arith.constant 2 : i32
        %get3A_586 = arith.index_cast %get3A_585 : i32 to index
        %get3A_587 = arith.index_cast %squeeze3A : i32 to index
        %get3A_588 = arith.constant 128 : index
        %get3A_589 = tpu.vector_load %arg9[%get3A_586, %get3A_587, %get3A_588] {strides = array<i32>} : memref<4x64x256xf32, #tpu.memory_space<vmem>>, vector<16xf32>,
        %get3A_590 = arith.constant 2 : i32
        %get3A_591 = arith.index_cast %get3A_590 : i32 to index
        %get3A_592 = arith.index_cast %squeeze3A : i32 to index
        %get3A_593 = arith.constant 144 : index
        %get3A_594 = tpu.vector_load %arg9[%get3A_591, %get3A_592, %get3A_593] {strides = array<i32>} : memref<4x64x256xf32, #tpu.memory_space<vmem>>, vector<16xf32>,
        %get3A_595 = arith.constant 2 : i32
        %get3A_596 = arith.index_cast %get3A_595 : i32 to index
        %get3A_597 = arith.index_cast %squeeze3A : i32 to index
        %get3A_598 = arith.constant 160 : index
        %get3A_599 = tpu.vector_load %arg9[%get3A_596, %get3A_597, %get3A_598] {strides = array<i32>} : memref<4x64x256xf32, #tpu.memory_space<vmem>>, vector<16xf32>,
        %get3A_600 = arith.constant 2 : i32
        %get3A_601 = arith.index_cast %get3A_600 : i32 to index
        %get3A_602 = arith.index_cast %squeeze3A : i32 to index
        %get3A_603 = arith.constant 176 : index
        %get3A_604 = tpu.vector_load %arg9[%get3A_601, %get3A_602, %get3A_603] {strides = array<i32>} : memref<4x64x256xf32, #tpu.memory_space<vmem>>, vector<16xf32>,
        %get3A_605 = arith.constant 2 : i32
        %get3A_606 = arith.index_cast %get3A_605 : i32 to index
        %get3A_607 = arith.index_cast %squeeze3A : i32 to index
        %get3A_608 = arith.constant 192 : index
        %get3A_609 = tpu.vector_load %arg9[%get3A_606, %get3A_607, %get3A_608] {strides = array<i32>} : memref<4x64x256xf32, #tpu.memory_space<vmem>>, vector<16xf32>,
        %get3A_610 = arith.constant 2 : i32
        %get3A_611 = arith.index_cast %get3A_610 : i32 to index
        %get3A_612 = arith.index_cast %squeeze3A : i32 to index
        %get3A_613 = arith.constant 208 : index
        %get3A_614 = tpu.vector_load %arg9[%get3A_611, %get3A_612, %get3A_613] {strides = array<i32>} : memref<4x64x256xf32, #tpu.memory_space<vmem>>, vector<16xf32>,
        %get3A_615 = arith.constant 2 : i32
        %get3A_616 = arith.index_cast %get3A_615 : i32 to index
        %get3A_617 = arith.index_cast %squeeze3A : i32 to index
        %get3A_618 = arith.constant 224 : index
        %get3A_619 = tpu.vector_load %arg9[%get3A_616, %get3A_617, %get3A_618] {strides = array<i32>} : memref<4x64x256xf32, #tpu.memory_space<vmem>>, vector<16xf32>,
        %get3A_620 = arith.constant 2 : i32
        %get3A_621 = arith.index_cast %get3A_620 : i32 to index
        %get3A_622 = arith.index_cast %squeeze3A : i32 to index
        %get3A_623 = arith.constant 240 : index
        %get3A_624 = tpu.vector_load %arg9[%get3A_621, %get3A_622, %get3A_623] {strides = array<i32>} : memref<4x64x256xf32, #tpu.memory_space<vmem>>, vector<16xf32>,
        %get3A_625 = arith.constant 3 : i32
        %get3A_626 = arith.index_cast %get3A_625 : i32 to index
        %get3A_627 = arith.index_cast %squeeze3A : i32 to index
        %get3A_628 = arith.constant 128 : index
        %get3A_629 = tpu.vector_load %arg9[%get3A_626, %get3A_627, %get3A_628] {strides = array<i32>} : memref<4x64x256xf32, #tpu.memory_space<vmem>>, vector<16xf32>,
        %get3A_630 = arith.constant 3 : i32
        %get3A_631 = arith.index_cast %get3A_630 : i32 to index
        %get3A_632 = arith.index_cast %squeeze3A : i32 to index
        %get3A_633 = arith.constant 144 : index
        %get3A_634 = tpu.vector_load %arg9[%get3A_631, %get3A_632, %get3A_633] {strides = array<i32>} : memref<4x64x256xf32, #tpu.memory_space<vmem>>, vector<16xf32>,
        %get3A_635 = arith.constant 3 : i32
        %get3A_636 = arith.index_cast %get3A_635 : i32 to index
        %get3A_637 = arith.index_cast %squeeze3A : i32 to index
        %get3A_638 = arith.constant 160 : index
        %get3A_639 = tpu.vector_load %arg9[%get3A_636, %get3A_637, %get3A_638] {strides = array<i32>} : memref<4x64x256xf32, #tpu.memory_space<vmem>>, vector<16xf32>,
        %get3A_640 = arith.constant 3 : i32
        %get3A_641 = arith.index_cast %get3A_640 : i32 to index
        %get3A_642 = arith.index_cast %squeeze3A : i32 to index
        %get3A_643 = arith.constant 176 : index
        %get3A_644 = tpu.vector_load %arg9[%get3A_641, %get3A_642, %get3A_643] {strides = array<i32>} : memref<4x64x256xf32, #tpu.memory_space<vmem>>, vector<16xf32>,
        %get3A_645 = arith.constant 3 : i32
        %get3A_646 = arith.index_cast %get3A_645 : i32 to index
        %get3A_647 = arith.index_cast %squeeze3A : i32 to index
        %get3A_648 = arith.constant 192 : index
        %get3A_649 = tpu.vector_load %arg9[%get3A_646, %get3A_647, %get3A_648] {strides = array<i32>} : memref<4x64x256xf32, #tpu.memory_space<vmem>>, vector<16xf32>,
        %get3A_650 = arith.constant 3 : i32
        %get3A_651 = arith.index_cast %get3A_650 : i32 to index
        %get3A_652 = arith.index_cast %squeeze3A : i32 to index
        %get3A_653 = arith.constant 208 : index
        %get3A_654 = tpu.vector_load %arg9[%get3A_651, %get3A_652, %get3A_653] {strides = array<i32>} : memref<4x64x256xf32, #tpu.memory_space<vmem>>, vector<16xf32>,
        %get3A_655 = arith.constant 3 : i32
        %get3A_656 = arith.index_cast %get3A_655 : i32 to index
        %get3A_657 = arith.index_cast %squeeze3A : i32 to index
        %get3A_658 = arith.constant 224 : index
        %get3A_659 = tpu.vector_load %arg9[%get3A_656, %get3A_657, %get3A_658] {strides = array<i32>} : memref<4x64x256xf32, #tpu.memory_space<vmem>>, vector<16xf32>,
        %get3A_660 = arith.constant 3 : i32
        %get3A_661 = arith.index_cast %get3A_660 : i32 to index
        %get3A_662 = arith.index_cast %squeeze3A : i32 to index
        %get3A_663 = arith.constant 240 : index
        %get3A_664 = tpu.vector_load %arg9[%get3A_661, %get3A_662, %get3A_663] {strides = array<i32>} : memref<4x64x256xf32, #tpu.memory_space<vmem>>, vector<16xf32>,
        %sub3A_665 = arith.subi %min3A_131, %while3A_120 : i32
        %jit3A_666 = arith.constant 2 : i32
        %div3A_667 = arith.divsi %sub3A_665, %jit3A_666 : i32
        %sign3A_668 = arith.constant 0 : i32
        %sign3A_669 = arith.cmpi sgt, %sub3A_665, %sign3A_668 : i32
        %sign3A_670 = arith.extui %sign3A_669 : i1 to i32
        %sign3A_671 = arith.constant 0 : i32
        %sign3A_672 = arith.cmpi slt, %sub3A_665, %sign3A_671 : i32
        %sign3A_673 = arith.extui %sign3A_672 : i1 to i32
        %sign3A_674 = arith.subi %sign3A_670, %sign3A_673 : i32
        %sign3A_675 = arith.constant 0 : i32
        %sign3A_676 = arith.cmpi sgt, %jit3A_666, %sign3A_675 : i32
        %sign3A_677 = arith.extui %sign3A_676 : i1 to i32
        %sign3A_678 = arith.constant 0 : i32
        %sign3A_679 = arith.cmpi slt, %jit3A_666, %sign3A_678 : i32
        %sign3A_680 = arith.extui %sign3A_679 : i1 to i32
        %sign3A_681 = arith.subi %sign3A_677, %sign3A_680 : i32
        %ne3A_682 = arith.cmpi ne, %sign3A_674, %sign3A_681 : i32
        %rem3A_683 = arith.remsi %sub3A_665, %jit3A_666 : i32
        %ne3A_684 = arith.constant 0 : i32
        %ne3A_685 = arith.cmpi ne, %rem3A_683, %ne3A_684 : i32
        %and3A_686 = arith.andi %ne3A_682, %ne3A_685 : i1
        %sub3A_687 = arith.constant 1 : i32
        %sub3A_688 = arith.subi %div3A_667, %sub3A_687 : i32
        %select_n3A_689 = arith.select %and3A_686, %sub3A_688, %div3A_667 : i32
        %while3A_690 = arith.constant 0 : i32
        %while3A_691 = arith.subi %select_n3A_689, %while3A_690 : i32
        %while3A_692 = arith.addi %while3A_690, %while3A_691 : i32
        %while3A_693 = arith.constant 1 : i32
        %while3A_694 = arith.divsi %while3A_691, %while3A_693 : i32
        %while3A_695 = arith.muli %while3A_694, %while3A_693 : i32
        %while3A_696 = arith.addi %while3A_690, %while3A_695 : i32
        %while3A_697 = arith.constant 1 : i32
        %while3A_698:32 = scf.for %while3A_898 = %while3A_690 to %while3A_696 step %while3A_697 iter_args(%while3A_899 = %get3A_509, %while3A_900 = %get3A_514, %while3A_901 = %get3A_519, %while3A_902 = %get3A_524, %while3A_903 = %get3A_529, %while3A_904 = %get3A_534, %while3A_905 = %get3A_539, %while3A_906 = %get3A_544, %while3A_907 = %get3A_549, %while3A_908 = %get3A_554, %while3A_909 = %get3A_559, %while3A_910 = %get3A_564, %while3A_911 = %get3A_569, %while3A_912 = %get3A_574, %while3A_913 = %get3A_579, %while3A_914 = %get3A_584, %while3A_915 = %get3A_589, %while3A_916 = %get3A_594, %while3A_917 = %get3A_599, %while3A_918 = %get3A_604, %while3A_919 = %get3A_609, %while3A_920 = %get3A_614, %while3A_921 = %get3A_619, %while3A_922 = %get3A_624, %while3A_923 = %get3A_629, %while3A_924 = %get3A_634, %while3A_925 = %get3A_639, %while3A_926 = %get3A_644, %while3A_927 = %get3A_649, %while3A_928 = %get3A_654, %while3A_929 = %get3A_659, %while3A_930 = %get3A_664) -> (vector<16xf32>, vector<16xf32>, vector<16xf32>, vector<16xf32>, vector<16xf32>, vector<16xf32>, vector<16xf32>, vector<16xf32>, vector<16xf32>, vector<16xf32>, vector<16xf32>, vector<16xf32>, vector<16xf32>, vector<16xf32>, vector<16xf32>, vector<16xf32>, vector<16xf32>, vector<16xf32>, vector<16xf32>, vector<16xf32>, vector<16xf32>, vector<16xf32>, vector<16xf32>, vector<16xf32>, vector<16xf32>, vector<16xf32>, vector<16xf32>, vector<16xf32>, vector<16xf32>, vector<16xf32>, vector<16xf32>, vector<16xf32>)  : i32 {
          %mul3A_931 = arith.constant 2 : i32
          %mul3A_932 = arith.muli %mul3A_931, %while3A_898 : i32
          %add3A_933 = arith.addi %while3A_120, %mul3A_932 : i32
          %get3A_934 = arith.index_cast %add3A_933 : i32 to index
          %get3A_935 = arith.constant 128 : index
          %get3A_936 = tpu.vector_load %arg6[%get3A_934, %get3A_935] {strides = array<i32>} : memref<112x256xf32, #tpu.memory_space<vmem>>, vector<16xf32>,
          %add3A_937 = arith.addf %while3A_899, %get3A_936 : vector<16xf32>
          %mul3A_938 = arith.mulf %get3A_936, %get3A_936 : vector<16xf32>
          %add3A_939 = arith.addf %while3A_907, %mul3A_938 : vector<16xf32>
          %max3A = arith.maximumf %while3A_915, %get3A_936 : vector<16xf32>
          %min3A_940 = arith.minimumf %while3A_923, %get3A_936 : vector<16xf32>
          %get3A_941 = arith.index_cast %add3A_933 : i32 to index
          %get3A_942 = arith.constant 144 : index
          %get3A_943 = tpu.vector_load %arg6[%get3A_941, %get3A_942] {strides = array<i32>} : memref<112x256xf32, #tpu.memory_space<vmem>>, vector<16xf32>,
          %add3A_944 = arith.addf %while3A_900, %get3A_943 : vector<16xf32>
          %mul3A_945 = arith.mulf %get3A_943, %get3A_943 : vector<16xf32>
          %add3A_946 = arith.addf %while3A_908, %mul3A_945 : vector<16xf32>
          %max3A_947 = arith.maximumf %while3A_916, %get3A_943 : vector<16xf32>
          %min3A_948 = arith.minimumf %while3A_924, %get3A_943 : vector<16xf32>
          %get3A_949 = arith.index_cast %add3A_933 : i32 to index
          %get3A_950 = arith.constant 160 : index
          %get3A_951 = tpu.vector_load %arg6[%get3A_949, %get3A_950] {strides = array<i32>} : memref<112x256xf32, #tpu.memory_space<vmem>>, vector<16xf32>,
          %add3A_952 = arith.addf %while3A_901, %get3A_951 : vector<16xf32>
          %mul3A_953 = arith.mulf %get3A_951, %get3A_951 : vector<16xf32>
          %add3A_954 = arith.addf %while3A_909, %mul3A_953 : vector<16xf32>
          %max3A_955 = arith.maximumf %while3A_917, %get3A_951 : vector<16xf32>
          %min3A_956 = arith.minimumf %while3A_925, %get3A_951 : vector<16xf32>
          %get3A_957 = arith.index_cast %add3A_933 : i32 to index
          %get3A_958 = arith.constant 176 : index
          %get3A_959 = tpu.vector_load %arg6[%get3A_957, %get3A_958] {strides = array<i32>} : memref<112x256xf32, #tpu.memory_space<vmem>>, vector<16xf32>,
          %add3A_960 = arith.addf %while3A_902, %get3A_959 : vector<16xf32>
          %mul3A_961 = arith.mulf %get3A_959, %get3A_959 : vector<16xf32>
          %add3A_962 = arith.addf %while3A_910, %mul3A_961 : vector<16xf32>
          %max3A_963 = arith.maximumf %while3A_918, %get3A_959 : vector<16xf32>
          %min3A_964 = arith.minimumf %while3A_926, %get3A_959 : vector<16xf32>
          %get3A_965 = arith.index_cast %add3A_933 : i32 to index
          %get3A_966 = arith.constant 192 : index
          %get3A_967 = tpu.vector_load %arg6[%get3A_965, %get3A_966] {strides = array<i32>} : memref<112x256xf32, #tpu.memory_space<vmem>>, vector<16xf32>,
          %add3A_968 = arith.addf %while3A_903, %get3A_967 : vector<16xf32>
          %mul3A_969 = arith.mulf %get3A_967, %get3A_967 : vector<16xf32>
          %add3A_970 = arith.addf %while3A_911, %mul3A_969 : vector<16xf32>
          %max3A_971 = arith.maximumf %while3A_919, %get3A_967 : vector<16xf32>
          %min3A_972 = arith.minimumf %while3A_927, %get3A_967 : vector<16xf32>
          %get3A_973 = arith.index_cast %add3A_933 : i32 to index
          %get3A_974 = arith.constant 208 : index
          %get3A_975 = tpu.vector_load %arg6[%get3A_973, %get3A_974] {strides = array<i32>} : memref<112x256xf32, #tpu.memory_space<vmem>>, vector<16xf32>,
          %add3A_976 = arith.addf %while3A_904, %get3A_975 : vector<16xf32>
          %mul3A_977 = arith.mulf %get3A_975, %get3A_975 : vector<16xf32>
          %add3A_978 = arith.addf %while3A_912, %mul3A_977 : vector<16xf32>
          %max3A_979 = arith.maximumf %while3A_920, %get3A_975 : vector<16xf32>
          %min3A_980 = arith.minimumf %while3A_928, %get3A_975 : vector<16xf32>
          %get3A_981 = arith.index_cast %add3A_933 : i32 to index
          %get3A_982 = arith.constant 224 : index
          %get3A_983 = tpu.vector_load %arg6[%get3A_981, %get3A_982] {strides = array<i32>} : memref<112x256xf32, #tpu.memory_space<vmem>>, vector<16xf32>,
          %add3A_984 = arith.addf %while3A_905, %get3A_983 : vector<16xf32>
          %mul3A_985 = arith.mulf %get3A_983, %get3A_983 : vector<16xf32>
          %add3A_986 = arith.addf %while3A_913, %mul3A_985 : vector<16xf32>
          %max3A_987 = arith.maximumf %while3A_921, %get3A_983 : vector<16xf32>
          %min3A_988 = arith.minimumf %while3A_929, %get3A_983 : vector<16xf32>
          %get3A_989 = arith.index_cast %add3A_933 : i32 to index
          %get3A_990 = arith.constant 240 : index
          %get3A_991 = tpu.vector_load %arg6[%get3A_989, %get3A_990] {strides = array<i32>} : memref<112x256xf32, #tpu.memory_space<vmem>>, vector<16xf32>,
          %add3A_992 = arith.addf %while3A_906, %get3A_991 : vector<16xf32>
          %mul3A_993 = arith.mulf %get3A_991, %get3A_991 : vector<16xf32>
          %add3A_994 = arith.addf %while3A_914, %mul3A_993 : vector<16xf32>
          %max3A_995 = arith.maximumf %while3A_922, %get3A_991 : vector<16xf32>
          %min3A_996 = arith.minimumf %while3A_930, %get3A_991 : vector<16xf32>
          %add3A_997 = arith.constant 1 : i32
          %add3A_998 = arith.addi %add3A_933, %add3A_997 : i32
          %get3A_999 = arith.index_cast %add3A_998 : i32 to index
          %get3A_1000 = arith.constant 128 : index
          %get3A_1001 = tpu.vector_load %arg6[%get3A_999, %get3A_1000] {strides = array<i32>} : memref<112x256xf32, #tpu.memory_space<vmem>>, vector<16xf32>,
          %add3A_1002 = arith.addf %add3A_937, %get3A_1001 : vector<16xf32>
          %mul3A_1003 = arith.mulf %get3A_1001, %get3A_1001 : vector<16xf32>
          %add3A_1004 = arith.addf %add3A_939, %mul3A_1003 : vector<16xf32>
          %max3A_1005 = arith.maximumf %max3A, %get3A_1001 : vector<16xf32>
          %min3A_1006 = arith.minimumf %min3A_940, %get3A_1001 : vector<16xf32>
          %get3A_1007 = arith.index_cast %add3A_998 : i32 to index
          %get3A_1008 = arith.constant 144 : index
          %get3A_1009 = tpu.vector_load %arg6[%get3A_1007, %get3A_1008] {strides = array<i32>} : memref<112x256xf32, #tpu.memory_space<vmem>>, vector<16xf32>,
          %add3A_1010 = arith.addf %add3A_944, %get3A_1009 : vector<16xf32>
          %mul3A_1011 = arith.mulf %get3A_1009, %get3A_1009 : vector<16xf32>
          %add3A_1012 = arith.addf %add3A_946, %mul3A_1011 : vector<16xf32>
          %max3A_1013 = arith.maximumf %max3A_947, %get3A_1009 : vector<16xf32>
          %min3A_1014 = arith.minimumf %min3A_948, %get3A_1009 : vector<16xf32>
          %get3A_1015 = arith.index_cast %add3A_998 : i32 to index
          %get3A_1016 = arith.constant 160 : index
          %get3A_1017 = tpu.vector_load %arg6[%get3A_1015, %get3A_1016] {strides = array<i32>} : memref<112x256xf32, #tpu.memory_space<vmem>>, vector<16xf32>,
          %add3A_1018 = arith.addf %add3A_952, %get3A_1017 : vector<16xf32>
          %mul3A_1019 = arith.mulf %get3A_1017, %get3A_1017 : vector<16xf32>
          %add3A_1020 = arith.addf %add3A_954, %mul3A_1019 : vector<16xf32>
          %max3A_1021 = arith.maximumf %max3A_955, %get3A_1017 : vector<16xf32>
          %min3A_1022 = arith.minimumf %min3A_956, %get3A_1017 : vector<16xf32>
          %get3A_1023 = arith.index_cast %add3A_998 : i32 to index
          %get3A_1024 = arith.constant 176 : index
          %get3A_1025 = tpu.vector_load %arg6[%get3A_1023, %get3A_1024] {strides = array<i32>} : memref<112x256xf32, #tpu.memory_space<vmem>>, vector<16xf32>,
          %add3A_1026 = arith.addf %add3A_960, %get3A_1025 : vector<16xf32>
          %mul3A_1027 = arith.mulf %get3A_1025, %get3A_1025 : vector<16xf32>
          %add3A_1028 = arith.addf %add3A_962, %mul3A_1027 : vector<16xf32>
          %max3A_1029 = arith.maximumf %max3A_963, %get3A_1025 : vector<16xf32>
          %min3A_1030 = arith.minimumf %min3A_964, %get3A_1025 : vector<16xf32>
          %get3A_1031 = arith.index_cast %add3A_998 : i32 to index
          %get3A_1032 = arith.constant 192 : index
          %get3A_1033 = tpu.vector_load %arg6[%get3A_1031, %get3A_1032] {strides = array<i32>} : memref<112x256xf32, #tpu.memory_space<vmem>>, vector<16xf32>,
          %add3A_1034 = arith.addf %add3A_968, %get3A_1033 : vector<16xf32>
          %mul3A_1035 = arith.mulf %get3A_1033, %get3A_1033 : vector<16xf32>
          %add3A_1036 = arith.addf %add3A_970, %mul3A_1035 : vector<16xf32>
          %max3A_1037 = arith.maximumf %max3A_971, %get3A_1033 : vector<16xf32>
          %min3A_1038 = arith.minimumf %min3A_972, %get3A_1033 : vector<16xf32>
          %get3A_1039 = arith.index_cast %add3A_998 : i32 to index
          %get3A_1040 = arith.constant 208 : index
          %get3A_1041 = tpu.vector_load %arg6[%get3A_1039, %get3A_1040] {strides = array<i32>} : memref<112x256xf32, #tpu.memory_space<vmem>>, vector<16xf32>,
          %add3A_1042 = arith.addf %add3A_976, %get3A_1041 : vector<16xf32>
          %mul3A_1043 = arith.mulf %get3A_1041, %get3A_1041 : vector<16xf32>
          %add3A_1044 = arith.addf %add3A_978, %mul3A_1043 : vector<16xf32>
          %max3A_1045 = arith.maximumf %max3A_979, %get3A_1041 : vector<16xf32>
          %min3A_1046 = arith.minimumf %min3A_980, %get3A_1041 : vector<16xf32>
          %get3A_1047 = arith.index_cast %add3A_998 : i32 to index
          %get3A_1048 = arith.constant 224 : index
          %get3A_1049 = tpu.vector_load %arg6[%get3A_1047, %get3A_1048] {strides = array<i32>} : memref<112x256xf32, #tpu.memory_space<vmem>>, vector<16xf32>,
          %add3A_1050 = arith.addf %add3A_984, %get3A_1049 : vector<16xf32>
          %mul3A_1051 = arith.mulf %get3A_1049, %get3A_1049 : vector<16xf32>
          %add3A_1052 = arith.addf %add3A_986, %mul3A_1051 : vector<16xf32>
          %max3A_1053 = arith.maximumf %max3A_987, %get3A_1049 : vector<16xf32>
          %min3A_1054 = arith.minimumf %min3A_988, %get3A_1049 : vector<16xf32>
          %get3A_1055 = arith.index_cast %add3A_998 : i32 to index
          %get3A_1056 = arith.constant 240 : index
          %get3A_1057 = tpu.vector_load %arg6[%get3A_1055, %get3A_1056] {strides = array<i32>} : memref<112x256xf32, #tpu.memory_space<vmem>>, vector<16xf32>,
          %add3A_1058 = arith.addf %add3A_992, %get3A_1057 : vector<16xf32>
          %mul3A_1059 = arith.mulf %get3A_1057, %get3A_1057 : vector<16xf32>
          %add3A_1060 = arith.addf %add3A_994, %mul3A_1059 : vector<16xf32>
          %max3A_1061 = arith.maximumf %max3A_995, %get3A_1057 : vector<16xf32>
          %min3A_1062 = arith.minimumf %min3A_996, %get3A_1057 : vector<16xf32>
          scf.yield %add3A_1002, %add3A_1010, %add3A_1018, %add3A_1026, %add3A_1034, %add3A_1042, %add3A_1050, %add3A_1058, %add3A_1004, %add3A_1012, %add3A_1020, %add3A_1028, %add3A_1036, %add3A_1044, %add3A_1052, %add3A_1060, %max3A_1005, %max3A_1013, %max3A_1021, %max3A_1029, %max3A_1037, %max3A_1045, %max3A_1053, %max3A_1061, %min3A_1006, %min3A_1014, %min3A_1022, %min3A_1030, %min3A_1038, %min3A_1046, %min3A_1054, %min3A_1062 : vector<16xf32>, vector<16xf32>, vector<16xf32>, vector<16xf32>, vector<16xf32>, vector<16xf32>, vector<16xf32>, vector<16xf32>, vector<16xf32>, vector<16xf32>, vector<16xf32>, vector<16xf32>, vector<16xf32>, vector<16xf32>, vector<16xf32>, vector<16xf32>, vector<16xf32>, vector<16xf32>, vector<16xf32>, vector<16xf32>, vector<16xf32>, vector<16xf32>, vector<16xf32>, vector<16xf32>, vector<16xf32>, vector<16xf32>, vector<16xf32>, vector<16xf32>, vector<16xf32>, vector<16xf32>, vector<16xf32>, vector<16xf32>
        }
        %while3A_699 = arith.constant 1 : i32
        %while3A_700:32 = scf.for %while3A_898 = %while3A_696 to %while3A_692 step %while3A_699 iter_args(%while3A_899 = %while3A_698#0, %while3A_900 = %while3A_698#1, %while3A_901 = %while3A_698#2, %while3A_902 = %while3A_698#3, %while3A_903 = %while3A_698#4, %while3A_904 = %while3A_698#5, %while3A_905 = %while3A_698#6, %while3A_906 = %while3A_698#7, %while3A_907 = %while3A_698#8, %while3A_908 = %while3A_698#9, %while3A_909 = %while3A_698#10, %while3A_910 = %while3A_698#11, %while3A_911 = %while3A_698#12, %while3A_912 = %while3A_698#13, %while3A_913 = %while3A_698#14, %while3A_914 = %while3A_698#15, %while3A_915 = %while3A_698#16, %while3A_916 = %while3A_698#17, %while3A_917 = %while3A_698#18, %while3A_918 = %while3A_698#19, %while3A_919 = %while3A_698#20, %while3A_920 = %while3A_698#21, %while3A_921 = %while3A_698#22, %while3A_922 = %while3A_698#23, %while3A_923 = %while3A_698#24, %while3A_924 = %while3A_698#25, %while3A_925 = %while3A_698#26, %while3A_926 = %while3A_698#27, %while3A_927 = %while3A_698#28, %while3A_928 = %while3A_698#29, %while3A_929 = %while3A_698#30, %while3A_930 = %while3A_698#31) -> (vector<16xf32>, vector<16xf32>, vector<16xf32>, vector<16xf32>, vector<16xf32>, vector<16xf32>, vector<16xf32>, vector<16xf32>, vector<16xf32>, vector<16xf32>, vector<16xf32>, vector<16xf32>, vector<16xf32>, vector<16xf32>, vector<16xf32>, vector<16xf32>, vector<16xf32>, vector<16xf32>, vector<16xf32>, vector<16xf32>, vector<16xf32>, vector<16xf32>, vector<16xf32>, vector<16xf32>, vector<16xf32>, vector<16xf32>, vector<16xf32>, vector<16xf32>, vector<16xf32>, vector<16xf32>, vector<16xf32>, vector<16xf32>)  : i32 {
          %mul3A_931 = arith.constant 2 : i32
          %mul3A_932 = arith.muli %mul3A_931, %while3A_898 : i32
          %add3A_933 = arith.addi %while3A_120, %mul3A_932 : i32
          %get3A_934 = arith.index_cast %add3A_933 : i32 to index
          %get3A_935 = arith.constant 128 : index
          %get3A_936 = tpu.vector_load %arg6[%get3A_934, %get3A_935] {strides = array<i32>} : memref<112x256xf32, #tpu.memory_space<vmem>>, vector<16xf32>,
          %add3A_937 = arith.addf %while3A_899, %get3A_936 : vector<16xf32>
          %mul3A_938 = arith.mulf %get3A_936, %get3A_936 : vector<16xf32>
          %add3A_939 = arith.addf %while3A_907, %mul3A_938 : vector<16xf32>
          %max3A = arith.maximumf %while3A_915, %get3A_936 : vector<16xf32>
          %min3A_940 = arith.minimumf %while3A_923, %get3A_936 : vector<16xf32>
          %get3A_941 = arith.index_cast %add3A_933 : i32 to index
          %get3A_942 = arith.constant 144 : index
          %get3A_943 = tpu.vector_load %arg6[%get3A_941, %get3A_942] {strides = array<i32>} : memref<112x256xf32, #tpu.memory_space<vmem>>, vector<16xf32>,
          %add3A_944 = arith.addf %while3A_900, %get3A_943 : vector<16xf32>
          %mul3A_945 = arith.mulf %get3A_943, %get3A_943 : vector<16xf32>
          %add3A_946 = arith.addf %while3A_908, %mul3A_945 : vector<16xf32>
          %max3A_947 = arith.maximumf %while3A_916, %get3A_943 : vector<16xf32>
          %min3A_948 = arith.minimumf %while3A_924, %get3A_943 : vector<16xf32>
          %get3A_949 = arith.index_cast %add3A_933 : i32 to index
          %get3A_950 = arith.constant 160 : index
          %get3A_951 = tpu.vector_load %arg6[%get3A_949, %get3A_950] {strides = array<i32>} : memref<112x256xf32, #tpu.memory_space<vmem>>, vector<16xf32>,
          %add3A_952 = arith.addf %while3A_901, %get3A_951 : vector<16xf32>
          %mul3A_953 = arith.mulf %get3A_951, %get3A_951 : vector<16xf32>
          %add3A_954 = arith.addf %while3A_909, %mul3A_953 : vector<16xf32>
          %max3A_955 = arith.maximumf %while3A_917, %get3A_951 : vector<16xf32>
          %min3A_956 = arith.minimumf %while3A_925, %get3A_951 : vector<16xf32>
          %get3A_957 = arith.index_cast %add3A_933 : i32 to index
          %get3A_958 = arith.constant 176 : index
          %get3A_959 = tpu.vector_load %arg6[%get3A_957, %get3A_958] {strides = array<i32>} : memref<112x256xf32, #tpu.memory_space<vmem>>, vector<16xf32>,
          %add3A_960 = arith.addf %while3A_902, %get3A_959 : vector<16xf32>
          %mul3A_961 = arith.mulf %get3A_959, %get3A_959 : vector<16xf32>
          %add3A_962 = arith.addf %while3A_910, %mul3A_961 : vector<16xf32>
          %max3A_963 = arith.maximumf %while3A_918, %get3A_959 : vector<16xf32>
          %min3A_964 = arith.minimumf %while3A_926, %get3A_959 : vector<16xf32>
          %get3A_965 = arith.index_cast %add3A_933 : i32 to index
          %get3A_966 = arith.constant 192 : index
          %get3A_967 = tpu.vector_load %arg6[%get3A_965, %get3A_966] {strides = array<i32>} : memref<112x256xf32, #tpu.memory_space<vmem>>, vector<16xf32>,
          %add3A_968 = arith.addf %while3A_903, %get3A_967 : vector<16xf32>
          %mul3A_969 = arith.mulf %get3A_967, %get3A_967 : vector<16xf32>
          %add3A_970 = arith.addf %while3A_911, %mul3A_969 : vector<16xf32>
          %max3A_971 = arith.maximumf %while3A_919, %get3A_967 : vector<16xf32>
          %min3A_972 = arith.minimumf %while3A_927, %get3A_967 : vector<16xf32>
          %get3A_973 = arith.index_cast %add3A_933 : i32 to index
          %get3A_974 = arith.constant 208 : index
          %get3A_975 = tpu.vector_load %arg6[%get3A_973, %get3A_974] {strides = array<i32>} : memref<112x256xf32, #tpu.memory_space<vmem>>, vector<16xf32>,
          %add3A_976 = arith.addf %while3A_904, %get3A_975 : vector<16xf32>
          %mul3A_977 = arith.mulf %get3A_975, %get3A_975 : vector<16xf32>
          %add3A_978 = arith.addf %while3A_912, %mul3A_977 : vector<16xf32>
          %max3A_979 = arith.maximumf %while3A_920, %get3A_975 : vector<16xf32>
          %min3A_980 = arith.minimumf %while3A_928, %get3A_975 : vector<16xf32>
          %get3A_981 = arith.index_cast %add3A_933 : i32 to index
          %get3A_982 = arith.constant 224 : index
          %get3A_983 = tpu.vector_load %arg6[%get3A_981, %get3A_982] {strides = array<i32>} : memref<112x256xf32, #tpu.memory_space<vmem>>, vector<16xf32>,
          %add3A_984 = arith.addf %while3A_905, %get3A_983 : vector<16xf32>
          %mul3A_985 = arith.mulf %get3A_983, %get3A_983 : vector<16xf32>
          %add3A_986 = arith.addf %while3A_913, %mul3A_985 : vector<16xf32>
          %max3A_987 = arith.maximumf %while3A_921, %get3A_983 : vector<16xf32>
          %min3A_988 = arith.minimumf %while3A_929, %get3A_983 : vector<16xf32>
          %get3A_989 = arith.index_cast %add3A_933 : i32 to index
          %get3A_990 = arith.constant 240 : index
          %get3A_991 = tpu.vector_load %arg6[%get3A_989, %get3A_990] {strides = array<i32>} : memref<112x256xf32, #tpu.memory_space<vmem>>, vector<16xf32>,
          %add3A_992 = arith.addf %while3A_906, %get3A_991 : vector<16xf32>
          %mul3A_993 = arith.mulf %get3A_991, %get3A_991 : vector<16xf32>
          %add3A_994 = arith.addf %while3A_914, %mul3A_993 : vector<16xf32>
          %max3A_995 = arith.maximumf %while3A_922, %get3A_991 : vector<16xf32>
          %min3A_996 = arith.minimumf %while3A_930, %get3A_991 : vector<16xf32>
          %add3A_997 = arith.constant 1 : i32
          %add3A_998 = arith.addi %add3A_933, %add3A_997 : i32
          %get3A_999 = arith.index_cast %add3A_998 : i32 to index
          %get3A_1000 = arith.constant 128 : index
          %get3A_1001 = tpu.vector_load %arg6[%get3A_999, %get3A_1000] {strides = array<i32>} : memref<112x256xf32, #tpu.memory_space<vmem>>, vector<16xf32>,
          %add3A_1002 = arith.addf %add3A_937, %get3A_1001 : vector<16xf32>
          %mul3A_1003 = arith.mulf %get3A_1001, %get3A_1001 : vector<16xf32>
          %add3A_1004 = arith.addf %add3A_939, %mul3A_1003 : vector<16xf32>
          %max3A_1005 = arith.maximumf %max3A, %get3A_1001 : vector<16xf32>
          %min3A_1006 = arith.minimumf %min3A_940, %get3A_1001 : vector<16xf32>
          %get3A_1007 = arith.index_cast %add3A_998 : i32 to index
          %get3A_1008 = arith.constant 144 : index
          %get3A_1009 = tpu.vector_load %arg6[%get3A_1007, %get3A_1008] {strides = array<i32>} : memref<112x256xf32, #tpu.memory_space<vmem>>, vector<16xf32>,
          %add3A_1010 = arith.addf %add3A_944, %get3A_1009 : vector<16xf32>
          %mul3A_1011 = arith.mulf %get3A_1009, %get3A_1009 : vector<16xf32>
          %add3A_1012 = arith.addf %add3A_946, %mul3A_1011 : vector<16xf32>
          %max3A_1013 = arith.maximumf %max3A_947, %get3A_1009 : vector<16xf32>
          %min3A_1014 = arith.minimumf %min3A_948, %get3A_1009 : vector<16xf32>
          %get3A_1015 = arith.index_cast %add3A_998 : i32 to index
          %get3A_1016 = arith.constant 160 : index
          %get3A_1017 = tpu.vector_load %arg6[%get3A_1015, %get3A_1016] {strides = array<i32>} : memref<112x256xf32, #tpu.memory_space<vmem>>, vector<16xf32>,
          %add3A_1018 = arith.addf %add3A_952, %get3A_1017 : vector<16xf32>
          %mul3A_1019 = arith.mulf %get3A_1017, %get3A_1017 : vector<16xf32>
          %add3A_1020 = arith.addf %add3A_954, %mul3A_1019 : vector<16xf32>
          %max3A_1021 = arith.maximumf %max3A_955, %get3A_1017 : vector<16xf32>
          %min3A_1022 = arith.minimumf %min3A_956, %get3A_1017 : vector<16xf32>
          %get3A_1023 = arith.index_cast %add3A_998 : i32 to index
          %get3A_1024 = arith.constant 176 : index
          %get3A_1025 = tpu.vector_load %arg6[%get3A_1023, %get3A_1024] {strides = array<i32>} : memref<112x256xf32, #tpu.memory_space<vmem>>, vector<16xf32>,
          %add3A_1026 = arith.addf %add3A_960, %get3A_1025 : vector<16xf32>
          %mul3A_1027 = arith.mulf %get3A_1025, %get3A_1025 : vector<16xf32>
          %add3A_1028 = arith.addf %add3A_962, %mul3A_1027 : vector<16xf32>
          %max3A_1029 = arith.maximumf %max3A_963, %get3A_1025 : vector<16xf32>
          %min3A_1030 = arith.minimumf %min3A_964, %get3A_1025 : vector<16xf32>
          %get3A_1031 = arith.index_cast %add3A_998 : i32 to index
          %get3A_1032 = arith.constant 192 : index
          %get3A_1033 = tpu.vector_load %arg6[%get3A_1031, %get3A_1032] {strides = array<i32>} : memref<112x256xf32, #tpu.memory_space<vmem>>, vector<16xf32>,
          %add3A_1034 = arith.addf %add3A_968, %get3A_1033 : vector<16xf32>
          %mul3A_1035 = arith.mulf %get3A_1033, %get3A_1033 : vector<16xf32>
          %add3A_1036 = arith.addf %add3A_970, %mul3A_1035 : vector<16xf32>
          %max3A_1037 = arith.maximumf %max3A_971, %get3A_1033 : vector<16xf32>
          %min3A_1038 = arith.minimumf %min3A_972, %get3A_1033 : vector<16xf32>
          %get3A_1039 = arith.index_cast %add3A_998 : i32 to index
          %get3A_1040 = arith.constant 208 : index
          %get3A_1041 = tpu.vector_load %arg6[%get3A_1039, %get3A_1040] {strides = array<i32>} : memref<112x256xf32, #tpu.memory_space<vmem>>, vector<16xf32>,
          %add3A_1042 = arith.addf %add3A_976, %get3A_1041 : vector<16xf32>
          %mul3A_1043 = arith.mulf %get3A_1041, %get3A_1041 : vector<16xf32>
          %add3A_1044 = arith.addf %add3A_978, %mul3A_1043 : vector<16xf32>
          %max3A_1045 = arith.maximumf %max3A_979, %get3A_1041 : vector<16xf32>
          %min3A_1046 = arith.minimumf %min3A_980, %get3A_1041 : vector<16xf32>
          %get3A_1047 = arith.index_cast %add3A_998 : i32 to index
          %get3A_1048 = arith.constant 224 : index
          %get3A_1049 = tpu.vector_load %arg6[%get3A_1047, %get3A_1048] {strides = array<i32>} : memref<112x256xf32, #tpu.memory_space<vmem>>, vector<16xf32>,
          %add3A_1050 = arith.addf %add3A_984, %get3A_1049 : vector<16xf32>
          %mul3A_1051 = arith.mulf %get3A_1049, %get3A_1049 : vector<16xf32>
          %add3A_1052 = arith.addf %add3A_986, %mul3A_1051 : vector<16xf32>
          %max3A_1053 = arith.maximumf %max3A_987, %get3A_1049 : vector<16xf32>
          %min3A_1054 = arith.minimumf %min3A_988, %get3A_1049 : vector<16xf32>
          %get3A_1055 = arith.index_cast %add3A_998 : i32 to index
          %get3A_1056 = arith.constant 240 : index
          %get3A_1057 = tpu.vector_load %arg6[%get3A_1055, %get3A_1056] {strides = array<i32>} : memref<112x256xf32, #tpu.memory_space<vmem>>, vector<16xf32>,
          %add3A_1058 = arith.addf %add3A_992, %get3A_1057 : vector<16xf32>
          %mul3A_1059 = arith.mulf %get3A_1057, %get3A_1057 : vector<16xf32>
          %add3A_1060 = arith.addf %add3A_994, %mul3A_1059 : vector<16xf32>
          %max3A_1061 = arith.maximumf %max3A_995, %get3A_1057 : vector<16xf32>
          %min3A_1062 = arith.minimumf %min3A_996, %get3A_1057 : vector<16xf32>
          scf.yield %add3A_1002, %add3A_1010, %add3A_1018, %add3A_1026, %add3A_1034, %add3A_1042, %add3A_1050, %add3A_1058, %add3A_1004, %add3A_1012, %add3A_1020, %add3A_1028, %add3A_1036, %add3A_1044, %add3A_1052, %add3A_1060, %max3A_1005, %max3A_1013, %max3A_1021, %max3A_1029, %max3A_1037, %max3A_1045, %max3A_1053, %max3A_1061, %min3A_1006, %min3A_1014, %min3A_1022, %min3A_1030, %min3A_1038, %min3A_1046, %min3A_1054, %min3A_1062 : vector<16xf32>, vector<16xf32>, vector<16xf32>, vector<16xf32>, vector<16xf32>, vector<16xf32>, vector<16xf32>, vector<16xf32>, vector<16xf32>, vector<16xf32>, vector<16xf32>, vector<16xf32>, vector<16xf32>, vector<16xf32>, vector<16xf32>, vector<16xf32>, vector<16xf32>, vector<16xf32>, vector<16xf32>, vector<16xf32>, vector<16xf32>, vector<16xf32>, vector<16xf32>, vector<16xf32>, vector<16xf32>, vector<16xf32>, vector<16xf32>, vector<16xf32>, vector<16xf32>, vector<16xf32>, vector<16xf32>, vector<16xf32>
        }
        %sub3A_701 = arith.subi %min3A_131, %while3A_120 : i32
        %jit3A_702 = arith.constant 2 : i32
        %eq3A_703 = arith.constant 0 : i32
        %eq3A_704 = arith.cmpi eq, %jit3A_702, %eq3A_703 : i32
        %jit3A_705 = arith.constant 1 : i32
        %select_n3A_706 = arith.select %eq3A_704, %jit3A_705, %jit3A_702 : i32
        %rem3A_707 = arith.remsi %sub3A_701, %select_n3A_706 : i32
        %ne3A_708 = arith.constant 0 : i32
        %ne3A_709 = arith.cmpi ne, %rem3A_707, %ne3A_708 : i32
        %lt3A_710 = arith.constant 0 : i32
        %lt3A_711 = arith.cmpi slt, %rem3A_707, %lt3A_710 : i32
        %lt3A_712 = arith.constant 0 : i32
        %lt3A_713 = arith.cmpi slt, %select_n3A_706, %lt3A_712 : i32
        %ne3A_714 = arith.xori %lt3A_711, %lt3A_713 : i1
        %and3A_715 = arith.andi %ne3A_714, %ne3A_709 : i1
        %add3A_716 = arith.addi %rem3A_707, %select_n3A_706 : i32
        %select_n3A_717 = arith.select %and3A_715, %add3A_716, %rem3A_707 : i32
        %eq3A_718 = arith.constant 1 : i32
        %eq3A_719 = arith.cmpi eq, %select_n3A_717, %eq3A_718 : i32
        %convert_element_type3A_720 = arith.extui %eq3A_719 : i1 to i32
        %cond3A_721 = arith.constant 0 : i32
        %cond3A_722 = arith.cmpi ne, %convert_element_type3A_720, %cond3A_721 : i32
        %cond3A_723:32 = scf.if %cond3A_722 -> (vector<16xf32>, vector<16xf32>, vector<16xf32>, vector<16xf32>, vector<16xf32>, vector<16xf32>, vector<16xf32>, vector<16xf32>, vector<16xf32>, vector<16xf32>, vector<16xf32>, vector<16xf32>, vector<16xf32>, vector<16xf32>, vector<16xf32>, vector<16xf32>, vector<16xf32>, vector<16xf32>, vector<16xf32>, vector<16xf32>, vector<16xf32>, vector<16xf32>, vector<16xf32>, vector<16xf32>, vector<16xf32>, vector<16xf32>, vector<16xf32>, vector<16xf32>, vector<16xf32>, vector<16xf32>, vector<16xf32>, vector<16xf32>) {
          %sub3A_898 = arith.constant 1 : i32
          %sub3A_899 = arith.subi %min3A_131, %sub3A_898 : i32
          %get3A_900 = arith.index_cast %sub3A_899 : i32 to index
          %get3A_901 = arith.constant 128 : index
          %get3A_902 = tpu.vector_load %arg6[%get3A_900, %get3A_901] {strides = array<i32>} : memref<112x256xf32, #tpu.memory_space<vmem>>, vector<16xf32>,
          %add3A_903 = arith.addf %while3A_700#0, %get3A_902 : vector<16xf32>
          %mul3A_904 = arith.mulf %get3A_902, %get3A_902 : vector<16xf32>
          %add3A_905 = arith.addf %while3A_700#8, %mul3A_904 : vector<16xf32>
          %max3A = arith.maximumf %while3A_700#16, %get3A_902 : vector<16xf32>
          %min3A_906 = arith.minimumf %while3A_700#24, %get3A_902 : vector<16xf32>
          %get3A_907 = arith.index_cast %sub3A_899 : i32 to index
          %get3A_908 = arith.constant 144 : index
          %get3A_909 = tpu.vector_load %arg6[%get3A_907, %get3A_908] {strides = array<i32>} : memref<112x256xf32, #tpu.memory_space<vmem>>, vector<16xf32>,
          %add3A_910 = arith.addf %while3A_700#1, %get3A_909 : vector<16xf32>
          %mul3A_911 = arith.mulf %get3A_909, %get3A_909 : vector<16xf32>
          %add3A_912 = arith.addf %while3A_700#9, %mul3A_911 : vector<16xf32>
          %max3A_913 = arith.maximumf %while3A_700#17, %get3A_909 : vector<16xf32>
          %min3A_914 = arith.minimumf %while3A_700#25, %get3A_909 : vector<16xf32>
          %get3A_915 = arith.index_cast %sub3A_899 : i32 to index
          %get3A_916 = arith.constant 160 : index
          %get3A_917 = tpu.vector_load %arg6[%get3A_915, %get3A_916] {strides = array<i32>} : memref<112x256xf32, #tpu.memory_space<vmem>>, vector<16xf32>,
          %add3A_918 = arith.addf %while3A_700#2, %get3A_917 : vector<16xf32>
          %mul3A_919 = arith.mulf %get3A_917, %get3A_917 : vector<16xf32>
          %add3A_920 = arith.addf %while3A_700#10, %mul3A_919 : vector<16xf32>
          %max3A_921 = arith.maximumf %while3A_700#18, %get3A_917 : vector<16xf32>
          %min3A_922 = arith.minimumf %while3A_700#26, %get3A_917 : vector<16xf32>
          %get3A_923 = arith.index_cast %sub3A_899 : i32 to index
          %get3A_924 = arith.constant 176 : index
          %get3A_925 = tpu.vector_load %arg6[%get3A_923, %get3A_924] {strides = array<i32>} : memref<112x256xf32, #tpu.memory_space<vmem>>, vector<16xf32>,
          %add3A_926 = arith.addf %while3A_700#3, %get3A_925 : vector<16xf32>
          %mul3A_927 = arith.mulf %get3A_925, %get3A_925 : vector<16xf32>
          %add3A_928 = arith.addf %while3A_700#11, %mul3A_927 : vector<16xf32>
          %max3A_929 = arith.maximumf %while3A_700#19, %get3A_925 : vector<16xf32>
          %min3A_930 = arith.minimumf %while3A_700#27, %get3A_925 : vector<16xf32>
          %get3A_931 = arith.index_cast %sub3A_899 : i32 to index
          %get3A_932 = arith.constant 192 : index
          %get3A_933 = tpu.vector_load %arg6[%get3A_931, %get3A_932] {strides = array<i32>} : memref<112x256xf32, #tpu.memory_space<vmem>>, vector<16xf32>,
          %add3A_934 = arith.addf %while3A_700#4, %get3A_933 : vector<16xf32>
          %mul3A_935 = arith.mulf %get3A_933, %get3A_933 : vector<16xf32>
          %add3A_936 = arith.addf %while3A_700#12, %mul3A_935 : vector<16xf32>
          %max3A_937 = arith.maximumf %while3A_700#20, %get3A_933 : vector<16xf32>
          %min3A_938 = arith.minimumf %while3A_700#28, %get3A_933 : vector<16xf32>
          %get3A_939 = arith.index_cast %sub3A_899 : i32 to index
          %get3A_940 = arith.constant 208 : index
          %get3A_941 = tpu.vector_load %arg6[%get3A_939, %get3A_940] {strides = array<i32>} : memref<112x256xf32, #tpu.memory_space<vmem>>, vector<16xf32>,
          %add3A_942 = arith.addf %while3A_700#5, %get3A_941 : vector<16xf32>
          %mul3A_943 = arith.mulf %get3A_941, %get3A_941 : vector<16xf32>
          %add3A_944 = arith.addf %while3A_700#13, %mul3A_943 : vector<16xf32>
          %max3A_945 = arith.maximumf %while3A_700#21, %get3A_941 : vector<16xf32>
          %min3A_946 = arith.minimumf %while3A_700#29, %get3A_941 : vector<16xf32>
          %get3A_947 = arith.index_cast %sub3A_899 : i32 to index
          %get3A_948 = arith.constant 224 : index
          %get3A_949 = tpu.vector_load %arg6[%get3A_947, %get3A_948] {strides = array<i32>} : memref<112x256xf32, #tpu.memory_space<vmem>>, vector<16xf32>,
          %add3A_950 = arith.addf %while3A_700#6, %get3A_949 : vector<16xf32>
          %mul3A_951 = arith.mulf %get3A_949, %get3A_949 : vector<16xf32>
          %add3A_952 = arith.addf %while3A_700#14, %mul3A_951 : vector<16xf32>
          %max3A_953 = arith.maximumf %while3A_700#22, %get3A_949 : vector<16xf32>
          %min3A_954 = arith.minimumf %while3A_700#30, %get3A_949 : vector<16xf32>
          %get3A_955 = arith.index_cast %sub3A_899 : i32 to index
          %get3A_956 = arith.constant 240 : index
          %get3A_957 = tpu.vector_load %arg6[%get3A_955, %get3A_956] {strides = array<i32>} : memref<112x256xf32, #tpu.memory_space<vmem>>, vector<16xf32>,
          %add3A_958 = arith.addf %while3A_700#7, %get3A_957 : vector<16xf32>
          %mul3A_959 = arith.mulf %get3A_957, %get3A_957 : vector<16xf32>
          %add3A_960 = arith.addf %while3A_700#15, %mul3A_959 : vector<16xf32>
          %max3A_961 = arith.maximumf %while3A_700#23, %get3A_957 : vector<16xf32>
          %min3A_962 = arith.minimumf %while3A_700#31, %get3A_957 : vector<16xf32>
          scf.yield %add3A_903, %add3A_910, %add3A_918, %add3A_926, %add3A_934, %add3A_942, %add3A_950, %add3A_958, %add3A_905, %add3A_912, %add3A_920, %add3A_928, %add3A_936, %add3A_944, %add3A_952, %add3A_960, %max3A, %max3A_913, %max3A_921, %max3A_929, %max3A_937, %max3A_945, %max3A_953, %max3A_961, %min3A_906, %min3A_914, %min3A_922, %min3A_930, %min3A_938, %min3A_946, %min3A_954, %min3A_962 : vector<16xf32>, vector<16xf32>, vector<16xf32>, vector<16xf32>, vector<16xf32>, vector<16xf32>, vector<16xf32>, vector<16xf32>, vector<16xf32>, vector<16xf32>, vector<16xf32>, vector<16xf32>, vector<16xf32>, vector<16xf32>, vector<16xf32>, vector<16xf32>, vector<16xf32>, vector<16xf32>, vector<16xf32>, vector<16xf32>, vector<16xf32>, vector<16xf32>, vector<16xf32>, vector<16xf32>, vector<16xf32>, vector<16xf32>, vector<16xf32>, vector<16xf32>, vector<16xf32>, vector<16xf32>, vector<16xf32>, vector<16xf32>
        } else {
          scf.yield %while3A_700#0, %while3A_700#1, %while3A_700#2, %while3A_700#3, %while3A_700#4, %while3A_700#5, %while3A_700#6, %while3A_700#7, %while3A_700#8, %while3A_700#9, %while3A_700#10, %while3A_700#11, %while3A_700#12, %while3A_700#13, %while3A_700#14, %while3A_700#15, %while3A_700#16, %while3A_700#17, %while3A_700#18, %while3A_700#19, %while3A_700#20, %while3A_700#21, %while3A_700#22, %while3A_700#23, %while3A_700#24, %while3A_700#25, %while3A_700#26, %while3A_700#27, %while3A_700#28, %while3A_700#29, %while3A_700#30, %while3A_700#31 : vector<16xf32>, vector<16xf32>, vector<16xf32>, vector<16xf32>, vector<16xf32>, vector<16xf32>, vector<16xf32>, vector<16xf32>, vector<16xf32>, vector<16xf32>, vector<16xf32>, vector<16xf32>, vector<16xf32>, vector<16xf32>, vector<16xf32>, vector<16xf32>, vector<16xf32>, vector<16xf32>, vector<16xf32>, vector<16xf32>, vector<16xf32>, vector<16xf32>, vector<16xf32>, vector<16xf32>, vector<16xf32>, vector<16xf32>, vector<16xf32>, vector<16xf32>, vector<16xf32>, vector<16xf32>, vector<16xf32>, vector<16xf32>
        }
        %swap3A_724 = arith.constant 0 : i32
        %swap3A_725 = arith.index_cast %swap3A_724 : i32 to index
        %swap3A_726 = arith.index_cast %squeeze3A : i32 to index
        %swap3A_727 = arith.constant 128 : index
        %swap3A_728 = tpu.vector_load %arg9[%swap3A_725, %swap3A_726, %swap3A_727] {strides = array<i32>} : memref<4x64x256xf32, #tpu.memory_space<vmem>>, vector<16xf32>,
        tpu.vector_store %arg9[%swap3A_725, %swap3A_726, %swap3A_727], %cond3A_723#0 {strides = array<i32>} : memref<4x64x256xf32, #tpu.memory_space<vmem>>, vector<16xf32>,
        %swap3A_729 = arith.constant 1 : i32
        %swap3A_730 = arith.index_cast %swap3A_729 : i32 to index
        %swap3A_731 = arith.index_cast %squeeze3A : i32 to index
        %swap3A_732 = arith.constant 128 : index
        %swap3A_733 = tpu.vector_load %arg9[%swap3A_730, %swap3A_731, %swap3A_732] {strides = array<i32>} : memref<4x64x256xf32, #tpu.memory_space<vmem>>, vector<16xf32>,
        tpu.vector_store %arg9[%swap3A_730, %swap3A_731, %swap3A_732], %cond3A_723#8 {strides = array<i32>} : memref<4x64x256xf32, #tpu.memory_space<vmem>>, vector<16xf32>,
        %swap3A_734 = arith.constant 2 : i32
        %swap3A_735 = arith.index_cast %swap3A_734 : i32 to index
        %swap3A_736 = arith.index_cast %squeeze3A : i32 to index
        %swap3A_737 = arith.constant 128 : index
        %swap3A_738 = tpu.vector_load %arg9[%swap3A_735, %swap3A_736, %swap3A_737] {strides = array<i32>} : memref<4x64x256xf32, #tpu.memory_space<vmem>>, vector<16xf32>,
        tpu.vector_store %arg9[%swap3A_735, %swap3A_736, %swap3A_737], %cond3A_723#16 {strides = array<i32>} : memref<4x64x256xf32, #tpu.memory_space<vmem>>, vector<16xf32>,
        %swap3A_739 = arith.constant 3 : i32
        %swap3A_740 = arith.index_cast %swap3A_739 : i32 to index
        %swap3A_741 = arith.index_cast %squeeze3A : i32 to index
        %swap3A_742 = arith.constant 128 : index
        %swap3A_743 = tpu.vector_load %arg9[%swap3A_740, %swap3A_741, %swap3A_742] {strides = array<i32>} : memref<4x64x256xf32, #tpu.memory_space<vmem>>, vector<16xf32>,
        tpu.vector_store %arg9[%swap3A_740, %swap3A_741, %swap3A_742], %cond3A_723#24 {strides = array<i32>} : memref<4x64x256xf32, #tpu.memory_space<vmem>>, vector<16xf32>,
        %swap3A_744 = arith.constant 0 : i32
        %swap3A_745 = arith.index_cast %swap3A_744 : i32 to index
        %swap3A_746 = arith.index_cast %squeeze3A : i32 to index
        %swap3A_747 = arith.constant 144 : index
        %swap3A_748 = tpu.vector_load %arg9[%swap3A_745, %swap3A_746, %swap3A_747] {strides = array<i32>} : memref<4x64x256xf32, #tpu.memory_space<vmem>>, vector<16xf32>,
        tpu.vector_store %arg9[%swap3A_745, %swap3A_746, %swap3A_747], %cond3A_723#1 {strides = array<i32>} : memref<4x64x256xf32, #tpu.memory_space<vmem>>, vector<16xf32>,
        %swap3A_749 = arith.constant 1 : i32
        %swap3A_750 = arith.index_cast %swap3A_749 : i32 to index
        %swap3A_751 = arith.index_cast %squeeze3A : i32 to index
        %swap3A_752 = arith.constant 144 : index
        %swap3A_753 = tpu.vector_load %arg9[%swap3A_750, %swap3A_751, %swap3A_752] {strides = array<i32>} : memref<4x64x256xf32, #tpu.memory_space<vmem>>, vector<16xf32>,
        tpu.vector_store %arg9[%swap3A_750, %swap3A_751, %swap3A_752], %cond3A_723#9 {strides = array<i32>} : memref<4x64x256xf32, #tpu.memory_space<vmem>>, vector<16xf32>,
        %swap3A_754 = arith.constant 2 : i32
        %swap3A_755 = arith.index_cast %swap3A_754 : i32 to index
        %swap3A_756 = arith.index_cast %squeeze3A : i32 to index
        %swap3A_757 = arith.constant 144 : index
        %swap3A_758 = tpu.vector_load %arg9[%swap3A_755, %swap3A_756, %swap3A_757] {strides = array<i32>} : memref<4x64x256xf32, #tpu.memory_space<vmem>>, vector<16xf32>,
        tpu.vector_store %arg9[%swap3A_755, %swap3A_756, %swap3A_757], %cond3A_723#17 {strides = array<i32>} : memref<4x64x256xf32, #tpu.memory_space<vmem>>, vector<16xf32>,
        %swap3A_759 = arith.constant 3 : i32
        %swap3A_760 = arith.index_cast %swap3A_759 : i32 to index
        %swap3A_761 = arith.index_cast %squeeze3A : i32 to index
        %swap3A_762 = arith.constant 144 : index
        %swap3A_763 = tpu.vector_load %arg9[%swap3A_760, %swap3A_761, %swap3A_762] {strides = array<i32>} : memref<4x64x256xf32, #tpu.memory_space<vmem>>, vector<16xf32>,
        tpu.vector_store %arg9[%swap3A_760, %swap3A_761, %swap3A_762], %cond3A_723#25 {strides = array<i32>} : memref<4x64x256xf32, #tpu.memory_space<vmem>>, vector<16xf32>,
        %swap3A_764 = arith.constant 0 : i32
        %swap3A_765 = arith.index_cast %swap3A_764 : i32 to index
        %swap3A_766 = arith.index_cast %squeeze3A : i32 to index
        %swap3A_767 = arith.constant 160 : index
        %swap3A_768 = tpu.vector_load %arg9[%swap3A_765, %swap3A_766, %swap3A_767] {strides = array<i32>} : memref<4x64x256xf32, #tpu.memory_space<vmem>>, vector<16xf32>,
        tpu.vector_store %arg9[%swap3A_765, %swap3A_766, %swap3A_767], %cond3A_723#2 {strides = array<i32>} : memref<4x64x256xf32, #tpu.memory_space<vmem>>, vector<16xf32>,
        %swap3A_769 = arith.constant 1 : i32
        %swap3A_770 = arith.index_cast %swap3A_769 : i32 to index
        %swap3A_771 = arith.index_cast %squeeze3A : i32 to index
        %swap3A_772 = arith.constant 160 : index
        %swap3A_773 = tpu.vector_load %arg9[%swap3A_770, %swap3A_771, %swap3A_772] {strides = array<i32>} : memref<4x64x256xf32, #tpu.memory_space<vmem>>, vector<16xf32>,
        tpu.vector_store %arg9[%swap3A_770, %swap3A_771, %swap3A_772], %cond3A_723#10 {strides = array<i32>} : memref<4x64x256xf32, #tpu.memory_space<vmem>>, vector<16xf32>,
        %swap3A_774 = arith.constant 2 : i32
        %swap3A_775 = arith.index_cast %swap3A_774 : i32 to index
        %swap3A_776 = arith.index_cast %squeeze3A : i32 to index
        %swap3A_777 = arith.constant 160 : index
        %swap3A_778 = tpu.vector_load %arg9[%swap3A_775, %swap3A_776, %swap3A_777] {strides = array<i32>} : memref<4x64x256xf32, #tpu.memory_space<vmem>>, vector<16xf32>,
        tpu.vector_store %arg9[%swap3A_775, %swap3A_776, %swap3A_777], %cond3A_723#18 {strides = array<i32>} : memref<4x64x256xf32, #tpu.memory_space<vmem>>, vector<16xf32>,
        %swap3A_779 = arith.constant 3 : i32
        %swap3A_780 = arith.index_cast %swap3A_779 : i32 to index
        %swap3A_781 = arith.index_cast %squeeze3A : i32 to index
        %swap3A_782 = arith.constant 160 : index
        %swap3A_783 = tpu.vector_load %arg9[%swap3A_780, %swap3A_781, %swap3A_782] {strides = array<i32>} : memref<4x64x256xf32, #tpu.memory_space<vmem>>, vector<16xf32>,
        tpu.vector_store %arg9[%swap3A_780, %swap3A_781, %swap3A_782], %cond3A_723#26 {strides = array<i32>} : memref<4x64x256xf32, #tpu.memory_space<vmem>>, vector<16xf32>,
        %swap3A_784 = arith.constant 0 : i32
        %swap3A_785 = arith.index_cast %swap3A_784 : i32 to index
        %swap3A_786 = arith.index_cast %squeeze3A : i32 to index
        %swap3A_787 = arith.constant 176 : index
        %swap3A_788 = tpu.vector_load %arg9[%swap3A_785, %swap3A_786, %swap3A_787] {strides = array<i32>} : memref<4x64x256xf32, #tpu.memory_space<vmem>>, vector<16xf32>,
        tpu.vector_store %arg9[%swap3A_785, %swap3A_786, %swap3A_787], %cond3A_723#3 {strides = array<i32>} : memref<4x64x256xf32, #tpu.memory_space<vmem>>, vector<16xf32>,
        %swap3A_789 = arith.constant 1 : i32
        %swap3A_790 = arith.index_cast %swap3A_789 : i32 to index
        %swap3A_791 = arith.index_cast %squeeze3A : i32 to index
        %swap3A_792 = arith.constant 176 : index
        %swap3A_793 = tpu.vector_load %arg9[%swap3A_790, %swap3A_791, %swap3A_792] {strides = array<i32>} : memref<4x64x256xf32, #tpu.memory_space<vmem>>, vector<16xf32>,
        tpu.vector_store %arg9[%swap3A_790, %swap3A_791, %swap3A_792], %cond3A_723#11 {strides = array<i32>} : memref<4x64x256xf32, #tpu.memory_space<vmem>>, vector<16xf32>,
        %swap3A_794 = arith.constant 2 : i32
        %swap3A_795 = arith.index_cast %swap3A_794 : i32 to index
        %swap3A_796 = arith.index_cast %squeeze3A : i32 to index
        %swap3A_797 = arith.constant 176 : index
        %swap3A_798 = tpu.vector_load %arg9[%swap3A_795, %swap3A_796, %swap3A_797] {strides = array<i32>} : memref<4x64x256xf32, #tpu.memory_space<vmem>>, vector<16xf32>,
        tpu.vector_store %arg9[%swap3A_795, %swap3A_796, %swap3A_797], %cond3A_723#19 {strides = array<i32>} : memref<4x64x256xf32, #tpu.memory_space<vmem>>, vector<16xf32>,
        %swap3A_799 = arith.constant 3 : i32
        %swap3A_800 = arith.index_cast %swap3A_799 : i32 to index
        %swap3A_801 = arith.index_cast %squeeze3A : i32 to index
        %swap3A_802 = arith.constant 176 : index
        %swap3A_803 = tpu.vector_load %arg9[%swap3A_800, %swap3A_801, %swap3A_802] {strides = array<i32>} : memref<4x64x256xf32, #tpu.memory_space<vmem>>, vector<16xf32>,
        tpu.vector_store %arg9[%swap3A_800, %swap3A_801, %swap3A_802], %cond3A_723#27 {strides = array<i32>} : memref<4x64x256xf32, #tpu.memory_space<vmem>>, vector<16xf32>,
        %swap3A_804 = arith.constant 0 : i32
        %swap3A_805 = arith.index_cast %swap3A_804 : i32 to index
        %swap3A_806 = arith.index_cast %squeeze3A : i32 to index
        %swap3A_807 = arith.constant 192 : index
        %swap3A_808 = tpu.vector_load %arg9[%swap3A_805, %swap3A_806, %swap3A_807] {strides = array<i32>} : memref<4x64x256xf32, #tpu.memory_space<vmem>>, vector<16xf32>,
        tpu.vector_store %arg9[%swap3A_805, %swap3A_806, %swap3A_807], %cond3A_723#4 {strides = array<i32>} : memref<4x64x256xf32, #tpu.memory_space<vmem>>, vector<16xf32>,
        %swap3A_809 = arith.constant 1 : i32
        %swap3A_810 = arith.index_cast %swap3A_809 : i32 to index
        %swap3A_811 = arith.index_cast %squeeze3A : i32 to index
        %swap3A_812 = arith.constant 192 : index
        %swap3A_813 = tpu.vector_load %arg9[%swap3A_810, %swap3A_811, %swap3A_812] {strides = array<i32>} : memref<4x64x256xf32, #tpu.memory_space<vmem>>, vector<16xf32>,
        tpu.vector_store %arg9[%swap3A_810, %swap3A_811, %swap3A_812], %cond3A_723#12 {strides = array<i32>} : memref<4x64x256xf32, #tpu.memory_space<vmem>>, vector<16xf32>,
        %swap3A_814 = arith.constant 2 : i32
        %swap3A_815 = arith.index_cast %swap3A_814 : i32 to index
        %swap3A_816 = arith.index_cast %squeeze3A : i32 to index
        %swap3A_817 = arith.constant 192 : index
        %swap3A_818 = tpu.vector_load %arg9[%swap3A_815, %swap3A_816, %swap3A_817] {strides = array<i32>} : memref<4x64x256xf32, #tpu.memory_space<vmem>>, vector<16xf32>,
        tpu.vector_store %arg9[%swap3A_815, %swap3A_816, %swap3A_817], %cond3A_723#20 {strides = array<i32>} : memref<4x64x256xf32, #tpu.memory_space<vmem>>, vector<16xf32>,
        %swap3A_819 = arith.constant 3 : i32
        %swap3A_820 = arith.index_cast %swap3A_819 : i32 to index
        %swap3A_821 = arith.index_cast %squeeze3A : i32 to index
        %swap3A_822 = arith.constant 192 : index
        %swap3A_823 = tpu.vector_load %arg9[%swap3A_820, %swap3A_821, %swap3A_822] {strides = array<i32>} : memref<4x64x256xf32, #tpu.memory_space<vmem>>, vector<16xf32>,
        tpu.vector_store %arg9[%swap3A_820, %swap3A_821, %swap3A_822], %cond3A_723#28 {strides = array<i32>} : memref<4x64x256xf32, #tpu.memory_space<vmem>>, vector<16xf32>,
        %swap3A_824 = arith.constant 0 : i32
        %swap3A_825 = arith.index_cast %swap3A_824 : i32 to index
        %swap3A_826 = arith.index_cast %squeeze3A : i32 to index
        %swap3A_827 = arith.constant 208 : index
        %swap3A_828 = tpu.vector_load %arg9[%swap3A_825, %swap3A_826, %swap3A_827] {strides = array<i32>} : memref<4x64x256xf32, #tpu.memory_space<vmem>>, vector<16xf32>,
        tpu.vector_store %arg9[%swap3A_825, %swap3A_826, %swap3A_827], %cond3A_723#5 {strides = array<i32>} : memref<4x64x256xf32, #tpu.memory_space<vmem>>, vector<16xf32>,
        %swap3A_829 = arith.constant 1 : i32
        %swap3A_830 = arith.index_cast %swap3A_829 : i32 to index
        %swap3A_831 = arith.index_cast %squeeze3A : i32 to index
        %swap3A_832 = arith.constant 208 : index
        %swap3A_833 = tpu.vector_load %arg9[%swap3A_830, %swap3A_831, %swap3A_832] {strides = array<i32>} : memref<4x64x256xf32, #tpu.memory_space<vmem>>, vector<16xf32>,
        tpu.vector_store %arg9[%swap3A_830, %swap3A_831, %swap3A_832], %cond3A_723#13 {strides = array<i32>} : memref<4x64x256xf32, #tpu.memory_space<vmem>>, vector<16xf32>,
        %swap3A_834 = arith.constant 2 : i32
        %swap3A_835 = arith.index_cast %swap3A_834 : i32 to index
        %swap3A_836 = arith.index_cast %squeeze3A : i32 to index
        %swap3A_837 = arith.constant 208 : index
        %swap3A_838 = tpu.vector_load %arg9[%swap3A_835, %swap3A_836, %swap3A_837] {strides = array<i32>} : memref<4x64x256xf32, #tpu.memory_space<vmem>>, vector<16xf32>,
        tpu.vector_store %arg9[%swap3A_835, %swap3A_836, %swap3A_837], %cond3A_723#21 {strides = array<i32>} : memref<4x64x256xf32, #tpu.memory_space<vmem>>, vector<16xf32>,
        %swap3A_839 = arith.constant 3 : i32
        %swap3A_840 = arith.index_cast %swap3A_839 : i32 to index
        %swap3A_841 = arith.index_cast %squeeze3A : i32 to index
        %swap3A_842 = arith.constant 208 : index
        %swap3A_843 = tpu.vector_load %arg9[%swap3A_840, %swap3A_841, %swap3A_842] {strides = array<i32>} : memref<4x64x256xf32, #tpu.memory_space<vmem>>, vector<16xf32>,
        tpu.vector_store %arg9[%swap3A_840, %swap3A_841, %swap3A_842], %cond3A_723#29 {strides = array<i32>} : memref<4x64x256xf32, #tpu.memory_space<vmem>>, vector<16xf32>,
        %swap3A_844 = arith.constant 0 : i32
        %swap3A_845 = arith.index_cast %swap3A_844 : i32 to index
        %swap3A_846 = arith.index_cast %squeeze3A : i32 to index
        %swap3A_847 = arith.constant 224 : index
        %swap3A_848 = tpu.vector_load %arg9[%swap3A_845, %swap3A_846, %swap3A_847] {strides = array<i32>} : memref<4x64x256xf32, #tpu.memory_space<vmem>>, vector<16xf32>,
        tpu.vector_store %arg9[%swap3A_845, %swap3A_846, %swap3A_847], %cond3A_723#6 {strides = array<i32>} : memref<4x64x256xf32, #tpu.memory_space<vmem>>, vector<16xf32>,
        %swap3A_849 = arith.constant 1 : i32
        %swap3A_850 = arith.index_cast %swap3A_849 : i32 to index
        %swap3A_851 = arith.index_cast %squeeze3A : i32 to index
        %swap3A_852 = arith.constant 224 : index
        %swap3A_853 = tpu.vector_load %arg9[%swap3A_850, %swap3A_851, %swap3A_852] {strides = array<i32>} : memref<4x64x256xf32, #tpu.memory_space<vmem>>, vector<16xf32>,
        tpu.vector_store %arg9[%swap3A_850, %swap3A_851, %swap3A_852], %cond3A_723#14 {strides = array<i32>} : memref<4x64x256xf32, #tpu.memory_space<vmem>>, vector<16xf32>,
        %swap3A_854 = arith.constant 2 : i32
        %swap3A_855 = arith.index_cast %swap3A_854 : i32 to index
        %swap3A_856 = arith.index_cast %squeeze3A : i32 to index
        %swap3A_857 = arith.constant 224 : index
        %swap3A_858 = tpu.vector_load %arg9[%swap3A_855, %swap3A_856, %swap3A_857] {strides = array<i32>} : memref<4x64x256xf32, #tpu.memory_space<vmem>>, vector<16xf32>,
        tpu.vector_store %arg9[%swap3A_855, %swap3A_856, %swap3A_857], %cond3A_723#22 {strides = array<i32>} : memref<4x64x256xf32, #tpu.memory_space<vmem>>, vector<16xf32>,
        %swap3A_859 = arith.constant 3 : i32
        %swap3A_860 = arith.index_cast %swap3A_859 : i32 to index
        %swap3A_861 = arith.index_cast %squeeze3A : i32 to index
        %swap3A_862 = arith.constant 224 : index
        %swap3A_863 = tpu.vector_load %arg9[%swap3A_860, %swap3A_861, %swap3A_862] {strides = array<i32>} : memref<4x64x256xf32, #tpu.memory_space<vmem>>, vector<16xf32>,
        tpu.vector_store %arg9[%swap3A_860, %swap3A_861, %swap3A_862], %cond3A_723#30 {strides = array<i32>} : memref<4x64x256xf32, #tpu.memory_space<vmem>>, vector<16xf32>,
        %swap3A_864 = arith.constant 0 : i32
        %swap3A_865 = arith.index_cast %swap3A_864 : i32 to index
        %swap3A_866 = arith.index_cast %squeeze3A : i32 to index
        %swap3A_867 = arith.constant 240 : index
        %swap3A_868 = tpu.vector_load %arg9[%swap3A_865, %swap3A_866, %swap3A_867] {strides = array<i32>} : memref<4x64x256xf32, #tpu.memory_space<vmem>>, vector<16xf32>,
        tpu.vector_store %arg9[%swap3A_865, %swap3A_866, %swap3A_867], %cond3A_723#7 {strides = array<i32>} : memref<4x64x256xf32, #tpu.memory_space<vmem>>, vector<16xf32>,
        %swap3A_869 = arith.constant 1 : i32
        %swap3A_870 = arith.index_cast %swap3A_869 : i32 to index
        %swap3A_871 = arith.index_cast %squeeze3A : i32 to index
        %swap3A_872 = arith.constant 240 : index
        %swap3A_873 = tpu.vector_load %arg9[%swap3A_870, %swap3A_871, %swap3A_872] {strides = array<i32>} : memref<4x64x256xf32, #tpu.memory_space<vmem>>, vector<16xf32>,
        tpu.vector_store %arg9[%swap3A_870, %swap3A_871, %swap3A_872], %cond3A_723#15 {strides = array<i32>} : memref<4x64x256xf32, #tpu.memory_space<vmem>>, vector<16xf32>,
        %swap3A_874 = arith.constant 2 : i32
        %swap3A_875 = arith.index_cast %swap3A_874 : i32 to index
        %swap3A_876 = arith.index_cast %squeeze3A : i32 to index
        %swap3A_877 = arith.constant 240 : index
        %swap3A_878 = tpu.vector_load %arg9[%swap3A_875, %swap3A_876, %swap3A_877] {strides = array<i32>} : memref<4x64x256xf32, #tpu.memory_space<vmem>>, vector<16xf32>,
        tpu.vector_store %arg9[%swap3A_875, %swap3A_876, %swap3A_877], %cond3A_723#23 {strides = array<i32>} : memref<4x64x256xf32, #tpu.memory_space<vmem>>, vector<16xf32>,
        %swap3A_879 = arith.constant 3 : i32
        %swap3A_880 = arith.index_cast %swap3A_879 : i32 to index
        %swap3A_881 = arith.index_cast %squeeze3A : i32 to index
        %swap3A_882 = arith.constant 240 : index
        %swap3A_883 = tpu.vector_load %arg9[%swap3A_880, %swap3A_881, %swap3A_882] {strides = array<i32>} : memref<4x64x256xf32, #tpu.memory_space<vmem>>, vector<16xf32>,
        tpu.vector_store %arg9[%swap3A_880, %swap3A_881, %swap3A_882], %cond3A_723#31 {strides = array<i32>} : memref<4x64x256xf32, #tpu.memory_space<vmem>>, vector<16xf32>,
        %get3A_884 = arith.constant 0 : i32
        %get3A_885 = arith.index_cast %get3A_884 : i32 to index
        %get3A_886 = arith.index_cast %squeeze3A : i32 to index
        %get3A_887 = tpu.vector_load %arg10[%get3A_885, %get3A_886] {strides = array<i32>} : memref<8x80xi32, #tpu.memory_space<vmem>>, vector<16xi32>,
        %sub3A_888 = arith.subi %min3A_131, %while3A_120 : i32
        %jit3A_889 = arith.constant 0 : i32
        %broadcast_in_dim3A_890 = vector.broadcast %sub3A_888 : i32 to vector<16xi32>
        %broadcast_in_dim3A_891 = vector.broadcast %jit3A_889 : i32 to vector<16xi32>
        %select_n3A_892 = arith.select %eq3A_46, %broadcast_in_dim3A_890, %broadcast_in_dim3A_891 : vector<16xi1>, vector<16xi32>
        %add3A_893 = arith.addi %get3A_887, %select_n3A_892 : vector<16xi32>
        %swap3A_894 = arith.constant 0 : i32
        %swap3A_895 = arith.index_cast %swap3A_894 : i32 to index
        %swap3A_896 = arith.index_cast %squeeze3A : i32 to index
        %swap3A_897 = tpu.vector_load %arg10[%swap3A_895, %swap3A_896] {strides = array<i32>} : memref<8x80xi32, #tpu.memory_space<vmem>>, vector<16xi32>,
        tpu.vector_store %arg10[%swap3A_895, %swap3A_896], %add3A_893 {strides = array<i32>} : memref<8x80xi32, #tpu.memory_space<vmem>>, vector<16xi32>,
        scf.yield %min3A_131 : i32
      }
      %add3A_89 = arith.constant 2 : i32
      %add3A_90 = arith.addi %add3A_75, %add3A_89 : i32
      %lt3A_91 = arith.constant 28 : i32
      %lt3A_92 = arith.cmpi slt, %add3A_90, %lt3A_91 : i32
      %convert_element_type3A_93 = arith.extui %lt3A_92 : i1 to i32
      %cond3A_94 = arith.constant 0 : i32
      %cond3A_95 = arith.cmpi ne, %convert_element_type3A_93, %cond3A_94 : i32
      scf.if %cond3A_95 {
        %add3A_120 = arith.constant 2 : i32
        %add3A_121 = arith.addi %add3A_75, %add3A_120 : i32
        %mul3A_122 = arith.constant 112 : i32
        %mul3A_123 = arith.muli %add3A_121, %mul3A_122 : i32
        %add3A_124 = arith.addi %mul3A_2, %mul3A_123 : i32
        %sub3A_125 = arith.constant 112 : i32
        %sub3A_126 = arith.subi %min3A_5, %sub3A_125 : i32
        %min3A_127 = arith.minsi %add3A_124, %sub3A_126 : i32
        %sub3A_128 = arith.subi %add3A_124, %min3A_127 : i32
        %dma_start3A_129 = arith.constant 0 : i32
        %dma_start3A_130 = tpu.memref_slice %arg2[%min3A_127, %dma_start3A_129] : memref<100000x256xf32, #tpu.memory_space<hbm>> -> memref<112x256xf32, #tpu.memory_space<hbm>>
        %dma_start3A_131 = arith.constant 0 : i32
        %dma_start3A_132 = tpu.memref_slice %arg2[%min3A_127, %dma_start3A_131] : memref<100000x256xf32, #tpu.memory_space<hbm>> -> memref<112x256xf32, #tpu.memory_space<hbm>>
        tpu.enqueue_dma source(%dma_start3A_132 : memref<112x256xf32, #tpu.memory_space<hbm>>) target(%arg6 : memref<112x256xf32, #tpu.memory_space<vmem>>) target_semaphore(%arg11 : memref<!tpu.dma_semaphore, #tpu.memory_space<semaphore_mem>>)
      } else {
      }
      %add3A_96 = arith.constant 1 : i32
      %add3A_97 = arith.addi %mul3A_73, %add3A_96 : i32
      %dma_wait3A_98 = arith.constant 0 : i32
      %dma_wait3A_99 = arith.constant 0 : i32
      %dma_wait3A_100 = tpu.memref_slice %arg2[%dma_wait3A_98, %dma_wait3A_99] : memref<100000x256xf32, #tpu.memory_space<hbm>> -> memref<112x256xf32, #tpu.memory_space<hbm>>
      %dma_wait3A_101 = arith.constant 0 : i32
      %dma_wait3A_102 = arith.constant 0 : i32
      %dma_wait3A_103 = tpu.memref_slice %arg2[%dma_wait3A_101, %dma_wait3A_102] : memref<100000x256xf32, #tpu.memory_space<hbm>> -> memref<112x256xf32, #tpu.memory_space<hbm>>
      tpu.wait_dma2 semaphore(%arg12 : memref<!tpu.dma_semaphore, #tpu.memory_space<semaphore_mem>>) src(%dma_wait3A_103 : memref<112x256xf32, #tpu.memory_space<hbm>>) dst(%arg7 : memref<112x256xf32, #tpu.memory_space<vmem>>)
      %mul3A_104 = arith.constant 112 : i32
      %mul3A_105 = arith.muli %add3A_97, %mul3A_104 : i32
      %add3A_106 = arith.addi %mul3A_2, %mul3A_105 : i32
      %sub3A_107 = arith.constant 112 : i32
      %sub3A_108 = arith.subi %min3A_5, %sub3A_107 : i32
      %min3A_109 = arith.minsi %add3A_106, %sub3A_108 : i32
      %sub3A_110 = arith.subi %add3A_106, %min3A_109 : i32
      %sub3A_111 = arith.subi %min3A_109, %mul3A_2 : i32
      %while3A_112 = scf.while (%while3A_120 = %sub3A_110) : (i32) -> i32 {
        %lt3A_121 = arith.constant 112 : i32
        %lt3A_122 = arith.cmpi slt, %while3A_120, %lt3A_121 : i32
        scf.condition(%lt3A_122) %while3A_120 : i32
      } do {
      ^bb0(%while3A_120: i32):
        %add3A_121 = arith.addi %sub3A_111, %while3A_120 : i32
        %get3A = arith.index_cast %add3A_121 : i32 to index
        %get3A_122 = tpu.vector_load %arg8[%get3A] {strides = array<i32>} : memref<3144xi32, #tpu.memory_space<vmem>>, vector<16xi32>,
        %slice3A = vector.extract_strided_slice %get3A_122 {offsets = [0], sizes = [1], strides = [1]} : vector<16xi32> to vector<1xi32>
        %squeeze3A = vector.extract %slice3A[0] : i32 from vector<1xi32>
        %while3A_123 = arith.constant 16 : i32
        %while3A_124:2 = scf.while (%while3A_898 = %while3A_120, %while3A_899 = %while3A_123) : (i32, i32) -> (i32, i32) {
          %ge3A = arith.constant 16 : i32
          %ge3A_900 = arith.cmpi sge, %while3A_899, %ge3A : i32
          %lt3A_901 = arith.constant 112 : i32
          %lt3A_902 = arith.cmpi slt, %while3A_898, %lt3A_901 : i32
          %and3A_903 = arith.andi %ge3A_900, %lt3A_902 : i1
          scf.condition(%and3A_903) %while3A_898, %while3A_899 : i32, i32
        } do {
        ^bb0(%while3A_898: i32, %while3A_899: i32):
          %add3A_900 = arith.addi %sub3A_111, %while3A_898 : i32
          %get3A_901 = arith.index_cast %add3A_900 : i32 to index
          %get3A_902 = tpu.vector_load %arg8[%get3A_901] {strides = array<i32>} : memref<3144xi32, #tpu.memory_space<vmem>>, vector<16xi32>,
          %ne3A_903 = vector.broadcast %squeeze3A : i32 to vector<16xi32>
          %ne3A_904 = arith.cmpi ne, %get3A_902, %ne3A_903 : vector<16xi32>
          %all_reduce_ffs3A = tpu.all_reduce %ne3A_904 {dim = 0 : i64, kind = #tpu.reduction_kind<find_first_set>} : vector<16xi1> -> vector<16xi32>
          %slice3A_905 = vector.extract_strided_slice %all_reduce_ffs3A {offsets = [0], sizes = [1], strides = [1]} : vector<16xi32> to vector<1xi32>
          %squeeze3A_906 = vector.extract %slice3A_905[0] : i32 from vector<1xi32>
          %add3A_907 = arith.constant 16 : i32
          %add3A_908 = arith.addi %while3A_898, %add3A_907 : i32
          scf.yield %add3A_908, %squeeze3A_906 : i32, i32
        }
        %lt3A_125 = arith.constant 16 : i32
        %lt3A_126 = arith.cmpi slt, %while3A_124#1, %lt3A_125 : i32
        %sub3A_127 = arith.constant 16 : i32
        %sub3A_128 = arith.subi %while3A_124#0, %sub3A_127 : i32
        %add3A_129 = arith.addi %sub3A_128, %while3A_124#1 : i32
        %select_n3A = arith.select %lt3A_126, %add3A_129, %while3A_124#0 : i32
        %min3A_130 = arith.constant 112 : i32
        %min3A_131 = arith.minsi %select_n3A, %min3A_130 : i32
        %get3A_132 = arith.constant 0 : i32
        %get3A_133 = arith.index_cast %get3A_132 : i32 to index
        %get3A_134 = arith.index_cast %squeeze3A : i32 to index
        %get3A_135 = arith.constant 0 : index
        %get3A_136 = tpu.vector_load %arg9[%get3A_133, %get3A_134, %get3A_135] {strides = array<i32>} : memref<4x64x256xf32, #tpu.memory_space<vmem>>, vector<16xf32>,
        %get3A_137 = arith.constant 0 : i32
        %get3A_138 = arith.index_cast %get3A_137 : i32 to index
        %get3A_139 = arith.index_cast %squeeze3A : i32 to index
        %get3A_140 = arith.constant 16 : index
        %get3A_141 = tpu.vector_load %arg9[%get3A_138, %get3A_139, %get3A_140] {strides = array<i32>} : memref<4x64x256xf32, #tpu.memory_space<vmem>>, vector<16xf32>,
        %get3A_142 = arith.constant 0 : i32
        %get3A_143 = arith.index_cast %get3A_142 : i32 to index
        %get3A_144 = arith.index_cast %squeeze3A : i32 to index
        %get3A_145 = arith.constant 32 : index
        %get3A_146 = tpu.vector_load %arg9[%get3A_143, %get3A_144, %get3A_145] {strides = array<i32>} : memref<4x64x256xf32, #tpu.memory_space<vmem>>, vector<16xf32>,
        %get3A_147 = arith.constant 0 : i32
        %get3A_148 = arith.index_cast %get3A_147 : i32 to index
        %get3A_149 = arith.index_cast %squeeze3A : i32 to index
        %get3A_150 = arith.constant 48 : index
        %get3A_151 = tpu.vector_load %arg9[%get3A_148, %get3A_149, %get3A_150] {strides = array<i32>} : memref<4x64x256xf32, #tpu.memory_space<vmem>>, vector<16xf32>,
        %get3A_152 = arith.constant 0 : i32
        %get3A_153 = arith.index_cast %get3A_152 : i32 to index
        %get3A_154 = arith.index_cast %squeeze3A : i32 to index
        %get3A_155 = arith.constant 64 : index
        %get3A_156 = tpu.vector_load %arg9[%get3A_153, %get3A_154, %get3A_155] {strides = array<i32>} : memref<4x64x256xf32, #tpu.memory_space<vmem>>, vector<16xf32>,
        %get3A_157 = arith.constant 0 : i32
        %get3A_158 = arith.index_cast %get3A_157 : i32 to index
        %get3A_159 = arith.index_cast %squeeze3A : i32 to index
        %get3A_160 = arith.constant 80 : index
        %get3A_161 = tpu.vector_load %arg9[%get3A_158, %get3A_159, %get3A_160] {strides = array<i32>} : memref<4x64x256xf32, #tpu.memory_space<vmem>>, vector<16xf32>,
        %get3A_162 = arith.constant 0 : i32
        %get3A_163 = arith.index_cast %get3A_162 : i32 to index
        %get3A_164 = arith.index_cast %squeeze3A : i32 to index
        %get3A_165 = arith.constant 96 : index
        %get3A_166 = tpu.vector_load %arg9[%get3A_163, %get3A_164, %get3A_165] {strides = array<i32>} : memref<4x64x256xf32, #tpu.memory_space<vmem>>, vector<16xf32>,
        %get3A_167 = arith.constant 0 : i32
        %get3A_168 = arith.index_cast %get3A_167 : i32 to index
        %get3A_169 = arith.index_cast %squeeze3A : i32 to index
        %get3A_170 = arith.constant 112 : index
        %get3A_171 = tpu.vector_load %arg9[%get3A_168, %get3A_169, %get3A_170] {strides = array<i32>} : memref<4x64x256xf32, #tpu.memory_space<vmem>>, vector<16xf32>,
        %get3A_172 = arith.constant 1 : i32
        %get3A_173 = arith.index_cast %get3A_172 : i32 to index
        %get3A_174 = arith.index_cast %squeeze3A : i32 to index
        %get3A_175 = arith.constant 0 : index
        %get3A_176 = tpu.vector_load %arg9[%get3A_173, %get3A_174, %get3A_175] {strides = array<i32>} : memref<4x64x256xf32, #tpu.memory_space<vmem>>, vector<16xf32>,
        %get3A_177 = arith.constant 1 : i32
        %get3A_178 = arith.index_cast %get3A_177 : i32 to index
        %get3A_179 = arith.index_cast %squeeze3A : i32 to index
        %get3A_180 = arith.constant 16 : index
        %get3A_181 = tpu.vector_load %arg9[%get3A_178, %get3A_179, %get3A_180] {strides = array<i32>} : memref<4x64x256xf32, #tpu.memory_space<vmem>>, vector<16xf32>,
        %get3A_182 = arith.constant 1 : i32
        %get3A_183 = arith.index_cast %get3A_182 : i32 to index
        %get3A_184 = arith.index_cast %squeeze3A : i32 to index
        %get3A_185 = arith.constant 32 : index
        %get3A_186 = tpu.vector_load %arg9[%get3A_183, %get3A_184, %get3A_185] {strides = array<i32>} : memref<4x64x256xf32, #tpu.memory_space<vmem>>, vector<16xf32>,
        %get3A_187 = arith.constant 1 : i32
        %get3A_188 = arith.index_cast %get3A_187 : i32 to index
        %get3A_189 = arith.index_cast %squeeze3A : i32 to index
        %get3A_190 = arith.constant 48 : index
        %get3A_191 = tpu.vector_load %arg9[%get3A_188, %get3A_189, %get3A_190] {strides = array<i32>} : memref<4x64x256xf32, #tpu.memory_space<vmem>>, vector<16xf32>,
        %get3A_192 = arith.constant 1 : i32
        %get3A_193 = arith.index_cast %get3A_192 : i32 to index
        %get3A_194 = arith.index_cast %squeeze3A : i32 to index
        %get3A_195 = arith.constant 64 : index
        %get3A_196 = tpu.vector_load %arg9[%get3A_193, %get3A_194, %get3A_195] {strides = array<i32>} : memref<4x64x256xf32, #tpu.memory_space<vmem>>, vector<16xf32>,
        %get3A_197 = arith.constant 1 : i32
        %get3A_198 = arith.index_cast %get3A_197 : i32 to index
        %get3A_199 = arith.index_cast %squeeze3A : i32 to index
        %get3A_200 = arith.constant 80 : index
        %get3A_201 = tpu.vector_load %arg9[%get3A_198, %get3A_199, %get3A_200] {strides = array<i32>} : memref<4x64x256xf32, #tpu.memory_space<vmem>>, vector<16xf32>,
        %get3A_202 = arith.constant 1 : i32
        %get3A_203 = arith.index_cast %get3A_202 : i32 to index
        %get3A_204 = arith.index_cast %squeeze3A : i32 to index
        %get3A_205 = arith.constant 96 : index
        %get3A_206 = tpu.vector_load %arg9[%get3A_203, %get3A_204, %get3A_205] {strides = array<i32>} : memref<4x64x256xf32, #tpu.memory_space<vmem>>, vector<16xf32>,
        %get3A_207 = arith.constant 1 : i32
        %get3A_208 = arith.index_cast %get3A_207 : i32 to index
        %get3A_209 = arith.index_cast %squeeze3A : i32 to index
        %get3A_210 = arith.constant 112 : index
        %get3A_211 = tpu.vector_load %arg9[%get3A_208, %get3A_209, %get3A_210] {strides = array<i32>} : memref<4x64x256xf32, #tpu.memory_space<vmem>>, vector<16xf32>,
        %get3A_212 = arith.constant 2 : i32
        %get3A_213 = arith.index_cast %get3A_212 : i32 to index
        %get3A_214 = arith.index_cast %squeeze3A : i32 to index
        %get3A_215 = arith.constant 0 : index
        %get3A_216 = tpu.vector_load %arg9[%get3A_213, %get3A_214, %get3A_215] {strides = array<i32>} : memref<4x64x256xf32, #tpu.memory_space<vmem>>, vector<16xf32>,
        %get3A_217 = arith.constant 2 : i32
        %get3A_218 = arith.index_cast %get3A_217 : i32 to index
        %get3A_219 = arith.index_cast %squeeze3A : i32 to index
        %get3A_220 = arith.constant 16 : index
        %get3A_221 = tpu.vector_load %arg9[%get3A_218, %get3A_219, %get3A_220] {strides = array<i32>} : memref<4x64x256xf32, #tpu.memory_space<vmem>>, vector<16xf32>,
        %get3A_222 = arith.constant 2 : i32
        %get3A_223 = arith.index_cast %get3A_222 : i32 to index
        %get3A_224 = arith.index_cast %squeeze3A : i32 to index
        %get3A_225 = arith.constant 32 : index
        %get3A_226 = tpu.vector_load %arg9[%get3A_223, %get3A_224, %get3A_225] {strides = array<i32>} : memref<4x64x256xf32, #tpu.memory_space<vmem>>, vector<16xf32>,
        %get3A_227 = arith.constant 2 : i32
        %get3A_228 = arith.index_cast %get3A_227 : i32 to index
        %get3A_229 = arith.index_cast %squeeze3A : i32 to index
        %get3A_230 = arith.constant 48 : index
        %get3A_231 = tpu.vector_load %arg9[%get3A_228, %get3A_229, %get3A_230] {strides = array<i32>} : memref<4x64x256xf32, #tpu.memory_space<vmem>>, vector<16xf32>,
        %get3A_232 = arith.constant 2 : i32
        %get3A_233 = arith.index_cast %get3A_232 : i32 to index
        %get3A_234 = arith.index_cast %squeeze3A : i32 to index
        %get3A_235 = arith.constant 64 : index
        %get3A_236 = tpu.vector_load %arg9[%get3A_233, %get3A_234, %get3A_235] {strides = array<i32>} : memref<4x64x256xf32, #tpu.memory_space<vmem>>, vector<16xf32>,
        %get3A_237 = arith.constant 2 : i32
        %get3A_238 = arith.index_cast %get3A_237 : i32 to index
        %get3A_239 = arith.index_cast %squeeze3A : i32 to index
        %get3A_240 = arith.constant 80 : index
        %get3A_241 = tpu.vector_load %arg9[%get3A_238, %get3A_239, %get3A_240] {strides = array<i32>} : memref<4x64x256xf32, #tpu.memory_space<vmem>>, vector<16xf32>,
        %get3A_242 = arith.constant 2 : i32
        %get3A_243 = arith.index_cast %get3A_242 : i32 to index
        %get3A_244 = arith.index_cast %squeeze3A : i32 to index
        %get3A_245 = arith.constant 96 : index
        %get3A_246 = tpu.vector_load %arg9[%get3A_243, %get3A_244, %get3A_245] {strides = array<i32>} : memref<4x64x256xf32, #tpu.memory_space<vmem>>, vector<16xf32>,
        %get3A_247 = arith.constant 2 : i32
        %get3A_248 = arith.index_cast %get3A_247 : i32 to index
        %get3A_249 = arith.index_cast %squeeze3A : i32 to index
        %get3A_250 = arith.constant 112 : index
        %get3A_251 = tpu.vector_load %arg9[%get3A_248, %get3A_249, %get3A_250] {strides = array<i32>} : memref<4x64x256xf32, #tpu.memory_space<vmem>>, vector<16xf32>,
        %get3A_252 = arith.constant 3 : i32
        %get3A_253 = arith.index_cast %get3A_252 : i32 to index
        %get3A_254 = arith.index_cast %squeeze3A : i32 to index
        %get3A_255 = arith.constant 0 : index
        %get3A_256 = tpu.vector_load %arg9[%get3A_253, %get3A_254, %get3A_255] {strides = array<i32>} : memref<4x64x256xf32, #tpu.memory_space<vmem>>, vector<16xf32>,
        %get3A_257 = arith.constant 3 : i32
        %get3A_258 = arith.index_cast %get3A_257 : i32 to index
        %get3A_259 = arith.index_cast %squeeze3A : i32 to index
        %get3A_260 = arith.constant 16 : index
        %get3A_261 = tpu.vector_load %arg9[%get3A_258, %get3A_259, %get3A_260] {strides = array<i32>} : memref<4x64x256xf32, #tpu.memory_space<vmem>>, vector<16xf32>,
        %get3A_262 = arith.constant 3 : i32
        %get3A_263 = arith.index_cast %get3A_262 : i32 to index
        %get3A_264 = arith.index_cast %squeeze3A : i32 to index
        %get3A_265 = arith.constant 32 : index
        %get3A_266 = tpu.vector_load %arg9[%get3A_263, %get3A_264, %get3A_265] {strides = array<i32>} : memref<4x64x256xf32, #tpu.memory_space<vmem>>, vector<16xf32>,
        %get3A_267 = arith.constant 3 : i32
        %get3A_268 = arith.index_cast %get3A_267 : i32 to index
        %get3A_269 = arith.index_cast %squeeze3A : i32 to index
        %get3A_270 = arith.constant 48 : index
        %get3A_271 = tpu.vector_load %arg9[%get3A_268, %get3A_269, %get3A_270] {strides = array<i32>} : memref<4x64x256xf32, #tpu.memory_space<vmem>>, vector<16xf32>,
        %get3A_272 = arith.constant 3 : i32
        %get3A_273 = arith.index_cast %get3A_272 : i32 to index
        %get3A_274 = arith.index_cast %squeeze3A : i32 to index
        %get3A_275 = arith.constant 64 : index
        %get3A_276 = tpu.vector_load %arg9[%get3A_273, %get3A_274, %get3A_275] {strides = array<i32>} : memref<4x64x256xf32, #tpu.memory_space<vmem>>, vector<16xf32>,
        %get3A_277 = arith.constant 3 : i32
        %get3A_278 = arith.index_cast %get3A_277 : i32 to index
        %get3A_279 = arith.index_cast %squeeze3A : i32 to index
        %get3A_280 = arith.constant 80 : index
        %get3A_281 = tpu.vector_load %arg9[%get3A_278, %get3A_279, %get3A_280] {strides = array<i32>} : memref<4x64x256xf32, #tpu.memory_space<vmem>>, vector<16xf32>,
        %get3A_282 = arith.constant 3 : i32
        %get3A_283 = arith.index_cast %get3A_282 : i32 to index
        %get3A_284 = arith.index_cast %squeeze3A : i32 to index
        %get3A_285 = arith.constant 96 : index
        %get3A_286 = tpu.vector_load %arg9[%get3A_283, %get3A_284, %get3A_285] {strides = array<i32>} : memref<4x64x256xf32, #tpu.memory_space<vmem>>, vector<16xf32>,
        %get3A_287 = arith.constant 3 : i32
        %get3A_288 = arith.index_cast %get3A_287 : i32 to index
        %get3A_289 = arith.index_cast %squeeze3A : i32 to index
        %get3A_290 = arith.constant 112 : index
        %get3A_291 = tpu.vector_load %arg9[%get3A_288, %get3A_289, %get3A_290] {strides = array<i32>} : memref<4x64x256xf32, #tpu.memory_space<vmem>>, vector<16xf32>,
        %sub3A_292 = arith.subi %min3A_131, %while3A_120 : i32
        %jit3A = arith.constant 2 : i32
        %div3A = arith.divsi %sub3A_292, %jit3A : i32
        %sign3A = arith.constant 0 : i32
        %sign3A_293 = arith.cmpi sgt, %sub3A_292, %sign3A : i32
        %sign3A_294 = arith.extui %sign3A_293 : i1 to i32
        %sign3A_295 = arith.constant 0 : i32
        %sign3A_296 = arith.cmpi slt, %sub3A_292, %sign3A_295 : i32
        %sign3A_297 = arith.extui %sign3A_296 : i1 to i32
        %sign3A_298 = arith.subi %sign3A_294, %sign3A_297 : i32
        %sign3A_299 = arith.constant 0 : i32
        %sign3A_300 = arith.cmpi sgt, %jit3A, %sign3A_299 : i32
        %sign3A_301 = arith.extui %sign3A_300 : i1 to i32
        %sign3A_302 = arith.constant 0 : i32
        %sign3A_303 = arith.cmpi slt, %jit3A, %sign3A_302 : i32
        %sign3A_304 = arith.extui %sign3A_303 : i1 to i32
        %sign3A_305 = arith.subi %sign3A_301, %sign3A_304 : i32
        %ne3A = arith.cmpi ne, %sign3A_298, %sign3A_305 : i32
        %rem3A = arith.remsi %sub3A_292, %jit3A : i32
        %ne3A_306 = arith.constant 0 : i32
        %ne3A_307 = arith.cmpi ne, %rem3A, %ne3A_306 : i32
        %and3A = arith.andi %ne3A, %ne3A_307 : i1
        %sub3A_308 = arith.constant 1 : i32
        %sub3A_309 = arith.subi %div3A, %sub3A_308 : i32
        %select_n3A_310 = arith.select %and3A, %sub3A_309, %div3A : i32
        %while3A_311 = arith.constant 0 : i32
        %while3A_312 = arith.subi %select_n3A_310, %while3A_311 : i32
        %while3A_313 = arith.addi %while3A_311, %while3A_312 : i32
        %while3A_314 = arith.constant 1 : i32
        %while3A_315 = arith.divsi %while3A_312, %while3A_314 : i32
        %while3A_316 = arith.muli %while3A_315, %while3A_314 : i32
        %while3A_317 = arith.addi %while3A_311, %while3A_316 : i32
        %while3A_318 = arith.constant 1 : i32
        %while3A_319:32 = scf.for %while3A_898 = %while3A_311 to %while3A_317 step %while3A_318 iter_args(%while3A_899 = %get3A_136, %while3A_900 = %get3A_141, %while3A_901 = %get3A_146, %while3A_902 = %get3A_151, %while3A_903 = %get3A_156, %while3A_904 = %get3A_161, %while3A_905 = %get3A_166, %while3A_906 = %get3A_171, %while3A_907 = %get3A_176, %while3A_908 = %get3A_181, %while3A_909 = %get3A_186, %while3A_910 = %get3A_191, %while3A_911 = %get3A_196, %while3A_912 = %get3A_201, %while3A_913 = %get3A_206, %while3A_914 = %get3A_211, %while3A_915 = %get3A_216, %while3A_916 = %get3A_221, %while3A_917 = %get3A_226, %while3A_918 = %get3A_231, %while3A_919 = %get3A_236, %while3A_920 = %get3A_241, %while3A_921 = %get3A_246, %while3A_922 = %get3A_251, %while3A_923 = %get3A_256, %while3A_924 = %get3A_261, %while3A_925 = %get3A_266, %while3A_926 = %get3A_271, %while3A_927 = %get3A_276, %while3A_928 = %get3A_281, %while3A_929 = %get3A_286, %while3A_930 = %get3A_291) -> (vector<16xf32>, vector<16xf32>, vector<16xf32>, vector<16xf32>, vector<16xf32>, vector<16xf32>, vector<16xf32>, vector<16xf32>, vector<16xf32>, vector<16xf32>, vector<16xf32>, vector<16xf32>, vector<16xf32>, vector<16xf32>, vector<16xf32>, vector<16xf32>, vector<16xf32>, vector<16xf32>, vector<16xf32>, vector<16xf32>, vector<16xf32>, vector<16xf32>, vector<16xf32>, vector<16xf32>, vector<16xf32>, vector<16xf32>, vector<16xf32>, vector<16xf32>, vector<16xf32>, vector<16xf32>, vector<16xf32>, vector<16xf32>)  : i32 {
          %mul3A_931 = arith.constant 2 : i32
          %mul3A_932 = arith.muli %mul3A_931, %while3A_898 : i32
          %add3A_933 = arith.addi %while3A_120, %mul3A_932 : i32
          %get3A_934 = arith.index_cast %add3A_933 : i32 to index
          %get3A_935 = arith.constant 0 : index
          %get3A_936 = tpu.vector_load %arg7[%get3A_934, %get3A_935] {strides = array<i32>} : memref<112x256xf32, #tpu.memory_space<vmem>>, vector<16xf32>,
          %add3A_937 = arith.addf %while3A_899, %get3A_936 : vector<16xf32>
          %mul3A_938 = arith.mulf %get3A_936, %get3A_936 : vector<16xf32>
          %add3A_939 = arith.addf %while3A_907, %mul3A_938 : vector<16xf32>
          %max3A = arith.maximumf %while3A_915, %get3A_936 : vector<16xf32>
          %min3A_940 = arith.minimumf %while3A_923, %get3A_936 : vector<16xf32>
          %get3A_941 = arith.index_cast %add3A_933 : i32 to index
          %get3A_942 = arith.constant 16 : index
          %get3A_943 = tpu.vector_load %arg7[%get3A_941, %get3A_942] {strides = array<i32>} : memref<112x256xf32, #tpu.memory_space<vmem>>, vector<16xf32>,
          %add3A_944 = arith.addf %while3A_900, %get3A_943 : vector<16xf32>
          %mul3A_945 = arith.mulf %get3A_943, %get3A_943 : vector<16xf32>
          %add3A_946 = arith.addf %while3A_908, %mul3A_945 : vector<16xf32>
          %max3A_947 = arith.maximumf %while3A_916, %get3A_943 : vector<16xf32>
          %min3A_948 = arith.minimumf %while3A_924, %get3A_943 : vector<16xf32>
          %get3A_949 = arith.index_cast %add3A_933 : i32 to index
          %get3A_950 = arith.constant 32 : index
          %get3A_951 = tpu.vector_load %arg7[%get3A_949, %get3A_950] {strides = array<i32>} : memref<112x256xf32, #tpu.memory_space<vmem>>, vector<16xf32>,
          %add3A_952 = arith.addf %while3A_901, %get3A_951 : vector<16xf32>
          %mul3A_953 = arith.mulf %get3A_951, %get3A_951 : vector<16xf32>
          %add3A_954 = arith.addf %while3A_909, %mul3A_953 : vector<16xf32>
          %max3A_955 = arith.maximumf %while3A_917, %get3A_951 : vector<16xf32>
          %min3A_956 = arith.minimumf %while3A_925, %get3A_951 : vector<16xf32>
          %get3A_957 = arith.index_cast %add3A_933 : i32 to index
          %get3A_958 = arith.constant 48 : index
          %get3A_959 = tpu.vector_load %arg7[%get3A_957, %get3A_958] {strides = array<i32>} : memref<112x256xf32, #tpu.memory_space<vmem>>, vector<16xf32>,
          %add3A_960 = arith.addf %while3A_902, %get3A_959 : vector<16xf32>
          %mul3A_961 = arith.mulf %get3A_959, %get3A_959 : vector<16xf32>
          %add3A_962 = arith.addf %while3A_910, %mul3A_961 : vector<16xf32>
          %max3A_963 = arith.maximumf %while3A_918, %get3A_959 : vector<16xf32>
          %min3A_964 = arith.minimumf %while3A_926, %get3A_959 : vector<16xf32>
          %get3A_965 = arith.index_cast %add3A_933 : i32 to index
          %get3A_966 = arith.constant 64 : index
          %get3A_967 = tpu.vector_load %arg7[%get3A_965, %get3A_966] {strides = array<i32>} : memref<112x256xf32, #tpu.memory_space<vmem>>, vector<16xf32>,
          %add3A_968 = arith.addf %while3A_903, %get3A_967 : vector<16xf32>
          %mul3A_969 = arith.mulf %get3A_967, %get3A_967 : vector<16xf32>
          %add3A_970 = arith.addf %while3A_911, %mul3A_969 : vector<16xf32>
          %max3A_971 = arith.maximumf %while3A_919, %get3A_967 : vector<16xf32>
          %min3A_972 = arith.minimumf %while3A_927, %get3A_967 : vector<16xf32>
          %get3A_973 = arith.index_cast %add3A_933 : i32 to index
          %get3A_974 = arith.constant 80 : index
          %get3A_975 = tpu.vector_load %arg7[%get3A_973, %get3A_974] {strides = array<i32>} : memref<112x256xf32, #tpu.memory_space<vmem>>, vector<16xf32>,
          %add3A_976 = arith.addf %while3A_904, %get3A_975 : vector<16xf32>
          %mul3A_977 = arith.mulf %get3A_975, %get3A_975 : vector<16xf32>
          %add3A_978 = arith.addf %while3A_912, %mul3A_977 : vector<16xf32>
          %max3A_979 = arith.maximumf %while3A_920, %get3A_975 : vector<16xf32>
          %min3A_980 = arith.minimumf %while3A_928, %get3A_975 : vector<16xf32>
          %get3A_981 = arith.index_cast %add3A_933 : i32 to index
          %get3A_982 = arith.constant 96 : index
          %get3A_983 = tpu.vector_load %arg7[%get3A_981, %get3A_982] {strides = array<i32>} : memref<112x256xf32, #tpu.memory_space<vmem>>, vector<16xf32>,
          %add3A_984 = arith.addf %while3A_905, %get3A_983 : vector<16xf32>
          %mul3A_985 = arith.mulf %get3A_983, %get3A_983 : vector<16xf32>
          %add3A_986 = arith.addf %while3A_913, %mul3A_985 : vector<16xf32>
          %max3A_987 = arith.maximumf %while3A_921, %get3A_983 : vector<16xf32>
          %min3A_988 = arith.minimumf %while3A_929, %get3A_983 : vector<16xf32>
          %get3A_989 = arith.index_cast %add3A_933 : i32 to index
          %get3A_990 = arith.constant 112 : index
          %get3A_991 = tpu.vector_load %arg7[%get3A_989, %get3A_990] {strides = array<i32>} : memref<112x256xf32, #tpu.memory_space<vmem>>, vector<16xf32>,
          %add3A_992 = arith.addf %while3A_906, %get3A_991 : vector<16xf32>
          %mul3A_993 = arith.mulf %get3A_991, %get3A_991 : vector<16xf32>
          %add3A_994 = arith.addf %while3A_914, %mul3A_993 : vector<16xf32>
          %max3A_995 = arith.maximumf %while3A_922, %get3A_991 : vector<16xf32>
          %min3A_996 = arith.minimumf %while3A_930, %get3A_991 : vector<16xf32>
          %add3A_997 = arith.constant 1 : i32
          %add3A_998 = arith.addi %add3A_933, %add3A_997 : i32
          %get3A_999 = arith.index_cast %add3A_998 : i32 to index
          %get3A_1000 = arith.constant 0 : index
          %get3A_1001 = tpu.vector_load %arg7[%get3A_999, %get3A_1000] {strides = array<i32>} : memref<112x256xf32, #tpu.memory_space<vmem>>, vector<16xf32>,
          %add3A_1002 = arith.addf %add3A_937, %get3A_1001 : vector<16xf32>
          %mul3A_1003 = arith.mulf %get3A_1001, %get3A_1001 : vector<16xf32>
          %add3A_1004 = arith.addf %add3A_939, %mul3A_1003 : vector<16xf32>
          %max3A_1005 = arith.maximumf %max3A, %get3A_1001 : vector<16xf32>
          %min3A_1006 = arith.minimumf %min3A_940, %get3A_1001 : vector<16xf32>
          %get3A_1007 = arith.index_cast %add3A_998 : i32 to index
          %get3A_1008 = arith.constant 16 : index
          %get3A_1009 = tpu.vector_load %arg7[%get3A_1007, %get3A_1008] {strides = array<i32>} : memref<112x256xf32, #tpu.memory_space<vmem>>, vector<16xf32>,
          %add3A_1010 = arith.addf %add3A_944, %get3A_1009 : vector<16xf32>
          %mul3A_1011 = arith.mulf %get3A_1009, %get3A_1009 : vector<16xf32>
          %add3A_1012 = arith.addf %add3A_946, %mul3A_1011 : vector<16xf32>
          %max3A_1013 = arith.maximumf %max3A_947, %get3A_1009 : vector<16xf32>
          %min3A_1014 = arith.minimumf %min3A_948, %get3A_1009 : vector<16xf32>
          %get3A_1015 = arith.index_cast %add3A_998 : i32 to index
          %get3A_1016 = arith.constant 32 : index
          %get3A_1017 = tpu.vector_load %arg7[%get3A_1015, %get3A_1016] {strides = array<i32>} : memref<112x256xf32, #tpu.memory_space<vmem>>, vector<16xf32>,
          %add3A_1018 = arith.addf %add3A_952, %get3A_1017 : vector<16xf32>
          %mul3A_1019 = arith.mulf %get3A_1017, %get3A_1017 : vector<16xf32>
          %add3A_1020 = arith.addf %add3A_954, %mul3A_1019 : vector<16xf32>
          %max3A_1021 = arith.maximumf %max3A_955, %get3A_1017 : vector<16xf32>
          %min3A_1022 = arith.minimumf %min3A_956, %get3A_1017 : vector<16xf32>
          %get3A_1023 = arith.index_cast %add3A_998 : i32 to index
          %get3A_1024 = arith.constant 48 : index
          %get3A_1025 = tpu.vector_load %arg7[%get3A_1023, %get3A_1024] {strides = array<i32>} : memref<112x256xf32, #tpu.memory_space<vmem>>, vector<16xf32>,
          %add3A_1026 = arith.addf %add3A_960, %get3A_1025 : vector<16xf32>
          %mul3A_1027 = arith.mulf %get3A_1025, %get3A_1025 : vector<16xf32>
          %add3A_1028 = arith.addf %add3A_962, %mul3A_1027 : vector<16xf32>
          %max3A_1029 = arith.maximumf %max3A_963, %get3A_1025 : vector<16xf32>
          %min3A_1030 = arith.minimumf %min3A_964, %get3A_1025 : vector<16xf32>
          %get3A_1031 = arith.index_cast %add3A_998 : i32 to index
          %get3A_1032 = arith.constant 64 : index
          %get3A_1033 = tpu.vector_load %arg7[%get3A_1031, %get3A_1032] {strides = array<i32>} : memref<112x256xf32, #tpu.memory_space<vmem>>, vector<16xf32>,
          %add3A_1034 = arith.addf %add3A_968, %get3A_1033 : vector<16xf32>
          %mul3A_1035 = arith.mulf %get3A_1033, %get3A_1033 : vector<16xf32>
          %add3A_1036 = arith.addf %add3A_970, %mul3A_1035 : vector<16xf32>
          %max3A_1037 = arith.maximumf %max3A_971, %get3A_1033 : vector<16xf32>
          %min3A_1038 = arith.minimumf %min3A_972, %get3A_1033 : vector<16xf32>
          %get3A_1039 = arith.index_cast %add3A_998 : i32 to index
          %get3A_1040 = arith.constant 80 : index
          %get3A_1041 = tpu.vector_load %arg7[%get3A_1039, %get3A_1040] {strides = array<i32>} : memref<112x256xf32, #tpu.memory_space<vmem>>, vector<16xf32>,
          %add3A_1042 = arith.addf %add3A_976, %get3A_1041 : vector<16xf32>
          %mul3A_1043 = arith.mulf %get3A_1041, %get3A_1041 : vector<16xf32>
          %add3A_1044 = arith.addf %add3A_978, %mul3A_1043 : vector<16xf32>
          %max3A_1045 = arith.maximumf %max3A_979, %get3A_1041 : vector<16xf32>
          %min3A_1046 = arith.minimumf %min3A_980, %get3A_1041 : vector<16xf32>
          %get3A_1047 = arith.index_cast %add3A_998 : i32 to index
          %get3A_1048 = arith.constant 96 : index
          %get3A_1049 = tpu.vector_load %arg7[%get3A_1047, %get3A_1048] {strides = array<i32>} : memref<112x256xf32, #tpu.memory_space<vmem>>, vector<16xf32>,
          %add3A_1050 = arith.addf %add3A_984, %get3A_1049 : vector<16xf32>
          %mul3A_1051 = arith.mulf %get3A_1049, %get3A_1049 : vector<16xf32>
          %add3A_1052 = arith.addf %add3A_986, %mul3A_1051 : vector<16xf32>
          %max3A_1053 = arith.maximumf %max3A_987, %get3A_1049 : vector<16xf32>
          %min3A_1054 = arith.minimumf %min3A_988, %get3A_1049 : vector<16xf32>
          %get3A_1055 = arith.index_cast %add3A_998 : i32 to index
          %get3A_1056 = arith.constant 112 : index
          %get3A_1057 = tpu.vector_load %arg7[%get3A_1055, %get3A_1056] {strides = array<i32>} : memref<112x256xf32, #tpu.memory_space<vmem>>, vector<16xf32>,
          %add3A_1058 = arith.addf %add3A_992, %get3A_1057 : vector<16xf32>
          %mul3A_1059 = arith.mulf %get3A_1057, %get3A_1057 : vector<16xf32>
          %add3A_1060 = arith.addf %add3A_994, %mul3A_1059 : vector<16xf32>
          %max3A_1061 = arith.maximumf %max3A_995, %get3A_1057 : vector<16xf32>
          %min3A_1062 = arith.minimumf %min3A_996, %get3A_1057 : vector<16xf32>
          scf.yield %add3A_1002, %add3A_1010, %add3A_1018, %add3A_1026, %add3A_1034, %add3A_1042, %add3A_1050, %add3A_1058, %add3A_1004, %add3A_1012, %add3A_1020, %add3A_1028, %add3A_1036, %add3A_1044, %add3A_1052, %add3A_1060, %max3A_1005, %max3A_1013, %max3A_1021, %max3A_1029, %max3A_1037, %max3A_1045, %max3A_1053, %max3A_1061, %min3A_1006, %min3A_1014, %min3A_1022, %min3A_1030, %min3A_1038, %min3A_1046, %min3A_1054, %min3A_1062 : vector<16xf32>, vector<16xf32>, vector<16xf32>, vector<16xf32>, vector<16xf32>, vector<16xf32>, vector<16xf32>, vector<16xf32>, vector<16xf32>, vector<16xf32>, vector<16xf32>, vector<16xf32>, vector<16xf32>, vector<16xf32>, vector<16xf32>, vector<16xf32>, vector<16xf32>, vector<16xf32>, vector<16xf32>, vector<16xf32>, vector<16xf32>, vector<16xf32>, vector<16xf32>, vector<16xf32>, vector<16xf32>, vector<16xf32>, vector<16xf32>, vector<16xf32>, vector<16xf32>, vector<16xf32>, vector<16xf32>, vector<16xf32>
        }
        %while3A_320 = arith.constant 1 : i32
        %while3A_321:32 = scf.for %while3A_898 = %while3A_317 to %while3A_313 step %while3A_320 iter_args(%while3A_899 = %while3A_319#0, %while3A_900 = %while3A_319#1, %while3A_901 = %while3A_319#2, %while3A_902 = %while3A_319#3, %while3A_903 = %while3A_319#4, %while3A_904 = %while3A_319#5, %while3A_905 = %while3A_319#6, %while3A_906 = %while3A_319#7, %while3A_907 = %while3A_319#8, %while3A_908 = %while3A_319#9, %while3A_909 = %while3A_319#10, %while3A_910 = %while3A_319#11, %while3A_911 = %while3A_319#12, %while3A_912 = %while3A_319#13, %while3A_913 = %while3A_319#14, %while3A_914 = %while3A_319#15, %while3A_915 = %while3A_319#16, %while3A_916 = %while3A_319#17, %while3A_917 = %while3A_319#18, %while3A_918 = %while3A_319#19, %while3A_919 = %while3A_319#20, %while3A_920 = %while3A_319#21, %while3A_921 = %while3A_319#22, %while3A_922 = %while3A_319#23, %while3A_923 = %while3A_319#24, %while3A_924 = %while3A_319#25, %while3A_925 = %while3A_319#26, %while3A_926 = %while3A_319#27, %while3A_927 = %while3A_319#28, %while3A_928 = %while3A_319#29, %while3A_929 = %while3A_319#30, %while3A_930 = %while3A_319#31) -> (vector<16xf32>, vector<16xf32>, vector<16xf32>, vector<16xf32>, vector<16xf32>, vector<16xf32>, vector<16xf32>, vector<16xf32>, vector<16xf32>, vector<16xf32>, vector<16xf32>, vector<16xf32>, vector<16xf32>, vector<16xf32>, vector<16xf32>, vector<16xf32>, vector<16xf32>, vector<16xf32>, vector<16xf32>, vector<16xf32>, vector<16xf32>, vector<16xf32>, vector<16xf32>, vector<16xf32>, vector<16xf32>, vector<16xf32>, vector<16xf32>, vector<16xf32>, vector<16xf32>, vector<16xf32>, vector<16xf32>, vector<16xf32>)  : i32 {
          %mul3A_931 = arith.constant 2 : i32
          %mul3A_932 = arith.muli %mul3A_931, %while3A_898 : i32
          %add3A_933 = arith.addi %while3A_120, %mul3A_932 : i32
          %get3A_934 = arith.index_cast %add3A_933 : i32 to index
          %get3A_935 = arith.constant 0 : index
          %get3A_936 = tpu.vector_load %arg7[%get3A_934, %get3A_935] {strides = array<i32>} : memref<112x256xf32, #tpu.memory_space<vmem>>, vector<16xf32>,
          %add3A_937 = arith.addf %while3A_899, %get3A_936 : vector<16xf32>
          %mul3A_938 = arith.mulf %get3A_936, %get3A_936 : vector<16xf32>
          %add3A_939 = arith.addf %while3A_907, %mul3A_938 : vector<16xf32>
          %max3A = arith.maximumf %while3A_915, %get3A_936 : vector<16xf32>
          %min3A_940 = arith.minimumf %while3A_923, %get3A_936 : vector<16xf32>
          %get3A_941 = arith.index_cast %add3A_933 : i32 to index
          %get3A_942 = arith.constant 16 : index
          %get3A_943 = tpu.vector_load %arg7[%get3A_941, %get3A_942] {strides = array<i32>} : memref<112x256xf32, #tpu.memory_space<vmem>>, vector<16xf32>,
          %add3A_944 = arith.addf %while3A_900, %get3A_943 : vector<16xf32>
          %mul3A_945 = arith.mulf %get3A_943, %get3A_943 : vector<16xf32>
          %add3A_946 = arith.addf %while3A_908, %mul3A_945 : vector<16xf32>
          %max3A_947 = arith.maximumf %while3A_916, %get3A_943 : vector<16xf32>
          %min3A_948 = arith.minimumf %while3A_924, %get3A_943 : vector<16xf32>
          %get3A_949 = arith.index_cast %add3A_933 : i32 to index
          %get3A_950 = arith.constant 32 : index
          %get3A_951 = tpu.vector_load %arg7[%get3A_949, %get3A_950] {strides = array<i32>} : memref<112x256xf32, #tpu.memory_space<vmem>>, vector<16xf32>,
          %add3A_952 = arith.addf %while3A_901, %get3A_951 : vector<16xf32>
          %mul3A_953 = arith.mulf %get3A_951, %get3A_951 : vector<16xf32>
          %add3A_954 = arith.addf %while3A_909, %mul3A_953 : vector<16xf32>
          %max3A_955 = arith.maximumf %while3A_917, %get3A_951 : vector<16xf32>
          %min3A_956 = arith.minimumf %while3A_925, %get3A_951 : vector<16xf32>
          %get3A_957 = arith.index_cast %add3A_933 : i32 to index
          %get3A_958 = arith.constant 48 : index
          %get3A_959 = tpu.vector_load %arg7[%get3A_957, %get3A_958] {strides = array<i32>} : memref<112x256xf32, #tpu.memory_space<vmem>>, vector<16xf32>,
          %add3A_960 = arith.addf %while3A_902, %get3A_959 : vector<16xf32>
          %mul3A_961 = arith.mulf %get3A_959, %get3A_959 : vector<16xf32>
          %add3A_962 = arith.addf %while3A_910, %mul3A_961 : vector<16xf32>
          %max3A_963 = arith.maximumf %while3A_918, %get3A_959 : vector<16xf32>
          %min3A_964 = arith.minimumf %while3A_926, %get3A_959 : vector<16xf32>
          %get3A_965 = arith.index_cast %add3A_933 : i32 to index
          %get3A_966 = arith.constant 64 : index
          %get3A_967 = tpu.vector_load %arg7[%get3A_965, %get3A_966] {strides = array<i32>} : memref<112x256xf32, #tpu.memory_space<vmem>>, vector<16xf32>,
          %add3A_968 = arith.addf %while3A_903, %get3A_967 : vector<16xf32>
          %mul3A_969 = arith.mulf %get3A_967, %get3A_967 : vector<16xf32>
          %add3A_970 = arith.addf %while3A_911, %mul3A_969 : vector<16xf32>
          %max3A_971 = arith.maximumf %while3A_919, %get3A_967 : vector<16xf32>
          %min3A_972 = arith.minimumf %while3A_927, %get3A_967 : vector<16xf32>
          %get3A_973 = arith.index_cast %add3A_933 : i32 to index
          %get3A_974 = arith.constant 80 : index
          %get3A_975 = tpu.vector_load %arg7[%get3A_973, %get3A_974] {strides = array<i32>} : memref<112x256xf32, #tpu.memory_space<vmem>>, vector<16xf32>,
          %add3A_976 = arith.addf %while3A_904, %get3A_975 : vector<16xf32>
          %mul3A_977 = arith.mulf %get3A_975, %get3A_975 : vector<16xf32>
          %add3A_978 = arith.addf %while3A_912, %mul3A_977 : vector<16xf32>
          %max3A_979 = arith.maximumf %while3A_920, %get3A_975 : vector<16xf32>
          %min3A_980 = arith.minimumf %while3A_928, %get3A_975 : vector<16xf32>
          %get3A_981 = arith.index_cast %add3A_933 : i32 to index
          %get3A_982 = arith.constant 96 : index
          %get3A_983 = tpu.vector_load %arg7[%get3A_981, %get3A_982] {strides = array<i32>} : memref<112x256xf32, #tpu.memory_space<vmem>>, vector<16xf32>,
          %add3A_984 = arith.addf %while3A_905, %get3A_983 : vector<16xf32>
          %mul3A_985 = arith.mulf %get3A_983, %get3A_983 : vector<16xf32>
          %add3A_986 = arith.addf %while3A_913, %mul3A_985 : vector<16xf32>
          %max3A_987 = arith.maximumf %while3A_921, %get3A_983 : vector<16xf32>
          %min3A_988 = arith.minimumf %while3A_929, %get3A_983 : vector<16xf32>
          %get3A_989 = arith.index_cast %add3A_933 : i32 to index
          %get3A_990 = arith.constant 112 : index
          %get3A_991 = tpu.vector_load %arg7[%get3A_989, %get3A_990] {strides = array<i32>} : memref<112x256xf32, #tpu.memory_space<vmem>>, vector<16xf32>,
          %add3A_992 = arith.addf %while3A_906, %get3A_991 : vector<16xf32>
          %mul3A_993 = arith.mulf %get3A_991, %get3A_991 : vector<16xf32>
          %add3A_994 = arith.addf %while3A_914, %mul3A_993 : vector<16xf32>
          %max3A_995 = arith.maximumf %while3A_922, %get3A_991 : vector<16xf32>
          %min3A_996 = arith.minimumf %while3A_930, %get3A_991 : vector<16xf32>
          %add3A_997 = arith.constant 1 : i32
          %add3A_998 = arith.addi %add3A_933, %add3A_997 : i32
          %get3A_999 = arith.index_cast %add3A_998 : i32 to index
          %get3A_1000 = arith.constant 0 : index
          %get3A_1001 = tpu.vector_load %arg7[%get3A_999, %get3A_1000] {strides = array<i32>} : memref<112x256xf32, #tpu.memory_space<vmem>>, vector<16xf32>,
          %add3A_1002 = arith.addf %add3A_937, %get3A_1001 : vector<16xf32>
          %mul3A_1003 = arith.mulf %get3A_1001, %get3A_1001 : vector<16xf32>
          %add3A_1004 = arith.addf %add3A_939, %mul3A_1003 : vector<16xf32>
          %max3A_1005 = arith.maximumf %max3A, %get3A_1001 : vector<16xf32>
          %min3A_1006 = arith.minimumf %min3A_940, %get3A_1001 : vector<16xf32>
          %get3A_1007 = arith.index_cast %add3A_998 : i32 to index
          %get3A_1008 = arith.constant 16 : index
          %get3A_1009 = tpu.vector_load %arg7[%get3A_1007, %get3A_1008] {strides = array<i32>} : memref<112x256xf32, #tpu.memory_space<vmem>>, vector<16xf32>,
          %add3A_1010 = arith.addf %add3A_944, %get3A_1009 : vector<16xf32>
          %mul3A_1011 = arith.mulf %get3A_1009, %get3A_1009 : vector<16xf32>
          %add3A_1012 = arith.addf %add3A_946, %mul3A_1011 : vector<16xf32>
          %max3A_1013 = arith.maximumf %max3A_947, %get3A_1009 : vector<16xf32>
          %min3A_1014 = arith.minimumf %min3A_948, %get3A_1009 : vector<16xf32>
          %get3A_1015 = arith.index_cast %add3A_998 : i32 to index
          %get3A_1016 = arith.constant 32 : index
          %get3A_1017 = tpu.vector_load %arg7[%get3A_1015, %get3A_1016] {strides = array<i32>} : memref<112x256xf32, #tpu.memory_space<vmem>>, vector<16xf32>,
          %add3A_1018 = arith.addf %add3A_952, %get3A_1017 : vector<16xf32>
          %mul3A_1019 = arith.mulf %get3A_1017, %get3A_1017 : vector<16xf32>
          %add3A_1020 = arith.addf %add3A_954, %mul3A_1019 : vector<16xf32>
          %max3A_1021 = arith.maximumf %max3A_955, %get3A_1017 : vector<16xf32>
          %min3A_1022 = arith.minimumf %min3A_956, %get3A_1017 : vector<16xf32>
          %get3A_1023 = arith.index_cast %add3A_998 : i32 to index
          %get3A_1024 = arith.constant 48 : index
          %get3A_1025 = tpu.vector_load %arg7[%get3A_1023, %get3A_1024] {strides = array<i32>} : memref<112x256xf32, #tpu.memory_space<vmem>>, vector<16xf32>,
          %add3A_1026 = arith.addf %add3A_960, %get3A_1025 : vector<16xf32>
          %mul3A_1027 = arith.mulf %get3A_1025, %get3A_1025 : vector<16xf32>
          %add3A_1028 = arith.addf %add3A_962, %mul3A_1027 : vector<16xf32>
          %max3A_1029 = arith.maximumf %max3A_963, %get3A_1025 : vector<16xf32>
          %min3A_1030 = arith.minimumf %min3A_964, %get3A_1025 : vector<16xf32>
          %get3A_1031 = arith.index_cast %add3A_998 : i32 to index
          %get3A_1032 = arith.constant 64 : index
          %get3A_1033 = tpu.vector_load %arg7[%get3A_1031, %get3A_1032] {strides = array<i32>} : memref<112x256xf32, #tpu.memory_space<vmem>>, vector<16xf32>,
          %add3A_1034 = arith.addf %add3A_968, %get3A_1033 : vector<16xf32>
          %mul3A_1035 = arith.mulf %get3A_1033, %get3A_1033 : vector<16xf32>
          %add3A_1036 = arith.addf %add3A_970, %mul3A_1035 : vector<16xf32>
          %max3A_1037 = arith.maximumf %max3A_971, %get3A_1033 : vector<16xf32>
          %min3A_1038 = arith.minimumf %min3A_972, %get3A_1033 : vector<16xf32>
          %get3A_1039 = arith.index_cast %add3A_998 : i32 to index
          %get3A_1040 = arith.constant 80 : index
          %get3A_1041 = tpu.vector_load %arg7[%get3A_1039, %get3A_1040] {strides = array<i32>} : memref<112x256xf32, #tpu.memory_space<vmem>>, vector<16xf32>,
          %add3A_1042 = arith.addf %add3A_976, %get3A_1041 : vector<16xf32>
          %mul3A_1043 = arith.mulf %get3A_1041, %get3A_1041 : vector<16xf32>
          %add3A_1044 = arith.addf %add3A_978, %mul3A_1043 : vector<16xf32>
          %max3A_1045 = arith.maximumf %max3A_979, %get3A_1041 : vector<16xf32>
          %min3A_1046 = arith.minimumf %min3A_980, %get3A_1041 : vector<16xf32>
          %get3A_1047 = arith.index_cast %add3A_998 : i32 to index
          %get3A_1048 = arith.constant 96 : index
          %get3A_1049 = tpu.vector_load %arg7[%get3A_1047, %get3A_1048] {strides = array<i32>} : memref<112x256xf32, #tpu.memory_space<vmem>>, vector<16xf32>,
          %add3A_1050 = arith.addf %add3A_984, %get3A_1049 : vector<16xf32>
          %mul3A_1051 = arith.mulf %get3A_1049, %get3A_1049 : vector<16xf32>
          %add3A_1052 = arith.addf %add3A_986, %mul3A_1051 : vector<16xf32>
          %max3A_1053 = arith.maximumf %max3A_987, %get3A_1049 : vector<16xf32>
          %min3A_1054 = arith.minimumf %min3A_988, %get3A_1049 : vector<16xf32>
          %get3A_1055 = arith.index_cast %add3A_998 : i32 to index
          %get3A_1056 = arith.constant 112 : index
          %get3A_1057 = tpu.vector_load %arg7[%get3A_1055, %get3A_1056] {strides = array<i32>} : memref<112x256xf32, #tpu.memory_space<vmem>>, vector<16xf32>,
          %add3A_1058 = arith.addf %add3A_992, %get3A_1057 : vector<16xf32>
          %mul3A_1059 = arith.mulf %get3A_1057, %get3A_1057 : vector<16xf32>
          %add3A_1060 = arith.addf %add3A_994, %mul3A_1059 : vector<16xf32>
          %max3A_1061 = arith.maximumf %max3A_995, %get3A_1057 : vector<16xf32>
          %min3A_1062 = arith.minimumf %min3A_996, %get3A_1057 : vector<16xf32>
          scf.yield %add3A_1002, %add3A_1010, %add3A_1018, %add3A_1026, %add3A_1034, %add3A_1042, %add3A_1050, %add3A_1058, %add3A_1004, %add3A_1012, %add3A_1020, %add3A_1028, %add3A_1036, %add3A_1044, %add3A_1052, %add3A_1060, %max3A_1005, %max3A_1013, %max3A_1021, %max3A_1029, %max3A_1037, %max3A_1045, %max3A_1053, %max3A_1061, %min3A_1006, %min3A_1014, %min3A_1022, %min3A_1030, %min3A_1038, %min3A_1046, %min3A_1054, %min3A_1062 : vector<16xf32>, vector<16xf32>, vector<16xf32>, vector<16xf32>, vector<16xf32>, vector<16xf32>, vector<16xf32>, vector<16xf32>, vector<16xf32>, vector<16xf32>, vector<16xf32>, vector<16xf32>, vector<16xf32>, vector<16xf32>, vector<16xf32>, vector<16xf32>, vector<16xf32>, vector<16xf32>, vector<16xf32>, vector<16xf32>, vector<16xf32>, vector<16xf32>, vector<16xf32>, vector<16xf32>, vector<16xf32>, vector<16xf32>, vector<16xf32>, vector<16xf32>, vector<16xf32>, vector<16xf32>, vector<16xf32>, vector<16xf32>
        }
        %sub3A_322 = arith.subi %min3A_131, %while3A_120 : i32
        %jit3A_323 = arith.constant 2 : i32
        %eq3A_324 = arith.constant 0 : i32
        %eq3A_325 = arith.cmpi eq, %jit3A_323, %eq3A_324 : i32
        %jit3A_326 = arith.constant 1 : i32
        %select_n3A_327 = arith.select %eq3A_325, %jit3A_326, %jit3A_323 : i32
        %rem3A_328 = arith.remsi %sub3A_322, %select_n3A_327 : i32
        %ne3A_329 = arith.constant 0 : i32
        %ne3A_330 = arith.cmpi ne, %rem3A_328, %ne3A_329 : i32
        %lt3A_331 = arith.constant 0 : i32
        %lt3A_332 = arith.cmpi slt, %rem3A_328, %lt3A_331 : i32
        %lt3A_333 = arith.constant 0 : i32
        %lt3A_334 = arith.cmpi slt, %select_n3A_327, %lt3A_333 : i32
        %ne3A_335 = arith.xori %lt3A_332, %lt3A_334 : i1
        %and3A_336 = arith.andi %ne3A_335, %ne3A_330 : i1
        %add3A_337 = arith.addi %rem3A_328, %select_n3A_327 : i32
        %select_n3A_338 = arith.select %and3A_336, %add3A_337, %rem3A_328 : i32
        %eq3A_339 = arith.constant 1 : i32
        %eq3A_340 = arith.cmpi eq, %select_n3A_338, %eq3A_339 : i32
        %convert_element_type3A_341 = arith.extui %eq3A_340 : i1 to i32
        %cond3A_342 = arith.constant 0 : i32
        %cond3A_343 = arith.cmpi ne, %convert_element_type3A_341, %cond3A_342 : i32
        %cond3A_344:32 = scf.if %cond3A_343 -> (vector<16xf32>, vector<16xf32>, vector<16xf32>, vector<16xf32>, vector<16xf32>, vector<16xf32>, vector<16xf32>, vector<16xf32>, vector<16xf32>, vector<16xf32>, vector<16xf32>, vector<16xf32>, vector<16xf32>, vector<16xf32>, vector<16xf32>, vector<16xf32>, vector<16xf32>, vector<16xf32>, vector<16xf32>, vector<16xf32>, vector<16xf32>, vector<16xf32>, vector<16xf32>, vector<16xf32>, vector<16xf32>, vector<16xf32>, vector<16xf32>, vector<16xf32>, vector<16xf32>, vector<16xf32>, vector<16xf32>, vector<16xf32>) {
          %sub3A_898 = arith.constant 1 : i32
          %sub3A_899 = arith.subi %min3A_131, %sub3A_898 : i32
          %get3A_900 = arith.index_cast %sub3A_899 : i32 to index
          %get3A_901 = arith.constant 0 : index
          %get3A_902 = tpu.vector_load %arg7[%get3A_900, %get3A_901] {strides = array<i32>} : memref<112x256xf32, #tpu.memory_space<vmem>>, vector<16xf32>,
          %add3A_903 = arith.addf %while3A_321#0, %get3A_902 : vector<16xf32>
          %mul3A_904 = arith.mulf %get3A_902, %get3A_902 : vector<16xf32>
          %add3A_905 = arith.addf %while3A_321#8, %mul3A_904 : vector<16xf32>
          %max3A = arith.maximumf %while3A_321#16, %get3A_902 : vector<16xf32>
          %min3A_906 = arith.minimumf %while3A_321#24, %get3A_902 : vector<16xf32>
          %get3A_907 = arith.index_cast %sub3A_899 : i32 to index
          %get3A_908 = arith.constant 16 : index
          %get3A_909 = tpu.vector_load %arg7[%get3A_907, %get3A_908] {strides = array<i32>} : memref<112x256xf32, #tpu.memory_space<vmem>>, vector<16xf32>,
          %add3A_910 = arith.addf %while3A_321#1, %get3A_909 : vector<16xf32>
          %mul3A_911 = arith.mulf %get3A_909, %get3A_909 : vector<16xf32>
          %add3A_912 = arith.addf %while3A_321#9, %mul3A_911 : vector<16xf32>
          %max3A_913 = arith.maximumf %while3A_321#17, %get3A_909 : vector<16xf32>
          %min3A_914 = arith.minimumf %while3A_321#25, %get3A_909 : vector<16xf32>
          %get3A_915 = arith.index_cast %sub3A_899 : i32 to index
          %get3A_916 = arith.constant 32 : index
          %get3A_917 = tpu.vector_load %arg7[%get3A_915, %get3A_916] {strides = array<i32>} : memref<112x256xf32, #tpu.memory_space<vmem>>, vector<16xf32>,
          %add3A_918 = arith.addf %while3A_321#2, %get3A_917 : vector<16xf32>
          %mul3A_919 = arith.mulf %get3A_917, %get3A_917 : vector<16xf32>
          %add3A_920 = arith.addf %while3A_321#10, %mul3A_919 : vector<16xf32>
          %max3A_921 = arith.maximumf %while3A_321#18, %get3A_917 : vector<16xf32>
          %min3A_922 = arith.minimumf %while3A_321#26, %get3A_917 : vector<16xf32>
          %get3A_923 = arith.index_cast %sub3A_899 : i32 to index
          %get3A_924 = arith.constant 48 : index
          %get3A_925 = tpu.vector_load %arg7[%get3A_923, %get3A_924] {strides = array<i32>} : memref<112x256xf32, #tpu.memory_space<vmem>>, vector<16xf32>,
          %add3A_926 = arith.addf %while3A_321#3, %get3A_925 : vector<16xf32>
          %mul3A_927 = arith.mulf %get3A_925, %get3A_925 : vector<16xf32>
          %add3A_928 = arith.addf %while3A_321#11, %mul3A_927 : vector<16xf32>
          %max3A_929 = arith.maximumf %while3A_321#19, %get3A_925 : vector<16xf32>
          %min3A_930 = arith.minimumf %while3A_321#27, %get3A_925 : vector<16xf32>
          %get3A_931 = arith.index_cast %sub3A_899 : i32 to index
          %get3A_932 = arith.constant 64 : index
          %get3A_933 = tpu.vector_load %arg7[%get3A_931, %get3A_932] {strides = array<i32>} : memref<112x256xf32, #tpu.memory_space<vmem>>, vector<16xf32>,
          %add3A_934 = arith.addf %while3A_321#4, %get3A_933 : vector<16xf32>
          %mul3A_935 = arith.mulf %get3A_933, %get3A_933 : vector<16xf32>
          %add3A_936 = arith.addf %while3A_321#12, %mul3A_935 : vector<16xf32>
          %max3A_937 = arith.maximumf %while3A_321#20, %get3A_933 : vector<16xf32>
          %min3A_938 = arith.minimumf %while3A_321#28, %get3A_933 : vector<16xf32>
          %get3A_939 = arith.index_cast %sub3A_899 : i32 to index
          %get3A_940 = arith.constant 80 : index
          %get3A_941 = tpu.vector_load %arg7[%get3A_939, %get3A_940] {strides = array<i32>} : memref<112x256xf32, #tpu.memory_space<vmem>>, vector<16xf32>,
          %add3A_942 = arith.addf %while3A_321#5, %get3A_941 : vector<16xf32>
          %mul3A_943 = arith.mulf %get3A_941, %get3A_941 : vector<16xf32>
          %add3A_944 = arith.addf %while3A_321#13, %mul3A_943 : vector<16xf32>
          %max3A_945 = arith.maximumf %while3A_321#21, %get3A_941 : vector<16xf32>
          %min3A_946 = arith.minimumf %while3A_321#29, %get3A_941 : vector<16xf32>
          %get3A_947 = arith.index_cast %sub3A_899 : i32 to index
          %get3A_948 = arith.constant 96 : index
          %get3A_949 = tpu.vector_load %arg7[%get3A_947, %get3A_948] {strides = array<i32>} : memref<112x256xf32, #tpu.memory_space<vmem>>, vector<16xf32>,
          %add3A_950 = arith.addf %while3A_321#6, %get3A_949 : vector<16xf32>
          %mul3A_951 = arith.mulf %get3A_949, %get3A_949 : vector<16xf32>
          %add3A_952 = arith.addf %while3A_321#14, %mul3A_951 : vector<16xf32>
          %max3A_953 = arith.maximumf %while3A_321#22, %get3A_949 : vector<16xf32>
          %min3A_954 = arith.minimumf %while3A_321#30, %get3A_949 : vector<16xf32>
          %get3A_955 = arith.index_cast %sub3A_899 : i32 to index
          %get3A_956 = arith.constant 112 : index
          %get3A_957 = tpu.vector_load %arg7[%get3A_955, %get3A_956] {strides = array<i32>} : memref<112x256xf32, #tpu.memory_space<vmem>>, vector<16xf32>,
          %add3A_958 = arith.addf %while3A_321#7, %get3A_957 : vector<16xf32>
          %mul3A_959 = arith.mulf %get3A_957, %get3A_957 : vector<16xf32>
          %add3A_960 = arith.addf %while3A_321#15, %mul3A_959 : vector<16xf32>
          %max3A_961 = arith.maximumf %while3A_321#23, %get3A_957 : vector<16xf32>
          %min3A_962 = arith.minimumf %while3A_321#31, %get3A_957 : vector<16xf32>
          scf.yield %add3A_903, %add3A_910, %add3A_918, %add3A_926, %add3A_934, %add3A_942, %add3A_950, %add3A_958, %add3A_905, %add3A_912, %add3A_920, %add3A_928, %add3A_936, %add3A_944, %add3A_952, %add3A_960, %max3A, %max3A_913, %max3A_921, %max3A_929, %max3A_937, %max3A_945, %max3A_953, %max3A_961, %min3A_906, %min3A_914, %min3A_922, %min3A_930, %min3A_938, %min3A_946, %min3A_954, %min3A_962 : vector<16xf32>, vector<16xf32>, vector<16xf32>, vector<16xf32>, vector<16xf32>, vector<16xf32>, vector<16xf32>, vector<16xf32>, vector<16xf32>, vector<16xf32>, vector<16xf32>, vector<16xf32>, vector<16xf32>, vector<16xf32>, vector<16xf32>, vector<16xf32>, vector<16xf32>, vector<16xf32>, vector<16xf32>, vector<16xf32>, vector<16xf32>, vector<16xf32>, vector<16xf32>, vector<16xf32>, vector<16xf32>, vector<16xf32>, vector<16xf32>, vector<16xf32>, vector<16xf32>, vector<16xf32>, vector<16xf32>, vector<16xf32>
        } else {
          scf.yield %while3A_321#0, %while3A_321#1, %while3A_321#2, %while3A_321#3, %while3A_321#4, %while3A_321#5, %while3A_321#6, %while3A_321#7, %while3A_321#8, %while3A_321#9, %while3A_321#10, %while3A_321#11, %while3A_321#12, %while3A_321#13, %while3A_321#14, %while3A_321#15, %while3A_321#16, %while3A_321#17, %while3A_321#18, %while3A_321#19, %while3A_321#20, %while3A_321#21, %while3A_321#22, %while3A_321#23, %while3A_321#24, %while3A_321#25, %while3A_321#26, %while3A_321#27, %while3A_321#28, %while3A_321#29, %while3A_321#30, %while3A_321#31 : vector<16xf32>, vector<16xf32>, vector<16xf32>, vector<16xf32>, vector<16xf32>, vector<16xf32>, vector<16xf32>, vector<16xf32>, vector<16xf32>, vector<16xf32>, vector<16xf32>, vector<16xf32>, vector<16xf32>, vector<16xf32>, vector<16xf32>, vector<16xf32>, vector<16xf32>, vector<16xf32>, vector<16xf32>, vector<16xf32>, vector<16xf32>, vector<16xf32>, vector<16xf32>, vector<16xf32>, vector<16xf32>, vector<16xf32>, vector<16xf32>, vector<16xf32>, vector<16xf32>, vector<16xf32>, vector<16xf32>, vector<16xf32>
        }
        %swap3A_345 = arith.constant 0 : i32
        %swap3A_346 = arith.index_cast %swap3A_345 : i32 to index
        %swap3A_347 = arith.index_cast %squeeze3A : i32 to index
        %swap3A_348 = arith.constant 0 : index
        %swap3A_349 = tpu.vector_load %arg9[%swap3A_346, %swap3A_347, %swap3A_348] {strides = array<i32>} : memref<4x64x256xf32, #tpu.memory_space<vmem>>, vector<16xf32>,
        tpu.vector_store %arg9[%swap3A_346, %swap3A_347, %swap3A_348], %cond3A_344#0 {strides = array<i32>} : memref<4x64x256xf32, #tpu.memory_space<vmem>>, vector<16xf32>,
        %swap3A_350 = arith.constant 1 : i32
        %swap3A_351 = arith.index_cast %swap3A_350 : i32 to index
        %swap3A_352 = arith.index_cast %squeeze3A : i32 to index
        %swap3A_353 = arith.constant 0 : index
        %swap3A_354 = tpu.vector_load %arg9[%swap3A_351, %swap3A_352, %swap3A_353] {strides = array<i32>} : memref<4x64x256xf32, #tpu.memory_space<vmem>>, vector<16xf32>,
        tpu.vector_store %arg9[%swap3A_351, %swap3A_352, %swap3A_353], %cond3A_344#8 {strides = array<i32>} : memref<4x64x256xf32, #tpu.memory_space<vmem>>, vector<16xf32>,
        %swap3A_355 = arith.constant 2 : i32
        %swap3A_356 = arith.index_cast %swap3A_355 : i32 to index
        %swap3A_357 = arith.index_cast %squeeze3A : i32 to index
        %swap3A_358 = arith.constant 0 : index
        %swap3A_359 = tpu.vector_load %arg9[%swap3A_356, %swap3A_357, %swap3A_358] {strides = array<i32>} : memref<4x64x256xf32, #tpu.memory_space<vmem>>, vector<16xf32>,
        tpu.vector_store %arg9[%swap3A_356, %swap3A_357, %swap3A_358], %cond3A_344#16 {strides = array<i32>} : memref<4x64x256xf32, #tpu.memory_space<vmem>>, vector<16xf32>,
        %swap3A_360 = arith.constant 3 : i32
        %swap3A_361 = arith.index_cast %swap3A_360 : i32 to index
        %swap3A_362 = arith.index_cast %squeeze3A : i32 to index
        %swap3A_363 = arith.constant 0 : index
        %swap3A_364 = tpu.vector_load %arg9[%swap3A_361, %swap3A_362, %swap3A_363] {strides = array<i32>} : memref<4x64x256xf32, #tpu.memory_space<vmem>>, vector<16xf32>,
        tpu.vector_store %arg9[%swap3A_361, %swap3A_362, %swap3A_363], %cond3A_344#24 {strides = array<i32>} : memref<4x64x256xf32, #tpu.memory_space<vmem>>, vector<16xf32>,
        %swap3A_365 = arith.constant 0 : i32
        %swap3A_366 = arith.index_cast %swap3A_365 : i32 to index
        %swap3A_367 = arith.index_cast %squeeze3A : i32 to index
        %swap3A_368 = arith.constant 16 : index
        %swap3A_369 = tpu.vector_load %arg9[%swap3A_366, %swap3A_367, %swap3A_368] {strides = array<i32>} : memref<4x64x256xf32, #tpu.memory_space<vmem>>, vector<16xf32>,
        tpu.vector_store %arg9[%swap3A_366, %swap3A_367, %swap3A_368], %cond3A_344#1 {strides = array<i32>} : memref<4x64x256xf32, #tpu.memory_space<vmem>>, vector<16xf32>,
        %swap3A_370 = arith.constant 1 : i32
        %swap3A_371 = arith.index_cast %swap3A_370 : i32 to index
        %swap3A_372 = arith.index_cast %squeeze3A : i32 to index
        %swap3A_373 = arith.constant 16 : index
        %swap3A_374 = tpu.vector_load %arg9[%swap3A_371, %swap3A_372, %swap3A_373] {strides = array<i32>} : memref<4x64x256xf32, #tpu.memory_space<vmem>>, vector<16xf32>,
        tpu.vector_store %arg9[%swap3A_371, %swap3A_372, %swap3A_373], %cond3A_344#9 {strides = array<i32>} : memref<4x64x256xf32, #tpu.memory_space<vmem>>, vector<16xf32>,
        %swap3A_375 = arith.constant 2 : i32
        %swap3A_376 = arith.index_cast %swap3A_375 : i32 to index
        %swap3A_377 = arith.index_cast %squeeze3A : i32 to index
        %swap3A_378 = arith.constant 16 : index
        %swap3A_379 = tpu.vector_load %arg9[%swap3A_376, %swap3A_377, %swap3A_378] {strides = array<i32>} : memref<4x64x256xf32, #tpu.memory_space<vmem>>, vector<16xf32>,
        tpu.vector_store %arg9[%swap3A_376, %swap3A_377, %swap3A_378], %cond3A_344#17 {strides = array<i32>} : memref<4x64x256xf32, #tpu.memory_space<vmem>>, vector<16xf32>,
        %swap3A_380 = arith.constant 3 : i32
        %swap3A_381 = arith.index_cast %swap3A_380 : i32 to index
        %swap3A_382 = arith.index_cast %squeeze3A : i32 to index
        %swap3A_383 = arith.constant 16 : index
        %swap3A_384 = tpu.vector_load %arg9[%swap3A_381, %swap3A_382, %swap3A_383] {strides = array<i32>} : memref<4x64x256xf32, #tpu.memory_space<vmem>>, vector<16xf32>,
        tpu.vector_store %arg9[%swap3A_381, %swap3A_382, %swap3A_383], %cond3A_344#25 {strides = array<i32>} : memref<4x64x256xf32, #tpu.memory_space<vmem>>, vector<16xf32>,
        %swap3A_385 = arith.constant 0 : i32
        %swap3A_386 = arith.index_cast %swap3A_385 : i32 to index
        %swap3A_387 = arith.index_cast %squeeze3A : i32 to index
        %swap3A_388 = arith.constant 32 : index
        %swap3A_389 = tpu.vector_load %arg9[%swap3A_386, %swap3A_387, %swap3A_388] {strides = array<i32>} : memref<4x64x256xf32, #tpu.memory_space<vmem>>, vector<16xf32>,
        tpu.vector_store %arg9[%swap3A_386, %swap3A_387, %swap3A_388], %cond3A_344#2 {strides = array<i32>} : memref<4x64x256xf32, #tpu.memory_space<vmem>>, vector<16xf32>,
        %swap3A_390 = arith.constant 1 : i32
        %swap3A_391 = arith.index_cast %swap3A_390 : i32 to index
        %swap3A_392 = arith.index_cast %squeeze3A : i32 to index
        %swap3A_393 = arith.constant 32 : index
        %swap3A_394 = tpu.vector_load %arg9[%swap3A_391, %swap3A_392, %swap3A_393] {strides = array<i32>} : memref<4x64x256xf32, #tpu.memory_space<vmem>>, vector<16xf32>,
        tpu.vector_store %arg9[%swap3A_391, %swap3A_392, %swap3A_393], %cond3A_344#10 {strides = array<i32>} : memref<4x64x256xf32, #tpu.memory_space<vmem>>, vector<16xf32>,
        %swap3A_395 = arith.constant 2 : i32
        %swap3A_396 = arith.index_cast %swap3A_395 : i32 to index
        %swap3A_397 = arith.index_cast %squeeze3A : i32 to index
        %swap3A_398 = arith.constant 32 : index
        %swap3A_399 = tpu.vector_load %arg9[%swap3A_396, %swap3A_397, %swap3A_398] {strides = array<i32>} : memref<4x64x256xf32, #tpu.memory_space<vmem>>, vector<16xf32>,
        tpu.vector_store %arg9[%swap3A_396, %swap3A_397, %swap3A_398], %cond3A_344#18 {strides = array<i32>} : memref<4x64x256xf32, #tpu.memory_space<vmem>>, vector<16xf32>,
        %swap3A_400 = arith.constant 3 : i32
        %swap3A_401 = arith.index_cast %swap3A_400 : i32 to index
        %swap3A_402 = arith.index_cast %squeeze3A : i32 to index
        %swap3A_403 = arith.constant 32 : index
        %swap3A_404 = tpu.vector_load %arg9[%swap3A_401, %swap3A_402, %swap3A_403] {strides = array<i32>} : memref<4x64x256xf32, #tpu.memory_space<vmem>>, vector<16xf32>,
        tpu.vector_store %arg9[%swap3A_401, %swap3A_402, %swap3A_403], %cond3A_344#26 {strides = array<i32>} : memref<4x64x256xf32, #tpu.memory_space<vmem>>, vector<16xf32>,
        %swap3A_405 = arith.constant 0 : i32
        %swap3A_406 = arith.index_cast %swap3A_405 : i32 to index
        %swap3A_407 = arith.index_cast %squeeze3A : i32 to index
        %swap3A_408 = arith.constant 48 : index
        %swap3A_409 = tpu.vector_load %arg9[%swap3A_406, %swap3A_407, %swap3A_408] {strides = array<i32>} : memref<4x64x256xf32, #tpu.memory_space<vmem>>, vector<16xf32>,
        tpu.vector_store %arg9[%swap3A_406, %swap3A_407, %swap3A_408], %cond3A_344#3 {strides = array<i32>} : memref<4x64x256xf32, #tpu.memory_space<vmem>>, vector<16xf32>,
        %swap3A_410 = arith.constant 1 : i32
        %swap3A_411 = arith.index_cast %swap3A_410 : i32 to index
        %swap3A_412 = arith.index_cast %squeeze3A : i32 to index
        %swap3A_413 = arith.constant 48 : index
        %swap3A_414 = tpu.vector_load %arg9[%swap3A_411, %swap3A_412, %swap3A_413] {strides = array<i32>} : memref<4x64x256xf32, #tpu.memory_space<vmem>>, vector<16xf32>,
        tpu.vector_store %arg9[%swap3A_411, %swap3A_412, %swap3A_413], %cond3A_344#11 {strides = array<i32>} : memref<4x64x256xf32, #tpu.memory_space<vmem>>, vector<16xf32>,
        %swap3A_415 = arith.constant 2 : i32
        %swap3A_416 = arith.index_cast %swap3A_415 : i32 to index
        %swap3A_417 = arith.index_cast %squeeze3A : i32 to index
        %swap3A_418 = arith.constant 48 : index
        %swap3A_419 = tpu.vector_load %arg9[%swap3A_416, %swap3A_417, %swap3A_418] {strides = array<i32>} : memref<4x64x256xf32, #tpu.memory_space<vmem>>, vector<16xf32>,
        tpu.vector_store %arg9[%swap3A_416, %swap3A_417, %swap3A_418], %cond3A_344#19 {strides = array<i32>} : memref<4x64x256xf32, #tpu.memory_space<vmem>>, vector<16xf32>,
        %swap3A_420 = arith.constant 3 : i32
        %swap3A_421 = arith.index_cast %swap3A_420 : i32 to index
        %swap3A_422 = arith.index_cast %squeeze3A : i32 to index
        %swap3A_423 = arith.constant 48 : index
        %swap3A_424 = tpu.vector_load %arg9[%swap3A_421, %swap3A_422, %swap3A_423] {strides = array<i32>} : memref<4x64x256xf32, #tpu.memory_space<vmem>>, vector<16xf32>,
        tpu.vector_store %arg9[%swap3A_421, %swap3A_422, %swap3A_423], %cond3A_344#27 {strides = array<i32>} : memref<4x64x256xf32, #tpu.memory_space<vmem>>, vector<16xf32>,
        %swap3A_425 = arith.constant 0 : i32
        %swap3A_426 = arith.index_cast %swap3A_425 : i32 to index
        %swap3A_427 = arith.index_cast %squeeze3A : i32 to index
        %swap3A_428 = arith.constant 64 : index
        %swap3A_429 = tpu.vector_load %arg9[%swap3A_426, %swap3A_427, %swap3A_428] {strides = array<i32>} : memref<4x64x256xf32, #tpu.memory_space<vmem>>, vector<16xf32>,
        tpu.vector_store %arg9[%swap3A_426, %swap3A_427, %swap3A_428], %cond3A_344#4 {strides = array<i32>} : memref<4x64x256xf32, #tpu.memory_space<vmem>>, vector<16xf32>,
        %swap3A_430 = arith.constant 1 : i32
        %swap3A_431 = arith.index_cast %swap3A_430 : i32 to index
        %swap3A_432 = arith.index_cast %squeeze3A : i32 to index
        %swap3A_433 = arith.constant 64 : index
        %swap3A_434 = tpu.vector_load %arg9[%swap3A_431, %swap3A_432, %swap3A_433] {strides = array<i32>} : memref<4x64x256xf32, #tpu.memory_space<vmem>>, vector<16xf32>,
        tpu.vector_store %arg9[%swap3A_431, %swap3A_432, %swap3A_433], %cond3A_344#12 {strides = array<i32>} : memref<4x64x256xf32, #tpu.memory_space<vmem>>, vector<16xf32>,
        %swap3A_435 = arith.constant 2 : i32
        %swap3A_436 = arith.index_cast %swap3A_435 : i32 to index
        %swap3A_437 = arith.index_cast %squeeze3A : i32 to index
        %swap3A_438 = arith.constant 64 : index
        %swap3A_439 = tpu.vector_load %arg9[%swap3A_436, %swap3A_437, %swap3A_438] {strides = array<i32>} : memref<4x64x256xf32, #tpu.memory_space<vmem>>, vector<16xf32>,
        tpu.vector_store %arg9[%swap3A_436, %swap3A_437, %swap3A_438], %cond3A_344#20 {strides = array<i32>} : memref<4x64x256xf32, #tpu.memory_space<vmem>>, vector<16xf32>,
        %swap3A_440 = arith.constant 3 : i32
        %swap3A_441 = arith.index_cast %swap3A_440 : i32 to index
        %swap3A_442 = arith.index_cast %squeeze3A : i32 to index
        %swap3A_443 = arith.constant 64 : index
        %swap3A_444 = tpu.vector_load %arg9[%swap3A_441, %swap3A_442, %swap3A_443] {strides = array<i32>} : memref<4x64x256xf32, #tpu.memory_space<vmem>>, vector<16xf32>,
        tpu.vector_store %arg9[%swap3A_441, %swap3A_442, %swap3A_443], %cond3A_344#28 {strides = array<i32>} : memref<4x64x256xf32, #tpu.memory_space<vmem>>, vector<16xf32>,
        %swap3A_445 = arith.constant 0 : i32
        %swap3A_446 = arith.index_cast %swap3A_445 : i32 to index
        %swap3A_447 = arith.index_cast %squeeze3A : i32 to index
        %swap3A_448 = arith.constant 80 : index
        %swap3A_449 = tpu.vector_load %arg9[%swap3A_446, %swap3A_447, %swap3A_448] {strides = array<i32>} : memref<4x64x256xf32, #tpu.memory_space<vmem>>, vector<16xf32>,
        tpu.vector_store %arg9[%swap3A_446, %swap3A_447, %swap3A_448], %cond3A_344#5 {strides = array<i32>} : memref<4x64x256xf32, #tpu.memory_space<vmem>>, vector<16xf32>,
        %swap3A_450 = arith.constant 1 : i32
        %swap3A_451 = arith.index_cast %swap3A_450 : i32 to index
        %swap3A_452 = arith.index_cast %squeeze3A : i32 to index
        %swap3A_453 = arith.constant 80 : index
        %swap3A_454 = tpu.vector_load %arg9[%swap3A_451, %swap3A_452, %swap3A_453] {strides = array<i32>} : memref<4x64x256xf32, #tpu.memory_space<vmem>>, vector<16xf32>,
        tpu.vector_store %arg9[%swap3A_451, %swap3A_452, %swap3A_453], %cond3A_344#13 {strides = array<i32>} : memref<4x64x256xf32, #tpu.memory_space<vmem>>, vector<16xf32>,
        %swap3A_455 = arith.constant 2 : i32
        %swap3A_456 = arith.index_cast %swap3A_455 : i32 to index
        %swap3A_457 = arith.index_cast %squeeze3A : i32 to index
        %swap3A_458 = arith.constant 80 : index
        %swap3A_459 = tpu.vector_load %arg9[%swap3A_456, %swap3A_457, %swap3A_458] {strides = array<i32>} : memref<4x64x256xf32, #tpu.memory_space<vmem>>, vector<16xf32>,
        tpu.vector_store %arg9[%swap3A_456, %swap3A_457, %swap3A_458], %cond3A_344#21 {strides = array<i32>} : memref<4x64x256xf32, #tpu.memory_space<vmem>>, vector<16xf32>,
        %swap3A_460 = arith.constant 3 : i32
        %swap3A_461 = arith.index_cast %swap3A_460 : i32 to index
        %swap3A_462 = arith.index_cast %squeeze3A : i32 to index
        %swap3A_463 = arith.constant 80 : index
        %swap3A_464 = tpu.vector_load %arg9[%swap3A_461, %swap3A_462, %swap3A_463] {strides = array<i32>} : memref<4x64x256xf32, #tpu.memory_space<vmem>>, vector<16xf32>,
        tpu.vector_store %arg9[%swap3A_461, %swap3A_462, %swap3A_463], %cond3A_344#29 {strides = array<i32>} : memref<4x64x256xf32, #tpu.memory_space<vmem>>, vector<16xf32>,
        %swap3A_465 = arith.constant 0 : i32
        %swap3A_466 = arith.index_cast %swap3A_465 : i32 to index
        %swap3A_467 = arith.index_cast %squeeze3A : i32 to index
        %swap3A_468 = arith.constant 96 : index
        %swap3A_469 = tpu.vector_load %arg9[%swap3A_466, %swap3A_467, %swap3A_468] {strides = array<i32>} : memref<4x64x256xf32, #tpu.memory_space<vmem>>, vector<16xf32>,
        tpu.vector_store %arg9[%swap3A_466, %swap3A_467, %swap3A_468], %cond3A_344#6 {strides = array<i32>} : memref<4x64x256xf32, #tpu.memory_space<vmem>>, vector<16xf32>,
        %swap3A_470 = arith.constant 1 : i32
        %swap3A_471 = arith.index_cast %swap3A_470 : i32 to index
        %swap3A_472 = arith.index_cast %squeeze3A : i32 to index
        %swap3A_473 = arith.constant 96 : index
        %swap3A_474 = tpu.vector_load %arg9[%swap3A_471, %swap3A_472, %swap3A_473] {strides = array<i32>} : memref<4x64x256xf32, #tpu.memory_space<vmem>>, vector<16xf32>,
        tpu.vector_store %arg9[%swap3A_471, %swap3A_472, %swap3A_473], %cond3A_344#14 {strides = array<i32>} : memref<4x64x256xf32, #tpu.memory_space<vmem>>, vector<16xf32>,
        %swap3A_475 = arith.constant 2 : i32
        %swap3A_476 = arith.index_cast %swap3A_475 : i32 to index
        %swap3A_477 = arith.index_cast %squeeze3A : i32 to index
        %swap3A_478 = arith.constant 96 : index
        %swap3A_479 = tpu.vector_load %arg9[%swap3A_476, %swap3A_477, %swap3A_478] {strides = array<i32>} : memref<4x64x256xf32, #tpu.memory_space<vmem>>, vector<16xf32>,
        tpu.vector_store %arg9[%swap3A_476, %swap3A_477, %swap3A_478], %cond3A_344#22 {strides = array<i32>} : memref<4x64x256xf32, #tpu.memory_space<vmem>>, vector<16xf32>,
        %swap3A_480 = arith.constant 3 : i32
        %swap3A_481 = arith.index_cast %swap3A_480 : i32 to index
        %swap3A_482 = arith.index_cast %squeeze3A : i32 to index
        %swap3A_483 = arith.constant 96 : index
        %swap3A_484 = tpu.vector_load %arg9[%swap3A_481, %swap3A_482, %swap3A_483] {strides = array<i32>} : memref<4x64x256xf32, #tpu.memory_space<vmem>>, vector<16xf32>,
        tpu.vector_store %arg9[%swap3A_481, %swap3A_482, %swap3A_483], %cond3A_344#30 {strides = array<i32>} : memref<4x64x256xf32, #tpu.memory_space<vmem>>, vector<16xf32>,
        %swap3A_485 = arith.constant 0 : i32
        %swap3A_486 = arith.index_cast %swap3A_485 : i32 to index
        %swap3A_487 = arith.index_cast %squeeze3A : i32 to index
        %swap3A_488 = arith.constant 112 : index
        %swap3A_489 = tpu.vector_load %arg9[%swap3A_486, %swap3A_487, %swap3A_488] {strides = array<i32>} : memref<4x64x256xf32, #tpu.memory_space<vmem>>, vector<16xf32>,
        tpu.vector_store %arg9[%swap3A_486, %swap3A_487, %swap3A_488], %cond3A_344#7 {strides = array<i32>} : memref<4x64x256xf32, #tpu.memory_space<vmem>>, vector<16xf32>,
        %swap3A_490 = arith.constant 1 : i32
        %swap3A_491 = arith.index_cast %swap3A_490 : i32 to index
        %swap3A_492 = arith.index_cast %squeeze3A : i32 to index
        %swap3A_493 = arith.constant 112 : index
        %swap3A_494 = tpu.vector_load %arg9[%swap3A_491, %swap3A_492, %swap3A_493] {strides = array<i32>} : memref<4x64x256xf32, #tpu.memory_space<vmem>>, vector<16xf32>,
        tpu.vector_store %arg9[%swap3A_491, %swap3A_492, %swap3A_493], %cond3A_344#15 {strides = array<i32>} : memref<4x64x256xf32, #tpu.memory_space<vmem>>, vector<16xf32>,
        %swap3A_495 = arith.constant 2 : i32
        %swap3A_496 = arith.index_cast %swap3A_495 : i32 to index
        %swap3A_497 = arith.index_cast %squeeze3A : i32 to index
        %swap3A_498 = arith.constant 112 : index
        %swap3A_499 = tpu.vector_load %arg9[%swap3A_496, %swap3A_497, %swap3A_498] {strides = array<i32>} : memref<4x64x256xf32, #tpu.memory_space<vmem>>, vector<16xf32>,
        tpu.vector_store %arg9[%swap3A_496, %swap3A_497, %swap3A_498], %cond3A_344#23 {strides = array<i32>} : memref<4x64x256xf32, #tpu.memory_space<vmem>>, vector<16xf32>,
        %swap3A_500 = arith.constant 3 : i32
        %swap3A_501 = arith.index_cast %swap3A_500 : i32 to index
        %swap3A_502 = arith.index_cast %squeeze3A : i32 to index
        %swap3A_503 = arith.constant 112 : index
        %swap3A_504 = tpu.vector_load %arg9[%swap3A_501, %swap3A_502, %swap3A_503] {strides = array<i32>} : memref<4x64x256xf32, #tpu.memory_space<vmem>>, vector<16xf32>,
        tpu.vector_store %arg9[%swap3A_501, %swap3A_502, %swap3A_503], %cond3A_344#31 {strides = array<i32>} : memref<4x64x256xf32, #tpu.memory_space<vmem>>, vector<16xf32>,
        %get3A_505 = arith.constant 0 : i32
        %get3A_506 = arith.index_cast %get3A_505 : i32 to index
        %get3A_507 = arith.index_cast %squeeze3A : i32 to index
        %get3A_508 = arith.constant 128 : index
        %get3A_509 = tpu.vector_load %arg9[%get3A_506, %get3A_507, %get3A_508] {strides = array<i32>} : memref<4x64x256xf32, #tpu.memory_space<vmem>>, vector<16xf32>,
        %get3A_510 = arith.constant 0 : i32
        %get3A_511 = arith.index_cast %get3A_510 : i32 to index
        %get3A_512 = arith.index_cast %squeeze3A : i32 to index
        %get3A_513 = arith.constant 144 : index
        %get3A_514 = tpu.vector_load %arg9[%get3A_511, %get3A_512, %get3A_513] {strides = array<i32>} : memref<4x64x256xf32, #tpu.memory_space<vmem>>, vector<16xf32>,
        %get3A_515 = arith.constant 0 : i32
        %get3A_516 = arith.index_cast %get3A_515 : i32 to index
        %get3A_517 = arith.index_cast %squeeze3A : i32 to index
        %get3A_518 = arith.constant 160 : index
        %get3A_519 = tpu.vector_load %arg9[%get3A_516, %get3A_517, %get3A_518] {strides = array<i32>} : memref<4x64x256xf32, #tpu.memory_space<vmem>>, vector<16xf32>,
        %get3A_520 = arith.constant 0 : i32
        %get3A_521 = arith.index_cast %get3A_520 : i32 to index
        %get3A_522 = arith.index_cast %squeeze3A : i32 to index
        %get3A_523 = arith.constant 176 : index
        %get3A_524 = tpu.vector_load %arg9[%get3A_521, %get3A_522, %get3A_523] {strides = array<i32>} : memref<4x64x256xf32, #tpu.memory_space<vmem>>, vector<16xf32>,
        %get3A_525 = arith.constant 0 : i32
        %get3A_526 = arith.index_cast %get3A_525 : i32 to index
        %get3A_527 = arith.index_cast %squeeze3A : i32 to index
        %get3A_528 = arith.constant 192 : index
        %get3A_529 = tpu.vector_load %arg9[%get3A_526, %get3A_527, %get3A_528] {strides = array<i32>} : memref<4x64x256xf32, #tpu.memory_space<vmem>>, vector<16xf32>,
        %get3A_530 = arith.constant 0 : i32
        %get3A_531 = arith.index_cast %get3A_530 : i32 to index
        %get3A_532 = arith.index_cast %squeeze3A : i32 to index
        %get3A_533 = arith.constant 208 : index
        %get3A_534 = tpu.vector_load %arg9[%get3A_531, %get3A_532, %get3A_533] {strides = array<i32>} : memref<4x64x256xf32, #tpu.memory_space<vmem>>, vector<16xf32>,
        %get3A_535 = arith.constant 0 : i32
        %get3A_536 = arith.index_cast %get3A_535 : i32 to index
        %get3A_537 = arith.index_cast %squeeze3A : i32 to index
        %get3A_538 = arith.constant 224 : index
        %get3A_539 = tpu.vector_load %arg9[%get3A_536, %get3A_537, %get3A_538] {strides = array<i32>} : memref<4x64x256xf32, #tpu.memory_space<vmem>>, vector<16xf32>,
        %get3A_540 = arith.constant 0 : i32
        %get3A_541 = arith.index_cast %get3A_540 : i32 to index
        %get3A_542 = arith.index_cast %squeeze3A : i32 to index
        %get3A_543 = arith.constant 240 : index
        %get3A_544 = tpu.vector_load %arg9[%get3A_541, %get3A_542, %get3A_543] {strides = array<i32>} : memref<4x64x256xf32, #tpu.memory_space<vmem>>, vector<16xf32>,
        %get3A_545 = arith.constant 1 : i32
        %get3A_546 = arith.index_cast %get3A_545 : i32 to index
        %get3A_547 = arith.index_cast %squeeze3A : i32 to index
        %get3A_548 = arith.constant 128 : index
        %get3A_549 = tpu.vector_load %arg9[%get3A_546, %get3A_547, %get3A_548] {strides = array<i32>} : memref<4x64x256xf32, #tpu.memory_space<vmem>>, vector<16xf32>,
        %get3A_550 = arith.constant 1 : i32
        %get3A_551 = arith.index_cast %get3A_550 : i32 to index
        %get3A_552 = arith.index_cast %squeeze3A : i32 to index
        %get3A_553 = arith.constant 144 : index
        %get3A_554 = tpu.vector_load %arg9[%get3A_551, %get3A_552, %get3A_553] {strides = array<i32>} : memref<4x64x256xf32, #tpu.memory_space<vmem>>, vector<16xf32>,
        %get3A_555 = arith.constant 1 : i32
        %get3A_556 = arith.index_cast %get3A_555 : i32 to index
        %get3A_557 = arith.index_cast %squeeze3A : i32 to index
        %get3A_558 = arith.constant 160 : index
        %get3A_559 = tpu.vector_load %arg9[%get3A_556, %get3A_557, %get3A_558] {strides = array<i32>} : memref<4x64x256xf32, #tpu.memory_space<vmem>>, vector<16xf32>,
        %get3A_560 = arith.constant 1 : i32
        %get3A_561 = arith.index_cast %get3A_560 : i32 to index
        %get3A_562 = arith.index_cast %squeeze3A : i32 to index
        %get3A_563 = arith.constant 176 : index
        %get3A_564 = tpu.vector_load %arg9[%get3A_561, %get3A_562, %get3A_563] {strides = array<i32>} : memref<4x64x256xf32, #tpu.memory_space<vmem>>, vector<16xf32>,
        %get3A_565 = arith.constant 1 : i32
        %get3A_566 = arith.index_cast %get3A_565 : i32 to index
        %get3A_567 = arith.index_cast %squeeze3A : i32 to index
        %get3A_568 = arith.constant 192 : index
        %get3A_569 = tpu.vector_load %arg9[%get3A_566, %get3A_567, %get3A_568] {strides = array<i32>} : memref<4x64x256xf32, #tpu.memory_space<vmem>>, vector<16xf32>,
        %get3A_570 = arith.constant 1 : i32
        %get3A_571 = arith.index_cast %get3A_570 : i32 to index
        %get3A_572 = arith.index_cast %squeeze3A : i32 to index
        %get3A_573 = arith.constant 208 : index
        %get3A_574 = tpu.vector_load %arg9[%get3A_571, %get3A_572, %get3A_573] {strides = array<i32>} : memref<4x64x256xf32, #tpu.memory_space<vmem>>, vector<16xf32>,
        %get3A_575 = arith.constant 1 : i32
        %get3A_576 = arith.index_cast %get3A_575 : i32 to index
        %get3A_577 = arith.index_cast %squeeze3A : i32 to index
        %get3A_578 = arith.constant 224 : index
        %get3A_579 = tpu.vector_load %arg9[%get3A_576, %get3A_577, %get3A_578] {strides = array<i32>} : memref<4x64x256xf32, #tpu.memory_space<vmem>>, vector<16xf32>,
        %get3A_580 = arith.constant 1 : i32
        %get3A_581 = arith.index_cast %get3A_580 : i32 to index
        %get3A_582 = arith.index_cast %squeeze3A : i32 to index
        %get3A_583 = arith.constant 240 : index
        %get3A_584 = tpu.vector_load %arg9[%get3A_581, %get3A_582, %get3A_583] {strides = array<i32>} : memref<4x64x256xf32, #tpu.memory_space<vmem>>, vector<16xf32>,
        %get3A_585 = arith.constant 2 : i32
        %get3A_586 = arith.index_cast %get3A_585 : i32 to index
        %get3A_587 = arith.index_cast %squeeze3A : i32 to index
        %get3A_588 = arith.constant 128 : index
        %get3A_589 = tpu.vector_load %arg9[%get3A_586, %get3A_587, %get3A_588] {strides = array<i32>} : memref<4x64x256xf32, #tpu.memory_space<vmem>>, vector<16xf32>,
        %get3A_590 = arith.constant 2 : i32
        %get3A_591 = arith.index_cast %get3A_590 : i32 to index
        %get3A_592 = arith.index_cast %squeeze3A : i32 to index
        %get3A_593 = arith.constant 144 : index
        %get3A_594 = tpu.vector_load %arg9[%get3A_591, %get3A_592, %get3A_593] {strides = array<i32>} : memref<4x64x256xf32, #tpu.memory_space<vmem>>, vector<16xf32>,
        %get3A_595 = arith.constant 2 : i32
        %get3A_596 = arith.index_cast %get3A_595 : i32 to index
        %get3A_597 = arith.index_cast %squeeze3A : i32 to index
        %get3A_598 = arith.constant 160 : index
        %get3A_599 = tpu.vector_load %arg9[%get3A_596, %get3A_597, %get3A_598] {strides = array<i32>} : memref<4x64x256xf32, #tpu.memory_space<vmem>>, vector<16xf32>,
        %get3A_600 = arith.constant 2 : i32
        %get3A_601 = arith.index_cast %get3A_600 : i32 to index
        %get3A_602 = arith.index_cast %squeeze3A : i32 to index
        %get3A_603 = arith.constant 176 : index
        %get3A_604 = tpu.vector_load %arg9[%get3A_601, %get3A_602, %get3A_603] {strides = array<i32>} : memref<4x64x256xf32, #tpu.memory_space<vmem>>, vector<16xf32>,
        %get3A_605 = arith.constant 2 : i32
        %get3A_606 = arith.index_cast %get3A_605 : i32 to index
        %get3A_607 = arith.index_cast %squeeze3A : i32 to index
        %get3A_608 = arith.constant 192 : index
        %get3A_609 = tpu.vector_load %arg9[%get3A_606, %get3A_607, %get3A_608] {strides = array<i32>} : memref<4x64x256xf32, #tpu.memory_space<vmem>>, vector<16xf32>,
        %get3A_610 = arith.constant 2 : i32
        %get3A_611 = arith.index_cast %get3A_610 : i32 to index
        %get3A_612 = arith.index_cast %squeeze3A : i32 to index
        %get3A_613 = arith.constant 208 : index
        %get3A_614 = tpu.vector_load %arg9[%get3A_611, %get3A_612, %get3A_613] {strides = array<i32>} : memref<4x64x256xf32, #tpu.memory_space<vmem>>, vector<16xf32>,
        %get3A_615 = arith.constant 2 : i32
        %get3A_616 = arith.index_cast %get3A_615 : i32 to index
        %get3A_617 = arith.index_cast %squeeze3A : i32 to index
        %get3A_618 = arith.constant 224 : index
        %get3A_619 = tpu.vector_load %arg9[%get3A_616, %get3A_617, %get3A_618] {strides = array<i32>} : memref<4x64x256xf32, #tpu.memory_space<vmem>>, vector<16xf32>,
        %get3A_620 = arith.constant 2 : i32
        %get3A_621 = arith.index_cast %get3A_620 : i32 to index
        %get3A_622 = arith.index_cast %squeeze3A : i32 to index
        %get3A_623 = arith.constant 240 : index
        %get3A_624 = tpu.vector_load %arg9[%get3A_621, %get3A_622, %get3A_623] {strides = array<i32>} : memref<4x64x256xf32, #tpu.memory_space<vmem>>, vector<16xf32>,
        %get3A_625 = arith.constant 3 : i32
        %get3A_626 = arith.index_cast %get3A_625 : i32 to index
        %get3A_627 = arith.index_cast %squeeze3A : i32 to index
        %get3A_628 = arith.constant 128 : index
        %get3A_629 = tpu.vector_load %arg9[%get3A_626, %get3A_627, %get3A_628] {strides = array<i32>} : memref<4x64x256xf32, #tpu.memory_space<vmem>>, vector<16xf32>,
        %get3A_630 = arith.constant 3 : i32
        %get3A_631 = arith.index_cast %get3A_630 : i32 to index
        %get3A_632 = arith.index_cast %squeeze3A : i32 to index
        %get3A_633 = arith.constant 144 : index
        %get3A_634 = tpu.vector_load %arg9[%get3A_631, %get3A_632, %get3A_633] {strides = array<i32>} : memref<4x64x256xf32, #tpu.memory_space<vmem>>, vector<16xf32>,
        %get3A_635 = arith.constant 3 : i32
        %get3A_636 = arith.index_cast %get3A_635 : i32 to index
        %get3A_637 = arith.index_cast %squeeze3A : i32 to index
        %get3A_638 = arith.constant 160 : index
        %get3A_639 = tpu.vector_load %arg9[%get3A_636, %get3A_637, %get3A_638] {strides = array<i32>} : memref<4x64x256xf32, #tpu.memory_space<vmem>>, vector<16xf32>,
        %get3A_640 = arith.constant 3 : i32
        %get3A_641 = arith.index_cast %get3A_640 : i32 to index
        %get3A_642 = arith.index_cast %squeeze3A : i32 to index
        %get3A_643 = arith.constant 176 : index
        %get3A_644 = tpu.vector_load %arg9[%get3A_641, %get3A_642, %get3A_643] {strides = array<i32>} : memref<4x64x256xf32, #tpu.memory_space<vmem>>, vector<16xf32>,
        %get3A_645 = arith.constant 3 : i32
        %get3A_646 = arith.index_cast %get3A_645 : i32 to index
        %get3A_647 = arith.index_cast %squeeze3A : i32 to index
        %get3A_648 = arith.constant 192 : index
        %get3A_649 = tpu.vector_load %arg9[%get3A_646, %get3A_647, %get3A_648] {strides = array<i32>} : memref<4x64x256xf32, #tpu.memory_space<vmem>>, vector<16xf32>,
        %get3A_650 = arith.constant 3 : i32
        %get3A_651 = arith.index_cast %get3A_650 : i32 to index
        %get3A_652 = arith.index_cast %squeeze3A : i32 to index
        %get3A_653 = arith.constant 208 : index
        %get3A_654 = tpu.vector_load %arg9[%get3A_651, %get3A_652, %get3A_653] {strides = array<i32>} : memref<4x64x256xf32, #tpu.memory_space<vmem>>, vector<16xf32>,
        %get3A_655 = arith.constant 3 : i32
        %get3A_656 = arith.index_cast %get3A_655 : i32 to index
        %get3A_657 = arith.index_cast %squeeze3A : i32 to index
        %get3A_658 = arith.constant 224 : index
        %get3A_659 = tpu.vector_load %arg9[%get3A_656, %get3A_657, %get3A_658] {strides = array<i32>} : memref<4x64x256xf32, #tpu.memory_space<vmem>>, vector<16xf32>,
        %get3A_660 = arith.constant 3 : i32
        %get3A_661 = arith.index_cast %get3A_660 : i32 to index
        %get3A_662 = arith.index_cast %squeeze3A : i32 to index
        %get3A_663 = arith.constant 240 : index
        %get3A_664 = tpu.vector_load %arg9[%get3A_661, %get3A_662, %get3A_663] {strides = array<i32>} : memref<4x64x256xf32, #tpu.memory_space<vmem>>, vector<16xf32>,
        %sub3A_665 = arith.subi %min3A_131, %while3A_120 : i32
        %jit3A_666 = arith.constant 2 : i32
        %div3A_667 = arith.divsi %sub3A_665, %jit3A_666 : i32
        %sign3A_668 = arith.constant 0 : i32
        %sign3A_669 = arith.cmpi sgt, %sub3A_665, %sign3A_668 : i32
        %sign3A_670 = arith.extui %sign3A_669 : i1 to i32
        %sign3A_671 = arith.constant 0 : i32
        %sign3A_672 = arith.cmpi slt, %sub3A_665, %sign3A_671 : i32
        %sign3A_673 = arith.extui %sign3A_672 : i1 to i32
        %sign3A_674 = arith.subi %sign3A_670, %sign3A_673 : i32
        %sign3A_675 = arith.constant 0 : i32
        %sign3A_676 = arith.cmpi sgt, %jit3A_666, %sign3A_675 : i32
        %sign3A_677 = arith.extui %sign3A_676 : i1 to i32
        %sign3A_678 = arith.constant 0 : i32
        %sign3A_679 = arith.cmpi slt, %jit3A_666, %sign3A_678 : i32
        %sign3A_680 = arith.extui %sign3A_679 : i1 to i32
        %sign3A_681 = arith.subi %sign3A_677, %sign3A_680 : i32
        %ne3A_682 = arith.cmpi ne, %sign3A_674, %sign3A_681 : i32
        %rem3A_683 = arith.remsi %sub3A_665, %jit3A_666 : i32
        %ne3A_684 = arith.constant 0 : i32
        %ne3A_685 = arith.cmpi ne, %rem3A_683, %ne3A_684 : i32
        %and3A_686 = arith.andi %ne3A_682, %ne3A_685 : i1
        %sub3A_687 = arith.constant 1 : i32
        %sub3A_688 = arith.subi %div3A_667, %sub3A_687 : i32
        %select_n3A_689 = arith.select %and3A_686, %sub3A_688, %div3A_667 : i32
        %while3A_690 = arith.constant 0 : i32
        %while3A_691 = arith.subi %select_n3A_689, %while3A_690 : i32
        %while3A_692 = arith.addi %while3A_690, %while3A_691 : i32
        %while3A_693 = arith.constant 1 : i32
        %while3A_694 = arith.divsi %while3A_691, %while3A_693 : i32
        %while3A_695 = arith.muli %while3A_694, %while3A_693 : i32
        %while3A_696 = arith.addi %while3A_690, %while3A_695 : i32
        %while3A_697 = arith.constant 1 : i32
        %while3A_698:32 = scf.for %while3A_898 = %while3A_690 to %while3A_696 step %while3A_697 iter_args(%while3A_899 = %get3A_509, %while3A_900 = %get3A_514, %while3A_901 = %get3A_519, %while3A_902 = %get3A_524, %while3A_903 = %get3A_529, %while3A_904 = %get3A_534, %while3A_905 = %get3A_539, %while3A_906 = %get3A_544, %while3A_907 = %get3A_549, %while3A_908 = %get3A_554, %while3A_909 = %get3A_559, %while3A_910 = %get3A_564, %while3A_911 = %get3A_569, %while3A_912 = %get3A_574, %while3A_913 = %get3A_579, %while3A_914 = %get3A_584, %while3A_915 = %get3A_589, %while3A_916 = %get3A_594, %while3A_917 = %get3A_599, %while3A_918 = %get3A_604, %while3A_919 = %get3A_609, %while3A_920 = %get3A_614, %while3A_921 = %get3A_619, %while3A_922 = %get3A_624, %while3A_923 = %get3A_629, %while3A_924 = %get3A_634, %while3A_925 = %get3A_639, %while3A_926 = %get3A_644, %while3A_927 = %get3A_649, %while3A_928 = %get3A_654, %while3A_929 = %get3A_659, %while3A_930 = %get3A_664) -> (vector<16xf32>, vector<16xf32>, vector<16xf32>, vector<16xf32>, vector<16xf32>, vector<16xf32>, vector<16xf32>, vector<16xf32>, vector<16xf32>, vector<16xf32>, vector<16xf32>, vector<16xf32>, vector<16xf32>, vector<16xf32>, vector<16xf32>, vector<16xf32>, vector<16xf32>, vector<16xf32>, vector<16xf32>, vector<16xf32>, vector<16xf32>, vector<16xf32>, vector<16xf32>, vector<16xf32>, vector<16xf32>, vector<16xf32>, vector<16xf32>, vector<16xf32>, vector<16xf32>, vector<16xf32>, vector<16xf32>, vector<16xf32>)  : i32 {
          %mul3A_931 = arith.constant 2 : i32
          %mul3A_932 = arith.muli %mul3A_931, %while3A_898 : i32
          %add3A_933 = arith.addi %while3A_120, %mul3A_932 : i32
          %get3A_934 = arith.index_cast %add3A_933 : i32 to index
          %get3A_935 = arith.constant 128 : index
          %get3A_936 = tpu.vector_load %arg7[%get3A_934, %get3A_935] {strides = array<i32>} : memref<112x256xf32, #tpu.memory_space<vmem>>, vector<16xf32>,
          %add3A_937 = arith.addf %while3A_899, %get3A_936 : vector<16xf32>
          %mul3A_938 = arith.mulf %get3A_936, %get3A_936 : vector<16xf32>
          %add3A_939 = arith.addf %while3A_907, %mul3A_938 : vector<16xf32>
          %max3A = arith.maximumf %while3A_915, %get3A_936 : vector<16xf32>
          %min3A_940 = arith.minimumf %while3A_923, %get3A_936 : vector<16xf32>
          %get3A_941 = arith.index_cast %add3A_933 : i32 to index
          %get3A_942 = arith.constant 144 : index
          %get3A_943 = tpu.vector_load %arg7[%get3A_941, %get3A_942] {strides = array<i32>} : memref<112x256xf32, #tpu.memory_space<vmem>>, vector<16xf32>,
          %add3A_944 = arith.addf %while3A_900, %get3A_943 : vector<16xf32>
          %mul3A_945 = arith.mulf %get3A_943, %get3A_943 : vector<16xf32>
          %add3A_946 = arith.addf %while3A_908, %mul3A_945 : vector<16xf32>
          %max3A_947 = arith.maximumf %while3A_916, %get3A_943 : vector<16xf32>
          %min3A_948 = arith.minimumf %while3A_924, %get3A_943 : vector<16xf32>
          %get3A_949 = arith.index_cast %add3A_933 : i32 to index
          %get3A_950 = arith.constant 160 : index
          %get3A_951 = tpu.vector_load %arg7[%get3A_949, %get3A_950] {strides = array<i32>} : memref<112x256xf32, #tpu.memory_space<vmem>>, vector<16xf32>,
          %add3A_952 = arith.addf %while3A_901, %get3A_951 : vector<16xf32>
          %mul3A_953 = arith.mulf %get3A_951, %get3A_951 : vector<16xf32>
          %add3A_954 = arith.addf %while3A_909, %mul3A_953 : vector<16xf32>
          %max3A_955 = arith.maximumf %while3A_917, %get3A_951 : vector<16xf32>
          %min3A_956 = arith.minimumf %while3A_925, %get3A_951 : vector<16xf32>
          %get3A_957 = arith.index_cast %add3A_933 : i32 to index
          %get3A_958 = arith.constant 176 : index
          %get3A_959 = tpu.vector_load %arg7[%get3A_957, %get3A_958] {strides = array<i32>} : memref<112x256xf32, #tpu.memory_space<vmem>>, vector<16xf32>,
          %add3A_960 = arith.addf %while3A_902, %get3A_959 : vector<16xf32>
          %mul3A_961 = arith.mulf %get3A_959, %get3A_959 : vector<16xf32>
          %add3A_962 = arith.addf %while3A_910, %mul3A_961 : vector<16xf32>
          %max3A_963 = arith.maximumf %while3A_918, %get3A_959 : vector<16xf32>
          %min3A_964 = arith.minimumf %while3A_926, %get3A_959 : vector<16xf32>
          %get3A_965 = arith.index_cast %add3A_933 : i32 to index
          %get3A_966 = arith.constant 192 : index
          %get3A_967 = tpu.vector_load %arg7[%get3A_965, %get3A_966] {strides = array<i32>} : memref<112x256xf32, #tpu.memory_space<vmem>>, vector<16xf32>,
          %add3A_968 = arith.addf %while3A_903, %get3A_967 : vector<16xf32>
          %mul3A_969 = arith.mulf %get3A_967, %get3A_967 : vector<16xf32>
          %add3A_970 = arith.addf %while3A_911, %mul3A_969 : vector<16xf32>
          %max3A_971 = arith.maximumf %while3A_919, %get3A_967 : vector<16xf32>
          %min3A_972 = arith.minimumf %while3A_927, %get3A_967 : vector<16xf32>
          %get3A_973 = arith.index_cast %add3A_933 : i32 to index
          %get3A_974 = arith.constant 208 : index
          %get3A_975 = tpu.vector_load %arg7[%get3A_973, %get3A_974] {strides = array<i32>} : memref<112x256xf32, #tpu.memory_space<vmem>>, vector<16xf32>,
          %add3A_976 = arith.addf %while3A_904, %get3A_975 : vector<16xf32>
          %mul3A_977 = arith.mulf %get3A_975, %get3A_975 : vector<16xf32>
          %add3A_978 = arith.addf %while3A_912, %mul3A_977 : vector<16xf32>
          %max3A_979 = arith.maximumf %while3A_920, %get3A_975 : vector<16xf32>
          %min3A_980 = arith.minimumf %while3A_928, %get3A_975 : vector<16xf32>
          %get3A_981 = arith.index_cast %add3A_933 : i32 to index
          %get3A_982 = arith.constant 224 : index
          %get3A_983 = tpu.vector_load %arg7[%get3A_981, %get3A_982] {strides = array<i32>} : memref<112x256xf32, #tpu.memory_space<vmem>>, vector<16xf32>,
          %add3A_984 = arith.addf %while3A_905, %get3A_983 : vector<16xf32>
          %mul3A_985 = arith.mulf %get3A_983, %get3A_983 : vector<16xf32>
          %add3A_986 = arith.addf %while3A_913, %mul3A_985 : vector<16xf32>
          %max3A_987 = arith.maximumf %while3A_921, %get3A_983 : vector<16xf32>
          %min3A_988 = arith.minimumf %while3A_929, %get3A_983 : vector<16xf32>
          %get3A_989 = arith.index_cast %add3A_933 : i32 to index
          %get3A_990 = arith.constant 240 : index
          %get3A_991 = tpu.vector_load %arg7[%get3A_989, %get3A_990] {strides = array<i32>} : memref<112x256xf32, #tpu.memory_space<vmem>>, vector<16xf32>,
          %add3A_992 = arith.addf %while3A_906, %get3A_991 : vector<16xf32>
          %mul3A_993 = arith.mulf %get3A_991, %get3A_991 : vector<16xf32>
          %add3A_994 = arith.addf %while3A_914, %mul3A_993 : vector<16xf32>
          %max3A_995 = arith.maximumf %while3A_922, %get3A_991 : vector<16xf32>
          %min3A_996 = arith.minimumf %while3A_930, %get3A_991 : vector<16xf32>
          %add3A_997 = arith.constant 1 : i32
          %add3A_998 = arith.addi %add3A_933, %add3A_997 : i32
          %get3A_999 = arith.index_cast %add3A_998 : i32 to index
          %get3A_1000 = arith.constant 128 : index
          %get3A_1001 = tpu.vector_load %arg7[%get3A_999, %get3A_1000] {strides = array<i32>} : memref<112x256xf32, #tpu.memory_space<vmem>>, vector<16xf32>,
          %add3A_1002 = arith.addf %add3A_937, %get3A_1001 : vector<16xf32>
          %mul3A_1003 = arith.mulf %get3A_1001, %get3A_1001 : vector<16xf32>
          %add3A_1004 = arith.addf %add3A_939, %mul3A_1003 : vector<16xf32>
          %max3A_1005 = arith.maximumf %max3A, %get3A_1001 : vector<16xf32>
          %min3A_1006 = arith.minimumf %min3A_940, %get3A_1001 : vector<16xf32>
          %get3A_1007 = arith.index_cast %add3A_998 : i32 to index
          %get3A_1008 = arith.constant 144 : index
          %get3A_1009 = tpu.vector_load %arg7[%get3A_1007, %get3A_1008] {strides = array<i32>} : memref<112x256xf32, #tpu.memory_space<vmem>>, vector<16xf32>,
          %add3A_1010 = arith.addf %add3A_944, %get3A_1009 : vector<16xf32>
          %mul3A_1011 = arith.mulf %get3A_1009, %get3A_1009 : vector<16xf32>
          %add3A_1012 = arith.addf %add3A_946, %mul3A_1011 : vector<16xf32>
          %max3A_1013 = arith.maximumf %max3A_947, %get3A_1009 : vector<16xf32>
          %min3A_1014 = arith.minimumf %min3A_948, %get3A_1009 : vector<16xf32>
          %get3A_1015 = arith.index_cast %add3A_998 : i32 to index
          %get3A_1016 = arith.constant 160 : index
          %get3A_1017 = tpu.vector_load %arg7[%get3A_1015, %get3A_1016] {strides = array<i32>} : memref<112x256xf32, #tpu.memory_space<vmem>>, vector<16xf32>,
          %add3A_1018 = arith.addf %add3A_952, %get3A_1017 : vector<16xf32>
          %mul3A_1019 = arith.mulf %get3A_1017, %get3A_1017 : vector<16xf32>
          %add3A_1020 = arith.addf %add3A_954, %mul3A_1019 : vector<16xf32>
          %max3A_1021 = arith.maximumf %max3A_955, %get3A_1017 : vector<16xf32>
          %min3A_1022 = arith.minimumf %min3A_956, %get3A_1017 : vector<16xf32>
          %get3A_1023 = arith.index_cast %add3A_998 : i32 to index
          %get3A_1024 = arith.constant 176 : index
          %get3A_1025 = tpu.vector_load %arg7[%get3A_1023, %get3A_1024] {strides = array<i32>} : memref<112x256xf32, #tpu.memory_space<vmem>>, vector<16xf32>,
          %add3A_1026 = arith.addf %add3A_960, %get3A_1025 : vector<16xf32>
          %mul3A_1027 = arith.mulf %get3A_1025, %get3A_1025 : vector<16xf32>
          %add3A_1028 = arith.addf %add3A_962, %mul3A_1027 : vector<16xf32>
          %max3A_1029 = arith.maximumf %max3A_963, %get3A_1025 : vector<16xf32>
          %min3A_1030 = arith.minimumf %min3A_964, %get3A_1025 : vector<16xf32>
          %get3A_1031 = arith.index_cast %add3A_998 : i32 to index
          %get3A_1032 = arith.constant 192 : index
          %get3A_1033 = tpu.vector_load %arg7[%get3A_1031, %get3A_1032] {strides = array<i32>} : memref<112x256xf32, #tpu.memory_space<vmem>>, vector<16xf32>,
          %add3A_1034 = arith.addf %add3A_968, %get3A_1033 : vector<16xf32>
          %mul3A_1035 = arith.mulf %get3A_1033, %get3A_1033 : vector<16xf32>
          %add3A_1036 = arith.addf %add3A_970, %mul3A_1035 : vector<16xf32>
          %max3A_1037 = arith.maximumf %max3A_971, %get3A_1033 : vector<16xf32>
          %min3A_1038 = arith.minimumf %min3A_972, %get3A_1033 : vector<16xf32>
          %get3A_1039 = arith.index_cast %add3A_998 : i32 to index
          %get3A_1040 = arith.constant 208 : index
          %get3A_1041 = tpu.vector_load %arg7[%get3A_1039, %get3A_1040] {strides = array<i32>} : memref<112x256xf32, #tpu.memory_space<vmem>>, vector<16xf32>,
          %add3A_1042 = arith.addf %add3A_976, %get3A_1041 : vector<16xf32>
          %mul3A_1043 = arith.mulf %get3A_1041, %get3A_1041 : vector<16xf32>
          %add3A_1044 = arith.addf %add3A_978, %mul3A_1043 : vector<16xf32>
          %max3A_1045 = arith.maximumf %max3A_979, %get3A_1041 : vector<16xf32>
          %min3A_1046 = arith.minimumf %min3A_980, %get3A_1041 : vector<16xf32>
          %get3A_1047 = arith.index_cast %add3A_998 : i32 to index
          %get3A_1048 = arith.constant 224 : index
          %get3A_1049 = tpu.vector_load %arg7[%get3A_1047, %get3A_1048] {strides = array<i32>} : memref<112x256xf32, #tpu.memory_space<vmem>>, vector<16xf32>,
          %add3A_1050 = arith.addf %add3A_984, %get3A_1049 : vector<16xf32>
          %mul3A_1051 = arith.mulf %get3A_1049, %get3A_1049 : vector<16xf32>
          %add3A_1052 = arith.addf %add3A_986, %mul3A_1051 : vector<16xf32>
          %max3A_1053 = arith.maximumf %max3A_987, %get3A_1049 : vector<16xf32>
          %min3A_1054 = arith.minimumf %min3A_988, %get3A_1049 : vector<16xf32>
          %get3A_1055 = arith.index_cast %add3A_998 : i32 to index
          %get3A_1056 = arith.constant 240 : index
          %get3A_1057 = tpu.vector_load %arg7[%get3A_1055, %get3A_1056] {strides = array<i32>} : memref<112x256xf32, #tpu.memory_space<vmem>>, vector<16xf32>,
          %add3A_1058 = arith.addf %add3A_992, %get3A_1057 : vector<16xf32>
          %mul3A_1059 = arith.mulf %get3A_1057, %get3A_1057 : vector<16xf32>
          %add3A_1060 = arith.addf %add3A_994, %mul3A_1059 : vector<16xf32>
          %max3A_1061 = arith.maximumf %max3A_995, %get3A_1057 : vector<16xf32>
          %min3A_1062 = arith.minimumf %min3A_996, %get3A_1057 : vector<16xf32>
          scf.yield %add3A_1002, %add3A_1010, %add3A_1018, %add3A_1026, %add3A_1034, %add3A_1042, %add3A_1050, %add3A_1058, %add3A_1004, %add3A_1012, %add3A_1020, %add3A_1028, %add3A_1036, %add3A_1044, %add3A_1052, %add3A_1060, %max3A_1005, %max3A_1013, %max3A_1021, %max3A_1029, %max3A_1037, %max3A_1045, %max3A_1053, %max3A_1061, %min3A_1006, %min3A_1014, %min3A_1022, %min3A_1030, %min3A_1038, %min3A_1046, %min3A_1054, %min3A_1062 : vector<16xf32>, vector<16xf32>, vector<16xf32>, vector<16xf32>, vector<16xf32>, vector<16xf32>, vector<16xf32>, vector<16xf32>, vector<16xf32>, vector<16xf32>, vector<16xf32>, vector<16xf32>, vector<16xf32>, vector<16xf32>, vector<16xf32>, vector<16xf32>, vector<16xf32>, vector<16xf32>, vector<16xf32>, vector<16xf32>, vector<16xf32>, vector<16xf32>, vector<16xf32>, vector<16xf32>, vector<16xf32>, vector<16xf32>, vector<16xf32>, vector<16xf32>, vector<16xf32>, vector<16xf32>, vector<16xf32>, vector<16xf32>
        }
        %while3A_699 = arith.constant 1 : i32
        %while3A_700:32 = scf.for %while3A_898 = %while3A_696 to %while3A_692 step %while3A_699 iter_args(%while3A_899 = %while3A_698#0, %while3A_900 = %while3A_698#1, %while3A_901 = %while3A_698#2, %while3A_902 = %while3A_698#3, %while3A_903 = %while3A_698#4, %while3A_904 = %while3A_698#5, %while3A_905 = %while3A_698#6, %while3A_906 = %while3A_698#7, %while3A_907 = %while3A_698#8, %while3A_908 = %while3A_698#9, %while3A_909 = %while3A_698#10, %while3A_910 = %while3A_698#11, %while3A_911 = %while3A_698#12, %while3A_912 = %while3A_698#13, %while3A_913 = %while3A_698#14, %while3A_914 = %while3A_698#15, %while3A_915 = %while3A_698#16, %while3A_916 = %while3A_698#17, %while3A_917 = %while3A_698#18, %while3A_918 = %while3A_698#19, %while3A_919 = %while3A_698#20, %while3A_920 = %while3A_698#21, %while3A_921 = %while3A_698#22, %while3A_922 = %while3A_698#23, %while3A_923 = %while3A_698#24, %while3A_924 = %while3A_698#25, %while3A_925 = %while3A_698#26, %while3A_926 = %while3A_698#27, %while3A_927 = %while3A_698#28, %while3A_928 = %while3A_698#29, %while3A_929 = %while3A_698#30, %while3A_930 = %while3A_698#31) -> (vector<16xf32>, vector<16xf32>, vector<16xf32>, vector<16xf32>, vector<16xf32>, vector<16xf32>, vector<16xf32>, vector<16xf32>, vector<16xf32>, vector<16xf32>, vector<16xf32>, vector<16xf32>, vector<16xf32>, vector<16xf32>, vector<16xf32>, vector<16xf32>, vector<16xf32>, vector<16xf32>, vector<16xf32>, vector<16xf32>, vector<16xf32>, vector<16xf32>, vector<16xf32>, vector<16xf32>, vector<16xf32>, vector<16xf32>, vector<16xf32>, vector<16xf32>, vector<16xf32>, vector<16xf32>, vector<16xf32>, vector<16xf32>)  : i32 {
          %mul3A_931 = arith.constant 2 : i32
          %mul3A_932 = arith.muli %mul3A_931, %while3A_898 : i32
          %add3A_933 = arith.addi %while3A_120, %mul3A_932 : i32
          %get3A_934 = arith.index_cast %add3A_933 : i32 to index
          %get3A_935 = arith.constant 128 : index
          %get3A_936 = tpu.vector_load %arg7[%get3A_934, %get3A_935] {strides = array<i32>} : memref<112x256xf32, #tpu.memory_space<vmem>>, vector<16xf32>,
          %add3A_937 = arith.addf %while3A_899, %get3A_936 : vector<16xf32>
          %mul3A_938 = arith.mulf %get3A_936, %get3A_936 : vector<16xf32>
          %add3A_939 = arith.addf %while3A_907, %mul3A_938 : vector<16xf32>
          %max3A = arith.maximumf %while3A_915, %get3A_936 : vector<16xf32>
          %min3A_940 = arith.minimumf %while3A_923, %get3A_936 : vector<16xf32>
          %get3A_941 = arith.index_cast %add3A_933 : i32 to index
          %get3A_942 = arith.constant 144 : index
          %get3A_943 = tpu.vector_load %arg7[%get3A_941, %get3A_942] {strides = array<i32>} : memref<112x256xf32, #tpu.memory_space<vmem>>, vector<16xf32>,
          %add3A_944 = arith.addf %while3A_900, %get3A_943 : vector<16xf32>
          %mul3A_945 = arith.mulf %get3A_943, %get3A_943 : vector<16xf32>
          %add3A_946 = arith.addf %while3A_908, %mul3A_945 : vector<16xf32>
          %max3A_947 = arith.maximumf %while3A_916, %get3A_943 : vector<16xf32>
          %min3A_948 = arith.minimumf %while3A_924, %get3A_943 : vector<16xf32>
          %get3A_949 = arith.index_cast %add3A_933 : i32 to index
          %get3A_950 = arith.constant 160 : index
          %get3A_951 = tpu.vector_load %arg7[%get3A_949, %get3A_950] {strides = array<i32>} : memref<112x256xf32, #tpu.memory_space<vmem>>, vector<16xf32>,
          %add3A_952 = arith.addf %while3A_901, %get3A_951 : vector<16xf32>
          %mul3A_953 = arith.mulf %get3A_951, %get3A_951 : vector<16xf32>
          %add3A_954 = arith.addf %while3A_909, %mul3A_953 : vector<16xf32>
          %max3A_955 = arith.maximumf %while3A_917, %get3A_951 : vector<16xf32>
          %min3A_956 = arith.minimumf %while3A_925, %get3A_951 : vector<16xf32>
          %get3A_957 = arith.index_cast %add3A_933 : i32 to index
          %get3A_958 = arith.constant 176 : index
          %get3A_959 = tpu.vector_load %arg7[%get3A_957, %get3A_958] {strides = array<i32>} : memref<112x256xf32, #tpu.memory_space<vmem>>, vector<16xf32>,
          %add3A_960 = arith.addf %while3A_902, %get3A_959 : vector<16xf32>
          %mul3A_961 = arith.mulf %get3A_959, %get3A_959 : vector<16xf32>
          %add3A_962 = arith.addf %while3A_910, %mul3A_961 : vector<16xf32>
          %max3A_963 = arith.maximumf %while3A_918, %get3A_959 : vector<16xf32>
          %min3A_964 = arith.minimumf %while3A_926, %get3A_959 : vector<16xf32>
          %get3A_965 = arith.index_cast %add3A_933 : i32 to index
          %get3A_966 = arith.constant 192 : index
          %get3A_967 = tpu.vector_load %arg7[%get3A_965, %get3A_966] {strides = array<i32>} : memref<112x256xf32, #tpu.memory_space<vmem>>, vector<16xf32>,
          %add3A_968 = arith.addf %while3A_903, %get3A_967 : vector<16xf32>
          %mul3A_969 = arith.mulf %get3A_967, %get3A_967 : vector<16xf32>
          %add3A_970 = arith.addf %while3A_911, %mul3A_969 : vector<16xf32>
          %max3A_971 = arith.maximumf %while3A_919, %get3A_967 : vector<16xf32>
          %min3A_972 = arith.minimumf %while3A_927, %get3A_967 : vector<16xf32>
          %get3A_973 = arith.index_cast %add3A_933 : i32 to index
          %get3A_974 = arith.constant 208 : index
          %get3A_975 = tpu.vector_load %arg7[%get3A_973, %get3A_974] {strides = array<i32>} : memref<112x256xf32, #tpu.memory_space<vmem>>, vector<16xf32>,
          %add3A_976 = arith.addf %while3A_904, %get3A_975 : vector<16xf32>
          %mul3A_977 = arith.mulf %get3A_975, %get3A_975 : vector<16xf32>
          %add3A_978 = arith.addf %while3A_912, %mul3A_977 : vector<16xf32>
          %max3A_979 = arith.maximumf %while3A_920, %get3A_975 : vector<16xf32>
          %min3A_980 = arith.minimumf %while3A_928, %get3A_975 : vector<16xf32>
          %get3A_981 = arith.index_cast %add3A_933 : i32 to index
          %get3A_982 = arith.constant 224 : index
          %get3A_983 = tpu.vector_load %arg7[%get3A_981, %get3A_982] {strides = array<i32>} : memref<112x256xf32, #tpu.memory_space<vmem>>, vector<16xf32>,
          %add3A_984 = arith.addf %while3A_905, %get3A_983 : vector<16xf32>
          %mul3A_985 = arith.mulf %get3A_983, %get3A_983 : vector<16xf32>
          %add3A_986 = arith.addf %while3A_913, %mul3A_985 : vector<16xf32>
          %max3A_987 = arith.maximumf %while3A_921, %get3A_983 : vector<16xf32>
          %min3A_988 = arith.minimumf %while3A_929, %get3A_983 : vector<16xf32>
          %get3A_989 = arith.index_cast %add3A_933 : i32 to index
          %get3A_990 = arith.constant 240 : index
          %get3A_991 = tpu.vector_load %arg7[%get3A_989, %get3A_990] {strides = array<i32>} : memref<112x256xf32, #tpu.memory_space<vmem>>, vector<16xf32>,
          %add3A_992 = arith.addf %while3A_906, %get3A_991 : vector<16xf32>
          %mul3A_993 = arith.mulf %get3A_991, %get3A_991 : vector<16xf32>
          %add3A_994 = arith.addf %while3A_914, %mul3A_993 : vector<16xf32>
          %max3A_995 = arith.maximumf %while3A_922, %get3A_991 : vector<16xf32>
          %min3A_996 = arith.minimumf %while3A_930, %get3A_991 : vector<16xf32>
          %add3A_997 = arith.constant 1 : i32
          %add3A_998 = arith.addi %add3A_933, %add3A_997 : i32
          %get3A_999 = arith.index_cast %add3A_998 : i32 to index
          %get3A_1000 = arith.constant 128 : index
          %get3A_1001 = tpu.vector_load %arg7[%get3A_999, %get3A_1000] {strides = array<i32>} : memref<112x256xf32, #tpu.memory_space<vmem>>, vector<16xf32>,
          %add3A_1002 = arith.addf %add3A_937, %get3A_1001 : vector<16xf32>
          %mul3A_1003 = arith.mulf %get3A_1001, %get3A_1001 : vector<16xf32>
          %add3A_1004 = arith.addf %add3A_939, %mul3A_1003 : vector<16xf32>
          %max3A_1005 = arith.maximumf %max3A, %get3A_1001 : vector<16xf32>
          %min3A_1006 = arith.minimumf %min3A_940, %get3A_1001 : vector<16xf32>
          %get3A_1007 = arith.index_cast %add3A_998 : i32 to index
          %get3A_1008 = arith.constant 144 : index
          %get3A_1009 = tpu.vector_load %arg7[%get3A_1007, %get3A_1008] {strides = array<i32>} : memref<112x256xf32, #tpu.memory_space<vmem>>, vector<16xf32>,
          %add3A_1010 = arith.addf %add3A_944, %get3A_1009 : vector<16xf32>
          %mul3A_1011 = arith.mulf %get3A_1009, %get3A_1009 : vector<16xf32>
          %add3A_1012 = arith.addf %add3A_946, %mul3A_1011 : vector<16xf32>
          %max3A_1013 = arith.maximumf %max3A_947, %get3A_1009 : vector<16xf32>
          %min3A_1014 = arith.minimumf %min3A_948, %get3A_1009 : vector<16xf32>
          %get3A_1015 = arith.index_cast %add3A_998 : i32 to index
          %get3A_1016 = arith.constant 160 : index
          %get3A_1017 = tpu.vector_load %arg7[%get3A_1015, %get3A_1016] {strides = array<i32>} : memref<112x256xf32, #tpu.memory_space<vmem>>, vector<16xf32>,
          %add3A_1018 = arith.addf %add3A_952, %get3A_1017 : vector<16xf32>
          %mul3A_1019 = arith.mulf %get3A_1017, %get3A_1017 : vector<16xf32>
          %add3A_1020 = arith.addf %add3A_954, %mul3A_1019 : vector<16xf32>
          %max3A_1021 = arith.maximumf %max3A_955, %get3A_1017 : vector<16xf32>
          %min3A_1022 = arith.minimumf %min3A_956, %get3A_1017 : vector<16xf32>
          %get3A_1023 = arith.index_cast %add3A_998 : i32 to index
          %get3A_1024 = arith.constant 176 : index
          %get3A_1025 = tpu.vector_load %arg7[%get3A_1023, %get3A_1024] {strides = array<i32>} : memref<112x256xf32, #tpu.memory_space<vmem>>, vector<16xf32>,
          %add3A_1026 = arith.addf %add3A_960, %get3A_1025 : vector<16xf32>
          %mul3A_1027 = arith.mulf %get3A_1025, %get3A_1025 : vector<16xf32>
          %add3A_1028 = arith.addf %add3A_962, %mul3A_1027 : vector<16xf32>
          %max3A_1029 = arith.maximumf %max3A_963, %get3A_1025 : vector<16xf32>
          %min3A_1030 = arith.minimumf %min3A_964, %get3A_1025 : vector<16xf32>
          %get3A_1031 = arith.index_cast %add3A_998 : i32 to index
          %get3A_1032 = arith.constant 192 : index
          %get3A_1033 = tpu.vector_load %arg7[%get3A_1031, %get3A_1032] {strides = array<i32>} : memref<112x256xf32, #tpu.memory_space<vmem>>, vector<16xf32>,
          %add3A_1034 = arith.addf %add3A_968, %get3A_1033 : vector<16xf32>
          %mul3A_1035 = arith.mulf %get3A_1033, %get3A_1033 : vector<16xf32>
          %add3A_1036 = arith.addf %add3A_970, %mul3A_1035 : vector<16xf32>
          %max3A_1037 = arith.maximumf %max3A_971, %get3A_1033 : vector<16xf32>
          %min3A_1038 = arith.minimumf %min3A_972, %get3A_1033 : vector<16xf32>
          %get3A_1039 = arith.index_cast %add3A_998 : i32 to index
          %get3A_1040 = arith.constant 208 : index
          %get3A_1041 = tpu.vector_load %arg7[%get3A_1039, %get3A_1040] {strides = array<i32>} : memref<112x256xf32, #tpu.memory_space<vmem>>, vector<16xf32>,
          %add3A_1042 = arith.addf %add3A_976, %get3A_1041 : vector<16xf32>
          %mul3A_1043 = arith.mulf %get3A_1041, %get3A_1041 : vector<16xf32>
          %add3A_1044 = arith.addf %add3A_978, %mul3A_1043 : vector<16xf32>
          %max3A_1045 = arith.maximumf %max3A_979, %get3A_1041 : vector<16xf32>
          %min3A_1046 = arith.minimumf %min3A_980, %get3A_1041 : vector<16xf32>
          %get3A_1047 = arith.index_cast %add3A_998 : i32 to index
          %get3A_1048 = arith.constant 224 : index
          %get3A_1049 = tpu.vector_load %arg7[%get3A_1047, %get3A_1048] {strides = array<i32>} : memref<112x256xf32, #tpu.memory_space<vmem>>, vector<16xf32>,
          %add3A_1050 = arith.addf %add3A_984, %get3A_1049 : vector<16xf32>
          %mul3A_1051 = arith.mulf %get3A_1049, %get3A_1049 : vector<16xf32>
          %add3A_1052 = arith.addf %add3A_986, %mul3A_1051 : vector<16xf32>
          %max3A_1053 = arith.maximumf %max3A_987, %get3A_1049 : vector<16xf32>
          %min3A_1054 = arith.minimumf %min3A_988, %get3A_1049 : vector<16xf32>
          %get3A_1055 = arith.index_cast %add3A_998 : i32 to index
          %get3A_1056 = arith.constant 240 : index
          %get3A_1057 = tpu.vector_load %arg7[%get3A_1055, %get3A_1056] {strides = array<i32>} : memref<112x256xf32, #tpu.memory_space<vmem>>, vector<16xf32>,
          %add3A_1058 = arith.addf %add3A_992, %get3A_1057 : vector<16xf32>
          %mul3A_1059 = arith.mulf %get3A_1057, %get3A_1057 : vector<16xf32>
          %add3A_1060 = arith.addf %add3A_994, %mul3A_1059 : vector<16xf32>
          %max3A_1061 = arith.maximumf %max3A_995, %get3A_1057 : vector<16xf32>
          %min3A_1062 = arith.minimumf %min3A_996, %get3A_1057 : vector<16xf32>
          scf.yield %add3A_1002, %add3A_1010, %add3A_1018, %add3A_1026, %add3A_1034, %add3A_1042, %add3A_1050, %add3A_1058, %add3A_1004, %add3A_1012, %add3A_1020, %add3A_1028, %add3A_1036, %add3A_1044, %add3A_1052, %add3A_1060, %max3A_1005, %max3A_1013, %max3A_1021, %max3A_1029, %max3A_1037, %max3A_1045, %max3A_1053, %max3A_1061, %min3A_1006, %min3A_1014, %min3A_1022, %min3A_1030, %min3A_1038, %min3A_1046, %min3A_1054, %min3A_1062 : vector<16xf32>, vector<16xf32>, vector<16xf32>, vector<16xf32>, vector<16xf32>, vector<16xf32>, vector<16xf32>, vector<16xf32>, vector<16xf32>, vector<16xf32>, vector<16xf32>, vector<16xf32>, vector<16xf32>, vector<16xf32>, vector<16xf32>, vector<16xf32>, vector<16xf32>, vector<16xf32>, vector<16xf32>, vector<16xf32>, vector<16xf32>, vector<16xf32>, vector<16xf32>, vector<16xf32>, vector<16xf32>, vector<16xf32>, vector<16xf32>, vector<16xf32>, vector<16xf32>, vector<16xf32>, vector<16xf32>, vector<16xf32>
        }
        %sub3A_701 = arith.subi %min3A_131, %while3A_120 : i32
        %jit3A_702 = arith.constant 2 : i32
        %eq3A_703 = arith.constant 0 : i32
        %eq3A_704 = arith.cmpi eq, %jit3A_702, %eq3A_703 : i32
        %jit3A_705 = arith.constant 1 : i32
        %select_n3A_706 = arith.select %eq3A_704, %jit3A_705, %jit3A_702 : i32
        %rem3A_707 = arith.remsi %sub3A_701, %select_n3A_706 : i32
        %ne3A_708 = arith.constant 0 : i32
        %ne3A_709 = arith.cmpi ne, %rem3A_707, %ne3A_708 : i32
        %lt3A_710 = arith.constant 0 : i32
        %lt3A_711 = arith.cmpi slt, %rem3A_707, %lt3A_710 : i32
        %lt3A_712 = arith.constant 0 : i32
        %lt3A_713 = arith.cmpi slt, %select_n3A_706, %lt3A_712 : i32
        %ne3A_714 = arith.xori %lt3A_711, %lt3A_713 : i1
        %and3A_715 = arith.andi %ne3A_714, %ne3A_709 : i1
        %add3A_716 = arith.addi %rem3A_707, %select_n3A_706 : i32
        %select_n3A_717 = arith.select %and3A_715, %add3A_716, %rem3A_707 : i32
        %eq3A_718 = arith.constant 1 : i32
        %eq3A_719 = arith.cmpi eq, %select_n3A_717, %eq3A_718 : i32
        %convert_element_type3A_720 = arith.extui %eq3A_719 : i1 to i32
        %cond3A_721 = arith.constant 0 : i32
        %cond3A_722 = arith.cmpi ne, %convert_element_type3A_720, %cond3A_721 : i32
        %cond3A_723:32 = scf.if %cond3A_722 -> (vector<16xf32>, vector<16xf32>, vector<16xf32>, vector<16xf32>, vector<16xf32>, vector<16xf32>, vector<16xf32>, vector<16xf32>, vector<16xf32>, vector<16xf32>, vector<16xf32>, vector<16xf32>, vector<16xf32>, vector<16xf32>, vector<16xf32>, vector<16xf32>, vector<16xf32>, vector<16xf32>, vector<16xf32>, vector<16xf32>, vector<16xf32>, vector<16xf32>, vector<16xf32>, vector<16xf32>, vector<16xf32>, vector<16xf32>, vector<16xf32>, vector<16xf32>, vector<16xf32>, vector<16xf32>, vector<16xf32>, vector<16xf32>) {
          %sub3A_898 = arith.constant 1 : i32
          %sub3A_899 = arith.subi %min3A_131, %sub3A_898 : i32
          %get3A_900 = arith.index_cast %sub3A_899 : i32 to index
          %get3A_901 = arith.constant 128 : index
          %get3A_902 = tpu.vector_load %arg7[%get3A_900, %get3A_901] {strides = array<i32>} : memref<112x256xf32, #tpu.memory_space<vmem>>, vector<16xf32>,
          %add3A_903 = arith.addf %while3A_700#0, %get3A_902 : vector<16xf32>
          %mul3A_904 = arith.mulf %get3A_902, %get3A_902 : vector<16xf32>
          %add3A_905 = arith.addf %while3A_700#8, %mul3A_904 : vector<16xf32>
          %max3A = arith.maximumf %while3A_700#16, %get3A_902 : vector<16xf32>
          %min3A_906 = arith.minimumf %while3A_700#24, %get3A_902 : vector<16xf32>
          %get3A_907 = arith.index_cast %sub3A_899 : i32 to index
          %get3A_908 = arith.constant 144 : index
          %get3A_909 = tpu.vector_load %arg7[%get3A_907, %get3A_908] {strides = array<i32>} : memref<112x256xf32, #tpu.memory_space<vmem>>, vector<16xf32>,
          %add3A_910 = arith.addf %while3A_700#1, %get3A_909 : vector<16xf32>
          %mul3A_911 = arith.mulf %get3A_909, %get3A_909 : vector<16xf32>
          %add3A_912 = arith.addf %while3A_700#9, %mul3A_911 : vector<16xf32>
          %max3A_913 = arith.maximumf %while3A_700#17, %get3A_909 : vector<16xf32>
          %min3A_914 = arith.minimumf %while3A_700#25, %get3A_909 : vector<16xf32>
          %get3A_915 = arith.index_cast %sub3A_899 : i32 to index
          %get3A_916 = arith.constant 160 : index
          %get3A_917 = tpu.vector_load %arg7[%get3A_915, %get3A_916] {strides = array<i32>} : memref<112x256xf32, #tpu.memory_space<vmem>>, vector<16xf32>,
          %add3A_918 = arith.addf %while3A_700#2, %get3A_917 : vector<16xf32>
          %mul3A_919 = arith.mulf %get3A_917, %get3A_917 : vector<16xf32>
          %add3A_920 = arith.addf %while3A_700#10, %mul3A_919 : vector<16xf32>
          %max3A_921 = arith.maximumf %while3A_700#18, %get3A_917 : vector<16xf32>
          %min3A_922 = arith.minimumf %while3A_700#26, %get3A_917 : vector<16xf32>
          %get3A_923 = arith.index_cast %sub3A_899 : i32 to index
          %get3A_924 = arith.constant 176 : index
          %get3A_925 = tpu.vector_load %arg7[%get3A_923, %get3A_924] {strides = array<i32>} : memref<112x256xf32, #tpu.memory_space<vmem>>, vector<16xf32>,
          %add3A_926 = arith.addf %while3A_700#3, %get3A_925 : vector<16xf32>
          %mul3A_927 = arith.mulf %get3A_925, %get3A_925 : vector<16xf32>
          %add3A_928 = arith.addf %while3A_700#11, %mul3A_927 : vector<16xf32>
          %max3A_929 = arith.maximumf %while3A_700#19, %get3A_925 : vector<16xf32>
          %min3A_930 = arith.minimumf %while3A_700#27, %get3A_925 : vector<16xf32>
          %get3A_931 = arith.index_cast %sub3A_899 : i32 to index
          %get3A_932 = arith.constant 192 : index
          %get3A_933 = tpu.vector_load %arg7[%get3A_931, %get3A_932] {strides = array<i32>} : memref<112x256xf32, #tpu.memory_space<vmem>>, vector<16xf32>,
          %add3A_934 = arith.addf %while3A_700#4, %get3A_933 : vector<16xf32>
          %mul3A_935 = arith.mulf %get3A_933, %get3A_933 : vector<16xf32>
          %add3A_936 = arith.addf %while3A_700#12, %mul3A_935 : vector<16xf32>
          %max3A_937 = arith.maximumf %while3A_700#20, %get3A_933 : vector<16xf32>
          %min3A_938 = arith.minimumf %while3A_700#28, %get3A_933 : vector<16xf32>
          %get3A_939 = arith.index_cast %sub3A_899 : i32 to index
          %get3A_940 = arith.constant 208 : index
          %get3A_941 = tpu.vector_load %arg7[%get3A_939, %get3A_940] {strides = array<i32>} : memref<112x256xf32, #tpu.memory_space<vmem>>, vector<16xf32>,
          %add3A_942 = arith.addf %while3A_700#5, %get3A_941 : vector<16xf32>
          %mul3A_943 = arith.mulf %get3A_941, %get3A_941 : vector<16xf32>
          %add3A_944 = arith.addf %while3A_700#13, %mul3A_943 : vector<16xf32>
          %max3A_945 = arith.maximumf %while3A_700#21, %get3A_941 : vector<16xf32>
          %min3A_946 = arith.minimumf %while3A_700#29, %get3A_941 : vector<16xf32>
          %get3A_947 = arith.index_cast %sub3A_899 : i32 to index
          %get3A_948 = arith.constant 224 : index
          %get3A_949 = tpu.vector_load %arg7[%get3A_947, %get3A_948] {strides = array<i32>} : memref<112x256xf32, #tpu.memory_space<vmem>>, vector<16xf32>,
          %add3A_950 = arith.addf %while3A_700#6, %get3A_949 : vector<16xf32>
          %mul3A_951 = arith.mulf %get3A_949, %get3A_949 : vector<16xf32>
          %add3A_952 = arith.addf %while3A_700#14, %mul3A_951 : vector<16xf32>
          %max3A_953 = arith.maximumf %while3A_700#22, %get3A_949 : vector<16xf32>
          %min3A_954 = arith.minimumf %while3A_700#30, %get3A_949 : vector<16xf32>
          %get3A_955 = arith.index_cast %sub3A_899 : i32 to index
          %get3A_956 = arith.constant 240 : index
          %get3A_957 = tpu.vector_load %arg7[%get3A_955, %get3A_956] {strides = array<i32>} : memref<112x256xf32, #tpu.memory_space<vmem>>, vector<16xf32>,
          %add3A_958 = arith.addf %while3A_700#7, %get3A_957 : vector<16xf32>
          %mul3A_959 = arith.mulf %get3A_957, %get3A_957 : vector<16xf32>
          %add3A_960 = arith.addf %while3A_700#15, %mul3A_959 : vector<16xf32>
          %max3A_961 = arith.maximumf %while3A_700#23, %get3A_957 : vector<16xf32>
          %min3A_962 = arith.minimumf %while3A_700#31, %get3A_957 : vector<16xf32>
          scf.yield %add3A_903, %add3A_910, %add3A_918, %add3A_926, %add3A_934, %add3A_942, %add3A_950, %add3A_958, %add3A_905, %add3A_912, %add3A_920, %add3A_928, %add3A_936, %add3A_944, %add3A_952, %add3A_960, %max3A, %max3A_913, %max3A_921, %max3A_929, %max3A_937, %max3A_945, %max3A_953, %max3A_961, %min3A_906, %min3A_914, %min3A_922, %min3A_930, %min3A_938, %min3A_946, %min3A_954, %min3A_962 : vector<16xf32>, vector<16xf32>, vector<16xf32>, vector<16xf32>, vector<16xf32>, vector<16xf32>, vector<16xf32>, vector<16xf32>, vector<16xf32>, vector<16xf32>, vector<16xf32>, vector<16xf32>, vector<16xf32>, vector<16xf32>, vector<16xf32>, vector<16xf32>, vector<16xf32>, vector<16xf32>, vector<16xf32>, vector<16xf32>, vector<16xf32>, vector<16xf32>, vector<16xf32>, vector<16xf32>, vector<16xf32>, vector<16xf32>, vector<16xf32>, vector<16xf32>, vector<16xf32>, vector<16xf32>, vector<16xf32>, vector<16xf32>
        } else {
          scf.yield %while3A_700#0, %while3A_700#1, %while3A_700#2, %while3A_700#3, %while3A_700#4, %while3A_700#5, %while3A_700#6, %while3A_700#7, %while3A_700#8, %while3A_700#9, %while3A_700#10, %while3A_700#11, %while3A_700#12, %while3A_700#13, %while3A_700#14, %while3A_700#15, %while3A_700#16, %while3A_700#17, %while3A_700#18, %while3A_700#19, %while3A_700#20, %while3A_700#21, %while3A_700#22, %while3A_700#23, %while3A_700#24, %while3A_700#25, %while3A_700#26, %while3A_700#27, %while3A_700#28, %while3A_700#29, %while3A_700#30, %while3A_700#31 : vector<16xf32>, vector<16xf32>, vector<16xf32>, vector<16xf32>, vector<16xf32>, vector<16xf32>, vector<16xf32>, vector<16xf32>, vector<16xf32>, vector<16xf32>, vector<16xf32>, vector<16xf32>, vector<16xf32>, vector<16xf32>, vector<16xf32>, vector<16xf32>, vector<16xf32>, vector<16xf32>, vector<16xf32>, vector<16xf32>, vector<16xf32>, vector<16xf32>, vector<16xf32>, vector<16xf32>, vector<16xf32>, vector<16xf32>, vector<16xf32>, vector<16xf32>, vector<16xf32>, vector<16xf32>, vector<16xf32>, vector<16xf32>
        }
        %swap3A_724 = arith.constant 0 : i32
        %swap3A_725 = arith.index_cast %swap3A_724 : i32 to index
        %swap3A_726 = arith.index_cast %squeeze3A : i32 to index
        %swap3A_727 = arith.constant 128 : index
        %swap3A_728 = tpu.vector_load %arg9[%swap3A_725, %swap3A_726, %swap3A_727] {strides = array<i32>} : memref<4x64x256xf32, #tpu.memory_space<vmem>>, vector<16xf32>,
        tpu.vector_store %arg9[%swap3A_725, %swap3A_726, %swap3A_727], %cond3A_723#0 {strides = array<i32>} : memref<4x64x256xf32, #tpu.memory_space<vmem>>, vector<16xf32>,
        %swap3A_729 = arith.constant 1 : i32
        %swap3A_730 = arith.index_cast %swap3A_729 : i32 to index
        %swap3A_731 = arith.index_cast %squeeze3A : i32 to index
        %swap3A_732 = arith.constant 128 : index
        %swap3A_733 = tpu.vector_load %arg9[%swap3A_730, %swap3A_731, %swap3A_732] {strides = array<i32>} : memref<4x64x256xf32, #tpu.memory_space<vmem>>, vector<16xf32>,
        tpu.vector_store %arg9[%swap3A_730, %swap3A_731, %swap3A_732], %cond3A_723#8 {strides = array<i32>} : memref<4x64x256xf32, #tpu.memory_space<vmem>>, vector<16xf32>,
        %swap3A_734 = arith.constant 2 : i32
        %swap3A_735 = arith.index_cast %swap3A_734 : i32 to index
        %swap3A_736 = arith.index_cast %squeeze3A : i32 to index
        %swap3A_737 = arith.constant 128 : index
        %swap3A_738 = tpu.vector_load %arg9[%swap3A_735, %swap3A_736, %swap3A_737] {strides = array<i32>} : memref<4x64x256xf32, #tpu.memory_space<vmem>>, vector<16xf32>,
        tpu.vector_store %arg9[%swap3A_735, %swap3A_736, %swap3A_737], %cond3A_723#16 {strides = array<i32>} : memref<4x64x256xf32, #tpu.memory_space<vmem>>, vector<16xf32>,
        %swap3A_739 = arith.constant 3 : i32
        %swap3A_740 = arith.index_cast %swap3A_739 : i32 to index
        %swap3A_741 = arith.index_cast %squeeze3A : i32 to index
        %swap3A_742 = arith.constant 128 : index
        %swap3A_743 = tpu.vector_load %arg9[%swap3A_740, %swap3A_741, %swap3A_742] {strides = array<i32>} : memref<4x64x256xf32, #tpu.memory_space<vmem>>, vector<16xf32>,
        tpu.vector_store %arg9[%swap3A_740, %swap3A_741, %swap3A_742], %cond3A_723#24 {strides = array<i32>} : memref<4x64x256xf32, #tpu.memory_space<vmem>>, vector<16xf32>,
        %swap3A_744 = arith.constant 0 : i32
        %swap3A_745 = arith.index_cast %swap3A_744 : i32 to index
        %swap3A_746 = arith.index_cast %squeeze3A : i32 to index
        %swap3A_747 = arith.constant 144 : index
        %swap3A_748 = tpu.vector_load %arg9[%swap3A_745, %swap3A_746, %swap3A_747] {strides = array<i32>} : memref<4x64x256xf32, #tpu.memory_space<vmem>>, vector<16xf32>,
        tpu.vector_store %arg9[%swap3A_745, %swap3A_746, %swap3A_747], %cond3A_723#1 {strides = array<i32>} : memref<4x64x256xf32, #tpu.memory_space<vmem>>, vector<16xf32>,
        %swap3A_749 = arith.constant 1 : i32
        %swap3A_750 = arith.index_cast %swap3A_749 : i32 to index
        %swap3A_751 = arith.index_cast %squeeze3A : i32 to index
        %swap3A_752 = arith.constant 144 : index
        %swap3A_753 = tpu.vector_load %arg9[%swap3A_750, %swap3A_751, %swap3A_752] {strides = array<i32>} : memref<4x64x256xf32, #tpu.memory_space<vmem>>, vector<16xf32>,
        tpu.vector_store %arg9[%swap3A_750, %swap3A_751, %swap3A_752], %cond3A_723#9 {strides = array<i32>} : memref<4x64x256xf32, #tpu.memory_space<vmem>>, vector<16xf32>,
        %swap3A_754 = arith.constant 2 : i32
        %swap3A_755 = arith.index_cast %swap3A_754 : i32 to index
        %swap3A_756 = arith.index_cast %squeeze3A : i32 to index
        %swap3A_757 = arith.constant 144 : index
        %swap3A_758 = tpu.vector_load %arg9[%swap3A_755, %swap3A_756, %swap3A_757] {strides = array<i32>} : memref<4x64x256xf32, #tpu.memory_space<vmem>>, vector<16xf32>,
        tpu.vector_store %arg9[%swap3A_755, %swap3A_756, %swap3A_757], %cond3A_723#17 {strides = array<i32>} : memref<4x64x256xf32, #tpu.memory_space<vmem>>, vector<16xf32>,
        %swap3A_759 = arith.constant 3 : i32
        %swap3A_760 = arith.index_cast %swap3A_759 : i32 to index
        %swap3A_761 = arith.index_cast %squeeze3A : i32 to index
        %swap3A_762 = arith.constant 144 : index
        %swap3A_763 = tpu.vector_load %arg9[%swap3A_760, %swap3A_761, %swap3A_762] {strides = array<i32>} : memref<4x64x256xf32, #tpu.memory_space<vmem>>, vector<16xf32>,
        tpu.vector_store %arg9[%swap3A_760, %swap3A_761, %swap3A_762], %cond3A_723#25 {strides = array<i32>} : memref<4x64x256xf32, #tpu.memory_space<vmem>>, vector<16xf32>,
        %swap3A_764 = arith.constant 0 : i32
        %swap3A_765 = arith.index_cast %swap3A_764 : i32 to index
        %swap3A_766 = arith.index_cast %squeeze3A : i32 to index
        %swap3A_767 = arith.constant 160 : index
        %swap3A_768 = tpu.vector_load %arg9[%swap3A_765, %swap3A_766, %swap3A_767] {strides = array<i32>} : memref<4x64x256xf32, #tpu.memory_space<vmem>>, vector<16xf32>,
        tpu.vector_store %arg9[%swap3A_765, %swap3A_766, %swap3A_767], %cond3A_723#2 {strides = array<i32>} : memref<4x64x256xf32, #tpu.memory_space<vmem>>, vector<16xf32>,
        %swap3A_769 = arith.constant 1 : i32
        %swap3A_770 = arith.index_cast %swap3A_769 : i32 to index
        %swap3A_771 = arith.index_cast %squeeze3A : i32 to index
        %swap3A_772 = arith.constant 160 : index
        %swap3A_773 = tpu.vector_load %arg9[%swap3A_770, %swap3A_771, %swap3A_772] {strides = array<i32>} : memref<4x64x256xf32, #tpu.memory_space<vmem>>, vector<16xf32>,
        tpu.vector_store %arg9[%swap3A_770, %swap3A_771, %swap3A_772], %cond3A_723#10 {strides = array<i32>} : memref<4x64x256xf32, #tpu.memory_space<vmem>>, vector<16xf32>,
        %swap3A_774 = arith.constant 2 : i32
        %swap3A_775 = arith.index_cast %swap3A_774 : i32 to index
        %swap3A_776 = arith.index_cast %squeeze3A : i32 to index
        %swap3A_777 = arith.constant 160 : index
        %swap3A_778 = tpu.vector_load %arg9[%swap3A_775, %swap3A_776, %swap3A_777] {strides = array<i32>} : memref<4x64x256xf32, #tpu.memory_space<vmem>>, vector<16xf32>,
        tpu.vector_store %arg9[%swap3A_775, %swap3A_776, %swap3A_777], %cond3A_723#18 {strides = array<i32>} : memref<4x64x256xf32, #tpu.memory_space<vmem>>, vector<16xf32>,
        %swap3A_779 = arith.constant 3 : i32
        %swap3A_780 = arith.index_cast %swap3A_779 : i32 to index
        %swap3A_781 = arith.index_cast %squeeze3A : i32 to index
        %swap3A_782 = arith.constant 160 : index
        %swap3A_783 = tpu.vector_load %arg9[%swap3A_780, %swap3A_781, %swap3A_782] {strides = array<i32>} : memref<4x64x256xf32, #tpu.memory_space<vmem>>, vector<16xf32>,
        tpu.vector_store %arg9[%swap3A_780, %swap3A_781, %swap3A_782], %cond3A_723#26 {strides = array<i32>} : memref<4x64x256xf32, #tpu.memory_space<vmem>>, vector<16xf32>,
        %swap3A_784 = arith.constant 0 : i32
        %swap3A_785 = arith.index_cast %swap3A_784 : i32 to index
        %swap3A_786 = arith.index_cast %squeeze3A : i32 to index
        %swap3A_787 = arith.constant 176 : index
        %swap3A_788 = tpu.vector_load %arg9[%swap3A_785, %swap3A_786, %swap3A_787] {strides = array<i32>} : memref<4x64x256xf32, #tpu.memory_space<vmem>>, vector<16xf32>,
        tpu.vector_store %arg9[%swap3A_785, %swap3A_786, %swap3A_787], %cond3A_723#3 {strides = array<i32>} : memref<4x64x256xf32, #tpu.memory_space<vmem>>, vector<16xf32>,
        %swap3A_789 = arith.constant 1 : i32
        %swap3A_790 = arith.index_cast %swap3A_789 : i32 to index
        %swap3A_791 = arith.index_cast %squeeze3A : i32 to index
        %swap3A_792 = arith.constant 176 : index
        %swap3A_793 = tpu.vector_load %arg9[%swap3A_790, %swap3A_791, %swap3A_792] {strides = array<i32>} : memref<4x64x256xf32, #tpu.memory_space<vmem>>, vector<16xf32>,
        tpu.vector_store %arg9[%swap3A_790, %swap3A_791, %swap3A_792], %cond3A_723#11 {strides = array<i32>} : memref<4x64x256xf32, #tpu.memory_space<vmem>>, vector<16xf32>,
        %swap3A_794 = arith.constant 2 : i32
        %swap3A_795 = arith.index_cast %swap3A_794 : i32 to index
        %swap3A_796 = arith.index_cast %squeeze3A : i32 to index
        %swap3A_797 = arith.constant 176 : index
        %swap3A_798 = tpu.vector_load %arg9[%swap3A_795, %swap3A_796, %swap3A_797] {strides = array<i32>} : memref<4x64x256xf32, #tpu.memory_space<vmem>>, vector<16xf32>,
        tpu.vector_store %arg9[%swap3A_795, %swap3A_796, %swap3A_797], %cond3A_723#19 {strides = array<i32>} : memref<4x64x256xf32, #tpu.memory_space<vmem>>, vector<16xf32>,
        %swap3A_799 = arith.constant 3 : i32
        %swap3A_800 = arith.index_cast %swap3A_799 : i32 to index
        %swap3A_801 = arith.index_cast %squeeze3A : i32 to index
        %swap3A_802 = arith.constant 176 : index
        %swap3A_803 = tpu.vector_load %arg9[%swap3A_800, %swap3A_801, %swap3A_802] {strides = array<i32>} : memref<4x64x256xf32, #tpu.memory_space<vmem>>, vector<16xf32>,
        tpu.vector_store %arg9[%swap3A_800, %swap3A_801, %swap3A_802], %cond3A_723#27 {strides = array<i32>} : memref<4x64x256xf32, #tpu.memory_space<vmem>>, vector<16xf32>,
        %swap3A_804 = arith.constant 0 : i32
        %swap3A_805 = arith.index_cast %swap3A_804 : i32 to index
        %swap3A_806 = arith.index_cast %squeeze3A : i32 to index
        %swap3A_807 = arith.constant 192 : index
        %swap3A_808 = tpu.vector_load %arg9[%swap3A_805, %swap3A_806, %swap3A_807] {strides = array<i32>} : memref<4x64x256xf32, #tpu.memory_space<vmem>>, vector<16xf32>,
        tpu.vector_store %arg9[%swap3A_805, %swap3A_806, %swap3A_807], %cond3A_723#4 {strides = array<i32>} : memref<4x64x256xf32, #tpu.memory_space<vmem>>, vector<16xf32>,
        %swap3A_809 = arith.constant 1 : i32
        %swap3A_810 = arith.index_cast %swap3A_809 : i32 to index
        %swap3A_811 = arith.index_cast %squeeze3A : i32 to index
        %swap3A_812 = arith.constant 192 : index
        %swap3A_813 = tpu.vector_load %arg9[%swap3A_810, %swap3A_811, %swap3A_812] {strides = array<i32>} : memref<4x64x256xf32, #tpu.memory_space<vmem>>, vector<16xf32>,
        tpu.vector_store %arg9[%swap3A_810, %swap3A_811, %swap3A_812], %cond3A_723#12 {strides = array<i32>} : memref<4x64x256xf32, #tpu.memory_space<vmem>>, vector<16xf32>,
        %swap3A_814 = arith.constant 2 : i32
        %swap3A_815 = arith.index_cast %swap3A_814 : i32 to index
        %swap3A_816 = arith.index_cast %squeeze3A : i32 to index
        %swap3A_817 = arith.constant 192 : index
        %swap3A_818 = tpu.vector_load %arg9[%swap3A_815, %swap3A_816, %swap3A_817] {strides = array<i32>} : memref<4x64x256xf32, #tpu.memory_space<vmem>>, vector<16xf32>,
        tpu.vector_store %arg9[%swap3A_815, %swap3A_816, %swap3A_817], %cond3A_723#20 {strides = array<i32>} : memref<4x64x256xf32, #tpu.memory_space<vmem>>, vector<16xf32>,
        %swap3A_819 = arith.constant 3 : i32
        %swap3A_820 = arith.index_cast %swap3A_819 : i32 to index
        %swap3A_821 = arith.index_cast %squeeze3A : i32 to index
        %swap3A_822 = arith.constant 192 : index
        %swap3A_823 = tpu.vector_load %arg9[%swap3A_820, %swap3A_821, %swap3A_822] {strides = array<i32>} : memref<4x64x256xf32, #tpu.memory_space<vmem>>, vector<16xf32>,
        tpu.vector_store %arg9[%swap3A_820, %swap3A_821, %swap3A_822], %cond3A_723#28 {strides = array<i32>} : memref<4x64x256xf32, #tpu.memory_space<vmem>>, vector<16xf32>,
        %swap3A_824 = arith.constant 0 : i32
        %swap3A_825 = arith.index_cast %swap3A_824 : i32 to index
        %swap3A_826 = arith.index_cast %squeeze3A : i32 to index
        %swap3A_827 = arith.constant 208 : index
        %swap3A_828 = tpu.vector_load %arg9[%swap3A_825, %swap3A_826, %swap3A_827] {strides = array<i32>} : memref<4x64x256xf32, #tpu.memory_space<vmem>>, vector<16xf32>,
        tpu.vector_store %arg9[%swap3A_825, %swap3A_826, %swap3A_827], %cond3A_723#5 {strides = array<i32>} : memref<4x64x256xf32, #tpu.memory_space<vmem>>, vector<16xf32>,
        %swap3A_829 = arith.constant 1 : i32
        %swap3A_830 = arith.index_cast %swap3A_829 : i32 to index
        %swap3A_831 = arith.index_cast %squeeze3A : i32 to index
        %swap3A_832 = arith.constant 208 : index
        %swap3A_833 = tpu.vector_load %arg9[%swap3A_830, %swap3A_831, %swap3A_832] {strides = array<i32>} : memref<4x64x256xf32, #tpu.memory_space<vmem>>, vector<16xf32>,
        tpu.vector_store %arg9[%swap3A_830, %swap3A_831, %swap3A_832], %cond3A_723#13 {strides = array<i32>} : memref<4x64x256xf32, #tpu.memory_space<vmem>>, vector<16xf32>,
        %swap3A_834 = arith.constant 2 : i32
        %swap3A_835 = arith.index_cast %swap3A_834 : i32 to index
        %swap3A_836 = arith.index_cast %squeeze3A : i32 to index
        %swap3A_837 = arith.constant 208 : index
        %swap3A_838 = tpu.vector_load %arg9[%swap3A_835, %swap3A_836, %swap3A_837] {strides = array<i32>} : memref<4x64x256xf32, #tpu.memory_space<vmem>>, vector<16xf32>,
        tpu.vector_store %arg9[%swap3A_835, %swap3A_836, %swap3A_837], %cond3A_723#21 {strides = array<i32>} : memref<4x64x256xf32, #tpu.memory_space<vmem>>, vector<16xf32>,
        %swap3A_839 = arith.constant 3 : i32
        %swap3A_840 = arith.index_cast %swap3A_839 : i32 to index
        %swap3A_841 = arith.index_cast %squeeze3A : i32 to index
        %swap3A_842 = arith.constant 208 : index
        %swap3A_843 = tpu.vector_load %arg9[%swap3A_840, %swap3A_841, %swap3A_842] {strides = array<i32>} : memref<4x64x256xf32, #tpu.memory_space<vmem>>, vector<16xf32>,
        tpu.vector_store %arg9[%swap3A_840, %swap3A_841, %swap3A_842], %cond3A_723#29 {strides = array<i32>} : memref<4x64x256xf32, #tpu.memory_space<vmem>>, vector<16xf32>,
        %swap3A_844 = arith.constant 0 : i32
        %swap3A_845 = arith.index_cast %swap3A_844 : i32 to index
        %swap3A_846 = arith.index_cast %squeeze3A : i32 to index
        %swap3A_847 = arith.constant 224 : index
        %swap3A_848 = tpu.vector_load %arg9[%swap3A_845, %swap3A_846, %swap3A_847] {strides = array<i32>} : memref<4x64x256xf32, #tpu.memory_space<vmem>>, vector<16xf32>,
        tpu.vector_store %arg9[%swap3A_845, %swap3A_846, %swap3A_847], %cond3A_723#6 {strides = array<i32>} : memref<4x64x256xf32, #tpu.memory_space<vmem>>, vector<16xf32>,
        %swap3A_849 = arith.constant 1 : i32
        %swap3A_850 = arith.index_cast %swap3A_849 : i32 to index
        %swap3A_851 = arith.index_cast %squeeze3A : i32 to index
        %swap3A_852 = arith.constant 224 : index
        %swap3A_853 = tpu.vector_load %arg9[%swap3A_850, %swap3A_851, %swap3A_852] {strides = array<i32>} : memref<4x64x256xf32, #tpu.memory_space<vmem>>, vector<16xf32>,
        tpu.vector_store %arg9[%swap3A_850, %swap3A_851, %swap3A_852], %cond3A_723#14 {strides = array<i32>} : memref<4x64x256xf32, #tpu.memory_space<vmem>>, vector<16xf32>,
        %swap3A_854 = arith.constant 2 : i32
        %swap3A_855 = arith.index_cast %swap3A_854 : i32 to index
        %swap3A_856 = arith.index_cast %squeeze3A : i32 to index
        %swap3A_857 = arith.constant 224 : index
        %swap3A_858 = tpu.vector_load %arg9[%swap3A_855, %swap3A_856, %swap3A_857] {strides = array<i32>} : memref<4x64x256xf32, #tpu.memory_space<vmem>>, vector<16xf32>,
        tpu.vector_store %arg9[%swap3A_855, %swap3A_856, %swap3A_857], %cond3A_723#22 {strides = array<i32>} : memref<4x64x256xf32, #tpu.memory_space<vmem>>, vector<16xf32>,
        %swap3A_859 = arith.constant 3 : i32
        %swap3A_860 = arith.index_cast %swap3A_859 : i32 to index
        %swap3A_861 = arith.index_cast %squeeze3A : i32 to index
        %swap3A_862 = arith.constant 224 : index
        %swap3A_863 = tpu.vector_load %arg9[%swap3A_860, %swap3A_861, %swap3A_862] {strides = array<i32>} : memref<4x64x256xf32, #tpu.memory_space<vmem>>, vector<16xf32>,
        tpu.vector_store %arg9[%swap3A_860, %swap3A_861, %swap3A_862], %cond3A_723#30 {strides = array<i32>} : memref<4x64x256xf32, #tpu.memory_space<vmem>>, vector<16xf32>,
        %swap3A_864 = arith.constant 0 : i32
        %swap3A_865 = arith.index_cast %swap3A_864 : i32 to index
        %swap3A_866 = arith.index_cast %squeeze3A : i32 to index
        %swap3A_867 = arith.constant 240 : index
        %swap3A_868 = tpu.vector_load %arg9[%swap3A_865, %swap3A_866, %swap3A_867] {strides = array<i32>} : memref<4x64x256xf32, #tpu.memory_space<vmem>>, vector<16xf32>,
        tpu.vector_store %arg9[%swap3A_865, %swap3A_866, %swap3A_867], %cond3A_723#7 {strides = array<i32>} : memref<4x64x256xf32, #tpu.memory_space<vmem>>, vector<16xf32>,
        %swap3A_869 = arith.constant 1 : i32
        %swap3A_870 = arith.index_cast %swap3A_869 : i32 to index
        %swap3A_871 = arith.index_cast %squeeze3A : i32 to index
        %swap3A_872 = arith.constant 240 : index
        %swap3A_873 = tpu.vector_load %arg9[%swap3A_870, %swap3A_871, %swap3A_872] {strides = array<i32>} : memref<4x64x256xf32, #tpu.memory_space<vmem>>, vector<16xf32>,
        tpu.vector_store %arg9[%swap3A_870, %swap3A_871, %swap3A_872], %cond3A_723#15 {strides = array<i32>} : memref<4x64x256xf32, #tpu.memory_space<vmem>>, vector<16xf32>,
        %swap3A_874 = arith.constant 2 : i32
        %swap3A_875 = arith.index_cast %swap3A_874 : i32 to index
        %swap3A_876 = arith.index_cast %squeeze3A : i32 to index
        %swap3A_877 = arith.constant 240 : index
        %swap3A_878 = tpu.vector_load %arg9[%swap3A_875, %swap3A_876, %swap3A_877] {strides = array<i32>} : memref<4x64x256xf32, #tpu.memory_space<vmem>>, vector<16xf32>,
        tpu.vector_store %arg9[%swap3A_875, %swap3A_876, %swap3A_877], %cond3A_723#23 {strides = array<i32>} : memref<4x64x256xf32, #tpu.memory_space<vmem>>, vector<16xf32>,
        %swap3A_879 = arith.constant 3 : i32
        %swap3A_880 = arith.index_cast %swap3A_879 : i32 to index
        %swap3A_881 = arith.index_cast %squeeze3A : i32 to index
        %swap3A_882 = arith.constant 240 : index
        %swap3A_883 = tpu.vector_load %arg9[%swap3A_880, %swap3A_881, %swap3A_882] {strides = array<i32>} : memref<4x64x256xf32, #tpu.memory_space<vmem>>, vector<16xf32>,
        tpu.vector_store %arg9[%swap3A_880, %swap3A_881, %swap3A_882], %cond3A_723#31 {strides = array<i32>} : memref<4x64x256xf32, #tpu.memory_space<vmem>>, vector<16xf32>,
        %get3A_884 = arith.constant 0 : i32
        %get3A_885 = arith.index_cast %get3A_884 : i32 to index
        %get3A_886 = arith.index_cast %squeeze3A : i32 to index
        %get3A_887 = tpu.vector_load %arg10[%get3A_885, %get3A_886] {strides = array<i32>} : memref<8x80xi32, #tpu.memory_space<vmem>>, vector<16xi32>,
        %sub3A_888 = arith.subi %min3A_131, %while3A_120 : i32
        %jit3A_889 = arith.constant 0 : i32
        %broadcast_in_dim3A_890 = vector.broadcast %sub3A_888 : i32 to vector<16xi32>
        %broadcast_in_dim3A_891 = vector.broadcast %jit3A_889 : i32 to vector<16xi32>
        %select_n3A_892 = arith.select %eq3A_46, %broadcast_in_dim3A_890, %broadcast_in_dim3A_891 : vector<16xi1>, vector<16xi32>
        %add3A_893 = arith.addi %get3A_887, %select_n3A_892 : vector<16xi32>
        %swap3A_894 = arith.constant 0 : i32
        %swap3A_895 = arith.index_cast %swap3A_894 : i32 to index
        %swap3A_896 = arith.index_cast %squeeze3A : i32 to index
        %swap3A_897 = tpu.vector_load %arg10[%swap3A_895, %swap3A_896] {strides = array<i32>} : memref<8x80xi32, #tpu.memory_space<vmem>>, vector<16xi32>,
        tpu.vector_store %arg10[%swap3A_895, %swap3A_896], %add3A_893 {strides = array<i32>} : memref<8x80xi32, #tpu.memory_space<vmem>>, vector<16xi32>,
        scf.yield %min3A_131 : i32
      }
      %add3A_113 = arith.constant 2 : i32
      %add3A_114 = arith.addi %add3A_97, %add3A_113 : i32
      %lt3A_115 = arith.constant 28 : i32
      %lt3A_116 = arith.cmpi slt, %add3A_114, %lt3A_115 : i32
      %convert_element_type3A_117 = arith.extui %lt3A_116 : i1 to i32
      %cond3A_118 = arith.constant 0 : i32
      %cond3A_119 = arith.cmpi ne, %convert_element_type3A_117, %cond3A_118 : i32
      scf.if %cond3A_119 {
        %add3A_120 = arith.constant 2 : i32
        %add3A_121 = arith.addi %add3A_97, %add3A_120 : i32
        %mul3A_122 = arith.constant 112 : i32
        %mul3A_123 = arith.muli %add3A_121, %mul3A_122 : i32
        %add3A_124 = arith.addi %mul3A_2, %mul3A_123 : i32
        %sub3A_125 = arith.constant 112 : i32
        %sub3A_126 = arith.subi %min3A_5, %sub3A_125 : i32
        %min3A_127 = arith.minsi %add3A_124, %sub3A_126 : i32
        %sub3A_128 = arith.subi %add3A_124, %min3A_127 : i32
        %dma_start3A_129 = arith.constant 0 : i32
        %dma_start3A_130 = tpu.memref_slice %arg2[%min3A_127, %dma_start3A_129] : memref<100000x256xf32, #tpu.memory_space<hbm>> -> memref<112x256xf32, #tpu.memory_space<hbm>>
        %dma_start3A_131 = arith.constant 0 : i32
        %dma_start3A_132 = tpu.memref_slice %arg2[%min3A_127, %dma_start3A_131] : memref<100000x256xf32, #tpu.memory_space<hbm>> -> memref<112x256xf32, #tpu.memory_space<hbm>>
        tpu.enqueue_dma source(%dma_start3A_132 : memref<112x256xf32, #tpu.memory_space<hbm>>) target(%arg7 : memref<112x256xf32, #tpu.memory_space<vmem>>) target_semaphore(%arg12 : memref<!tpu.dma_semaphore, #tpu.memory_space<semaphore_mem>>)
      } else {
      }
    }
    %scan3A_70 = arith.constant 14 : i32
    "tpu.region"() ({
      %run_scoped3A = tpu.sem_alloc : memref<!tpu.dma_semaphore, #tpu.memory_space<semaphore_mem>>
      %dma_start3A_71 = arith.constant 0 : i32
      %dma_start3A_72 = arith.constant 0 : i32
      %dma_start3A_73 = arith.constant 0 : i32
      %dma_start3A_74 = tpu.memref_slice %arg4[%add3A, %dma_start3A_71, %dma_start3A_72, %dma_start3A_73] : memref<32x4x64x256xf32, #tpu.memory_space<hbm>> -> memref<1x4x64x256xf32, #tpu.memory_space<hbm>>
      %dma_start3A_75 = tpu.memref_squeeze %dma_start3A_74 : memref<1x4x64x256xf32, #tpu.memory_space<hbm>> -> memref<4x64x256xf32, #tpu.memory_space<hbm>>
      %dma_start3A_76 = arith.constant 0 : i32
      %dma_start3A_77 = arith.constant 0 : i32
      %dma_start3A_78 = arith.constant 0 : i32
      %dma_start3A_79 = tpu.memref_slice %arg4[%add3A, %dma_start3A_76, %dma_start3A_77, %dma_start3A_78] : memref<32x4x64x256xf32, #tpu.memory_space<hbm>> -> memref<1x4x64x256xf32, #tpu.memory_space<hbm>>
      %dma_start3A_80 = tpu.memref_squeeze %dma_start3A_79 : memref<1x4x64x256xf32, #tpu.memory_space<hbm>> -> memref<4x64x256xf32, #tpu.memory_space<hbm>>
      tpu.enqueue_dma source(%arg9 : memref<4x64x256xf32, #tpu.memory_space<vmem>>) target(%dma_start3A_80 : memref<4x64x256xf32, #tpu.memory_space<hbm>>) target_semaphore(%run_scoped3A : memref<!tpu.dma_semaphore, #tpu.memory_space<semaphore_mem>>)
      %dma_wait3A = arith.constant 0 : i32
      %dma_wait3A_81 = arith.constant 0 : i32
      %dma_wait3A_82 = arith.constant 0 : i32
      %dma_wait3A_83 = tpu.memref_slice %arg4[%add3A, %dma_wait3A, %dma_wait3A_81, %dma_wait3A_82] : memref<32x4x64x256xf32, #tpu.memory_space<hbm>> -> memref<1x4x64x256xf32, #tpu.memory_space<hbm>>
      %dma_wait3A_84 = tpu.memref_squeeze %dma_wait3A_83 : memref<1x4x64x256xf32, #tpu.memory_space<hbm>> -> memref<4x64x256xf32, #tpu.memory_space<hbm>>
      %dma_wait3A_85 = arith.constant 0 : i32
      %dma_wait3A_86 = arith.constant 0 : i32
      %dma_wait3A_87 = arith.constant 0 : i32
      %dma_wait3A_88 = tpu.memref_slice %arg4[%add3A, %dma_wait3A_85, %dma_wait3A_86, %dma_wait3A_87] : memref<32x4x64x256xf32, #tpu.memory_space<hbm>> -> memref<1x4x64x256xf32, #tpu.memory_space<hbm>>
      %dma_wait3A_89 = tpu.memref_squeeze %dma_wait3A_88 : memref<1x4x64x256xf32, #tpu.memory_space<hbm>> -> memref<4x64x256xf32, #tpu.memory_space<hbm>>
      tpu.wait_dma2 semaphore(%run_scoped3A : memref<!tpu.dma_semaphore, #tpu.memory_space<semaphore_mem>>) src(%arg9 : memref<4x64x256xf32, #tpu.memory_space<vmem>>) dst(%dma_wait3A_89 : memref<4x64x256xf32, #tpu.memory_space<hbm>>)
      tpu.yield
    }) : () -> ()
    "tpu.region"() ({
      %run_scoped3A = tpu.sem_alloc : memref<!tpu.dma_semaphore, #tpu.memory_space<semaphore_mem>>
      %dma_start3A_71 = arith.constant 0 : i32
      %dma_start3A_72 = arith.constant 0 : i32
      %dma_start3A_73 = tpu.memref_slice %arg5[%add3A, %dma_start3A_71, %dma_start3A_72] : memref<32x8x80xi32, #tpu.memory_space<hbm>> -> memref<1x8x80xi32, #tpu.memory_space<hbm>>
      %dma_start3A_74 = tpu.memref_squeeze %dma_start3A_73 : memref<1x8x80xi32, #tpu.memory_space<hbm>> -> memref<8x80xi32, #tpu.memory_space<hbm>>
      %dma_start3A_75 = arith.constant 0 : i32
      %dma_start3A_76 = arith.constant 0 : i32
      %dma_start3A_77 = tpu.memref_slice %arg5[%add3A, %dma_start3A_75, %dma_start3A_76] : memref<32x8x80xi32, #tpu.memory_space<hbm>> -> memref<1x8x80xi32, #tpu.memory_space<hbm>>
      %dma_start3A_78 = tpu.memref_squeeze %dma_start3A_77 : memref<1x8x80xi32, #tpu.memory_space<hbm>> -> memref<8x80xi32, #tpu.memory_space<hbm>>
      tpu.enqueue_dma source(%arg10 : memref<8x80xi32, #tpu.memory_space<vmem>>) target(%dma_start3A_78 : memref<8x80xi32, #tpu.memory_space<hbm>>) target_semaphore(%run_scoped3A : memref<!tpu.dma_semaphore, #tpu.memory_space<semaphore_mem>>)
      %dma_wait3A = arith.constant 0 : i32
      %dma_wait3A_79 = arith.constant 0 : i32
      %dma_wait3A_80 = tpu.memref_slice %arg5[%add3A, %dma_wait3A, %dma_wait3A_79] : memref<32x8x80xi32, #tpu.memory_space<hbm>> -> memref<1x8x80xi32, #tpu.memory_space<hbm>>
      %dma_wait3A_81 = tpu.memref_squeeze %dma_wait3A_80 : memref<1x8x80xi32, #tpu.memory_space<hbm>> -> memref<8x80xi32, #tpu.memory_space<hbm>>
      %dma_wait3A_82 = arith.constant 0 : i32
      %dma_wait3A_83 = arith.constant 0 : i32
      %dma_wait3A_84 = tpu.memref_slice %arg5[%add3A, %dma_wait3A_82, %dma_wait3A_83] : memref<32x8x80xi32, #tpu.memory_space<hbm>> -> memref<1x8x80xi32, #tpu.memory_space<hbm>>
      %dma_wait3A_85 = tpu.memref_squeeze %dma_wait3A_84 : memref<1x8x80xi32, #tpu.memory_space<hbm>> -> memref<8x80xi32, #tpu.memory_space<hbm>>
      tpu.wait_dma2 semaphore(%run_scoped3A : memref<!tpu.dma_semaphore, #tpu.memory_space<semaphore_mem>>) src(%arg10 : memref<8x80xi32, #tpu.memory_space<vmem>>) dst(%dma_wait3A_85 : memref<8x80xi32, #tpu.memory_space<hbm>>)
      tpu.yield
    }) : () -> ()
    return
  }
}

module attributes {stable_mosaic.version = 14 : i64} {
  func.func @_tc_body(%arg0: memref<32x4x64x256xf32, #tpu.memory_space<vmem>>, %arg1: memref<32x8x80xi32, #tpu.memory_space<vmem>>, %arg2: memref<256x1024xf32, #tpu.memory_space<vmem>>, %arg3: memref<1x256xf32, #tpu.memory_space<vmem>>, %arg4: memref<64x256xf32, #tpu.memory_space<vmem>>) attributes {dimension_semantics = [], scalar_prefetch = 0 : i64, scratch_operands = 0 : i64, tpu.core_type = #tpu.core_type<tc>} {
    %get3A = arith.constant 0 : index
    %get3A_0 = arith.constant 0 : index
    %get3A_1 = arith.constant 0 : index
    %get3A_2 = arith.constant 0 : index
    %get3A_3 = vector.load %arg0[%get3A, %get3A_0, %get3A_1, %get3A_2] : memref<32x4x64x256xf32, #tpu.memory_space<vmem>>, vector<32x4x64x256xf32>
    %slice3A = vector.extract_strided_slice %get3A_3 {offsets = [0, 0, 0, 0], sizes = [32, 1, 64, 256], strides = [1, 1, 1, 1]} : vector<32x4x64x256xf32> to vector<32x1x64x256xf32>
    %squeeze3A = vector.shape_cast %slice3A : vector<32x1x64x256xf32> to vector<32x64x256xf32>
    %reduce_sum3A = arith.constant dense<0.000000e+00> : vector<64x256xf32>
    %reduce_sum3A_4 = vector.multi_reduction <add>, %squeeze3A, %reduce_sum3A [0] : vector<32x64x256xf32> to vector<64x256xf32>
    %slice3A_5 = vector.extract_strided_slice %get3A_3 {offsets = [0, 1, 0, 0], sizes = [32, 1, 64, 256], strides = [1, 1, 1, 1]} : vector<32x4x64x256xf32> to vector<32x1x64x256xf32>
    %squeeze3A_6 = vector.shape_cast %slice3A_5 : vector<32x1x64x256xf32> to vector<32x64x256xf32>
    %reduce_sum3A_7 = arith.constant dense<0.000000e+00> : vector<64x256xf32>
    %reduce_sum3A_8 = vector.multi_reduction <add>, %squeeze3A_6, %reduce_sum3A_7 [0] : vector<32x64x256xf32> to vector<64x256xf32>
    %slice3A_9 = vector.extract_strided_slice %get3A_3 {offsets = [0, 2, 0, 0], sizes = [32, 1, 64, 256], strides = [1, 1, 1, 1]} : vector<32x4x64x256xf32> to vector<32x1x64x256xf32>
    %squeeze3A_10 = vector.shape_cast %slice3A_9 : vector<32x1x64x256xf32> to vector<32x64x256xf32>
    %reduce_max3A = arith.constant dense<0xFF800000> : vector<64x256xf32>
    %reduce_max3A_11 = vector.multi_reduction <maximumf>, %squeeze3A_10, %reduce_max3A [0] : vector<32x64x256xf32> to vector<64x256xf32>
    %slice3A_12 = vector.extract_strided_slice %get3A_3 {offsets = [0, 3, 0, 0], sizes = [32, 1, 64, 256], strides = [1, 1, 1, 1]} : vector<32x4x64x256xf32> to vector<32x1x64x256xf32>
    %squeeze3A_13 = vector.shape_cast %slice3A_12 : vector<32x1x64x256xf32> to vector<32x64x256xf32>
    %reduce_min3A = arith.constant dense<0x7F800000> : vector<64x256xf32>
    %reduce_min3A_14 = vector.multi_reduction <minimumf>, %squeeze3A_13, %reduce_min3A [0] : vector<32x64x256xf32> to vector<64x256xf32>
    %get3A_15 = arith.constant 0 : index
    %get3A_16 = arith.constant 0 : index
    %get3A_17 = arith.constant 0 : index
    %get3A_18 = vector.load %arg1[%get3A_15, %get3A_16, %get3A_17] : memref<32x8x80xi32, #tpu.memory_space<vmem>>, vector<32x8x80xi32>
    %slice3A_19 = vector.extract_strided_slice %get3A_18 {offsets = [0, 0, 0], sizes = [32, 1, 64], strides = [1, 1, 1]} : vector<32x8x80xi32> to vector<32x1x64xi32>
    %squeeze3A_20 = vector.shape_cast %slice3A_19 : vector<32x1x64xi32> to vector<32x64xi32>
    %reduce_sum3A_21 = arith.constant dense<0> : vector<64xi32>
    %reduce_sum3A_22 = vector.multi_reduction <add>, %squeeze3A_20, %reduce_sum3A_21 [0] : vector<32x64xi32> to vector<64xi32>
    %convert_element_type3A = arith.sitofp %reduce_sum3A_22 : vector<64xi32> to vector<64xf32>
    %max3A = arith.constant 1.000000e+00 : f32
    %max3A_23 = vector.broadcast %max3A : f32 to vector<64xf32>
    %max3A_24 = arith.maximumf %convert_element_type3A, %max3A_23 : vector<64xf32>
    %broadcast_in_dim3A = vector.shape_cast %max3A_24 : vector<64xf32> to vector<64x1xf32>
    %div3A = vector.broadcast %broadcast_in_dim3A : vector<64x1xf32> to vector<64x256xf32>
    %div3A_25 = arith.divf %reduce_sum3A_4, %div3A : vector<64x256xf32>
    %div3A_26 = vector.broadcast %broadcast_in_dim3A : vector<64x1xf32> to vector<64x256xf32>
    %div3A_27 = arith.divf %reduce_sum3A_8, %div3A_26 : vector<64x256xf32>
    %mul3A = arith.mulf %div3A_25, %div3A_25 : vector<64x256xf32>
    %sub3A = arith.subf %div3A_27, %mul3A : vector<64x256xf32>
    %concatenate3A = tpu.concatenate %div3A_25, %reduce_min3A_14, %reduce_max3A_11, %sub3A in 1 : vector<64x256xf32>, vector<64x256xf32>, vector<64x256xf32>, vector<64x256xf32> -> vector<64x1024xf32>
    %get3A_28 = arith.constant 0 : index
    %get3A_29 = arith.constant 0 : index
    %get3A_30 = vector.load %arg2[%get3A_28, %get3A_29] : memref<256x1024xf32, #tpu.memory_space<vmem>>, vector<256x1024xf32>
    %dot_general3A = arith.constant dense<0.000000e+00> : vector<64x256xf32>
    %dot_general3A_31 = tpu.matmul %concatenate3A, %get3A_30, %dot_general3A {dimension_numbers = #tpu.dot_dimension_numbers<[1], [1], [0], [0], [0, 0, 1, 0], [], []>, transpose_lhs_hint = false} : vector<64x1024xf32>, vector<256x1024xf32>, vector<64x256xf32> -> vector<64x256xf32>
    %get3A_32 = arith.constant 0 : index
    %get3A_33 = arith.constant 0 : index
    %get3A_34 = vector.load %arg3[%get3A_32, %get3A_33] : memref<1x256xf32, #tpu.memory_space<vmem>>, vector<1x256xf32>
    %add3A = vector.broadcast %get3A_34 : vector<1x256xf32> to vector<64x256xf32>
    %add3A_35 = arith.addf %dot_general3A_31, %add3A : vector<64x256xf32>
    %swap3A = arith.constant 0 : index
    %swap3A_36 = arith.constant 0 : index
    %swap3A_37 = vector.load %arg4[%swap3A, %swap3A_36] : memref<64x256xf32, #tpu.memory_space<vmem>>, vector<64x256xf32>
    tpu.vector_store %arg4[%swap3A, %swap3A_36], %add3A_35 {strides = array<i32>} : memref<64x256xf32, #tpu.memory_space<vmem>>, vector<64x256xf32>,
    return
  }
}

</mosaic_0001>

<sc_bundles>
// kernel: kernel.4.cloned.1.call-start
scs
__scs_entry_jumppad:
0x0: {  	(pc) =	sbr.rel $0x88, $3  }
0x1: {  	(tag) =	ssettag $0x0;
	lr =	simm.s32 $0x1  }
0x2: {  	[smem:$0x3F9D] =	sst lr;
	_ =	strace $0xD0000000  }
0x3: {  	_ = 	snop  }
0x4: {  	_ = 	snop  }
0x5: {  	_ = 	snop  }
0x6: {  	_ = 	snop  }
0x7: {  	_ = 	snop  }
__scs_overlays_trampoline_lowered:
0x8: {  	[smem:$0x3FAC] =	sst s0  }
0x9: {  	[smem:$0x3FAD] =	sst s1  }
0xa: {  	[smem:$0x3FAE] =	sst s2  }
0xb: {  	[smem:$0x3FAF] =	sst s3  }
0xc: {  	[smem:$0x3FB0] =	sst s4  }
0xd: {  	[smem:$0x3FB1] =	sst s5  }
0xe: {  	[smem:$0x3FB2] =	sst s6  }
0xf: {  	[smem:$0x3FB3] =	sst s7  }
0x10: {  	[smem:$0x3FB4] =	sst s8  }
0x11: {  	[smem:$0x3FB5] =	sst s9;
	s0 =	simm.s32 @!p0 $0x0  }
0x12: {  	s1 =	sld [smem:$0x3F9B];
	s0 =	simm.s32 @p0 $0x1  }
0x13: {  	[smem:$0x3FB6] =	sst s0;
	s0 =	simm.s32 @!p1 $0x0  }
0x14: {  	s2 =	sld [smem:$0x3F9A];
	s0 =	simm.s32 @p1 $0x1  }
0x15: {  	[smem:$0x3FB7] =	sst s0;
	s0 =	simm.s32 @!p2 $0x0  }
0x16: {  	s3 =	sld [smem:$0x3FDB];
	s0 =	simm.s32 @p2 $0x1  }
0x17: {  	s4 =	simm.s32 $0x1BF5;
	[smem:$0x3FB9] =	sst s0  }
0x18: {  	s0 =	sld [smem:$0x3F9C];
	_ =	swait.ge [sflag:s4], $0x0  }
0x19: {  	s7 =	sld [smem:$0x3F9D]  }
0x1a: {  	s8 =	sadd.s32 $0xFFFFE003, lr  }
0x1b: {  	s9 =	sadd.s32 $0xFFFFFEF7, lr;
	s5 =	simm.s32 $0xFFFFFFFF;
	p2 =	slt.u32 s8, $0xFFFFF086  }
0x1c: {  	p1 =	slt.u32 s9, $0xF7A;
	s5 =	simm.s32 @!p2 $0x0  }
0x1d: {  	s5 =	simm.s32 @p1 $0x1;
	p0 =	seq.s32 s7, s2  }
0x1e: {  	s7 =	smul.u32 @!p0 $0xF7A, s2;
	p2 =	seq.s32 @!p0 s5, $0x0  }
0x1f: {  	s9 =	smul.u32 $0xF7A, s1;
	s8 =	simm.s32 @!p0 $0x1BF5;
	p2 =	por !p2, p0  }
0x20: {  	[sflag:s8] =	ssyncset.s32 @!p0 $0xFFFFF086;
	s6 =	sadd.s32 @!p0 s3, s7;
	s7 =	simm.s32 @!p0 $0x108  }
0x21: {  	s3 =	sadd.s32 s3, s9;
	s6 =	sadd.s32 @!p0 $0x88, s6;
	s7 =	simm.s32 @p2 $0x1082  }
0x22: {  	[simem:s7], [sflag:s8] =	dma.local @!p0 [hbm:s6], $0xF7A  }
0x23: {  	s9 =	sor.u32 $0xD0000000, s2;
	s6 =	simm.s32 $0x108;
	_ =	swait.ge @!p0 [sflag:s8], $0x0  }
0x24: {  	s3 =	sadd.s32 $0x88, s3;
	s6 =	simm.s32 @!p1 $0x1082;
	[sflag:s4] =	ssyncset.s32 $0xFFFFF086  }
0x25: {  	[simem:s6], [sflag:s4] =	dma.local [hbm:s3], $0xF7A  }
0x26: {  	[smem:$0x3F9D] =	sst s1;
	(tag) =	ssettag s2;
	_ =	strace s9  }
0x27: {  	s1 =	sld [smem:$0x3FAD]  }
0x28: {  	s2 =	sld [smem:$0x3FAE]  }
0x29: {  	s4 =	sld [smem:$0x3FB0]  }
0x2a: {  	p0 =	seq.s32 s5, $0x0;
	s5 =	sld [smem:$0x3FB1]  }
0x2b: {  	s6 =	sld [smem:$0x3FB2]  }
0x2c: {  	s7 =	sld [smem:$0x3FB3]  }
0x2d: {  	s3 =	simm.s32 $0x108;
	s8 =	sld [smem:$0x3FB4]  }
0x2e: {  	s3 =	simm.s32 @!p0 $0x1082;
	s9 =	sld [smem:$0x3FB5]  }
0x2f: {  	lr =	sadd.s32 s0, s3;
	s0 =	sld [smem:$0x3FAC]  }
0x30: {  	s3 =	sld [smem:$0x3FAF]  }
0x31: {  	[smem:$0x3FB8] =	sst s10  }
0x32: {  	s10 =	sld [smem:$0x3FB6];
	_ =	sdelay $0x3  }
0x33: {  	p0 =	seq.s32 s10, $0x1;
	s10 =	sld [smem:$0x3FB8];
	_ =	sdelay $0x3  }
0x34: {  	[smem:$0x3FB8] =	sst s10  }
0x35: {  	s10 =	sld [smem:$0x3FB7];
	_ =	sdelay $0x3  }
0x36: {  	p1 =	seq.s32 s10, $0x1;
	s10 =	sld [smem:$0x3FB8];
	_ =	sdelay $0x3  }
0x37: {  	[smem:$0x3FB8] =	sst s10  }
0x38: {  	s10 =	sld [smem:$0x3FB9]  }
0x39: {  	_ = 	snop;
	(pc) =	sbr.ind lr, $3  }
0x3a: {  	_ = 	snop  }
0x3b: {  	_ = 	snop  }
0x3c: {  	p2 =	seq.s32 s10, $0x1;
	s10 =	sld [smem:$0x3FB8]  }
0x3d: {  	_ =	shalt  }
0x3e: {  	_ =	shalt  }
0x3f: {  	_ =	shalt  }
0x40: {  	_ =	shalt  }
0x41: {  	_ =	shalt  }
0x42: {  	_ =	shalt  }
0x43: {  	_ =	shalt  }
0x44: {  	_ =	shalt  }
0x45: {  	_ =	shalt  }
0x46: {  	_ =	shalt  }
0x47: {  	_ =	shalt  }
0x48: {  	_ =	shalt  }
0x49: {  	_ =	shalt  }
0x4a: {  	_ =	shalt  }
0x4b: {  	_ =	shalt  }
0x4c: {  	_ =	shalt  }
0x4d: {  	_ =	shalt  }
0x4e: {  	_ =	shalt  }
0x4f: {  	_ =	shalt  }
0x50: {  	_ =	shalt  }
0x51: {  	_ =	shalt  }
0x52: {  	_ =	shalt  }
0x53: {  	_ =	shalt  }
0x54: {  	_ =	shalt  }
0x55: {  	_ =	shalt  }
0x56: {  	_ =	shalt  }
0x57: {  	_ =	shalt  }
0x58: {  	_ =	shalt  }
0x59: {  	_ =	shalt  }
0x5a: {  	_ =	shalt  }
0x5b: {  	_ =	shalt  }
0x5c: {  	_ =	shalt  }
0x5d: {  	_ =	shalt  }
0x5e: {  	_ =	shalt  }
0x5f: {  	_ =	shalt  }
0x60: {  	_ =	shalt  }
0x61: {  	_ =	shalt  }
0x62: {  	_ =	shalt  }
0x63: {  	_ =	shalt  }
0x64: {  	_ =	shalt  }
0x65: {  	_ =	shalt  }
0x66: {  	_ =	shalt  }
0x67: {  	_ =	shalt  }
0x68: {  	_ =	shalt  }
0x69: {  	_ =	shalt  }
0x6a: {  	_ =	shalt  }
0x6b: {  	_ =	shalt  }
0x6c: {  	_ =	shalt  }
0x6d: {  	_ =	shalt  }
0x6e: {  	_ =	shalt  }
0x6f: {  	_ =	shalt  }
0x70: {  	_ =	shalt  }
0x71: {  	_ =	shalt  }
0x72: {  	_ =	shalt  }
0x73: {  	_ =	shalt  }
0x74: {  	_ =	shalt  }
0x75: {  	_ =	shalt  }
0x76: {  	_ =	shalt  }
0x77: {  	_ =	shalt  }
0x78: {  	_ =	shalt  }
0x79: {  	_ =	shalt  }
0x7a: {  	_ =	shalt  }
0x7b: {  	_ =	shalt  }
0x7c: {  	_ =	shalt  }
0x7d: {  	_ =	shalt  }
0x7e: {  	_ =	shalt  }
0x7f: {  	_ =	shalt  }
0x80: {  	_ =	shalt  }
0x81: {  	_ =	shalt  }
0x82: {  	_ =	shalt  }
0x83: {  	_ =	shalt  }
0x84: {  	_ =	shalt  }
0x85: {  	_ =	shalt  }
0x86: {  	_ =	shalt  }
0x87: {  	_ =	shalt  }
.Lfunc_end0:
.L_simem_size_0:
called_computation_lowered:
.L_overlay_start_0:
0x88: {  	s2 =	sld [smem:$0x3FD9]  }
0x89: {  	s3 =	sld [smem:$0x3FFE];
	_ =	sdelay $0x1  }
0x8a: {  	s1 =	srdreg.scid  }
0x8b: {  	s0 =	sand.u32 $0x1, s1  }
0x8c: {  	s17 =	sshll.u32 s0, $0xA;
	s2 =	sadd.s32 s3, s2  }
0x8d: {  	s2 =	sadd.s32 s2, s17  }
0x8e: {  	[smem:$0x3FC4] =	sst s2  }
0x8f: {  	_ = 	snop  }
0x90: {  	s2 =	sld [smem:$0x3FC9]  }
0x91: {  	s18 =	sld [smem:$0x3FC8];
	(tm) =	ssettm $0x1  }
0x92: {  	s4 =	sld [smem:$0x3FFB];
	_ =	sdelay $0x3  }
0x93: {  	_ =	strace s4  }
0x94: {  	s4 =	sld [smem:$0x3FFC];
	_ =	sdelay $0x3  }
0x95: {  	_ =	strace s4  }
0x96: {  	s4 =	sld [smem:$0x3FFD];
	_ =	sdelay $0x3  }
0x97: {  	_ =	strace s4  }
0x98: {  	_ =	strace $0x8FFFFFFF  }
0x99: {  	s19 =	sld [smem:$0x3FDB];
	_ =	sdelay $0x1  }
0x9a: {  	s5 =	simm.s32 $_scs_section_size  }
0x9b: {  	s6 =	simm.s32 $_size__tile_overlayer_lowered;
	s7 =	simm.s32 $_tile_overlayer_lowered  }
0x9c: {  	s22 =	simm.s32 $0x1BFF;
	s21 =	sshll.u32 s7, $0x1;
	s4 =	sadd.s32 s5, s19  }
0x9d: {  	s8 =	simm.s32 $0x0;
	s20 =	sshll.u32 s6, $0x1;
	s6 =	sadd.s32 s21, s4  }
0x9e: {  	[timem:s8], [sflag:s22] =	dma.local [hbm:s6], s20  }
0x9f: {  	_ =	swait.ge [sflag:s22], s20  }
0xa0: {  	s5 =	ssub.s32 $0x0, s20;
	[sflag:s22] =	ssyncset.done $0x0  }
0xa1: {  	[sflag:s22] =	ssyncadd.s32 s5;
	_ =	sdelay $0x1  }
0xa2: {  	s23 =	simm.s32 $0x1B8B  }
0xa3: {  	_ =	swait.ge [sflag:s23], $0x1  }
0xa4: {  	[sflag:s23] =	ssyncset.done $0x0  }
0xa5: {  	s25 =	simm.s32 $0x1B8E;
	s24 =	sld [smem:$0x3FFE];
	[sflag:s23] =	ssyncadd.s32 $0xFFFFFFFF  }
0xa6: {  	s26 =	simm.s32 $execute0_lowered;
	[smem:$0x3FD2] =	sst s25  }
0xa7: {  	s6 =	sshll.u32 s26, $0x1;
	_ =	strace $0x80000046;
	[dreg:$0x1] =	wrdreg $0xFFFFFFFF  }
0xa8: {  	s28 =	simm.s32 $_size_execute0_lowered;
	s4 =	sadd.s32 s4, s6;
	[dreg:$0x0] =	wrdreg $0x0  }
0xa9: {  	s6 =	sshll.u32 s28, $0x1;
	[dreg:$0x2] =	wrdreg s4  }
0xaa: {  	[dreg:$0x3] =	wrdreg s6  }
0xab: {  	[dreg:$0x4] =	wrdreg $0xC0  }
0xac: {  	_ =	task [dreg:s8], $0x5FFFF  }
0xad: {  	[dreg:$0x1] =	wrdreg $0xFFFFFFFF  }
0xae: {  	[dreg:$0x0] =	wrdreg $0x60  }
0xaf: {  	[dreg:$0x2] =	wrdreg s2  }
0xb0: {  	[dreg:$0x3] =	wrdreg s18  }
0xb1: {  	[dreg:$0x4] =	wrdreg s24  }
0xb2: {  	[dreg:$0x5] =	wrdreg $0x9  }
0xb3: {  	_ =	task.clear_ibuf [dreg:s8], $0x6FFFF;
	_ =	strace $0x90000046  }
0xb4: {  	s29 =	simm.s32 $0x9;
	_ =	strace $0x80000048  }
0xb5: {  	_ =	swait.ge [sflag:s29], $0x1  }
0xb6: {  	[sflag:s29] =	ssyncadd.s32 $0xFFFFFFFF  }
0xb7: {  	_ =	strace $0x90000048  }
0xb8: {  	_ =	sfence  }
0xb9: {  	s30 =	sld [smem:$0x0];
	_ =	sdelay $0x2  }
0xba: {  	s31 =	sshll.u32 s1, $0xD;
	s1 =	sshrl.u32 s1, $0x2  }
0xbb: {  	s3 =	sand.u32 $0x4000, s31;
	s1 =	sadd.s32 s1, s30  }
0xbc: {  	s0 =	sor.u32 s3, s0;
	s1 =	sshll.u32 s1, $0x11  }
0xbd: {  	s0 =	sor.u32 s1, s0  }
0xbe: {  	s0 =	sadd.s32 $0x8F2B, s0  }
0xbf: {  	[sflag:s0] =	ssyncadd.remote.s32 $0x1  }
0xc0: {  	_ =	sfence.sel $0xFFFF  }
0xc1: {  	[dreg:$0x0] =	wrdreg $0xFFFFFFFF;
	(pc) =	sbr.abs _section_cstart, $3  }
0xc2: {  	[dreg:$0x1] =	wrdreg $0xFFFFFFFF  }
0xc3: {  	_ =	task.clear_ibuf [dreg:s8], $0x2FFFF;
	_ =	strace $0x9FFFFFFF  }
0xc4: {  	(tm) =	ssettm $0x7FFFFFFF  }
0xc5: {  	_ =	shalt  }
tec
execute0_lowered:
.L_overlay_start_1:
0x0: {  	(tag) =	ssettag $0x1  }
0x1: {  	s1 =	rddreg [dreg:$0x0]  }
0x2: {  	s0 =	rddreg [dreg:$0x1]  }
0x3: {  	s2 =	rddreg [dreg:$0x2]  }
0x4: {  	s3 =	srdreg.scid;
	s11 =	stileid.u32  }
0x5: {  	s14 =	simm.s32 $0x0;
	s3 =	sand.u32 $0x1, s3;
	s12 =	smul.u32 $0x1870, s11  }
0x6: {  	s4 =	sshll.u32 s11, $0x1;
	[smem:$0x7FF] =	sst s14;
	s13 =	smul.u32 $0xC38, s3  }
0x7: {  	s5 =	sor.u32 s3, s4;
	_ =	strace $0x80000047;
	s25 =	smul.u32 $0xFFFFF3C8, s3  }
0x8: {  	s8 =	ssub.s32 $0x2, s3;
	s6 =	sshll.u32 s5, $0xD;
	s4 =	smul.u32 $0xC38, s5  }
0x9: {  	s7 =	sshll.u32 s5, $0x7;
	s18 =	sshrl.u32 s8, $0x1;
	p0 =	seq.s32 s5, $0x1F  }
0xa: {  	s6 =	sadd.s32 s6, s2;
	s2 =	sadd.s32 s7, s2;
	s10 =	ssub.s32 s8, s18  }
0xb: {  	s26 =	sadd.s32 s13, s12;
	s17 =	ssub.s32 s25, s12;
	s9 =	sshrl.u32 s4, $0x3  }
0xc: {  	s19 =	smin.u32 s4, $0x17A68;
	s8 =	sadd.s32 $0x70, s4;
	s11 =	sadd.s32 $0xE0, s4  }
0xd: {  	s24 =	sadd.s32 $0x150, s4;
	s28 =	sadd.s32 $0x1000, s6;
	[dreg:$0x9] =	wrdreg s26  }
0xe: {  	s2 =	sadd.s32 $0x41000, s2;
	s29 =	smin.u32 s26, $0x17A68;
	[dreg:$0x8] =	wrdreg s24  }
0xf: {  	s30 =	smax.u32 s10, $0x1;
	s31 =	sadd.s32 $0x70, s26;
	[dreg:$0xa] =	wrdreg s28  }
0x10: {  	s20 =	sadd.s32 s0, s9;
	s0 =	sadd.s32 $0x2F59, s0;
	[dreg:$0xb] =	wrdreg s2  }
0x11: {  	s7 =	sadd.s32 $0xBC8, s19;
	[dreg:$0xc] =	wrdreg s30;
	s18 =	sadd.s32 $0xBC8, s29  }
.Ltmp0:
0x12: {  	[dreg:$0xd] =	wrdreg s31;
	s21 =	smin.u32 s4, s7;
	(pc) =	sbr.rel .LBB2_1-.Ltmp0, $4  }
0x13: {  	[dreg:$0x5] =	wrdreg s0;
	s22 =	smin.u32 s8, s7;
	s0 =	sshll.u32 s21, $0x5  }
0x14: {  	[dreg:$0x4] =	wrdreg s20;
	s9 =	sshll.u32 s22, $0x5;
	s0 =	sadd.s32 s1, s0  }
0x15: {  	v0 =	vimm.f32 $0.0e+00;
	v1 =	vimm.f32 $-Inf;
	s2 =	simm.s32 $0x0;
	s23 =	sadd.s32 s1, s9;
	[dreg:$0x6] =	wrdreg s0  }
0x16: {  	v2 =	vimm.f32 $+Inf;
	v3 =	vimm.s32 $0x0;
	vm0 =	vcmask $0x300;
	s21 =	simm.s32 $0x1;
	s22 =	simm.s32 $0x2;
	[dreg:$0x7] =	wrdreg s23  }
.LBB2_32:
0x17: {  	s14 =	simm.s32 $0x0  }
0x18: {  	s0 =	rddreg [dreg:$0xa];
	s1 =	simm.s32 $0xEC80;
	s28 =	simm.s32 $0x3  }
0x19: {  	[hbm4b:s0+s14] =	stream.linear.scatter [tilespmem:s1], [sflag:$0x3], $0x10000, $0x38;
	[tilespmem:$0x1F080] =	vst v63  }
0x1a: {  	_ =	swait.ge [sflag:s28], $0x10000  }
0x1b: {  	[sflag:s28] =	ssyncset.done $0x0  }
0x1c: {  	s2 =	simm.s32 $0x1EC80;
	s29 =	rddreg [dreg:$0xb];
	[sflag:s28] =	ssyncadd.s32 $0xFFFF0000  }
0x1d: {  	[hbm4b:s29+s14] =	stream.linear.scatter [tilespmem:s2], [sflag:$0x3], $0x400, $0x38;
	[tilespmem:$0x1F080] =	vst v63  }
0x1e: {  	_ =	swait.ge [sflag:s28], $0x400  }
0x1f: {  	s30 =	rddreg [dreg:$0xe]  }
0x20: {  	s31 =	rddreg [dreg:$0xc];
	s2 =	sadd.s32 $0x1, s30  }
0x21: {  	p1 =	sne.s32 s2, s31  }
.Ltmp1:
0x22: {  	_ = 	snop;
	(pc) =	sbr.rel @!p1 .LBB2_33-.Ltmp1, $3  }
0x23: {  	_ =	sdelay $0x1  }
0x24: {  	[sflag:s28] =	ssyncset.done $0x0  }
0x25: {  	[sflag:s28] =	ssyncadd.s32 $0xFFFFFC00  }
.LBB2_1:
0x26: {  	[dreg:$0xe] =	wrdreg s2  }
0x27: {  	s0 =	simm.s32 @p0 $0x0;
	s2 =	simm.s32 @p0 $0xE000;
	s1 =	rddreg [dreg:$0x5]  }
0x28: {  	[tilespmem:s2], [sflag:$0x3] =	stream.linear.gather @p0 [hbm4b:s1+s0], $0xBD8, $0x38;
	[tilespmem:$0x1F080] =	vst v63  }
0x29: {  	s0 =	simm.s32 @p0 $0x3  }
0x2a: {  	_ =	swait.ge @p0 [sflag:s0], $0xBD8  }
0x2b: {  	s2 =	simm.s32 @!p0 $0xE000;
	[sflag:s0] =	ssyncset.done @p0 $0x0  }
0x2c: {  	s1 =	rddreg [dreg:$0x4];
	[sflag:s0] =	ssyncadd.s32 @p0 $0xFFFFF428;
	s0 =	simm.s32 @!p0 $0x0  }
0x2d: {  	[tilespmem:s2], [sflag:$0x3] =	stream.linear.gather @!p0 [hbm4b:s1+s0], $0xC38, $0x38;
	[tilespmem:$0x1F080] =	vst v63  }
0x2e: {  	s0 =	simm.s32 @!p0 $0x3  }
0x2f: {  	_ =	swait.ge @!p0 [sflag:s0], $0xC38  }
0x30: {  	s30 =	sand.u32 $0x3800, s14;
	s3 =	sand.u32 $0x380, s14;
	[sflag:s0] =	ssyncset.done @!p0 $0x0  }
0x31: {  	[sflag:s0] =	ssyncadd.s32 @!p0 $0xFFFFF3C8;
	s0 =	sor.u32 s3, s30  }
0x32: {  	[tilespmem:s0+$0xEC80] =	vst v0  }
0x33: {  	[tilespmem:s0+$0xEC90] =	vst v0  }
0x34: {  	[tilespmem:s0+$0xECA0] =	vst v0  }
0x35: {  	[tilespmem:s0+$0xECB0] =	vst v0  }
0x36: {  	[tilespmem:s0+$0xECC0] =	vst v0  }
0x37: {  	[tilespmem:s0+$0xECD0] =	vst v0  }
0x38: {  	[tilespmem:s0+$0xECE0] =	vst v0  }
0x39: {  	[tilespmem:s0+$0xECF0] =	vst v0  }
0x3a: {  	[tilespmem:s0+$0xF080] =	vst v0  }
0x3b: {  	[tilespmem:s0+$0xF090] =	vst v0  }
0x3c: {  	[tilespmem:s0+$0xF0A0] =	vst v0  }
0x3d: {  	[tilespmem:s0+$0xF0B0] =	vst v0  }
0x3e: {  	[tilespmem:s0+$0xF0C0] =	vst v0  }
0x3f: {  	s2 =	sadd.s32 $0xEC80, s0;
	[tilespmem:s0+$0xF0D0] =	vst v0  }
0x40: {  	[tilespmem:s2+$0xC470] =	vst v2  }
0x41: {  	[tilespmem:s2+$0x4000] =	vst v0  }
0x42: {  	[tilespmem:s2+$0x8000] =	vst v1  }
0x43: {  	[tilespmem:s2+$0xC000] =	vst v2  }
0x44: {  	[tilespmem:s2+$0x4010] =	vst v0  }
0x45: {  	[tilespmem:s2+$0x8010] =	vst v1  }
0x46: {  	[tilespmem:s2+$0xC010] =	vst v2  }
0x47: {  	[tilespmem:s2+$0x4020] =	vst v0  }
0x48: {  	[tilespmem:s2+$0x8020] =	vst v1  }
0x49: {  	[tilespmem:s2+$0xC020] =	vst v2  }
0x4a: {  	[tilespmem:s2+$0x4030] =	vst v0  }
0x4b: {  	[tilespmem:s2+$0x8030] =	vst v1  }
0x4c: {  	[tilespmem:s2+$0xC030] =	vst v2  }
0x4d: {  	[tilespmem:s2+$0x4040] =	vst v0  }
0x4e: {  	[tilespmem:s2+$0x8040] =	vst v1  }
0x4f: {  	[tilespmem:s2+$0xC040] =	vst v2  }
0x50: {  	[tilespmem:s2+$0x4050] =	vst v0  }
0x51: {  	[tilespmem:s2+$0x8050] =	vst v1  }
0x52: {  	[tilespmem:s2+$0xC050] =	vst v2  }
0x53: {  	[tilespmem:s2+$0x4060] =	vst v0  }
0x54: {  	[tilespmem:s2+$0x8060] =	vst v1  }
0x55: {  	[tilespmem:s2+$0xC060] =	vst v2  }
0x56: {  	[tilespmem:s2+$0x4070] =	vst v0  }
0x57: {  	[tilespmem:s2+$0x8070] =	vst v1  }
0x58: {  	[tilespmem:s2+$0xC070] =	vst v2  }
0x59: {  	[tilespmem:s2+$0x4400] =	vst v0  }
0x5a: {  	[tilespmem:s2+$0x8400] =	vst v1  }
0x5b: {  	[tilespmem:s2+$0xC400] =	vst v2  }
0x5c: {  	[tilespmem:s2+$0x4410] =	vst v0  }
0x5d: {  	[tilespmem:s2+$0x8410] =	vst v1  }
0x5e: {  	[tilespmem:s2+$0xC410] =	vst v2  }
0x5f: {  	[tilespmem:s2+$0x4420] =	vst v0  }
0x60: {  	[tilespmem:s2+$0x8420] =	vst v1  }
0x61: {  	[tilespmem:s2+$0xC420] =	vst v2  }
0x62: {  	[tilespmem:s2+$0x4430] =	vst v0  }
0x63: {  	[tilespmem:s2+$0x8430] =	vst v1  }
0x64: {  	[tilespmem:s2+$0xC430] =	vst v2  }
0x65: {  	[tilespmem:s2+$0x4440] =	vst v0  }
0x66: {  	[tilespmem:s2+$0x8440] =	vst v1  }
0x67: {  	[tilespmem:s2+$0xC440] =	vst v2  }
0x68: {  	[tilespmem:s2+$0x4450] =	vst v0  }
0x69: {  	[tilespmem:s2+$0x8450] =	vst v1  }
0x6a: {  	[tilespmem:s2+$0xC450] =	vst v2  }
0x6b: {  	[tilespmem:s2+$0x4460] =	vst v0  }
0x6c: {  	[tilespmem:s2+$0x8460] =	vst v1  }
0x6d: {  	[tilespmem:s2+$0xC460] =	vst v2  }
0x6e: {  	[tilespmem:s2+$0x4470] =	vst v0  }
0x6f: {  	s31 =	simm.s32 $0x100;
	[tilespmem:s2+$0x8470] =	vst v1;
	s2 =	simm.s32 $0x80  }
0x70: {  	s5 =	simm.s32 $0x200;
	s3 =	sand.u32 $0x3800, s31;
	[tilespmem:s0+$0xF0E0] =	vst v0;
	s6 =	sand.u32 $0x380, s2  }
.LBB2_2:
0x71: {  	p1 =	sne.s32 s5, $0x3F00;
	[tilespmem:s0+$0xF0F0] =	vst v0;
	s0 =	sor.u32 s6, s3  }
0x72: {  	s3 =	sadd.s32 $0xEC80, s0;
	[tilespmem:s0+$0xEC80] =	vst v0  }
0x73: {  	[tilespmem:s3+$0xC470] =	vst v2  }
0x74: {  	[tilespmem:s3+$0x4000] =	vst v0  }
0x75: {  	[tilespmem:s3+$0x8000] =	vst v1  }
0x76: {  	[tilespmem:s3+$0xC000] =	vst v2  }
0x77: {  	[tilespmem:s3+$0x4010] =	vst v0  }
0x78: {  	[tilespmem:s3+$0x8010] =	vst v1  }
0x79: {  	[tilespmem:s3+$0xC010] =	vst v2  }
0x7a: {  	[tilespmem:s3+$0x4020] =	vst v0  }
0x7b: {  	[tilespmem:s3+$0x8020] =	vst v1  }
0x7c: {  	[tilespmem:s3+$0xC020] =	vst v2  }
0x7d: {  	[tilespmem:s3+$0x4030] =	vst v0  }
0x7e: {  	[tilespmem:s3+$0x8030] =	vst v1  }
0x7f: {  	[tilespmem:s3+$0xC030] =	vst v2  }
0x80: {  	[tilespmem:s3+$0x4040] =	vst v0  }
0x81: {  	[tilespmem:s3+$0x8040] =	vst v1  }
0x82: {  	[tilespmem:s3+$0xC040] =	vst v2  }
0x83: {  	[tilespmem:s3+$0x4050] =	vst v0  }
0x84: {  	[tilespmem:s3+$0x8050] =	vst v1  }
0x85: {  	[tilespmem:s3+$0xC050] =	vst v2  }
0x86: {  	[tilespmem:s3+$0x4060] =	vst v0  }
0x87: {  	[tilespmem:s3+$0x8060] =	vst v1  }
0x88: {  	[tilespmem:s3+$0xC060] =	vst v2  }
0x89: {  	[tilespmem:s3+$0x4070] =	vst v0  }
0x8a: {  	[tilespmem:s3+$0x8070] =	vst v1  }
0x8b: {  	[tilespmem:s3+$0xC070] =	vst v2  }
0x8c: {  	[tilespmem:s3+$0x4400] =	vst v0  }
0x8d: {  	[tilespmem:s3+$0x8400] =	vst v1  }
0x8e: {  	[tilespmem:s3+$0xC400] =	vst v2  }
0x8f: {  	[tilespmem:s3+$0x4410] =	vst v0  }
0x90: {  	[tilespmem:s3+$0x8410] =	vst v1  }
0x91: {  	[tilespmem:s3+$0xC410] =	vst v2  }
0x92: {  	[tilespmem:s3+$0x4420] =	vst v0  }
0x93: {  	[tilespmem:s3+$0x8420] =	vst v1  }
0x94: {  	[tilespmem:s3+$0xC420] =	vst v2  }
0x95: {  	[tilespmem:s3+$0x4430] =	vst v0  }
0x96: {  	[tilespmem:s3+$0x8430] =	vst v1  }
0x97: {  	[tilespmem:s3+$0xC430] =	vst v2  }
0x98: {  	[tilespmem:s3+$0x4440] =	vst v0  }
0x99: {  	[tilespmem:s3+$0x8440] =	vst v1  }
0x9a: {  	[tilespmem:s3+$0xC440] =	vst v2  }
0x9b: {  	[tilespmem:s3+$0x4450] =	vst v0  }
0x9c: {  	[tilespmem:s3+$0x8450] =	vst v1  }
0x9d: {  	[tilespmem:s3+$0xC450] =	vst v2  }
0x9e: {  	[tilespmem:s3+$0x4460] =	vst v0  }
0x9f: {  	[tilespmem:s3+$0x8460] =	vst v1  }
0xa0: {  	[tilespmem:s3+$0xC460] =	vst v2  }
0xa1: {  	[tilespmem:s3+$0x4470] =	vst v0  }
0xa2: {  	[tilespmem:s3+$0x8470] =	vst v1  }
0xa3: {  	[tilespmem:s0+$0xEC90] =	vst v0  }
0xa4: {  	[tilespmem:s0+$0xECA0] =	vst v0  }
0xa5: {  	[tilespmem:s0+$0xECB0] =	vst v0  }
0xa6: {  	[tilespmem:s0+$0xECC0] =	vst v0  }
0xa7: {  	[tilespmem:s0+$0xECD0] =	vst v0  }
0xa8: {  	[tilespmem:s0+$0xECE0] =	vst v0  }
0xa9: {  	[tilespmem:s0+$0xECF0] =	vst v0  }
0xaa: {  	[tilespmem:s0+$0xF080] =	vst v0  }
0xab: {  	[tilespmem:s0+$0xF090] =	vst v0  }
.Ltmp2:
0xac: {  	[tilespmem:s0+$0xF0A0] =	vst v0;
	(pc) =	sbr.rel @p1 .LBB2_2-.Ltmp2, $4  }
0xad: {  	[tilespmem:s0+$0xF0B0] =	vst v0  }
0xae: {  	[tilespmem:s0+$0xF0C0] =	vst v0  }
0xaf: {  	s2 =	sadd.s32 $0x80, s2;
	[tilespmem:s0+$0xF0D0] =	vst v0  }
0xb0: {  	s6 =	sand.u32 $0x380, s2;
	s3 =	sand.u32 $0x3800, s5;
	s5 =	sadd.s32 $0x100, s5;
	[tilespmem:s0+$0xF0E0] =	vst v0  }
0xb1: {  	s2 =	sor.u32 s6, s3;
	[tilespmem:s0+$0xF0F0] =	vst v0  }
0xb2: {  	[tilespmem:s2+$0xEC80] =	vst v0  }
0xb3: {  	[tilespmem:s2+$0xEC90] =	vst v0  }
0xb4: {  	[tilespmem:s2+$0xECA0] =	vst v0  }
0xb5: {  	[tilespmem:s2+$0xECB0] =	vst v0  }
0xb6: {  	[tilespmem:s2+$0xECC0] =	vst v0  }
0xb7: {  	[tilespmem:s2+$0xECD0] =	vst v0  }
0xb8: {  	[tilespmem:s2+$0xECE0] =	vst v0  }
0xb9: {  	[tilespmem:s2+$0xECF0] =	vst v0  }
0xba: {  	[tilespmem:s2+$0xF080] =	vst v0  }
0xbb: {  	[tilespmem:s2+$0xF090] =	vst v0  }
0xbc: {  	[tilespmem:s2+$0xF0A0] =	vst v0  }
0xbd: {  	[tilespmem:s2+$0xF0B0] =	vst v0  }
0xbe: {  	[tilespmem:s2+$0xF0C0] =	vst v0  }
0xbf: {  	[tilespmem:s2+$0xF0D0] =	vst v0  }
0xc0: {  	[tilespmem:s2+$0xF0E0] =	vst v0  }
0xc1: {  	s25 =	sadd.s32 $0xEC80, s2;
	[tilespmem:s2+$0xF0F0] =	vst v0  }
0xc2: {  	[tilespmem:s25+$0xC470] =	vst v2  }
0xc3: {  	[tilespmem:s25+$0x4000] =	vst v0  }
0xc4: {  	[tilespmem:s25+$0x8000] =	vst v1  }
0xc5: {  	[tilespmem:s25+$0xC000] =	vst v2  }
0xc6: {  	[tilespmem:s25+$0x4010] =	vst v0  }
0xc7: {  	[tilespmem:s25+$0x8010] =	vst v1  }
0xc8: {  	[tilespmem:s25+$0xC010] =	vst v2  }
0xc9: {  	[tilespmem:s25+$0x4020] =	vst v0  }
0xca: {  	[tilespmem:s25+$0x8020] =	vst v1  }
0xcb: {  	[tilespmem:s25+$0xC020] =	vst v2  }
0xcc: {  	[tilespmem:s25+$0x4030] =	vst v0  }
0xcd: {  	[tilespmem:s25+$0x8030] =	vst v1  }
0xce: {  	[tilespmem:s25+$0xC030] =	vst v2  }
0xcf: {  	[tilespmem:s25+$0x4040] =	vst v0  }
0xd0: {  	[tilespmem:s25+$0x8040] =	vst v1  }
0xd1: {  	[tilespmem:s25+$0xC040] =	vst v2  }
0xd2: {  	[tilespmem:s25+$0x4050] =	vst v0  }
0xd3: {  	[tilespmem:s25+$0x8050] =	vst v1  }
0xd4: {  	[tilespmem:s25+$0xC050] =	vst v2  }
0xd5: {  	[tilespmem:s25+$0x4060] =	vst v0  }
0xd6: {  	[tilespmem:s25+$0x8060] =	vst v1  }
0xd7: {  	[tilespmem:s25+$0xC060] =	vst v2  }
0xd8: {  	[tilespmem:s25+$0x4070] =	vst v0  }
0xd9: {  	[tilespmem:s25+$0x8070] =	vst v1  }
0xda: {  	[tilespmem:s25+$0xC070] =	vst v2  }
0xdb: {  	[tilespmem:s25+$0x4400] =	vst v0  }
0xdc: {  	[tilespmem:s25+$0x8400] =	vst v1  }
0xdd: {  	[tilespmem:s25+$0xC400] =	vst v2  }
0xde: {  	[tilespmem:s25+$0x4410] =	vst v0  }
0xdf: {  	[tilespmem:s25+$0x8410] =	vst v1  }
0xe0: {  	[tilespmem:s25+$0xC410] =	vst v2  }
0xe1: {  	[tilespmem:s25+$0x4420] =	vst v0  }
0xe2: {  	[tilespmem:s25+$0x8420] =	vst v1  }
0xe3: {  	[tilespmem:s25+$0xC420] =	vst v2  }
0xe4: {  	[tilespmem:s25+$0x4430] =	vst v0  }
0xe5: {  	[tilespmem:s25+$0x8430] =	vst v1  }
0xe6: {  	[tilespmem:s25+$0xC430] =	vst v2  }
0xe7: {  	[tilespmem:s25+$0x4440] =	vst v0  }
0xe8: {  	[tilespmem:s25+$0x8440] =	vst v1  }
0xe9: {  	[tilespmem:s25+$0xC440] =	vst v2  }
0xea: {  	[tilespmem:s25+$0x4450] =	vst v0  }
0xeb: {  	[tilespmem:s25+$0x8450] =	vst v1  }
0xec: {  	[tilespmem:s25+$0xC450] =	vst v2  }
0xed: {  	[tilespmem:s25+$0x4460] =	vst v0  }
0xee: {  	[tilespmem:s25+$0x8460] =	vst v1  }
0xef: {  	[tilespmem:s25+$0xC460] =	vst v2  }
0xf0: {  	[tilespmem:s25+$0x4470] =	vst v0  }
0xf1: {  	[tilespmem:s25+$0x8470] =	vst v1  }
0xf2: {  	[tilespmem:$0x1EC80] =	vst v3  }
0xf3: {  	[tilespmem:$0x1EC90] =	vst v3  }
0xf4: {  	s26 =	rddreg [dreg:$0x6];
	[tilespmem:$0x1ECA0] =	vst v3  }
0xf5: {  	s31 =	rddreg [dreg:$0x7];
	[tilespmem:$0x1ECB0] =	vst v3  }
0xf6: {  	s28 =	simm.s32 $0x0;
	s29 =	rddreg [dreg:$0xd];
	[tilespmem:$0x1ECC0] =	vst v3  }
0xf7: {  	[tilespmem:s28], [sflag:$0x1] =	stream.linear.gather [hbm4b:s26+s28], $0x7000, $0x38;
	[tilespmem:$0x1F080] =	vst v63  }
0xf8: {  	s1 =	simm.s32 $0x7000;
	s30 =	rddreg [dreg:$0x9]  }
0xf9: {  	[tilespmem:s1], [sflag:$0x2] =	stream.linear.gather [hbm4b:s31+s28], $0x7000, $0x38;
	[tilespmem:$0x1F080] =	vst v63  }
.LBB2_4:
0xfa: {  	s31 =	smul.u32 $0xE0, s28;
	_ =	sdelay $0x1  }
0xfb: {  	s2 =	sadd.s32 s4, s31  }
0xfc: {  	s0 =	smov.u32 s7;
	p1 =	slt.s32 s2, s7  }
0xfd: {  	s0 =	smov.u32 @p1 s2  }
0xfe: {  	s23 =	ssub.s32 s2, s0  }
0xff: {  	p1 =	sgt.s32 s23, $0x6F  }
.Ltmp3:
0x100: {  	_ = 	snop;
	(pc) =	sbr.rel @p1 .LBB2_17-.Ltmp3, $4  }
0x101: {  	_ = 	snop  }
0x102: {  	_ =	swait.ge [sflag:s21], $0x7000  }
0x103: {  	[sflag:s21] =	ssyncset.done $0x0  }
0x104: {  	[sflag:s21] =	ssyncadd.s32 $0xFFFF9000  }
0x105: {  	p1 =	slt.s32 s30, s18;
	s2 =	smov.u32 s18  }
.Ltmp4:
0x106: {  	s2 =	smov.u32 @p1 s30;
	(pc) =	sbr.rel .LBB2_6-.Ltmp4, $4  }
0x107: {  	s2 =	sadd.s32 s2, s17  }
0x108: {  	s0 =	ssub.s32 s0, s4;
	s2 =	sshll.u32 s2, $0x2  }
0x109: {  	s3 =	sadd.s32 $0xE000, s0;
	s26 =	sshra.s32 s2, $0x2  }
0x10a: {  	v4 =	vmov s3;
	s0 =	sadd.s32 $0xE000, s26  }
.LBB2_15:
0x10b: {  	v25 =	vadd.f32 v46, v25  }
0x10c: {  	v53 =	vmul.f32 v51, v51;
	v13 =	vmax.f32 v13, v51;
	v18 =	vmin.f32 v18, v51  }
0x10d: {  	v44 =	vadd.f32 v45, v44;
	v26 =	vmax.f32 v26, v46;
	v30 =	vmax.f32 v30, v38  }
0x10e: {  	v29 =	vadd.f32 v50, v29;
	v28 =	vmax.f32 v28, v42;
	v15 =	vadd.f32 v48, v15  }
0x10f: {  	v10 =	vadd.f32 v52, v10;
	v17 =	vadd.f32 v42, v17;
	v27 =	vmin.f32 v27, v46  }
0x110: {  	v23 =	vmin.f32 v23, v38;
	v21 =	vmin.f32 v21, v42;
	v43 =	vadd.f32 v35, v43  }
0x111: {  	v13 =	vmax.f32 v13, v35;
	v26 =	vmax.f32 v26, v37;
	v18 =	vmin.f32 v18, v35  }
0x112: {  	v27 =	vmin.f32 v27, v37;
	v30 =	vmax.f32 v30, v39;
	v25 =	vadd.f32 v37, v25  }
0x113: {  	v28 =	vmax.f32 v28, v36;
	v19 =	vadd.f32 v53, v19;
	v15 =	vadd.f32 v49, v15  }
0x114: {  	v23 =	vmin.f32 v23, v39;
	v10 =	vadd.f32 v47, v10;
	v29 =	vadd.f32 v41, v29  }
0x115: {  	v21 =	vmin.f32 v21, v36;
	v17 =	vadd.f32 v36, v17;
	v19 =	vadd.f32 v40, v19  }
.LBB2_16:
0x116: {  	v35 =	vld @!p2 [tilespmem:s13+$0x400];
	_ =	sdelay $0x1  }
0x117: {  	v36 =	vld @!p2 [tilespmem:s13+$0x410]  }
0x118: {  	v37 =	vld @!p2 [tilespmem:s13+$0x420]  }
0x119: {  	v38 =	vld @!p2 [tilespmem:s13+$0x430]  }
0x11a: {  	v40 =	vld @!p2 [tilespmem:s13+$0x440];
	v39 =	vmul.f32 @!p2 v35, v35;
	v41 =	vadd.f32 @!p2 v35, v25  }
0x11b: {  	v42 =	vld @!p2 [tilespmem:s13+$0x450]  }
0x11c: {  	v45 =	vld @!p2 [tilespmem:s13+$0x460];
	v39 =	vadd.f32 @!p2 v39, v29;
	v25 =	vpsel p2, v25, v41;
	v41 =	vmax.f32 @!p2 v26, v35  }
0x11d: {  	v46 =	vld @!p2 [tilespmem:s13+$0x470];
	v47 =	vmul.f32 @!p2 v36, v36;
	[tilespmem:s10+$0x400] =	vst v25;
	v26 =	vpsel p2, v26, v41  }
0x11e: {  	v25 =	vmin.f32 @!p2 v27, v35;
	v35 =	vadd.f32 @!p2 v36, v32;
	v29 =	vpsel p2, v29, v39;
	[tilespmem:s19+$0x17080] =	vst v26  }
0x11f: {  	v25 =	vpsel p2, v27, v25;
	[tilespmem:s19+$0x13080] =	vst v29;
	v29 =	vadd.f32 @!p2 v47, v22  }
0x120: {  	v60 =	vpsel p2, v32, v35;
	[tilespmem:s19+$0x1B080] =	vst v25  }
0x121: {  	v27 =	vmul.f32 @!p2 v37, v37;
	v25 =	vmax.f32 @!p2 v30, v36;
	[tilespmem:s10+$0x410] =	vst v60;
	v22 =	vpsel p2, v22, v29  }
0x122: {  	v26 =	vmin.f32 @!p2 v23, v36;
	v25 =	vpsel p2, v30, v25;
	v29 =	vadd.f32 @!p2 v37, v17;
	[tilespmem:s14+$0x10] =	vst v22  }
0x123: {  	v23 =	vpsel p2, v23, v26;
	v22 =	vadd.f32 @!p2 v27, v44;
	[tilespmem:s15+$0x10] =	vst v25  }
0x124: {  	v17 =	vpsel p2, v17, v29;
	[tilespmem:s16+$0x10] =	vst v23  }
0x125: {  	v25 =	vmul.f32 @!p2 v38, v38;
	v23 =	vmax.f32 @!p2 v28, v37;
	v22 =	vpsel p2, v44, v22;
	[tilespmem:s10+$0x420] =	vst v17  }
0x126: {  	v26 =	vadd.f32 @!p2 v38, v20;
	v17 =	vmin.f32 @!p2 v21, v37;
	v23 =	vpsel p2, v28, v23;
	[tilespmem:s14+$0x20] =	vst v22  }
0x127: {  	v22 =	vadd.f32 @!p2 v25, v15;
	v17 =	vpsel p2, v21, v17;
	[tilespmem:s15+$0x20] =	vst v23  }
0x128: {  	v20 =	vpsel p2, v20, v26;
	[tilespmem:s16+$0x20] =	vst v17  }
0x129: {  	v21 =	vmul.f32 @!p2 v40, v40;
	v17 =	vmax.f32 @!p2 v24, v38;
	v15 =	vpsel p2, v15, v22;
	[tilespmem:s10+$0x430] =	vst v20  }
0x12a: {  	v22 =	vadd.f32 @!p2 v40, v43;
	v20 =	vmin.f32 @!p2 v31, v38;
	v17 =	vpsel p2, v24, v17;
	[tilespmem:s14+$0x30] =	vst v15  }
0x12b: {  	v15 =	vadd.f32 @!p2 v21, v19;
	v20 =	vpsel p2, v31, v20;
	[tilespmem:s15+$0x30] =	vst v17  }
0x12c: {  	v61 =	vpsel p2, v43, v22;
	[tilespmem:s16+$0x30] =	vst v20  }
0x12d: {  	v21 =	vmul.f32 @!p2 v42, v42;
	v20 =	vmax.f32 @!p2 v13, v40;
	v15 =	vpsel p2, v19, v15;
	[tilespmem:s10+$0x440] =	vst v61  }
0x12e: {  	v17 =	vmin.f32 @!p2 v18, v40;
	v19 =	vadd.f32 @!p2 v42, v9;
	v13 =	vpsel p2, v13, v20;
	[tilespmem:s14+$0x40] =	vst v15  }
0x12f: {  	v17 =	vpsel p2, v18, v17;
	v15 =	vadd.f32 @!p2 v21, v10;
	[tilespmem:s15+$0x40] =	vst v13  }
0x130: {  	v9 =	vpsel p2, v9, v19;
	[tilespmem:s16+$0x40] =	vst v17  }
0x131: {  	v13 =	vmax.f32 @!p2 v8, v42;
	v17 =	vmul.f32 @!p2 v45, v45;
	v10 =	vpsel p2, v10, v15;
	[tilespmem:s10+$0x450] =	vst v9  }
0x132: {  	v15 =	vadd.f32 @!p2 v45, v16;
	v8 =	vpsel p2, v8, v13;
	v9 =	vmin.f32 @!p2 v12, v42;
	[tilespmem:s14+$0x50] =	vst v10  }
0x133: {  	v10 =	vadd.f32 @!p2 v17, v33;
	v9 =	vpsel p2, v12, v9;
	[tilespmem:s15+$0x50] =	vst v8  }
0x134: {  	v62 =	vpsel p2, v16, v15;
	[tilespmem:s16+$0x50] =	vst v9  }
0x135: {  	v12 =	vmul.f32 @!p2 v46, v46;
	v9 =	vmax.f32 @!p2 v14, v45;
	v10 =	vpsel p2, v33, v10;
	[tilespmem:s10+$0x460] =	vst v62  }
0x136: {  	v13 =	vadd.f32 @!p2 v46, v5;
	v8 =	vmin.f32 @!p2 v34, v45;
	v9 =	vpsel p2, v14, v9;
	[tilespmem:s14+$0x60] =	vst v10  }
0x137: {  	v8 =	vpsel p2, v34, v8;
	v10 =	vadd.f32 @!p2 v12, v11;
	[tilespmem:s15+$0x60] =	vst v9  }
0x138: {  	v5 =	vpsel p2, v5, v13;
	[tilespmem:s16+$0x60] =	vst v8  }
0x139: {  	v8 =	vmax.f32 @!p2 v6, v46;
	v63 =	vpsel p2, v11, v10;
	[tilespmem:s10+$0x470] =	vst v5  }
0x13a: {  	v5 =	vmin.f32 @!p2 v7, v46;
	v6 =	vpsel p2, v6, v8;
	[tilespmem:s14+$0x70] =	vst v63  }
0x13b: {  	v5 =	vpsel p2, v7, v5;
	[tilespmem:s15+$0x70] =	vst v6  }
0x13c: {  	[tilespmem:s16+$0x70] =	vst v5  }
0x13d: {  	v5 =	vld [tilespmem:s2+$0x1EC80];
	_ =	sdelay $0x1  }
.Ltmp5:
0x13e: {  	_ = 	snop;
	(pc) =	sbr.rel @!p1 .LBB2_17-.Ltmp5, $4  }
0x13f: {  	v6 =	vmov s25  }
0x140: {  	v6 =	vnsel vm0, $0x0, v6  }
0x141: {  	v5 =	vadd.s32 v6, v5  }
0x142: {  	[tilespmem:s2+$0x1EC80] =	vst v5  }
.LBB2_6:
0x143: {  	_ =	sdelay $0x3  }
0x144: {  	v5 =	vld.idx.msk [tilespmem:v4+s23+$0x0 ss:$0x1], $0xffff;
	_ =	sdelay $0x2  }
0x145: {  	s2 =	sshll.u32 s23, $0x2  }
0x146: {  	s2 =	sshra.s32 s2, $0x2  }
0x147: {  	s3 =	smov.u32 s23;
	s5 =	sadd.s32 $0xFFFFFFF0, s23;
	s2 =	sadd.s32 s2, s0;
	v6 =	vbroadcast v5, $0x0  }
.LBB2_7:
0x148: {  	v7 =	vld [tilespmem:s2+$0x0];
	_ =	sdelay $0x4  }
0x149: {  	vm1 =	vne.s32 v7, v6  }
0x14a: {  	v7 =	vmctz.xlane vm1;
	_ =	sdelay $0x1  }
0x14b: {  	(v2sf) =	vpush v7, $0x0;
	_ =	sdelay $0xd  }
0x14c: {  	s5 =	sadd.s32 $0x10, s5  }
0x14d: {  	p1 =	sgt.s32 s5, $0x5F;
	s6 =	spop (v2sf)  }
0x14e: {  	p2 =	sgt.s32 @!p1 s6, $0xF  }
0x14f: {  	p1 =	por p1, !p2  }
.Ltmp6:
0x150: {  	_ = 	snop;
	(pc) =	sbr.rel @!p1 .LBB2_7-.Ltmp6, $2  }
0x151: {  	_ =	sdelay $0x2  }
0x152: {  	s2 =	sadd.s32 $0x10, s2  }
0x153: {  	(v2sf) =	vpush v5, $0x0;
	_ =	sdelay $0xe  }
0x154: {  	s2 =	spop (v2sf)  }
0x155: {  	s9 =	sshll.u32 s2, $0x8;
	s10 =	sshll.u32 s2, $0x7  }
0x156: {  	s14 =	sand.u32 $0xFFFFF800, s9;
	s15 =	sand.u32 $0x380, s10  }
0x157: {  	s26 =	sor.u32 s15, s14  }
0x158: {  	v24 =	vld [tilespmem:s26+$0xEC80]  }
0x159: {  	v32 =	vld [tilespmem:s26+$0xEC90]  }
0x15a: {  	v17 =	vld [tilespmem:s26+$0xECA0]  }
0x15b: {  	v19 =	vld [tilespmem:s26+$0xECB0]  }
0x15c: {  	v40 =	vld [tilespmem:s26+$0xECC0]  }
0x15d: {  	v8 =	vld [tilespmem:s26+$0xECD0]  }
0x15e: {  	v16 =	vld [tilespmem:s26+$0xECE0]  }
0x15f: {  	v5 =	vld [tilespmem:s26+$0xECF0]  }
0x160: {  	v29 =	vld [tilespmem:s26+$0x12C80]  }
0x161: {  	v25 =	vld [tilespmem:s26+$0x16C80]  }
0x162: {  	s16 =	sadd.s32 $0x12C80, s26;
	v28 =	vld [tilespmem:s26+$0x1AC80]  }
0x163: {  	v20 =	vld [tilespmem:s16+$0x10]  }
0x164: {  	p1 =	slt.s32 s6, $0x10;
	v41 =	vld [tilespmem:s16+$0x20]  }
0x165: {  	s6 =	simm.s32 @!p1 $0x10;
	v14 =	vld [tilespmem:s16+$0x30]  }
0x166: {  	s23 =	sadd.s32 s5, s6;
	v18 =	vld [tilespmem:s16+$0x40]  }
0x167: {  	p1 =	slt.s32 s23, $0x70;
	v7 =	vld [tilespmem:s16+$0x50]  }
0x168: {  	s23 =	simm.s32 @!p1 $0x70;
	v31 =	vld [tilespmem:s16+$0x60]  }
0x169: {  	s25 =	ssub.s32 s23, s3;
	s19 =	sadd.s32 $0x16C80, s26;
	v9 =	vld [tilespmem:s16+$0x70]  }
0x16a: {  	s6 =	simm.s32 $0x1;
	p2 =	sne.s32 s23, s3;
	s12 =	sshrl.u32 s25, $0x1F;
	v30 =	vld [tilespmem:s19+$0x10]  }
0x16b: {  	s13 =	sshra.s32 s25, $0x1F;
	s6 =	simm.s32 @!p2 $0x0;
	s5 =	sadd.s32 s12, s25;
	v27 =	vld [tilespmem:s19+$0x20]  }
0x16c: {  	s6 =	sor.u32 s6, s13;
	s20 =	sand.u32 $0xFFFFFFFE, s5;
	v23 =	vld [tilespmem:s19+$0x30]  }
0x16d: {  	p6 =	sne.s32 s6, $0x1;
	p3 =	sne.s32 s25, s20;
	v11 =	vld [tilespmem:s19+$0x40]  }
0x16e: {  	p2 =	por !p3, !p6;
	v10 =	vld [tilespmem:s19+$0x50]  }
0x16f: {  	s6 =	simm.s32 $0x1;
	p2 =	por !p2, !p2;
	v13 =	vld [tilespmem:s19+$0x60]  }
0x170: {  	s5 =	sshra.s32 s5, $0x1;
	s6 =	simm.s32 @!p2 $0x0;
	s24 =	sadd.s32 $0x1AC80, s26;
	v6 =	vld [tilespmem:s19+$0x70]  }
0x171: {  	s5 =	ssub.s32 s5, s6;
	v26 =	vld [tilespmem:s24+$0x10]  }
0x172: {  	p3 =	slt.s32 s5, $0x1;
	v22 =	vld [tilespmem:s24+$0x20]  }
.Ltmp7:
0x173: {  	v33 =	vld [tilespmem:s24+$0x30];
	(pc) =	sbr.rel @p3 .LBB2_12-.Ltmp7, $4  }
0x174: {  	v21 =	vld [tilespmem:s24+$0x40]  }
0x175: {  	v15 =	vld [tilespmem:s24+$0x50]  }
0x176: {  	v34 =	vld [tilespmem:s24+$0x60]  }
0x177: {  	s6 =	sshll.u32 s3, $0x7;
	s9 =	sshll.u32 s3, $0x8;
	v12 =	vld [tilespmem:s24+$0x70]  }
0x178: {  	s3 =	sand.u32 $0xFFFFF800, s9;
	s10 =	sand.u32 $0x380, s6  }
0x179: {  	s3 =	sor.u32 s10, s3  }
0x17a: {  	v39 =	vld [tilespmem:s3+$0x70]  }
0x17b: {  	v42 =	vld [tilespmem:s3+$0x60]  }
0x17c: {  	v38 =	vld [tilespmem:s3+$0x10]  }
0x17d: {  	s12 =	sadd.s32 $0x100, s9;
	s20 =	sadd.s32 $0x80, s6;
	v49 =	vld [tilespmem:s3+$0x30]  }
0x17e: {  	s12 =	sand.u32 $0xFFFFF800, s12;
	s10 =	sand.u32 $0x380, s20;
	v54 =	vld [tilespmem:s3+$0x50]  }
0x17f: {  	s10 =	sor.u32 s10, s12;
	v51 =	vld [tilespmem:s3+$0x40]  }
0x180: {  	v44 =	vld [tilespmem:s10+$0x70];
	v43 =	vmul.f32 v42, v42  }
0x181: {  	v36 =	vld [tilespmem:s10+$0x20];
	v16 =	vadd.f32 v42, v16;
	v46 =	vmul.f32 v39, v39;
	v34 =	vmin.f32 v34, v42  }
0x182: {  	v35 =	vld [tilespmem:s10+$0x40];
	v13 =	vmax.f32 v13, v42;
	v5 =	vadd.f32 v39, v5;
	v6 =	vmax.f32 v6, v39  }
0x183: {  	v52 =	vld [tilespmem:s10+$0x60];
	v12 =	vmin.f32 v12, v39;
	v32 =	vadd.f32 v38, v32;
	v55 =	vmul.f32 v38, v38  }
0x184: {  	v53 =	vld [tilespmem:s10+$0x50];
	v48 =	vmul.f32 v49, v49;
	v33 =	vmin.f32 v33, v49;
	v19 =	vadd.f32 v49, v19  }
0x185: {  	v57 =	vld [tilespmem:s10+$0x30];
	v10 =	vmax.f32 v10, v54;
	v23 =	vmax.f32 v23, v49;
	v8 =	vadd.f32 v54, v8  }
0x186: {  	v15 =	vmin.f32 v15, v54;
	v40 =	vadd.f32 v51, v40;
	v45 =	vmul.f32 v36, v36  }
0x187: {  	v37 =	vld [tilespmem:s10+$0x0];
	v50 =	vmul.f32 v44, v44;
	v42 =	vmul.f32 v35, v35;
	v6 =	vmax.f32 v6, v44  }
0x188: {  	v39 =	vld [tilespmem:s10+$0x10];
	v56 =	vmul.f32 v52, v52;
	v13 =	vmax.f32 v13, v52;
	v12 =	vmin.f32 v12, v44  }
0x189: {  	v47 =	vmul.f32 v53, v53;
	v10 =	vmax.f32 v10, v53;
	v5 =	vadd.f32 v44, v5;
	v44 =	vld [tilespmem:s3+$0x20]  }
0x18a: {  	v15 =	vmin.f32 v15, v53;
	v49 =	vmul.f32 v57, v57;
	v34 =	vmin.f32 v34, v52  }
0x18b: {  	p2 =	sne.s32 s5, $0x1;
	v23 =	vmax.f32 v23, v57;
	v31 =	vadd.f32 v43, v31;
	v9 =	vadd.f32 v46, v9;
	v46 =	vld [tilespmem:s3+$0x0]  }
.Ltmp8:
0x18c: {  	v33 =	vmin.f32 v33, v57;
	v16 =	vadd.f32 v52, v16;
	v20 =	vadd.f32 v55, v20;
	(pc) =	sbr.rel @!p2 .LBB2_11-.Ltmp8, $4  }
0x18d: {  	v43 =	vmul.f32 v37, v37;
	v8 =	vadd.f32 v53, v8;
	v19 =	vadd.f32 v57, v19  }
0x18e: {  	v9 =	vadd.f32 v50, v9;
	v62 =	vmul.f32 v39, v39;
	v63 =	vmul.f32 v44, v44  }
0x18f: {  	v52 =	vmul.f32 v54, v54;
	v31 =	vadd.f32 v56, v31;
	v32 =	vadd.f32 v39, v32  }
0x190: {  	s13 =	sadd.s32 $0x100, s6;
	s20 =	sadd.s32 $0x200, s9;
	s10 =	sadd.s32 $0xFFFFFFFF, s5;
	v50 =	vmul.f32 v46, v46;
	v20 =	vadd.f32 v62, v20;
	v41 =	vadd.f32 v63, v41  }
.LBB2_10:
0x191: {  	s3 =	sand.u32 $0xFFFFF800, s20;
	s12 =	sand.u32 $0x380, s13;
	s1 =	sadd.s32 $0x100, s20;
	v24 =	vadd.f32 v46, v24;
	v53 =	vmul.f32 v51, v51;
	v11 =	vmax.f32 v11, v51  }
0x192: {  	p2 =	sne.s32 s10, $0x1;
	v21 =	vmin.f32 v21, v51;
	s3 =	sor.u32 s12, s3;
	s12 =	sadd.s32 $0x80, s13;
	v41 =	vadd.f32 v45, v41;
	v11 =	vmax.f32 v11, v35  }
0x193: {  	s10 =	sadd.s32 $0xFFFFFFFF, s10;
	v25 =	vmax.f32 v25, v46;
	v30 =	vmax.f32 v30, v38;
	s1 =	sand.u32 $0xFFFFF800, s1;
	v51 =	vld [tilespmem:s3+$0x70];
	s12 =	sand.u32 $0x380, s12;
	v24 =	vadd.f32 v37, v24  }
0x194: {  	v29 =	vadd.f32 v50, v29;
	v27 =	vmax.f32 v27, v44;
	v25 =	vmax.f32 v25, v37;
	v54 =	vld [tilespmem:s3+$0x60];
	s12 =	sor.u32 s12, s1  }
0x195: {  	v14 =	vadd.f32 v48, v14;
	v7 =	vadd.f32 v52, v7;
	v21 =	vmin.f32 v21, v35;
	v50 =	vld [tilespmem:s12+$0x10]  }
0x196: {  	v28 =	vmin.f32 v28, v46;
	v17 =	vadd.f32 v44, v17;
	v18 =	vadd.f32 v53, v18;
	v48 =	vld [tilespmem:s12+$0x70]  }
0x197: {  	v28 =	vmin.f32 v28, v37;
	v14 =	vadd.f32 v49, v14;
	v7 =	vadd.f32 v47, v7;
	v46 =	vld [tilespmem:s12+$0x20]  }
0x198: {  	v30 =	vmax.f32 v30, v39;
	v29 =	vadd.f32 v43, v29;
	v17 =	vadd.f32 v36, v17;
	v37 =	vld [tilespmem:s12+$0x0]  }
0x199: {  	v26 =	vmin.f32 v26, v38;
	v27 =	vmax.f32 v27, v36;
	v16 =	vadd.f32 v54, v16;
	v52 =	vld [tilespmem:s12+$0x50]  }
0x19a: {  	v22 =	vmin.f32 v22, v44;
	v40 =	vadd.f32 v35, v40;
	v26 =	vmin.f32 v26, v39;
	v35 =	vld [tilespmem:s12+$0x40];
	v39 =	vmovc v50  }
0x19b: {  	v22 =	vmin.f32 v22, v36;
	v47 =	vmul.f32 v51, v51;
	v43 =	vmul.f32 v54, v54;
	v38 =	vld [tilespmem:s3+$0x10]  }
0x19c: {  	v18 =	vadd.f32 v42, v18;
	v34 =	vmin.f32 v34, v54;
	v45 =	vmul.f32 v46, v46;
	v53 =	vld [tilespmem:s12+$0x60];
	v36 =	vmovc v46  }
0x19d: {  	v13 =	vmax.f32 v13, v54;
	v31 =	vadd.f32 v43, v31;
	v55 =	vld [tilespmem:s3+$0x50];
	v43 =	vmul.f32 v37, v37  }
0x19e: {  	v5 =	vadd.f32 v51, v5;
	v6 =	vmax.f32 v6, v51;
	v54 =	vmul.f32 v48, v48;
	v49 =	vld [tilespmem:s3+$0x30]  }
0x19f: {  	v12 =	vmin.f32 v12, v51;
	v9 =	vadd.f32 v47, v9;
	v44 =	vld [tilespmem:s3+$0x20]  }
0x1a0: {  	v42 =	vmul.f32 v35, v35;
	v32 =	vadd.f32 v38, v32;
	v56 =	vmul.f32 v38, v38  }
0x1a1: {  	v5 =	vadd.f32 v48, v5;
	v6 =	vmax.f32 v6, v48;
	v16 =	vadd.f32 v53, v16  }
0x1a2: {  	v12 =	vmin.f32 v12, v48;
	v57 =	vmul.f32 v53, v53;
	v13 =	vmax.f32 v13, v53;
	v46 =	vld [tilespmem:s3+$0x0]  }
0x1a3: {  	v47 =	vmul.f32 v52, v52;
	v48 =	vmul.f32 v49, v49;
	v33 =	vmin.f32 v33, v49;
	v58 =	vld [tilespmem:s12+$0x30]  }
0x1a4: {  	v9 =	vadd.f32 v54, v9;
	v10 =	vmax.f32 v10, v55;
	v19 =	vadd.f32 v49, v19  }
0x1a5: {  	v8 =	vadd.f32 v55, v8;
	v23 =	vmax.f32 v23, v49;
	v10 =	vmax.f32 v10, v52;
	v51 =	vld [tilespmem:s3+$0x40]  }
0x1a6: {  	v20 =	vadd.f32 v56, v20;
	v15 =	vmin.f32 v15, v55;
	v49 =	vmul.f32 v50, v39  }
.Ltmp9:
0x1a7: {  	v32 =	vadd.f32 v39, v32;
	v15 =	vmin.f32 v15, v52;
	v50 =	vmul.f32 v46, v46;
	(pc) =	sbr.rel @p2 .LBB2_10-.Ltmp9, $4  }
0x1a8: {  	v8 =	vadd.f32 v52, v8;
	v20 =	vadd.f32 v49, v20;
	v49 =	vmul.f32 v58, v58  }
0x1a9: {  	v34 =	vmin.f32 v34, v53;
	v54 =	vmul.f32 v44, v44;
	v19 =	vadd.f32 v58, v19  }
0x1aa: {  	v52 =	vmul.f32 v55, v55;
	v23 =	vmax.f32 v23, v58;
	v40 =	vadd.f32 v51, v40  }
0x1ab: {  	s20 =	sadd.s32 $0x200, s20;
	s13 =	sadd.s32 $0x100, s13;
	v31 =	vadd.f32 v57, v31;
	v41 =	vadd.f32 v54, v41;
	v33 =	vmin.f32 v33, v58  }
.LBB2_11:
0x1ac: {  	v24 =	vadd.f32 v46, v24  }
0x1ad: {  	v53 =	vmul.f32 v51, v51;
	v11 =	vmax.f32 v11, v51;
	v21 =	vmin.f32 v21, v51  }
0x1ae: {  	v25 =	vmax.f32 v25, v46;
	v30 =	vmax.f32 v30, v38;
	v14 =	vadd.f32 v48, v14  }
0x1af: {  	v27 =	vmax.f32 v27, v44;
	v7 =	vadd.f32 v52, v7;
	v17 =	vadd.f32 v44, v17  }
0x1b0: {  	v28 =	vmin.f32 v28, v46;
	v26 =	vmin.f32 v26, v38;
	v22 =	vmin.f32 v22, v44  }
0x1b1: {  	v40 =	vadd.f32 v35, v40;
	v41 =	vadd.f32 v45, v41;
	v11 =	vmax.f32 v11, v35  }
0x1b2: {  	v29 =	vadd.f32 v50, v29;
	v25 =	vmax.f32 v25, v37;
	v21 =	vmin.f32 v21, v35  }
0x1b3: {  	v28 =	vmin.f32 v28, v37;
	v30 =	vmax.f32 v30, v39;
	v24 =	vadd.f32 v37, v24  }
0x1b4: {  	v27 =	vmax.f32 v27, v36;
	v18 =	vadd.f32 v53, v18;
	v14 =	vadd.f32 v49, v14  }
0x1b5: {  	v26 =	vmin.f32 v26, v39;
	v7 =	vadd.f32 v47, v7;
	v17 =	vadd.f32 v36, v17  }
0x1b6: {  	v22 =	vmin.f32 v22, v36;
	v29 =	vadd.f32 v43, v29;
	v18 =	vadd.f32 v42, v18  }
.LBB2_12:
0x1b7: {  	s1 =	sand.u32 $0x1, s25  }
0x1b8: {  	p2 =	seq.s32 s1, $0x0  }
0x1b9: {  	s1 =	sadd.s32 @!p2 $0xFFFFFFFF, s23  }
0x1ba: {  	s3 =	sshll.u32 @!p2 s1, $0x8;
	s1 =	sshll.u32 @!p2 s1, $0x7  }
0x1bb: {  	s3 =	sand.u32 @!p2 $0xFFFFF800, s3;
	s1 =	sand.u32 @!p2 $0x380, s1  }
0x1bc: {  	s13 =	sor.u32 @!p2 s1, s3  }
0x1bd: {  	v35 =	vld @!p2 [tilespmem:s13+$0x0];
	_ =	sdelay $0x1  }
0x1be: {  	v36 =	vld @!p2 [tilespmem:s13+$0x10]  }
0x1bf: {  	v37 =	vld @!p2 [tilespmem:s13+$0x20]  }
0x1c0: {  	v38 =	vld @!p2 [tilespmem:s13+$0x30]  }
0x1c1: {  	v42 =	vld @!p2 [tilespmem:s13+$0x40];
	v39 =	vmul.f32 @!p2 v35, v35;
	v43 =	vadd.f32 @!p2 v35, v24  }
0x1c2: {  	v44 =	vld @!p2 [tilespmem:s13+$0x50]  }
0x1c3: {  	v45 =	vld @!p2 [tilespmem:s13+$0x60];
	v39 =	vadd.f32 @!p2 v39, v29;
	v24 =	vpsel p2, v24, v43;
	v43 =	vmax.f32 @!p2 v25, v35  }
0x1c4: {  	v46 =	vld @!p2 [tilespmem:s13+$0x70];
	v47 =	vmul.f32 @!p2 v36, v36;
	[tilespmem:s26+$0xEC80] =	vst v24;
	v25 =	vpsel p2, v25, v43  }
0x1c5: {  	v24 =	vmin.f32 @!p2 v28, v35;
	v35 =	vadd.f32 @!p2 v36, v32;
	v29 =	vpsel p2, v29, v39;
	[tilespmem:s26+$0x16C80] =	vst v25  }
0x1c6: {  	v24 =	vpsel p2, v28, v24;
	[tilespmem:s26+$0x12C80] =	vst v29;
	v29 =	vadd.f32 @!p2 v47, v20  }
0x1c7: {  	s10 =	sadd.s32 $0xEC80, s26;
	v25 =	vpsel p2, v32, v35;
	[tilespmem:s26+$0x1AC80] =	vst v24  }
0x1c8: {  	v28 =	vmul.f32 @!p2 v37, v37;
	v24 =	vmax.f32 @!p2 v30, v36;
	[tilespmem:s10+$0x10] =	vst v25;
	v20 =	vpsel p2, v20, v29  }
0x1c9: {  	v25 =	vmin.f32 @!p2 v26, v36;
	v24 =	vpsel p2, v30, v24;
	v29 =	vadd.f32 @!p2 v37, v17;
	[tilespmem:s16+$0x10] =	vst v20  }
0x1ca: {  	v25 =	vpsel p2, v26, v25;
	v20 =	vadd.f32 @!p2 v28, v41;
	[tilespmem:s19+$0x10] =	vst v24  }
0x1cb: {  	v17 =	vpsel p2, v17, v29;
	[tilespmem:s24+$0x10] =	vst v25  }
0x1cc: {  	v24 =	vmax.f32 @!p2 v27, v37;
	v25 =	vmul.f32 @!p2 v38, v38;
	v20 =	vpsel p2, v41, v20;
	[tilespmem:s10+$0x20] =	vst v17  }
0x1cd: {  	v26 =	vadd.f32 @!p2 v38, v19;
	v24 =	vpsel p2, v27, v24;
	v17 =	vmin.f32 @!p2 v22, v37;
	[tilespmem:s16+$0x20] =	vst v20  }
0x1ce: {  	v20 =	vadd.f32 @!p2 v25, v14;
	v17 =	vpsel p2, v22, v17;
	[tilespmem:s19+$0x20] =	vst v24  }
0x1cf: {  	v19 =	vpsel p2, v19, v26;
	[tilespmem:s24+$0x20] =	vst v17  }
0x1d0: {  	v22 =	vmul.f32 @!p2 v42, v42;
	v17 =	vmax.f32 @!p2 v23, v38;
	v14 =	vpsel p2, v14, v20;
	[tilespmem:s10+$0x30] =	vst v19  }
0x1d1: {  	v20 =	vadd.f32 @!p2 v42, v40;
	v19 =	vmin.f32 @!p2 v33, v38;
	v17 =	vpsel p2, v23, v17;
	[tilespmem:s16+$0x30] =	vst v14  }
0x1d2: {  	v14 =	vadd.f32 @!p2 v22, v18;
	v19 =	vpsel p2, v33, v19;
	[tilespmem:s19+$0x30] =	vst v17  }
0x1d3: {  	v17 =	vpsel p2, v40, v20;
	[tilespmem:s24+$0x30] =	vst v19  }
0x1d4: {  	v20 =	vmul.f32 @!p2 v44, v44;
	v19 =	vmax.f32 @!p2 v11, v42;
	v14 =	vpsel p2, v18, v14;
	[tilespmem:s10+$0x40] =	vst v17  }
0x1d5: {  	v18 =	vadd.f32 @!p2 v44, v8;
	v17 =	vmin.f32 @!p2 v21, v42;
	v11 =	vpsel p2, v11, v19;
	[tilespmem:s16+$0x40] =	vst v14  }
0x1d6: {  	v14 =	vadd.f32 @!p2 v20, v7;
	v17 =	vpsel p2, v21, v17;
	[tilespmem:s19+$0x40] =	vst v11  }
0x1d7: {  	v8 =	vpsel p2, v8, v18;
	[tilespmem:s24+$0x40] =	vst v17  }
0x1d8: {  	v11 =	vmax.f32 @!p2 v10, v44;
	v17 =	vmul.f32 @!p2 v45, v45;
	v7 =	vpsel p2, v7, v14;
	[tilespmem:s10+$0x50] =	vst v8  }
0x1d9: {  	v14 =	vadd.f32 @!p2 v45, v16;
	v10 =	vpsel p2, v10, v11;
	v8 =	vmin.f32 @!p2 v15, v44;
	[tilespmem:s16+$0x50] =	vst v7  }
0x1da: {  	v7 =	vadd.f32 @!p2 v17, v31;
	v8 =	vpsel p2, v15, v8;
	[tilespmem:s19+$0x50] =	vst v10  }
0x1db: {  	v10 =	vpsel p2, v16, v14;
	[tilespmem:s24+$0x50] =	vst v8  }
0x1dc: {  	v11 =	vmul.f32 @!p2 v46, v46;
	v8 =	vmax.f32 @!p2 v13, v45;
	v7 =	vpsel p2, v31, v7;
	[tilespmem:s10+$0x60] =	vst v10  }
0x1dd: {  	v14 =	vadd.f32 @!p2 v46, v5;
	v10 =	vmin.f32 @!p2 v34, v45;
	v8 =	vpsel p2, v13, v8;
	[tilespmem:s16+$0x60] =	vst v7  }
0x1de: {  	v7 =	vadd.f32 @!p2 v11, v9;
	v10 =	vpsel p2, v34, v10;
	[tilespmem:s19+$0x60] =	vst v8  }
0x1df: {  	v5 =	vpsel p2, v5, v14;
	[tilespmem:s24+$0x60] =	vst v10  }
0x1e0: {  	v8 =	vmax.f32 @!p2 v6, v46;
	v7 =	vpsel p2, v9, v7;
	[tilespmem:s10+$0x70] =	vst v5  }
0x1e1: {  	v6 =	vpsel p2, v6, v8;
	v5 =	vmin.f32 @!p2 v12, v46;
	[tilespmem:s16+$0x70] =	vst v7  }
0x1e2: {  	v5 =	vpsel p2, v12, v5;
	[tilespmem:s19+$0x70] =	vst v6  }
0x1e3: {  	[tilespmem:s24+$0x70] =	vst v5  }
0x1e4: {  	v25 =	vld [tilespmem:s10+$0x400]  }
0x1e5: {  	v32 =	vld [tilespmem:s10+$0x410]  }
0x1e6: {  	v17 =	vld [tilespmem:s10+$0x420]  }
0x1e7: {  	v20 =	vld [tilespmem:s10+$0x430]  }
0x1e8: {  	v43 =	vld [tilespmem:s10+$0x440]  }
0x1e9: {  	v9 =	vld [tilespmem:s10+$0x450]  }
0x1ea: {  	v16 =	vld [tilespmem:s10+$0x460]  }
0x1eb: {  	s19 =	sadd.s32 s15, s14;
	v5 =	vld [tilespmem:s10+$0x470]  }
0x1ec: {  	s14 =	sadd.s32 $0x13080, s19;
	v29 =	vld [tilespmem:s19+$0x13080]  }
0x1ed: {  	v22 =	vld [tilespmem:s14+$0x10]  }
0x1ee: {  	v44 =	vld [tilespmem:s14+$0x20]  }
0x1ef: {  	v15 =	vld [tilespmem:s14+$0x30]  }
0x1f0: {  	v19 =	vld [tilespmem:s14+$0x40]  }
0x1f1: {  	v10 =	vld [tilespmem:s14+$0x50]  }
0x1f2: {  	v33 =	vld [tilespmem:s14+$0x60]  }
0x1f3: {  	v11 =	vld [tilespmem:s14+$0x70]  }
0x1f4: {  	s15 =	sadd.s32 $0x17080, s19;
	v26 =	vld [tilespmem:s19+$0x17080]  }
0x1f5: {  	v30 =	vld [tilespmem:s15+$0x10]  }
0x1f6: {  	v28 =	vld [tilespmem:s15+$0x20]  }
0x1f7: {  	v24 =	vld [tilespmem:s15+$0x30]  }
0x1f8: {  	v13 =	vld [tilespmem:s15+$0x40]  }
0x1f9: {  	v8 =	vld [tilespmem:s15+$0x50]  }
0x1fa: {  	v14 =	vld [tilespmem:s15+$0x60]  }
0x1fb: {  	v6 =	vld [tilespmem:s15+$0x70]  }
0x1fc: {  	s16 =	sadd.s32 $0x1B080, s19;
	v27 =	vld [tilespmem:s19+$0x1B080]  }
0x1fd: {  	v23 =	vld [tilespmem:s16+$0x10]  }
0x1fe: {  	v21 =	vld [tilespmem:s16+$0x20]  }
.Ltmp10:
0x1ff: {  	v31 =	vld [tilespmem:s16+$0x30];
	(pc) =	sbr.rel @p3 .LBB2_16-.Ltmp10, $4  }
0x200: {  	v18 =	vld [tilespmem:s16+$0x40]  }
0x201: {  	v12 =	vld [tilespmem:s16+$0x50]  }
0x202: {  	v34 =	vld [tilespmem:s16+$0x60]  }
0x203: {  	v7 =	vld [tilespmem:s16+$0x70]  }
0x204: {  	s1 =	sand.u32 $0xFFFFF800, s9;
	s3 =	sand.u32 $0x380, s6  }
0x205: {  	s1 =	sor.u32 s3, s1  }
0x206: {  	v39 =	vld [tilespmem:s1+$0x470]  }
0x207: {  	v40 =	vld [tilespmem:s1+$0x460]  }
0x208: {  	v38 =	vld [tilespmem:s1+$0x410]  }
0x209: {  	s12 =	sadd.s32 $0x100, s9;
	s26 =	sadd.s32 $0x80, s6;
	v49 =	vld [tilespmem:s1+$0x430]  }
0x20a: {  	s12 =	sand.u32 $0xFFFFF800, s12;
	s3 =	sand.u32 $0x380, s26;
	v54 =	vld [tilespmem:s1+$0x450]  }
0x20b: {  	s3 =	sor.u32 s3, s12;
	v51 =	vld [tilespmem:s1+$0x440]  }
0x20c: {  	v42 =	vld [tilespmem:s3+$0x470];
	v41 =	vmul.f32 v40, v40  }
0x20d: {  	v36 =	vld [tilespmem:s3+$0x420];
	v16 =	vadd.f32 v40, v16;
	v46 =	vmul.f32 v39, v39;
	v34 =	vmin.f32 v34, v40  }
0x20e: {  	v35 =	vld [tilespmem:s3+$0x440];
	v14 =	vmax.f32 v14, v40;
	v5 =	vadd.f32 v39, v5;
	v6 =	vmax.f32 v6, v39  }
0x20f: {  	v52 =	vld [tilespmem:s3+$0x460];
	v7 =	vmin.f32 v7, v39;
	v32 =	vadd.f32 v38, v32;
	v55 =	vmul.f32 v38, v38  }
0x210: {  	v53 =	vld [tilespmem:s3+$0x450];
	v48 =	vmul.f32 v49, v49;
	v31 =	vmin.f32 v31, v49;
	v20 =	vadd.f32 v49, v20  }
0x211: {  	v57 =	vld [tilespmem:s3+$0x430];
	v8 =	vmax.f32 v8, v54;
	v24 =	vmax.f32 v24, v49;
	v9 =	vadd.f32 v54, v9  }
0x212: {  	v12 =	vmin.f32 v12, v54;
	v43 =	vadd.f32 v51, v43;
	v45 =	vmul.f32 v36, v36  }
0x213: {  	v37 =	vld [tilespmem:s3+$0x400];
	v50 =	vmul.f32 v42, v42;
	v40 =	vmul.f32 v35, v35;
	v6 =	vmax.f32 v6, v42  }
0x214: {  	v39 =	vld [tilespmem:s3+$0x410];
	v56 =	vmul.f32 v52, v52;
	v14 =	vmax.f32 v14, v52;
	v7 =	vmin.f32 v7, v42  }
0x215: {  	v47 =	vmul.f32 v53, v53;
	v8 =	vmax.f32 v8, v53;
	v5 =	vadd.f32 v42, v5;
	v42 =	vld [tilespmem:s1+$0x420]  }
0x216: {  	v12 =	vmin.f32 v12, v53;
	v49 =	vmul.f32 v57, v57;
	v34 =	vmin.f32 v34, v52  }
0x217: {  	p3 =	sne.s32 s5, $0x1;
	v24 =	vmax.f32 v24, v57;
	v33 =	vadd.f32 v41, v33;
	v11 =	vadd.f32 v46, v11;
	v46 =	vld [tilespmem:s1+$0x400]  }
.Ltmp11:
0x218: {  	v31 =	vmin.f32 v31, v57;
	v16 =	vadd.f32 v52, v16;
	v22 =	vadd.f32 v55, v22;
	(pc) =	sbr.rel @!p3 .LBB2_15-.Ltmp11, $4  }
0x219: {  	v41 =	vmul.f32 v37, v37;
	v9 =	vadd.f32 v53, v9;
	v20 =	vadd.f32 v57, v20  }
0x21a: {  	v11 =	vadd.f32 v50, v11;
	v62 =	vmul.f32 v39, v39;
	v63 =	vmul.f32 v42, v42  }
0x21b: {  	v52 =	vmul.f32 v54, v54;
	v33 =	vadd.f32 v56, v33;
	v32 =	vadd.f32 v39, v32  }
0x21c: {  	s5 =	sadd.s32 $0xFFFFFFFF, s5;
	s6 =	sadd.s32 $0x100, s6;
	s9 =	sadd.s32 $0x200, s9;
	v50 =	vmul.f32 v46, v46;
	v22 =	vadd.f32 v62, v22;
	v44 =	vadd.f32 v63, v44  }
.LBB2_14:
0x21d: {  	s1 =	sand.u32 $0xFFFFF800, s9;
	s3 =	sand.u32 $0x380, s6;
	s12 =	sadd.s32 $0x100, s9;
	v25 =	vadd.f32 v46, v25;
	v53 =	vmul.f32 v51, v51;
	v13 =	vmax.f32 v13, v51  }
0x21e: {  	p3 =	sne.s32 s5, $0x1;
	v18 =	vmin.f32 v18, v51;
	v44 =	vadd.f32 v45, v44;
	s3 =	sor.u32 s3, s1;
	s1 =	sadd.s32 $0x80, s6;
	v13 =	vmax.f32 v13, v35  }
0x21f: {  	s5 =	sadd.s32 $0xFFFFFFFF, s5;
	v26 =	vmax.f32 v26, v46;
	v30 =	vmax.f32 v30, v38;
	s12 =	sand.u32 $0xFFFFF800, s12;
	v51 =	vld [tilespmem:s3+$0x470];
	s1 =	sand.u32 $0x380, s1;
	v25 =	vadd.f32 v37, v25  }
0x220: {  	v29 =	vadd.f32 v50, v29;
	v28 =	vmax.f32 v28, v42;
	v26 =	vmax.f32 v26, v37;
	v54 =	vld [tilespmem:s3+$0x460];
	s12 =	sor.u32 s1, s12  }
0x221: {  	v15 =	vadd.f32 v48, v15;
	v10 =	vadd.f32 v52, v10;
	v18 =	vmin.f32 v18, v35;
	v50 =	vld [tilespmem:s12+$0x410]  }
0x222: {  	v27 =	vmin.f32 v27, v46;
	v17 =	vadd.f32 v42, v17;
	v19 =	vadd.f32 v53, v19;
	v48 =	vld [tilespmem:s12+$0x470]  }
0x223: {  	v27 =	vmin.f32 v27, v37;
	v15 =	vadd.f32 v49, v15;
	v10 =	vadd.f32 v47, v10;
	v46 =	vld [tilespmem:s12+$0x420]  }
0x224: {  	v30 =	vmax.f32 v30, v39;
	v29 =	vadd.f32 v41, v29;
	v17 =	vadd.f32 v36, v17;
	v37 =	vld [tilespmem:s12+$0x400]  }
0x225: {  	v23 =	vmin.f32 v23, v38;
	v28 =	vmax.f32 v28, v36;
	v16 =	vadd.f32 v54, v16;
	v52 =	vld [tilespmem:s12+$0x450]  }
0x226: {  	v21 =	vmin.f32 v21, v42;
	v43 =	vadd.f32 v35, v43;
	v23 =	vmin.f32 v23, v39;
	v35 =	vld [tilespmem:s12+$0x440];
	v39 =	vmovc v50  }
0x227: {  	v21 =	vmin.f32 v21, v36;
	v47 =	vmul.f32 v51, v51;
	v41 =	vmul.f32 v54, v54;
	v38 =	vld [tilespmem:s3+$0x410]  }
0x228: {  	v19 =	vadd.f32 v40, v19;
	v34 =	vmin.f32 v34, v54;
	v45 =	vmul.f32 v46, v46;
	v53 =	vld [tilespmem:s12+$0x460];
	v36 =	vmovc v46  }
0x229: {  	v14 =	vmax.f32 v14, v54;
	v33 =	vadd.f32 v41, v33;
	v55 =	vld [tilespmem:s3+$0x450];
	v41 =	vmul.f32 v37, v37  }
0x22a: {  	v5 =	vadd.f32 v51, v5;
	v6 =	vmax.f32 v6, v51;
	v54 =	vmul.f32 v48, v48;
	v49 =	vld [tilespmem:s3+$0x430]  }
0x22b: {  	v7 =	vmin.f32 v7, v51;
	v11 =	vadd.f32 v47, v11;
	v42 =	vld [tilespmem:s3+$0x420]  }
0x22c: {  	v40 =	vmul.f32 v35, v35;
	v32 =	vadd.f32 v38, v32;
	v56 =	vmul.f32 v38, v38  }
0x22d: {  	v5 =	vadd.f32 v48, v5;
	v6 =	vmax.f32 v6, v48;
	v16 =	vadd.f32 v53, v16  }
0x22e: {  	v7 =	vmin.f32 v7, v48;
	v57 =	vmul.f32 v53, v53;
	v14 =	vmax.f32 v14, v53;
	v46 =	vld [tilespmem:s3+$0x400]  }
0x22f: {  	v47 =	vmul.f32 v52, v52;
	v48 =	vmul.f32 v49, v49;
	v31 =	vmin.f32 v31, v49;
	v58 =	vld [tilespmem:s12+$0x430]  }
0x230: {  	v11 =	vadd.f32 v54, v11;
	v8 =	vmax.f32 v8, v55;
	v20 =	vadd.f32 v49, v20  }
0x231: {  	v9 =	vadd.f32 v55, v9;
	v24 =	vmax.f32 v24, v49;
	v8 =	vmax.f32 v8, v52;
	v51 =	vld [tilespmem:s3+$0x440]  }
0x232: {  	v22 =	vadd.f32 v56, v22;
	v12 =	vmin.f32 v12, v55;
	v49 =	vmul.f32 v50, v39  }
.Ltmp12:
0x233: {  	v32 =	vadd.f32 v39, v32;
	v12 =	vmin.f32 v12, v52;
	v50 =	vmul.f32 v46, v46;
	(pc) =	sbr.rel @p3 .LBB2_14-.Ltmp12, $4  }
0x234: {  	v9 =	vadd.f32 v52, v9;
	v22 =	vadd.f32 v49, v22;
	v49 =	vmul.f32 v58, v58  }
0x235: {  	v34 =	vmin.f32 v34, v53;
	v54 =	vmul.f32 v42, v42;
	v20 =	vadd.f32 v58, v20  }
0x236: {  	v52 =	vmul.f32 v55, v55;
	v24 =	vmax.f32 v24, v58;
	v43 =	vadd.f32 v51, v43  }
0x237: {  	s9 =	sadd.s32 $0x200, s9;
	s6 =	sadd.s32 $0x100, s6;
	v33 =	vadd.f32 v57, v33;
	v44 =	vadd.f32 v54, v44;
	v31 =	vmin.f32 v31, v58  }
.Ltmp13:
0x238: {  	_ = 	snop;
	(pc) =	sbr.rel .LBB2_15-.Ltmp13, $1  }
0x239: {  	_ =	sdelay $0x3  }
.LBB2_17:
0x23a: {  	p1 =	seq.s32 s28, $0xD  }
0x23b: {  	s0 =	sadd.s32 @!p1 s31, s11  }
0x23c: {  	p2 =	slt.s32 @!p1 s0, s7  }
0x23d: {  	p2 =	por !p2, p1  }
0x23e: {  	s0 =	smov.u32 @p2 s7  }
0x23f: {  	s1 =	rddreg [dreg:$0x0];
	s0 =	sshll.u32 @!p1 s0, $0x5  }
0x240: {  	s0 =	sadd.s32 @!p1 s1, s0;
	s1 =	simm.s32 @!p1 $0x0  }
0x241: {  	[tilespmem:s1], [sflag:$0x1] =	stream.linear.gather @!p1 [hbm4b:s0+s1], $0x7000, $0x38;
	[tilespmem:$0x1F080] =	vst v63  }
0x242: {  	s1 =	sadd.s32 s31, s8  }
0x243: {  	s0 =	smov.u32 s7;
	p2 =	slt.s32 s1, s7  }
0x244: {  	s0 =	smov.u32 @p2 s1  }
0x245: {  	s23 =	ssub.s32 s1, s0  }
0x246: {  	p2 =	sgt.s32 s23, $0x6F  }
.Ltmp14:
0x247: {  	_ = 	snop;
	(pc) =	sbr.rel @p2 .LBB2_30-.Ltmp14, $4  }
0x248: {  	_ = 	snop  }
0x249: {  	_ =	swait.ge [sflag:s22], $0x7000  }
0x24a: {  	[sflag:s22] =	ssyncset.done $0x0  }
0x24b: {  	[sflag:s22] =	ssyncadd.s32 $0xFFFF9000  }
0x24c: {  	p2 =	slt.s32 s29, s18;
	s1 =	smov.u32 s18  }
.Ltmp15:
0x24d: {  	s1 =	smov.u32 @p2 s29;
	(pc) =	sbr.rel .LBB2_19-.Ltmp15, $4  }
0x24e: {  	s1 =	sadd.s32 s1, s17  }
0x24f: {  	s0 =	ssub.s32 s0, s4;
	s1 =	sshll.u32 s1, $0x2  }
0x250: {  	s2 =	sadd.s32 $0xE000, s0;
	s26 =	sshra.s32 s1, $0x2  }
0x251: {  	v4 =	vmov s2;
	s0 =	sadd.s32 $0xE000, s26  }
.LBB2_28:
0x252: {  	v25 =	vadd.f32 v46, v25  }
0x253: {  	v53 =	vmul.f32 v51, v51;
	v13 =	vmax.f32 v13, v51;
	v18 =	vmin.f32 v18, v51  }
0x254: {  	v44 =	vadd.f32 v45, v44;
	v26 =	vmax.f32 v26, v46;
	v30 =	vmax.f32 v30, v38  }
0x255: {  	v29 =	vadd.f32 v50, v29;
	v28 =	vmax.f32 v28, v42;
	v15 =	vadd.f32 v48, v15  }
0x256: {  	v10 =	vadd.f32 v52, v10;
	v17 =	vadd.f32 v42, v17;
	v27 =	vmin.f32 v27, v46  }
0x257: {  	v23 =	vmin.f32 v23, v38;
	v21 =	vmin.f32 v21, v42;
	v43 =	vadd.f32 v35, v43  }
0x258: {  	v13 =	vmax.f32 v13, v35;
	v26 =	vmax.f32 v26, v37;
	v18 =	vmin.f32 v18, v35  }
0x259: {  	v27 =	vmin.f32 v27, v37;
	v30 =	vmax.f32 v30, v39;
	v25 =	vadd.f32 v37, v25  }
0x25a: {  	v28 =	vmax.f32 v28, v36;
	v19 =	vadd.f32 v53, v19;
	v15 =	vadd.f32 v49, v15  }
0x25b: {  	v23 =	vmin.f32 v23, v39;
	v10 =	vadd.f32 v47, v10;
	v29 =	vadd.f32 v41, v29  }
0x25c: {  	v21 =	vmin.f32 v21, v36;
	v17 =	vadd.f32 v36, v17;
	v19 =	vadd.f32 v40, v19  }
.LBB2_29:
0x25d: {  	v35 =	vld @!p3 [tilespmem:s13+$0x7400];
	_ =	sdelay $0x1  }
0x25e: {  	v36 =	vld @!p3 [tilespmem:s13+$0x7410]  }
0x25f: {  	v37 =	vld @!p3 [tilespmem:s13+$0x7420]  }
0x260: {  	v38 =	vld @!p3 [tilespmem:s13+$0x7430]  }
0x261: {  	v40 =	vld @!p3 [tilespmem:s13+$0x7440];
	v39 =	vmul.f32 @!p3 v35, v35;
	v41 =	vadd.f32 @!p3 v35, v25  }
0x262: {  	v42 =	vld @!p3 [tilespmem:s13+$0x7450]  }
0x263: {  	v45 =	vld @!p3 [tilespmem:s13+$0x7460];
	v39 =	vadd.f32 @!p3 v39, v29;
	v25 =	vpsel p3, v25, v41;
	v41 =	vmax.f32 @!p3 v26, v35  }
0x264: {  	v46 =	vld @!p3 [tilespmem:s13+$0x7470];
	v47 =	vmul.f32 @!p3 v36, v36;
	[tilespmem:s10+$0x400] =	vst v25;
	v26 =	vpsel p3, v26, v41  }
0x265: {  	v25 =	vmin.f32 @!p3 v27, v35;
	v35 =	vadd.f32 @!p3 v36, v32;
	v29 =	vpsel p3, v29, v39;
	[tilespmem:s19+$0x17080] =	vst v26  }
0x266: {  	v25 =	vpsel p3, v27, v25;
	[tilespmem:s19+$0x13080] =	vst v29;
	v29 =	vadd.f32 @!p3 v47, v22  }
0x267: {  	v60 =	vpsel p3, v32, v35;
	[tilespmem:s19+$0x1B080] =	vst v25  }
0x268: {  	v27 =	vmul.f32 @!p3 v37, v37;
	v25 =	vmax.f32 @!p3 v30, v36;
	[tilespmem:s10+$0x410] =	vst v60;
	v22 =	vpsel p3, v22, v29  }
0x269: {  	v26 =	vmin.f32 @!p3 v23, v36;
	v25 =	vpsel p3, v30, v25;
	v29 =	vadd.f32 @!p3 v37, v17;
	[tilespmem:s14+$0x10] =	vst v22  }
0x26a: {  	v23 =	vpsel p3, v23, v26;
	v22 =	vadd.f32 @!p3 v27, v44;
	[tilespmem:s15+$0x10] =	vst v25  }
0x26b: {  	v17 =	vpsel p3, v17, v29;
	[tilespmem:s16+$0x10] =	vst v23  }
0x26c: {  	v25 =	vmul.f32 @!p3 v38, v38;
	v23 =	vmax.f32 @!p3 v28, v37;
	v22 =	vpsel p3, v44, v22;
	[tilespmem:s10+$0x420] =	vst v17  }
0x26d: {  	v26 =	vadd.f32 @!p3 v38, v20;
	v17 =	vmin.f32 @!p3 v21, v37;
	v23 =	vpsel p3, v28, v23;
	[tilespmem:s14+$0x20] =	vst v22  }
0x26e: {  	v22 =	vadd.f32 @!p3 v25, v15;
	v17 =	vpsel p3, v21, v17;
	[tilespmem:s15+$0x20] =	vst v23  }
0x26f: {  	v20 =	vpsel p3, v20, v26;
	[tilespmem:s16+$0x20] =	vst v17  }
0x270: {  	v21 =	vmul.f32 @!p3 v40, v40;
	v17 =	vmax.f32 @!p3 v24, v38;
	v15 =	vpsel p3, v15, v22;
	[tilespmem:s10+$0x430] =	vst v20  }
0x271: {  	v22 =	vadd.f32 @!p3 v40, v43;
	v20 =	vmin.f32 @!p3 v31, v38;
	v17 =	vpsel p3, v24, v17;
	[tilespmem:s14+$0x30] =	vst v15  }
0x272: {  	v15 =	vadd.f32 @!p3 v21, v19;
	v20 =	vpsel p3, v31, v20;
	[tilespmem:s15+$0x30] =	vst v17  }
0x273: {  	v61 =	vpsel p3, v43, v22;
	[tilespmem:s16+$0x30] =	vst v20  }
0x274: {  	v21 =	vmul.f32 @!p3 v42, v42;
	v20 =	vmax.f32 @!p3 v13, v40;
	v15 =	vpsel p3, v19, v15;
	[tilespmem:s10+$0x440] =	vst v61  }
0x275: {  	v17 =	vmin.f32 @!p3 v18, v40;
	v19 =	vadd.f32 @!p3 v42, v9;
	v13 =	vpsel p3, v13, v20;
	[tilespmem:s14+$0x40] =	vst v15  }
0x276: {  	v17 =	vpsel p3, v18, v17;
	v15 =	vadd.f32 @!p3 v21, v10;
	[tilespmem:s15+$0x40] =	vst v13  }
0x277: {  	v9 =	vpsel p3, v9, v19;
	[tilespmem:s16+$0x40] =	vst v17  }
0x278: {  	v13 =	vmax.f32 @!p3 v8, v42;
	v17 =	vmul.f32 @!p3 v45, v45;
	v10 =	vpsel p3, v10, v15;
	[tilespmem:s10+$0x450] =	vst v9  }
0x279: {  	v15 =	vadd.f32 @!p3 v45, v16;
	v8 =	vpsel p3, v8, v13;
	v9 =	vmin.f32 @!p3 v12, v42;
	[tilespmem:s14+$0x50] =	vst v10  }
0x27a: {  	v10 =	vadd.f32 @!p3 v17, v33;
	v9 =	vpsel p3, v12, v9;
	[tilespmem:s15+$0x50] =	vst v8  }
0x27b: {  	v62 =	vpsel p3, v16, v15;
	[tilespmem:s16+$0x50] =	vst v9  }
0x27c: {  	v12 =	vmul.f32 @!p3 v46, v46;
	v9 =	vmax.f32 @!p3 v14, v45;
	v10 =	vpsel p3, v33, v10;
	[tilespmem:s10+$0x460] =	vst v62  }
0x27d: {  	v13 =	vadd.f32 @!p3 v46, v5;
	v8 =	vmin.f32 @!p3 v34, v45;
	v9 =	vpsel p3, v14, v9;
	[tilespmem:s14+$0x60] =	vst v10  }
0x27e: {  	v8 =	vpsel p3, v34, v8;
	v10 =	vadd.f32 @!p3 v12, v11;
	[tilespmem:s15+$0x60] =	vst v9  }
0x27f: {  	v5 =	vpsel p3, v5, v13;
	[tilespmem:s16+$0x60] =	vst v8  }
0x280: {  	v8 =	vmax.f32 @!p3 v6, v46;
	v63 =	vpsel p3, v11, v10;
	[tilespmem:s10+$0x470] =	vst v5  }
0x281: {  	v5 =	vmin.f32 @!p3 v7, v46;
	v6 =	vpsel p3, v6, v8;
	[tilespmem:s14+$0x70] =	vst v63  }
0x282: {  	v5 =	vpsel p3, v7, v5;
	[tilespmem:s15+$0x70] =	vst v6  }
0x283: {  	[tilespmem:s16+$0x70] =	vst v5  }
0x284: {  	v5 =	vld [tilespmem:s2+$0x1EC80];
	_ =	sdelay $0x1  }
.Ltmp16:
0x285: {  	_ = 	snop;
	(pc) =	sbr.rel @!p2 .LBB2_30-.Ltmp16, $4  }
0x286: {  	v6 =	vmov s25  }
0x287: {  	v6 =	vnsel vm0, $0x0, v6  }
0x288: {  	v5 =	vadd.s32 v6, v5  }
0x289: {  	[tilespmem:s2+$0x1EC80] =	vst v5  }
.LBB2_19:
0x28a: {  	_ =	sdelay $0x3  }
0x28b: {  	v5 =	vld.idx.msk [tilespmem:v4+s23+$0x0 ss:$0x1], $0xffff;
	_ =	sdelay $0x2  }
0x28c: {  	s1 =	sshll.u32 s23, $0x2  }
0x28d: {  	s1 =	sshra.s32 s1, $0x2  }
0x28e: {  	s3 =	smov.u32 s23;
	s5 =	sadd.s32 $0xFFFFFFF0, s23;
	s2 =	sadd.s32 s1, s0;
	v6 =	vbroadcast v5, $0x0  }
.LBB2_20:
0x28f: {  	v7 =	vld [tilespmem:s2+$0x0];
	_ =	sdelay $0x4  }
0x290: {  	vm1 =	vne.s32 v7, v6  }
0x291: {  	v7 =	vmctz.xlane vm1;
	_ =	sdelay $0x1  }
0x292: {  	(v2sf) =	vpush v7, $0x0;
	_ =	sdelay $0xd  }
0x293: {  	s5 =	sadd.s32 $0x10, s5  }
0x294: {  	p2 =	sgt.s32 s5, $0x5F;
	s6 =	spop (v2sf)  }
0x295: {  	p3 =	sgt.s32 @!p2 s6, $0xF  }
0x296: {  	p2 =	por p2, !p3  }
.Ltmp17:
0x297: {  	_ = 	snop;
	(pc) =	sbr.rel @!p2 .LBB2_20-.Ltmp17, $2  }
0x298: {  	_ =	sdelay $0x2  }
0x299: {  	s2 =	sadd.s32 $0x10, s2  }
0x29a: {  	(v2sf) =	vpush v5, $0x0;
	_ =	sdelay $0xe  }
0x29b: {  	s2 =	spop (v2sf)  }
0x29c: {  	s1 =	sshll.u32 s2, $0x8;
	s9 =	sshll.u32 s2, $0x7  }
0x29d: {  	s14 =	sand.u32 $0xFFFFF800, s1;
	s15 =	sand.u32 $0x380, s9  }
0x29e: {  	s26 =	sor.u32 s15, s14  }
0x29f: {  	v24 =	vld [tilespmem:s26+$0xEC80]  }
0x2a0: {  	v32 =	vld [tilespmem:s26+$0xEC90]  }
0x2a1: {  	v17 =	vld [tilespmem:s26+$0xECA0]  }
0x2a2: {  	v19 =	vld [tilespmem:s26+$0xECB0]  }
0x2a3: {  	v40 =	vld [tilespmem:s26+$0xECC0]  }
0x2a4: {  	v8 =	vld [tilespmem:s26+$0xECD0]  }
0x2a5: {  	v16 =	vld [tilespmem:s26+$0xECE0]  }
0x2a6: {  	v5 =	vld [tilespmem:s26+$0xECF0]  }
0x2a7: {  	v29 =	vld [tilespmem:s26+$0x12C80]  }
0x2a8: {  	v25 =	vld [tilespmem:s26+$0x16C80]  }
0x2a9: {  	s16 =	sadd.s32 $0x12C80, s26;
	v28 =	vld [tilespmem:s26+$0x1AC80]  }
0x2aa: {  	v20 =	vld [tilespmem:s16+$0x10]  }
0x2ab: {  	p2 =	slt.s32 s6, $0x10;
	v41 =	vld [tilespmem:s16+$0x20]  }
0x2ac: {  	s6 =	simm.s32 @!p2 $0x10;
	v14 =	vld [tilespmem:s16+$0x30]  }
0x2ad: {  	s23 =	sadd.s32 s5, s6;
	v18 =	vld [tilespmem:s16+$0x40]  }
0x2ae: {  	p2 =	slt.s32 s23, $0x70;
	v7 =	vld [tilespmem:s16+$0x50]  }
0x2af: {  	s23 =	simm.s32 @!p2 $0x70;
	v31 =	vld [tilespmem:s16+$0x60]  }
0x2b0: {  	s25 =	ssub.s32 s23, s3;
	s19 =	sadd.s32 $0x16C80, s26;
	v9 =	vld [tilespmem:s16+$0x70]  }
0x2b1: {  	s5 =	simm.s32 $0x1;
	p3 =	sne.s32 s23, s3;
	s12 =	sshrl.u32 s25, $0x1F;
	v30 =	vld [tilespmem:s19+$0x10]  }
0x2b2: {  	s13 =	sshra.s32 s25, $0x1F;
	s5 =	simm.s32 @!p3 $0x0;
	s1 =	sadd.s32 s12, s25;
	v27 =	vld [tilespmem:s19+$0x20]  }
0x2b3: {  	s5 =	sor.u32 s5, s13;
	s20 =	sand.u32 $0xFFFFFFFE, s1;
	v23 =	vld [tilespmem:s19+$0x30]  }
0x2b4: {  	p6 =	sne.s32 s5, $0x1;
	p4 =	sne.s32 s25, s20;
	v11 =	vld [tilespmem:s19+$0x40]  }
0x2b5: {  	v10 =	vld [tilespmem:s19+$0x50];
	p3 =	por !p4, !p6  }
0x2b6: {  	s5 =	simm.s32 $0x1;
	v13 =	vld [tilespmem:s19+$0x60];
	p3 =	por !p3, !p3  }
0x2b7: {  	s1 =	sshra.s32 s1, $0x1;
	s24 =	sadd.s32 $0x1AC80, s26;
	v6 =	vld [tilespmem:s19+$0x70];
	s5 =	simm.s32 @!p3 $0x0  }
0x2b8: {  	v26 =	vld [tilespmem:s24+$0x10];
	s5 =	ssub.s32 s1, s5  }
0x2b9: {  	v22 =	vld [tilespmem:s24+$0x20];
	p4 =	slt.s32 s5, $0x1  }
.Ltmp18:
0x2ba: {  	v33 =	vld [tilespmem:s24+$0x30];
	(pc) =	sbr.rel @p4 .LBB2_25-.Ltmp18, $4  }
0x2bb: {  	v21 =	vld [tilespmem:s24+$0x40]  }
0x2bc: {  	v15 =	vld [tilespmem:s24+$0x50]  }
0x2bd: {  	v34 =	vld [tilespmem:s24+$0x60]  }
0x2be: {  	s6 =	sshll.u32 s3, $0x7;
	s9 =	sshll.u32 s3, $0x8;
	v12 =	vld [tilespmem:s24+$0x70]  }
0x2bf: {  	s1 =	sand.u32 $0xFFFFF800, s9;
	s3 =	sand.u32 $0x380, s6  }
0x2c0: {  	s1 =	sor.u32 s3, s1  }
0x2c1: {  	v39 =	vld [tilespmem:s1+$0x7070]  }
0x2c2: {  	v42 =	vld [tilespmem:s1+$0x7060]  }
0x2c3: {  	v38 =	vld [tilespmem:s1+$0x7010]  }
0x2c4: {  	s10 =	sadd.s32 $0x100, s9;
	s20 =	sadd.s32 $0x80, s6;
	v49 =	vld [tilespmem:s1+$0x7030]  }
0x2c5: {  	s10 =	sand.u32 $0xFFFFF800, s10;
	s3 =	sand.u32 $0x380, s20;
	v54 =	vld [tilespmem:s1+$0x7050]  }
0x2c6: {  	s3 =	sor.u32 s3, s10;
	v51 =	vld [tilespmem:s1+$0x7040]  }
0x2c7: {  	v44 =	vld [tilespmem:s3+$0x7070];
	v43 =	vmul.f32 v42, v42  }
0x2c8: {  	v36 =	vld [tilespmem:s3+$0x7020];
	v16 =	vadd.f32 v42, v16;
	v46 =	vmul.f32 v39, v39;
	v34 =	vmin.f32 v34, v42  }
0x2c9: {  	v35 =	vld [tilespmem:s3+$0x7040];
	v13 =	vmax.f32 v13, v42;
	v5 =	vadd.f32 v39, v5;
	v6 =	vmax.f32 v6, v39  }
0x2ca: {  	v52 =	vld [tilespmem:s3+$0x7060];
	v12 =	vmin.f32 v12, v39;
	v32 =	vadd.f32 v38, v32;
	v55 =	vmul.f32 v38, v38  }
0x2cb: {  	v53 =	vld [tilespmem:s3+$0x7050];
	v48 =	vmul.f32 v49, v49;
	v33 =	vmin.f32 v33, v49;
	v19 =	vadd.f32 v49, v19  }
0x2cc: {  	v57 =	vld [tilespmem:s3+$0x7030];
	v10 =	vmax.f32 v10, v54;
	v23 =	vmax.f32 v23, v49;
	v8 =	vadd.f32 v54, v8  }
0x2cd: {  	v15 =	vmin.f32 v15, v54;
	v40 =	vadd.f32 v51, v40;
	v45 =	vmul.f32 v36, v36  }
0x2ce: {  	v37 =	vld [tilespmem:s3+$0x7000];
	v50 =	vmul.f32 v44, v44;
	v42 =	vmul.f32 v35, v35;
	v6 =	vmax.f32 v6, v44  }
0x2cf: {  	v39 =	vld [tilespmem:s3+$0x7010];
	v56 =	vmul.f32 v52, v52;
	v13 =	vmax.f32 v13, v52;
	v12 =	vmin.f32 v12, v44  }
0x2d0: {  	v47 =	vmul.f32 v53, v53;
	v10 =	vmax.f32 v10, v53;
	v5 =	vadd.f32 v44, v5;
	v44 =	vld [tilespmem:s1+$0x7020]  }
0x2d1: {  	v15 =	vmin.f32 v15, v53;
	v49 =	vmul.f32 v57, v57;
	v34 =	vmin.f32 v34, v52  }
0x2d2: {  	p3 =	sne.s32 s5, $0x1;
	v23 =	vmax.f32 v23, v57;
	v31 =	vadd.f32 v43, v31;
	v9 =	vadd.f32 v46, v9;
	v46 =	vld [tilespmem:s1+$0x7000]  }
.Ltmp19:
0x2d3: {  	v33 =	vmin.f32 v33, v57;
	v16 =	vadd.f32 v52, v16;
	v20 =	vadd.f32 v55, v20;
	(pc) =	sbr.rel @!p3 .LBB2_24-.Ltmp19, $4  }
0x2d4: {  	v43 =	vmul.f32 v37, v37;
	v8 =	vadd.f32 v53, v8;
	v19 =	vadd.f32 v57, v19  }
0x2d5: {  	v9 =	vadd.f32 v50, v9;
	v62 =	vmul.f32 v39, v39;
	v63 =	vmul.f32 v44, v44  }
0x2d6: {  	v52 =	vmul.f32 v54, v54;
	v31 =	vadd.f32 v56, v31;
	v32 =	vadd.f32 v39, v32  }
0x2d7: {  	s13 =	sadd.s32 $0x100, s6;
	s20 =	sadd.s32 $0x200, s9;
	s10 =	sadd.s32 $0xFFFFFFFF, s5;
	v50 =	vmul.f32 v46, v46;
	v20 =	vadd.f32 v62, v20;
	v41 =	vadd.f32 v63, v41  }
.LBB2_23:
0x2d8: {  	s1 =	sand.u32 $0xFFFFF800, s20;
	s3 =	sand.u32 $0x380, s13;
	s12 =	sadd.s32 $0x100, s20;
	v24 =	vadd.f32 v46, v24;
	v53 =	vmul.f32 v51, v51;
	v11 =	vmax.f32 v11, v51  }
0x2d9: {  	p3 =	sne.s32 s10, $0x1;
	v21 =	vmin.f32 v21, v51;
	s3 =	sor.u32 s3, s1;
	s1 =	sadd.s32 $0x80, s13;
	v41 =	vadd.f32 v45, v41;
	v11 =	vmax.f32 v11, v35  }
0x2da: {  	s10 =	sadd.s32 $0xFFFFFFFF, s10;
	v25 =	vmax.f32 v25, v46;
	v30 =	vmax.f32 v30, v38;
	s12 =	sand.u32 $0xFFFFF800, s12;
	v51 =	vld [tilespmem:s3+$0x7070];
	s1 =	sand.u32 $0x380, s1;
	v24 =	vadd.f32 v37, v24  }
0x2db: {  	v29 =	vadd.f32 v50, v29;
	v27 =	vmax.f32 v27, v44;
	v25 =	vmax.f32 v25, v37;
	v54 =	vld [tilespmem:s3+$0x7060];
	s12 =	sor.u32 s1, s12  }
0x2dc: {  	v14 =	vadd.f32 v48, v14;
	v7 =	vadd.f32 v52, v7;
	v21 =	vmin.f32 v21, v35;
	v50 =	vld [tilespmem:s12+$0x7010]  }
0x2dd: {  	v28 =	vmin.f32 v28, v46;
	v17 =	vadd.f32 v44, v17;
	v18 =	vadd.f32 v53, v18;
	v48 =	vld [tilespmem:s12+$0x7070]  }
0x2de: {  	v28 =	vmin.f32 v28, v37;
	v14 =	vadd.f32 v49, v14;
	v7 =	vadd.f32 v47, v7;
	v46 =	vld [tilespmem:s12+$0x7020]  }
0x2df: {  	v30 =	vmax.f32 v30, v39;
	v29 =	vadd.f32 v43, v29;
	v17 =	vadd.f32 v36, v17;
	v37 =	vld [tilespmem:s12+$0x7000]  }
0x2e0: {  	v26 =	vmin.f32 v26, v38;
	v27 =	vmax.f32 v27, v36;
	v16 =	vadd.f32 v54, v16;
	v52 =	vld [tilespmem:s12+$0x7050]  }
0x2e1: {  	v22 =	vmin.f32 v22, v44;
	v40 =	vadd.f32 v35, v40;
	v26 =	vmin.f32 v26, v39;
	v35 =	vld [tilespmem:s12+$0x7040];
	v39 =	vmovc v50  }
0x2e2: {  	v22 =	vmin.f32 v22, v36;
	v47 =	vmul.f32 v51, v51;
	v43 =	vmul.f32 v54, v54;
	v38 =	vld [tilespmem:s3+$0x7010]  }
0x2e3: {  	v18 =	vadd.f32 v42, v18;
	v34 =	vmin.f32 v34, v54;
	v45 =	vmul.f32 v46, v46;
	v53 =	vld [tilespmem:s12+$0x7060];
	v36 =	vmovc v46  }
0x2e4: {  	v13 =	vmax.f32 v13, v54;
	v31 =	vadd.f32 v43, v31;
	v55 =	vld [tilespmem:s3+$0x7050];
	v43 =	vmul.f32 v37, v37  }
0x2e5: {  	v5 =	vadd.f32 v51, v5;
	v6 =	vmax.f32 v6, v51;
	v54 =	vmul.f32 v48, v48;
	v49 =	vld [tilespmem:s3+$0x7030]  }
0x2e6: {  	v12 =	vmin.f32 v12, v51;
	v9 =	vadd.f32 v47, v9;
	v44 =	vld [tilespmem:s3+$0x7020]  }
0x2e7: {  	v42 =	vmul.f32 v35, v35;
	v32 =	vadd.f32 v38, v32;
	v56 =	vmul.f32 v38, v38  }
0x2e8: {  	v5 =	vadd.f32 v48, v5;
	v6 =	vmax.f32 v6, v48;
	v16 =	vadd.f32 v53, v16  }
0x2e9: {  	v12 =	vmin.f32 v12, v48;
	v57 =	vmul.f32 v53, v53;
	v13 =	vmax.f32 v13, v53;
	v46 =	vld [tilespmem:s3+$0x7000]  }
0x2ea: {  	v47 =	vmul.f32 v52, v52;
	v48 =	vmul.f32 v49, v49;
	v33 =	vmin.f32 v33, v49;
	v58 =	vld [tilespmem:s12+$0x7030]  }
0x2eb: {  	v9 =	vadd.f32 v54, v9;
	v10 =	vmax.f32 v10, v55;
	v19 =	vadd.f32 v49, v19  }
0x2ec: {  	v8 =	vadd.f32 v55, v8;
	v23 =	vmax.f32 v23, v49;
	v10 =	vmax.f32 v10, v52;
	v51 =	vld [tilespmem:s3+$0x7040]  }
0x2ed: {  	v20 =	vadd.f32 v56, v20;
	v15 =	vmin.f32 v15, v55;
	v49 =	vmul.f32 v50, v39  }
.Ltmp20:
0x2ee: {  	v32 =	vadd.f32 v39, v32;
	v15 =	vmin.f32 v15, v52;
	v50 =	vmul.f32 v46, v46;
	(pc) =	sbr.rel @p3 .LBB2_23-.Ltmp20, $4  }
0x2ef: {  	v8 =	vadd.f32 v52, v8;
	v20 =	vadd.f32 v49, v20;
	v49 =	vmul.f32 v58, v58  }
0x2f0: {  	v34 =	vmin.f32 v34, v53;
	v54 =	vmul.f32 v44, v44;
	v19 =	vadd.f32 v58, v19  }
0x2f1: {  	v52 =	vmul.f32 v55, v55;
	v23 =	vmax.f32 v23, v58;
	v40 =	vadd.f32 v51, v40  }
0x2f2: {  	s20 =	sadd.s32 $0x200, s20;
	s13 =	sadd.s32 $0x100, s13;
	v31 =	vadd.f32 v57, v31;
	v41 =	vadd.f32 v54, v41;
	v33 =	vmin.f32 v33, v58  }
.LBB2_24:
0x2f3: {  	v24 =	vadd.f32 v46, v24  }
0x2f4: {  	v53 =	vmul.f32 v51, v51;
	v11 =	vmax.f32 v11, v51;
	v21 =	vmin.f32 v21, v51  }
0x2f5: {  	v25 =	vmax.f32 v25, v46;
	v30 =	vmax.f32 v30, v38;
	v14 =	vadd.f32 v48, v14  }
0x2f6: {  	v27 =	vmax.f32 v27, v44;
	v7 =	vadd.f32 v52, v7;
	v17 =	vadd.f32 v44, v17  }
0x2f7: {  	v28 =	vmin.f32 v28, v46;
	v26 =	vmin.f32 v26, v38;
	v22 =	vmin.f32 v22, v44  }
0x2f8: {  	v40 =	vadd.f32 v35, v40;
	v41 =	vadd.f32 v45, v41;
	v11 =	vmax.f32 v11, v35  }
0x2f9: {  	v29 =	vadd.f32 v50, v29;
	v25 =	vmax.f32 v25, v37;
	v21 =	vmin.f32 v21, v35  }
0x2fa: {  	v28 =	vmin.f32 v28, v37;
	v30 =	vmax.f32 v30, v39;
	v24 =	vadd.f32 v37, v24  }
0x2fb: {  	v27 =	vmax.f32 v27, v36;
	v18 =	vadd.f32 v53, v18;
	v14 =	vadd.f32 v49, v14  }
0x2fc: {  	v26 =	vmin.f32 v26, v39;
	v7 =	vadd.f32 v47, v7;
	v17 =	vadd.f32 v36, v17  }
0x2fd: {  	v22 =	vmin.f32 v22, v36;
	v29 =	vadd.f32 v43, v29;
	v18 =	vadd.f32 v42, v18  }
.LBB2_25:
0x2fe: {  	s1 =	sand.u32 $0x1, s25  }
0x2ff: {  	p3 =	seq.s32 s1, $0x0  }
0x300: {  	s1 =	sadd.s32 @!p3 $0xFFFFFFFF, s23  }
0x301: {  	s3 =	sshll.u32 @!p3 s1, $0x8;
	s1 =	sshll.u32 @!p3 s1, $0x7  }
0x302: {  	s3 =	sand.u32 @!p3 $0xFFFFF800, s3;
	s1 =	sand.u32 @!p3 $0x380, s1  }
0x303: {  	s13 =	sor.u32 @!p3 s1, s3  }
0x304: {  	v35 =	vld @!p3 [tilespmem:s13+$0x7000];
	_ =	sdelay $0x1  }
0x305: {  	v36 =	vld @!p3 [tilespmem:s13+$0x7010]  }
0x306: {  	v37 =	vld @!p3 [tilespmem:s13+$0x7020]  }
0x307: {  	v38 =	vld @!p3 [tilespmem:s13+$0x7030]  }
0x308: {  	v42 =	vld @!p3 [tilespmem:s13+$0x7040];
	v39 =	vmul.f32 @!p3 v35, v35;
	v43 =	vadd.f32 @!p3 v35, v24  }
0x309: {  	v44 =	vld @!p3 [tilespmem:s13+$0x7050]  }
0x30a: {  	v45 =	vld @!p3 [tilespmem:s13+$0x7060];
	v39 =	vadd.f32 @!p3 v39, v29;
	v24 =	vpsel p3, v24, v43;
	v43 =	vmax.f32 @!p3 v25, v35  }
0x30b: {  	v46 =	vld @!p3 [tilespmem:s13+$0x7070];
	v47 =	vmul.f32 @!p3 v36, v36;
	[tilespmem:s26+$0xEC80] =	vst v24;
	v25 =	vpsel p3, v25, v43  }
0x30c: {  	v24 =	vmin.f32 @!p3 v28, v35;
	v35 =	vadd.f32 @!p3 v36, v32;
	v29 =	vpsel p3, v29, v39;
	[tilespmem:s26+$0x16C80] =	vst v25  }
0x30d: {  	v24 =	vpsel p3, v28, v24;
	[tilespmem:s26+$0x12C80] =	vst v29;
	v29 =	vadd.f32 @!p3 v47, v20  }
0x30e: {  	s10 =	sadd.s32 $0xEC80, s26;
	v25 =	vpsel p3, v32, v35;
	[tilespmem:s26+$0x1AC80] =	vst v24  }
0x30f: {  	v28 =	vmul.f32 @!p3 v37, v37;
	v24 =	vmax.f32 @!p3 v30, v36;
	[tilespmem:s10+$0x10] =	vst v25;
	v20 =	vpsel p3, v20, v29  }
0x310: {  	v25 =	vmin.f32 @!p3 v26, v36;
	v24 =	vpsel p3, v30, v24;
	v29 =	vadd.f32 @!p3 v37, v17;
	[tilespmem:s16+$0x10] =	vst v20  }
0x311: {  	v25 =	vpsel p3, v26, v25;
	v20 =	vadd.f32 @!p3 v28, v41;
	[tilespmem:s19+$0x10] =	vst v24  }
0x312: {  	v17 =	vpsel p3, v17, v29;
	[tilespmem:s24+$0x10] =	vst v25  }
0x313: {  	v24 =	vmax.f32 @!p3 v27, v37;
	v25 =	vmul.f32 @!p3 v38, v38;
	v20 =	vpsel p3, v41, v20;
	[tilespmem:s10+$0x20] =	vst v17  }
0x314: {  	v26 =	vadd.f32 @!p3 v38, v19;
	v24 =	vpsel p3, v27, v24;
	v17 =	vmin.f32 @!p3 v22, v37;
	[tilespmem:s16+$0x20] =	vst v20  }
0x315: {  	v20 =	vadd.f32 @!p3 v25, v14;
	v17 =	vpsel p3, v22, v17;
	[tilespmem:s19+$0x20] =	vst v24  }
0x316: {  	v19 =	vpsel p3, v19, v26;
	[tilespmem:s24+$0x20] =	vst v17  }
0x317: {  	v22 =	vmul.f32 @!p3 v42, v42;
	v17 =	vmax.f32 @!p3 v23, v38;
	v14 =	vpsel p3, v14, v20;
	[tilespmem:s10+$0x30] =	vst v19  }
0x318: {  	v20 =	vadd.f32 @!p3 v42, v40;
	v19 =	vmin.f32 @!p3 v33, v38;
	v17 =	vpsel p3, v23, v17;
	[tilespmem:s16+$0x30] =	vst v14  }
0x319: {  	v14 =	vadd.f32 @!p3 v22, v18;
	v19 =	vpsel p3, v33, v19;
	[tilespmem:s19+$0x30] =	vst v17  }
0x31a: {  	v17 =	vpsel p3, v40, v20;
	[tilespmem:s24+$0x30] =	vst v19  }
0x31b: {  	v20 =	vmul.f32 @!p3 v44, v44;
	v19 =	vmax.f32 @!p3 v11, v42;
	v14 =	vpsel p3, v18, v14;
	[tilespmem:s10+$0x40] =	vst v17  }
0x31c: {  	v18 =	vadd.f32 @!p3 v44, v8;
	v17 =	vmin.f32 @!p3 v21, v42;
	v11 =	vpsel p3, v11, v19;
	[tilespmem:s16+$0x40] =	vst v14  }
0x31d: {  	v14 =	vadd.f32 @!p3 v20, v7;
	v17 =	vpsel p3, v21, v17;
	[tilespmem:s19+$0x40] =	vst v11  }
0x31e: {  	v8 =	vpsel p3, v8, v18;
	[tilespmem:s24+$0x40] =	vst v17  }
0x31f: {  	v11 =	vmax.f32 @!p3 v10, v44;
	v17 =	vmul.f32 @!p3 v45, v45;
	v7 =	vpsel p3, v7, v14;
	[tilespmem:s10+$0x50] =	vst v8  }
0x320: {  	v14 =	vadd.f32 @!p3 v45, v16;
	v10 =	vpsel p3, v10, v11;
	v8 =	vmin.f32 @!p3 v15, v44;
	[tilespmem:s16+$0x50] =	vst v7  }
0x321: {  	v7 =	vadd.f32 @!p3 v17, v31;
	v8 =	vpsel p3, v15, v8;
	[tilespmem:s19+$0x50] =	vst v10  }
0x322: {  	v10 =	vpsel p3, v16, v14;
	[tilespmem:s24+$0x50] =	vst v8  }
0x323: {  	v11 =	vmul.f32 @!p3 v46, v46;
	v8 =	vmax.f32 @!p3 v13, v45;
	v7 =	vpsel p3, v31, v7;
	[tilespmem:s10+$0x60] =	vst v10  }
0x324: {  	v14 =	vadd.f32 @!p3 v46, v5;
	v10 =	vmin.f32 @!p3 v34, v45;
	v8 =	vpsel p3, v13, v8;
	[tilespmem:s16+$0x60] =	vst v7  }
0x325: {  	v7 =	vadd.f32 @!p3 v11, v9;
	v10 =	vpsel p3, v34, v10;
	[tilespmem:s19+$0x60] =	vst v8  }
0x326: {  	v5 =	vpsel p3, v5, v14;
	[tilespmem:s24+$0x60] =	vst v10  }
0x327: {  	v8 =	vmax.f32 @!p3 v6, v46;
	v7 =	vpsel p3, v9, v7;
	[tilespmem:s10+$0x70] =	vst v5  }
0x328: {  	v6 =	vpsel p3, v6, v8;
	v5 =	vmin.f32 @!p3 v12, v46;
	[tilespmem:s16+$0x70] =	vst v7  }
0x329: {  	v5 =	vpsel p3, v12, v5;
	[tilespmem:s19+$0x70] =	vst v6  }
0x32a: {  	[tilespmem:s24+$0x70] =	vst v5  }
0x32b: {  	v25 =	vld [tilespmem:s10+$0x400]  }
0x32c: {  	v32 =	vld [tilespmem:s10+$0x410]  }
0x32d: {  	v17 =	vld [tilespmem:s10+$0x420]  }
0x32e: {  	v20 =	vld [tilespmem:s10+$0x430]  }
0x32f: {  	v43 =	vld [tilespmem:s10+$0x440]  }
0x330: {  	v9 =	vld [tilespmem:s10+$0x450]  }
0x331: {  	v16 =	vld [tilespmem:s10+$0x460]  }
0x332: {  	s19 =	sadd.s32 s15, s14;
	v5 =	vld [tilespmem:s10+$0x470]  }
0x333: {  	s14 =	sadd.s32 $0x13080, s19;
	v29 =	vld [tilespmem:s19+$0x13080]  }
0x334: {  	v22 =	vld [tilespmem:s14+$0x10]  }
0x335: {  	v44 =	vld [tilespmem:s14+$0x20]  }
0x336: {  	v15 =	vld [tilespmem:s14+$0x30]  }
0x337: {  	v19 =	vld [tilespmem:s14+$0x40]  }
0x338: {  	v10 =	vld [tilespmem:s14+$0x50]  }
0x339: {  	v33 =	vld [tilespmem:s14+$0x60]  }
0x33a: {  	v11 =	vld [tilespmem:s14+$0x70]  }
0x33b: {  	s15 =	sadd.s32 $0x17080, s19;
	v26 =	vld [tilespmem:s19+$0x17080]  }
0x33c: {  	v30 =	vld [tilespmem:s15+$0x10]  }
0x33d: {  	v28 =	vld [tilespmem:s15+$0x20]  }
0x33e: {  	v24 =	vld [tilespmem:s15+$0x30]  }
0x33f: {  	v13 =	vld [tilespmem:s15+$0x40]  }
0x340: {  	v8 =	vld [tilespmem:s15+$0x50]  }
0x341: {  	v14 =	vld [tilespmem:s15+$0x60]  }
0x342: {  	v6 =	vld [tilespmem:s15+$0x70]  }
0x343: {  	s16 =	sadd.s32 $0x1B080, s19;
	v27 =	vld [tilespmem:s19+$0x1B080]  }
0x344: {  	v23 =	vld [tilespmem:s16+$0x10]  }
0x345: {  	v21 =	vld [tilespmem:s16+$0x20]  }
.Ltmp21:
0x346: {  	v31 =	vld [tilespmem:s16+$0x30];
	(pc) =	sbr.rel @p4 .LBB2_29-.Ltmp21, $4  }
0x347: {  	v18 =	vld [tilespmem:s16+$0x40]  }
0x348: {  	v12 =	vld [tilespmem:s16+$0x50]  }
0x349: {  	v34 =	vld [tilespmem:s16+$0x60]  }
0x34a: {  	v7 =	vld [tilespmem:s16+$0x70]  }
0x34b: {  	s1 =	sand.u32 $0xFFFFF800, s9;
	s3 =	sand.u32 $0x380, s6  }
0x34c: {  	s1 =	sor.u32 s3, s1  }
0x34d: {  	v39 =	vld [tilespmem:s1+$0x7470]  }
0x34e: {  	v40 =	vld [tilespmem:s1+$0x7460]  }
0x34f: {  	v38 =	vld [tilespmem:s1+$0x7410]  }
0x350: {  	s12 =	sadd.s32 $0x100, s9;
	s26 =	sadd.s32 $0x80, s6;
	v49 =	vld [tilespmem:s1+$0x7430]  }
0x351: {  	s12 =	sand.u32 $0xFFFFF800, s12;
	s3 =	sand.u32 $0x380, s26;
	v54 =	vld [tilespmem:s1+$0x7450]  }
0x352: {  	s3 =	sor.u32 s3, s12;
	v51 =	vld [tilespmem:s1+$0x7440]  }
0x353: {  	v42 =	vld [tilespmem:s3+$0x7470];
	v41 =	vmul.f32 v40, v40  }
0x354: {  	v36 =	vld [tilespmem:s3+$0x7420];
	v16 =	vadd.f32 v40, v16;
	v46 =	vmul.f32 v39, v39;
	v34 =	vmin.f32 v34, v40  }
0x355: {  	v35 =	vld [tilespmem:s3+$0x7440];
	v14 =	vmax.f32 v14, v40;
	v5 =	vadd.f32 v39, v5;
	v6 =	vmax.f32 v6, v39  }
0x356: {  	v52 =	vld [tilespmem:s3+$0x7460];
	v7 =	vmin.f32 v7, v39;
	v32 =	vadd.f32 v38, v32;
	v55 =	vmul.f32 v38, v38  }
0x357: {  	v53 =	vld [tilespmem:s3+$0x7450];
	v48 =	vmul.f32 v49, v49;
	v31 =	vmin.f32 v31, v49;
	v20 =	vadd.f32 v49, v20  }
0x358: {  	v57 =	vld [tilespmem:s3+$0x7430];
	v8 =	vmax.f32 v8, v54;
	v24 =	vmax.f32 v24, v49;
	v9 =	vadd.f32 v54, v9  }
0x359: {  	v12 =	vmin.f32 v12, v54;
	v43 =	vadd.f32 v51, v43;
	v45 =	vmul.f32 v36, v36  }
0x35a: {  	v37 =	vld [tilespmem:s3+$0x7400];
	v50 =	vmul.f32 v42, v42;
	v40 =	vmul.f32 v35, v35;
	v6 =	vmax.f32 v6, v42  }
0x35b: {  	v39 =	vld [tilespmem:s3+$0x7410];
	v56 =	vmul.f32 v52, v52;
	v14 =	vmax.f32 v14, v52;
	v7 =	vmin.f32 v7, v42  }
0x35c: {  	v47 =	vmul.f32 v53, v53;
	v8 =	vmax.f32 v8, v53;
	v5 =	vadd.f32 v42, v5;
	v42 =	vld [tilespmem:s1+$0x7420]  }
0x35d: {  	v12 =	vmin.f32 v12, v53;
	v49 =	vmul.f32 v57, v57;
	v34 =	vmin.f32 v34, v52  }
0x35e: {  	p4 =	sne.s32 s5, $0x1;
	v24 =	vmax.f32 v24, v57;
	v33 =	vadd.f32 v41, v33;
	v11 =	vadd.f32 v46, v11;
	v46 =	vld [tilespmem:s1+$0x7400]  }
.Ltmp22:
0x35f: {  	v31 =	vmin.f32 v31, v57;
	v16 =	vadd.f32 v52, v16;
	v22 =	vadd.f32 v55, v22;
	(pc) =	sbr.rel @!p4 .LBB2_28-.Ltmp22, $4  }
0x360: {  	v41 =	vmul.f32 v37, v37;
	v9 =	vadd.f32 v53, v9;
	v20 =	vadd.f32 v57, v20  }
0x361: {  	v11 =	vadd.f32 v50, v11;
	v62 =	vmul.f32 v39, v39;
	v63 =	vmul.f32 v42, v42  }
0x362: {  	v52 =	vmul.f32 v54, v54;
	v33 =	vadd.f32 v56, v33;
	v32 =	vadd.f32 v39, v32  }
0x363: {  	s5 =	sadd.s32 $0xFFFFFFFF, s5;
	s6 =	sadd.s32 $0x100, s6;
	s9 =	sadd.s32 $0x200, s9;
	v50 =	vmul.f32 v46, v46;
	v22 =	vadd.f32 v62, v22;
	v44 =	vadd.f32 v63, v44  }
.LBB2_27:
0x364: {  	s1 =	sand.u32 $0xFFFFF800, s9;
	s3 =	sand.u32 $0x380, s6;
	s12 =	sadd.s32 $0x100, s9;
	v25 =	vadd.f32 v46, v25;
	v53 =	vmul.f32 v51, v51;
	v13 =	vmax.f32 v13, v51  }
0x365: {  	p4 =	sne.s32 s5, $0x1;
	v18 =	vmin.f32 v18, v51;
	v44 =	vadd.f32 v45, v44;
	s3 =	sor.u32 s3, s1;
	s1 =	sadd.s32 $0x80, s6;
	v13 =	vmax.f32 v13, v35  }
0x366: {  	s5 =	sadd.s32 $0xFFFFFFFF, s5;
	v26 =	vmax.f32 v26, v46;
	v30 =	vmax.f32 v30, v38;
	s12 =	sand.u32 $0xFFFFF800, s12;
	v51 =	vld [tilespmem:s3+$0x7470];
	s1 =	sand.u32 $0x380, s1;
	v25 =	vadd.f32 v37, v25  }
0x367: {  	v29 =	vadd.f32 v50, v29;
	v28 =	vmax.f32 v28, v42;
	v26 =	vmax.f32 v26, v37;
	v54 =	vld [tilespmem:s3+$0x7460];
	s12 =	sor.u32 s1, s12  }
0x368: {  	v15 =	vadd.f32 v48, v15;
	v10 =	vadd.f32 v52, v10;
	v18 =	vmin.f32 v18, v35;
	v50 =	vld [tilespmem:s12+$0x7410]  }
0x369: {  	v27 =	vmin.f32 v27, v46;
	v17 =	vadd.f32 v42, v17;
	v19 =	vadd.f32 v53, v19;
	v48 =	vld [tilespmem:s12+$0x7470]  }
0x36a: {  	v27 =	vmin.f32 v27, v37;
	v15 =	vadd.f32 v49, v15;
	v10 =	vadd.f32 v47, v10;
	v46 =	vld [tilespmem:s12+$0x7420]  }
0x36b: {  	v30 =	vmax.f32 v30, v39;
	v29 =	vadd.f32 v41, v29;
	v17 =	vadd.f32 v36, v17;
	v37 =	vld [tilespmem:s12+$0x7400]  }
0x36c: {  	v23 =	vmin.f32 v23, v38;
	v28 =	vmax.f32 v28, v36;
	v16 =	vadd.f32 v54, v16;
	v52 =	vld [tilespmem:s12+$0x7450]  }
0x36d: {  	v21 =	vmin.f32 v21, v42;
	v43 =	vadd.f32 v35, v43;
	v23 =	vmin.f32 v23, v39;
	v35 =	vld [tilespmem:s12+$0x7440];
	v39 =	vmovc v50  }
0x36e: {  	v21 =	vmin.f32 v21, v36;
	v47 =	vmul.f32 v51, v51;
	v41 =	vmul.f32 v54, v54;
	v38 =	vld [tilespmem:s3+$0x7410]  }
0x36f: {  	v19 =	vadd.f32 v40, v19;
	v34 =	vmin.f32 v34, v54;
	v45 =	vmul.f32 v46, v46;
	v53 =	vld [tilespmem:s12+$0x7460];
	v36 =	vmovc v46  }
0x370: {  	v14 =	vmax.f32 v14, v54;
	v33 =	vadd.f32 v41, v33;
	v55 =	vld [tilespmem:s3+$0x7450];
	v41 =	vmul.f32 v37, v37  }
0x371: {  	v5 =	vadd.f32 v51, v5;
	v6 =	vmax.f32 v6, v51;
	v54 =	vmul.f32 v48, v48;
	v49 =	vld [tilespmem:s3+$0x7430]  }
0x372: {  	v7 =	vmin.f32 v7, v51;
	v11 =	vadd.f32 v47, v11;
	v42 =	vld [tilespmem:s3+$0x7420]  }
0x373: {  	v40 =	vmul.f32 v35, v35;
	v32 =	vadd.f32 v38, v32;
	v56 =	vmul.f32 v38, v38  }
0x374: {  	v5 =	vadd.f32 v48, v5;
	v6 =	vmax.f32 v6, v48;
	v16 =	vadd.f32 v53, v16  }
0x375: {  	v7 =	vmin.f32 v7, v48;
	v57 =	vmul.f32 v53, v53;
	v14 =	vmax.f32 v14, v53;
	v46 =	vld [tilespmem:s3+$0x7400]  }
0x376: {  	v47 =	vmul.f32 v52, v52;
	v48 =	vmul.f32 v49, v49;
	v31 =	vmin.f32 v31, v49;
	v58 =	vld [tilespmem:s12+$0x7430]  }
0x377: {  	v11 =	vadd.f32 v54, v11;
	v8 =	vmax.f32 v8, v55;
	v20 =	vadd.f32 v49, v20  }
0x378: {  	v9 =	vadd.f32 v55, v9;
	v24 =	vmax.f32 v24, v49;
	v8 =	vmax.f32 v8, v52;
	v51 =	vld [tilespmem:s3+$0x7440]  }
0x379: {  	v22 =	vadd.f32 v56, v22;
	v12 =	vmin.f32 v12, v55;
	v49 =	vmul.f32 v50, v39  }
.Ltmp23:
0x37a: {  	v32 =	vadd.f32 v39, v32;
	v12 =	vmin.f32 v12, v52;
	v50 =	vmul.f32 v46, v46;
	(pc) =	sbr.rel @p4 .LBB2_27-.Ltmp23, $4  }
0x37b: {  	v9 =	vadd.f32 v52, v9;
	v22 =	vadd.f32 v49, v22;
	v49 =	vmul.f32 v58, v58  }
0x37c: {  	v34 =	vmin.f32 v34, v53;
	v54 =	vmul.f32 v42, v42;
	v20 =	vadd.f32 v58, v20  }
0x37d: {  	v52 =	vmul.f32 v55, v55;
	v24 =	vmax.f32 v24, v58;
	v43 =	vadd.f32 v51, v43  }
0x37e: {  	s9 =	sadd.s32 $0x200, s9;
	s6 =	sadd.s32 $0x100, s6;
	v33 =	vadd.f32 v57, v33;
	v44 =	vadd.f32 v54, v44;
	v31 =	vmin.f32 v31, v58  }
.Ltmp24:
0x37f: {  	_ = 	snop;
	(pc) =	sbr.rel .LBB2_28-.Ltmp24, $1  }
0x380: {  	_ =	sdelay $0x3  }
.LBB2_30:
.Ltmp25:
0x381: {  	(pc) =	sbr.rel @p1 .LBB2_32-.Ltmp25, $1  }
0x382: {  	_ =	sdelay $0x3  }
0x383: {  	s0 =	rddreg [dreg:$0x8]  }
0x384: {  	s0 =	sadd.s32 s31, s0  }
.Ltmp26:
0x385: {  	s1 =	smov.u32 s7;
	p1 =	slt.s32 s0, s7;
	(pc) =	sbr.rel .LBB2_4-.Ltmp26, $4  }
0x386: {  	s26 =	rddreg [dreg:$0x0];
	s2 =	simm.s32 $0x7000;
	s1 =	smov.u32 @p1 s0  }
0x387: {  	s28 =	sadd.s32 $0x1, s28;
	s30 =	sadd.s32 $0xE0, s30;
	s0 =	sshll.u32 s1, $0x5  }
0x388: {  	s29 =	sadd.s32 $0xE0, s29;
	s31 =	simm.s32 $0x0;
	s0 =	sadd.s32 s26, s0  }
0x389: {  	[tilespmem:s2], [sflag:$0x2] =	stream.linear.gather [hbm4b:s0+s31], $0x7000, $0x38;
	[tilespmem:$0x1F080] =	vst v63  }
.LBB2_33:
0x38a: {  	_ =	sfence.sel $0x180000  }
0x38b: {  	[bflag:$0x0] =	sbarrier.arrive $0xFFFF  }
0x38c: {  	_ =	strace $0x90000047  }
0x38d: {  	s0 =	stileid.u32;
	[bflag:$0x2] =	sbarrier.arrive $0xFFFF  }
0x38e: {  	p0 =	sne.s32 s0, $0x0;
	s0 =	rddreg [dreg:$0x3]  }
0x38f: {  	s0 =	sadd.s32 @!p0 $0x100000, s0  }
0x390: {  	[sflag:s0] =	ssyncadd.tile.s32 @!p0 $0x1;
	_ =	shalt  }
.Lfunc_end2:
_tile_overlayer_lowered:
.L_overlay_start_2:
0x391: {  	(tag) =	ssettag $0x2  }
0x392: {  	s0 =	rddreg [dreg:$0x0];
	s2 =	stileid.u32  }
0x393: {  	s1 =	rddreg [dreg:$0x1];
	p0 =	sne.s32 s2, $0x0  }
0x394: {  	s3 =	rddreg [dreg:$0x2];
	[bflag:$0x3] =	sbarrier.arrive $0xFFFF;
	s2 =	simm.s32 @!p0 $0x1C03  }
0x395: {  	[timem:s3], [sflag:s2] =	dma.local @!p0 [hbm:s0], s1  }
0x396: {  	s0 =	simm.s32 @!p0 $0x3  }
0x397: {  	_ =	swait.ge @!p0 [sflag:s0], s1  }
0x398: {  	s1 =	ssub.s32 @!p0 $0x0, s1;
	[sflag:s0] =	ssyncset.done @!p0 $0x0  }
0x399: {  	[sflag:s0] =	ssyncadd.s32 @!p0 s1  }
0x39a: {  	[bflag:$0x3] =	sbarrier.arrive $0xFFFF  }
0x39b: {  	_ =	shalt  }

</sc_bundles>
